<compile_context>
chip_gen: v7x
topology: tpu7x:2x2x1
jax: 0.10.2.dev20260603
libtpu: 0.0.44.dev20260713+nightly
codegen_flags: <defaults>
</compile_context>

<pallas_src>
import functools
import jax
import jax.numpy as jnp
from jax import lax
from jax.experimental import pallas as pl
from jax.experimental.pallas import tpu as pltpu
from jax.experimental.pallas import tpu_sc as plsc

B, S, D = 4, 4096, 2048
NC, NS = 2, 16
NW = NC * NS
S_PER_W = S // NW
CS = 8
CD = 512
NQ = D // CD
N_RCHUNK = S_PER_W // CS
NSLOT = 4


def _sc_add_body(x_hbm, emb_hbm, out_hbm, emb_v, x_v, *sems):
    in_sems = sems[:NSLOT]
    out_sems = sems[NSLOT:]
    wid = lax.axis_index("s") * NC + lax.axis_index("c")
    s_base = wid * S_PER_W

    def issue_in(row, col, slot):
        pltpu.async_copy(
            emb_hbm.at[pl.ds(row, CS), pl.ds(col, CD)], emb_v.at[slot],
            in_sems[slot],
        )
        pltpu.async_copy(
            x_hbm.at[:, pl.ds(row, CS), pl.ds(col, CD)], x_v.at[slot],
            in_sems[slot],
        )

    def wait_in(row, col, slot):
        pltpu.make_async_copy(
            emb_hbm.at[pl.ds(row, CS), pl.ds(col, CD)], emb_v.at[slot],
            in_sems[slot],
        ).wait()
        pltpu.make_async_copy(
            x_hbm.at[:, pl.ds(row, CS), pl.ds(col, CD)], x_v.at[slot],
            in_sems[slot],
        ).wait()

    def issue_out(row, col, slot):
        pltpu.async_copy(
            x_v.at[slot], out_hbm.at[:, pl.ds(row, CS), pl.ds(col, CD)],
            out_sems[slot],
        )

    def wait_out(row, col, slot):
        pltpu.make_async_copy(
            x_v.at[slot], out_hbm.at[:, pl.ds(row, CS), pl.ds(col, CD)],
            out_sems[slot],
        ).wait()

    def compute(slot):
        @plsc.parallel_loop(0, CD, step=16, unroll=2)
        def _(i):
            sl = pl.ds(i, 16)
            for r in range(CS):
                e = emb_v[slot, r, sl]
                for b in range(B):
                    plsc.addupdate(x_v.at[slot, b, r, sl], e)

    def unit_pos(t, q):
        if q < NQ - 2:
            return t, (q + 2) * CD
        return t + 1, (q + 2 - NQ) * CD

    row0 = s_base
    issue_in(row0, 0, 0)
    issue_in(row0, CD, 1)

    def t_body(t, _):
        row = s_base + t * CS
        for q in range(NQ):
            slot = q
            nslot = (q + 2) % NSLOT
            nt, ncol = unit_pos(t, q)
            nrow = s_base + nt * CS
            if q >= 2:
                wait_out(row, (q - 2) * CD, nslot)

                @pl.when(t < N_RCHUNK - 1)
                def _():
                    issue_in(nrow, ncol, nslot)
            else:
                @pl.when(t >= 1)
                def _():
                    wait_out(s_base + (t - 1) * CS, (q + 2) * CD, nslot)
                issue_in(nrow, ncol, nslot)
            wait_in(row, q * CD, slot)
            compute(slot)
            issue_out(row, q * CD, slot)
        return ()

    lax.fori_loop(0, N_RCHUNK, t_body, ())

    last_row = s_base + (N_RCHUNK - 1) * CS
    wait_out(last_row, (NQ - 2) * CD, (NQ - 2) % NSLOT)
    wait_out(last_row, (NQ - 1) * CD, (NQ - 1) % NSLOT)


@functools.partial(
    pl.kernel,
    out_type=jax.ShapeDtypeStruct((B, S, D), jnp.float32),
    mesh=plsc.VectorSubcoreMesh(core_axis_name="c", subcore_axis_name="s"),
    scratch_types=[
        pltpu.VMEM((NSLOT, CS, CD), jnp.float32),
        pltpu.VMEM((NSLOT, B, CS, CD), jnp.float32),
    ]
    + [pltpu.SemaphoreType.DMA] * (2 * NSLOT),
)
def _sc_add(x_hbm, emb_hbm, out_hbm, emb_v, x_v, *sems):
    _sc_add_body(x_hbm, emb_hbm, out_hbm, emb_v, x_v, *sems)


def kernel(x, emb_table):
    return _sc_add(x, emb_table)

# --- scband reference (transcript-rebuilt; emitter-appended) ---
"""Pipeline reference for scband-positional-encoding-34248069218437 (READ-ONLY COPY).

The authoritative reference and input builder live on the scoring server;
editing this copy changes nothing except your own understanding.
"""

import jax, jax.numpy as jnp
import numpy as np

SEQ_LEN = 4096
EMBED = 2048
BATCH = 4

def setup_inputs(seed: int = 0) -> dict:
    key = jax.random.key(seed)
    k1, k2 = jax.random.split(key)
    x = jax.random.normal(k1, (BATCH, SEQ_LEN, EMBED), dtype=jnp.float32)
    # learned positional embedding table, like nn.Embedding(sequence_length, embedding_size)
    emb_table = jax.random.normal(k2, (SEQ_LEN, EMBED), dtype=jnp.float32)
    return {"x": x, "emb_table": emb_table}

def reference(x, emb_table):
    positions = jnp.arange(0, SEQ_LEN)
    embedded_positions = jnp.take(emb_table, positions, axis=0)  # gather == embedding lookup
    return x + embedded_positions  # broadcast add over batch dim

if __name__ == "__main__":
    import jax
    _d = setup_inputs()
    print(jax.jit(kernel)(*tuple(_d.values())))

</pallas_src>

<mosaic_0001>
#map = affine_map<(d0, d1) -> (0, 0, 0)>
#map1 = affine_map<(d0, d1) -> (0, 0)>
module attributes {stable_mosaic.version = 14 : i64} {
  func.func @_sc_add(%arg0: i32, %arg1: i32, %arg2: memref<4x4096x2048xf32, #tpu.memory_space<hbm>>, %arg3: memref<4096x2048xf32, #tpu.memory_space<hbm>>, %arg4: memref<4x4096x2048xf32, #tpu.memory_space<hbm>>, %arg5: memref<4x8x512xf32, #tpu.memory_space<vmem>>, %arg6: memref<4x4x8x512xf32, #tpu.memory_space<vmem>>, %arg7: memref<!tpu.dma_semaphore, #tpu.memory_space<semaphore_mem>>, %arg8: memref<!tpu.dma_semaphore, #tpu.memory_space<semaphore_mem>>, %arg9: memref<!tpu.dma_semaphore, #tpu.memory_space<semaphore_mem>>, %arg10: memref<!tpu.dma_semaphore, #tpu.memory_space<semaphore_mem>>, %arg11: memref<!tpu.dma_semaphore, #tpu.memory_space<semaphore_mem>>, %arg12: memref<!tpu.dma_semaphore, #tpu.memory_space<semaphore_mem>>, %arg13: memref<!tpu.dma_semaphore, #tpu.memory_space<semaphore_mem>>, %arg14: memref<!tpu.dma_semaphore, #tpu.memory_space<semaphore_mem>>) attributes {dimension_semantics = [#tpu.dimension_semantics<core_parallel>, #tpu.dimension_semantics<subcore_parallel>], iteration_bounds = array<i64: 2, 16>, scalar_prefetch = 0 : i64, scratch_operands = 10 : i64, tpu.core_type = #tpu.core_type<sc_vector_subcore>, window_params = [{transform_indices = #map}, {transform_indices = #map1}, {transform_indices = #map}]} {
    %mul3A = arith.constant 2 : i32
    %mul3A_0 = arith.muli %arg1, %mul3A : i32
    %add3A = arith.addi %mul3A_0, %arg0 : i32
    %mul3A_1 = arith.constant 128 : i32
    %mul3A_2 = arith.muli %add3A, %mul3A_1 : i32
    %dma_start3A = arith.constant 0 : i32
    %dma_start3A_3 = arith.constant 0 : i32
    %dma_start3A_4 = arith.constant 0 : i32
    %dma_start3A_5 = tpu.memref_slice %arg5[%dma_start3A, %dma_start3A_3, %dma_start3A_4] : memref<4x8x512xf32, #tpu.memory_space<vmem>> -> memref<1x8x512xf32, #tpu.memory_space<vmem>>
    %dma_start3A_6 = tpu.memref_squeeze %dma_start3A_5 : memref<1x8x512xf32, #tpu.memory_space<vmem>> -> memref<8x512xf32, #tpu.memory_space<vmem>>
    %dma_start3A_7 = arith.constant 0 : i32
    %dma_start3A_8 = tpu.memref_slice %arg3[%mul3A_2, %dma_start3A_7] : memref<4096x2048xf32, #tpu.memory_space<hbm>> -> memref<8x512xf32, #tpu.memory_space<hbm>>
    %dma_start3A_9 = arith.constant 0 : i32
    %dma_start3A_10 = arith.constant 0 : i32
    %dma_start3A_11 = tpu.memref_slice %arg5[%dma_start3A, %dma_start3A_9, %dma_start3A_10] : memref<4x8x512xf32, #tpu.memory_space<vmem>> -> memref<1x8x512xf32, #tpu.memory_space<vmem>>
    %dma_start3A_12 = tpu.memref_squeeze %dma_start3A_11 : memref<1x8x512xf32, #tpu.memory_space<vmem>> -> memref<8x512xf32, #tpu.memory_space<vmem>>
    %dma_start3A_13 = arith.constant 0 : i32
    %dma_start3A_14 = tpu.memref_slice %arg3[%mul3A_2, %dma_start3A_13] : memref<4096x2048xf32, #tpu.memory_space<hbm>> -> memref<8x512xf32, #tpu.memory_space<hbm>>
    tpu.enqueue_dma source(%dma_start3A_14 : memref<8x512xf32, #tpu.memory_space<hbm>>) target(%dma_start3A_12 : memref<8x512xf32, #tpu.memory_space<vmem>>) target_semaphore(%arg7 : memref<!tpu.dma_semaphore, #tpu.memory_space<semaphore_mem>>)
    %dma_start3A_15 = arith.constant 0 : i32
    %dma_start3A_16 = arith.constant 0 : i32
    %dma_start3A_17 = arith.constant 0 : i32
    %dma_start3A_18 = arith.constant 0 : i32
    %dma_start3A_19 = tpu.memref_slice %arg6[%dma_start3A_15, %dma_start3A_16, %dma_start3A_17, %dma_start3A_18] : memref<4x4x8x512xf32, #tpu.memory_space<vmem>> -> memref<1x4x8x512xf32, #tpu.memory_space<vmem>>
    %dma_start3A_20 = tpu.memref_squeeze %dma_start3A_19 : memref<1x4x8x512xf32, #tpu.memory_space<vmem>> -> memref<4x8x512xf32, #tpu.memory_space<vmem>>
    %dma_start3A_21 = arith.constant 0 : i32
    %dma_start3A_22 = arith.constant 0 : i32
    %dma_start3A_23 = tpu.memref_slice %arg2[%dma_start3A_21, %mul3A_2, %dma_start3A_22] : memref<4x4096x2048xf32, #tpu.memory_space<hbm>> -> memref<4x8x512xf32, #tpu.memory_space<hbm>>
    %dma_start3A_24 = arith.constant 0 : i32
    %dma_start3A_25 = arith.constant 0 : i32
    %dma_start3A_26 = arith.constant 0 : i32
    %dma_start3A_27 = tpu.memref_slice %arg6[%dma_start3A_15, %dma_start3A_24, %dma_start3A_25, %dma_start3A_26] : memref<4x4x8x512xf32, #tpu.memory_space<vmem>> -> memref<1x4x8x512xf32, #tpu.memory_space<vmem>>
    %dma_start3A_28 = tpu.memref_squeeze %dma_start3A_27 : memref<1x4x8x512xf32, #tpu.memory_space<vmem>> -> memref<4x8x512xf32, #tpu.memory_space<vmem>>
    %dma_start3A_29 = arith.constant 0 : i32
    %dma_start3A_30 = arith.constant 0 : i32
    %dma_start3A_31 = tpu.memref_slice %arg2[%dma_start3A_29, %mul3A_2, %dma_start3A_30] : memref<4x4096x2048xf32, #tpu.memory_space<hbm>> -> memref<4x8x512xf32, #tpu.memory_space<hbm>>
    tpu.enqueue_dma source(%dma_start3A_31 : memref<4x8x512xf32, #tpu.memory_space<hbm>>) target(%dma_start3A_28 : memref<4x8x512xf32, #tpu.memory_space<vmem>>) target_semaphore(%arg7 : memref<!tpu.dma_semaphore, #tpu.memory_space<semaphore_mem>>)
    %dma_start3A_32 = arith.constant 1 : i32
    %dma_start3A_33 = arith.constant 0 : i32
    %dma_start3A_34 = arith.constant 0 : i32
    %dma_start3A_35 = tpu.memref_slice %arg5[%dma_start3A_32, %dma_start3A_33, %dma_start3A_34] : memref<4x8x512xf32, #tpu.memory_space<vmem>> -> memref<1x8x512xf32, #tpu.memory_space<vmem>>
    %dma_start3A_36 = tpu.memref_squeeze %dma_start3A_35 : memref<1x8x512xf32, #tpu.memory_space<vmem>> -> memref<8x512xf32, #tpu.memory_space<vmem>>
    %dma_start3A_37 = arith.constant 512 : i32
    %dma_start3A_38 = tpu.memref_slice %arg3[%mul3A_2, %dma_start3A_37] : memref<4096x2048xf32, #tpu.memory_space<hbm>> -> memref<8x512xf32, #tpu.memory_space<hbm>>
    %dma_start3A_39 = arith.constant 0 : i32
    %dma_start3A_40 = arith.constant 0 : i32
    %dma_start3A_41 = tpu.memref_slice %arg5[%dma_start3A_32, %dma_start3A_39, %dma_start3A_40] : memref<4x8x512xf32, #tpu.memory_space<vmem>> -> memref<1x8x512xf32, #tpu.memory_space<vmem>>
    %dma_start3A_42 = tpu.memref_squeeze %dma_start3A_41 : memref<1x8x512xf32, #tpu.memory_space<vmem>> -> memref<8x512xf32, #tpu.memory_space<vmem>>
    %dma_start3A_43 = arith.constant 512 : i32
    %dma_start3A_44 = tpu.memref_slice %arg3[%mul3A_2, %dma_start3A_43] : memref<4096x2048xf32, #tpu.memory_space<hbm>> -> memref<8x512xf32, #tpu.memory_space<hbm>>
    tpu.enqueue_dma source(%dma_start3A_44 : memref<8x512xf32, #tpu.memory_space<hbm>>) target(%dma_start3A_42 : memref<8x512xf32, #tpu.memory_space<vmem>>) target_semaphore(%arg8 : memref<!tpu.dma_semaphore, #tpu.memory_space<semaphore_mem>>)
    %dma_start3A_45 = arith.constant 1 : i32
    %dma_start3A_46 = arith.constant 0 : i32
    %dma_start3A_47 = arith.constant 0 : i32
    %dma_start3A_48 = arith.constant 0 : i32
    %dma_start3A_49 = tpu.memref_slice %arg6[%dma_start3A_45, %dma_start3A_46, %dma_start3A_47, %dma_start3A_48] : memref<4x4x8x512xf32, #tpu.memory_space<vmem>> -> memref<1x4x8x512xf32, #tpu.memory_space<vmem>>
    %dma_start3A_50 = tpu.memref_squeeze %dma_start3A_49 : memref<1x4x8x512xf32, #tpu.memory_space<vmem>> -> memref<4x8x512xf32, #tpu.memory_space<vmem>>
    %dma_start3A_51 = arith.constant 0 : i32
    %dma_start3A_52 = arith.constant 512 : i32
    %dma_start3A_53 = tpu.memref_slice %arg2[%dma_start3A_51, %mul3A_2, %dma_start3A_52] : memref<4x4096x2048xf32, #tpu.memory_space<hbm>> -> memref<4x8x512xf32, #tpu.memory_space<hbm>>
    %dma_start3A_54 = arith.constant 0 : i32
    %dma_start3A_55 = arith.constant 0 : i32
    %dma_start3A_56 = arith.constant 0 : i32
    %dma_start3A_57 = tpu.memref_slice %arg6[%dma_start3A_45, %dma_start3A_54, %dma_start3A_55, %dma_start3A_56] : memref<4x4x8x512xf32, #tpu.memory_space<vmem>> -> memref<1x4x8x512xf32, #tpu.memory_space<vmem>>
    %dma_start3A_58 = tpu.memref_squeeze %dma_start3A_57 : memref<1x4x8x512xf32, #tpu.memory_space<vmem>> -> memref<4x8x512xf32, #tpu.memory_space<vmem>>
    %dma_start3A_59 = arith.constant 0 : i32
    %dma_start3A_60 = arith.constant 512 : i32
    %dma_start3A_61 = tpu.memref_slice %arg2[%dma_start3A_59, %mul3A_2, %dma_start3A_60] : memref<4x4096x2048xf32, #tpu.memory_space<hbm>> -> memref<4x8x512xf32, #tpu.memory_space<hbm>>
    tpu.enqueue_dma source(%dma_start3A_61 : memref<4x8x512xf32, #tpu.memory_space<hbm>>) target(%dma_start3A_58 : memref<4x8x512xf32, #tpu.memory_space<vmem>>) target_semaphore(%arg8 : memref<!tpu.dma_semaphore, #tpu.memory_space<semaphore_mem>>)
    %scan3A = arith.constant 0 : i32
    %scan3A_62 = arith.constant 16 : i32
    %scan3A_63 = arith.addi %scan3A, %scan3A_62 : i32
    %scan3A_64 = arith.constant 1 : i32
    scf.for %scan3A_101 = %scan3A to %scan3A_63 step %scan3A_64  : i32 {
      %mul3A_102 = arith.constant 8 : i32
      %mul3A_103 = arith.muli %scan3A_101, %mul3A_102 : i32
      %add3A_104 = arith.addi %mul3A_2, %mul3A_103 : i32
      %mul3A_105 = arith.constant 8 : i32
      %mul3A_106 = arith.muli %scan3A_101, %mul3A_105 : i32
      %add3A_107 = arith.addi %mul3A_2, %mul3A_106 : i32
      %ge3A = arith.constant 1 : i32
      %ge3A_108 = arith.cmpi sge, %scan3A_101, %ge3A : i32
      %convert_element_type3A = arith.extui %ge3A_108 : i1 to i32
      %cond3A = arith.constant 0 : i32
      %cond3A_109 = arith.cmpi ne, %convert_element_type3A, %cond3A : i32
      scf.if %cond3A_109 {
        %sub3A = arith.constant 1 : i32
        %sub3A_430 = arith.subi %scan3A_101, %sub3A : i32
        %mul3A_431 = arith.constant 8 : i32
        %mul3A_432 = arith.muli %sub3A_430, %mul3A_431 : i32
        %add3A_433 = arith.addi %mul3A_2, %mul3A_432 : i32
        %dma_wait3A_434 = arith.constant 2 : i32
        %dma_wait3A_435 = arith.constant 0 : i32
        %dma_wait3A_436 = arith.constant 0 : i32
        %dma_wait3A_437 = arith.constant 0 : i32
        %dma_wait3A_438 = tpu.memref_slice %arg6[%dma_wait3A_434, %dma_wait3A_435, %dma_wait3A_436, %dma_wait3A_437] : memref<4x4x8x512xf32, #tpu.memory_space<vmem>> -> memref<1x4x8x512xf32, #tpu.memory_space<vmem>>
        %dma_wait3A_439 = tpu.memref_squeeze %dma_wait3A_438 : memref<1x4x8x512xf32, #tpu.memory_space<vmem>> -> memref<4x8x512xf32, #tpu.memory_space<vmem>>
        %dma_wait3A_440 = arith.constant 0 : i32
        %dma_wait3A_441 = arith.constant 1024 : i32
        %dma_wait3A_442 = tpu.memref_slice %arg4[%dma_wait3A_440, %add3A_433, %dma_wait3A_441] : memref<4x4096x2048xf32, #tpu.memory_space<hbm>> -> memref<4x8x512xf32, #tpu.memory_space<hbm>>
        %dma_wait3A_443 = arith.constant 0 : i32
        %dma_wait3A_444 = arith.constant 1024 : i32
        %dma_wait3A_445 = tpu.memref_slice %arg4[%dma_wait3A_443, %add3A_433, %dma_wait3A_444] : memref<4x4096x2048xf32, #tpu.memory_space<hbm>> -> memref<4x8x512xf32, #tpu.memory_space<hbm>>
        %dma_wait3A_446 = arith.constant 0 : i32
        %dma_wait3A_447 = arith.constant 0 : i32
        %dma_wait3A_448 = arith.constant 0 : i32
        %dma_wait3A_449 = tpu.memref_slice %arg6[%dma_wait3A_434, %dma_wait3A_446, %dma_wait3A_447, %dma_wait3A_448] : memref<4x4x8x512xf32, #tpu.memory_space<vmem>> -> memref<1x4x8x512xf32, #tpu.memory_space<vmem>>
        %dma_wait3A_450 = tpu.memref_squeeze %dma_wait3A_449 : memref<1x4x8x512xf32, #tpu.memory_space<vmem>> -> memref<4x8x512xf32, #tpu.memory_space<vmem>>
        tpu.wait_dma2 semaphore(%arg13 : memref<!tpu.dma_semaphore, #tpu.memory_space<semaphore_mem>>) src(%dma_wait3A_450 : memref<4x8x512xf32, #tpu.memory_space<vmem>>) dst(%dma_wait3A_445 : memref<4x8x512xf32, #tpu.memory_space<hbm>>)
      } else {
      }
      %dma_start3A_110 = arith.constant 2 : i32
      %dma_start3A_111 = arith.constant 0 : i32
      %dma_start3A_112 = arith.constant 0 : i32
      %dma_start3A_113 = tpu.memref_slice %arg5[%dma_start3A_110, %dma_start3A_111, %dma_start3A_112] : memref<4x8x512xf32, #tpu.memory_space<vmem>> -> memref<1x8x512xf32, #tpu.memory_space<vmem>>
      %dma_start3A_114 = tpu.memref_squeeze %dma_start3A_113 : memref<1x8x512xf32, #tpu.memory_space<vmem>> -> memref<8x512xf32, #tpu.memory_space<vmem>>
      %dma_start3A_115 = arith.constant 1024 : i32
      %dma_start3A_116 = tpu.memref_slice %arg3[%add3A_107, %dma_start3A_115] : memref<4096x2048xf32, #tpu.memory_space<hbm>> -> memref<8x512xf32, #tpu.memory_space<hbm>>
      %dma_start3A_117 = arith.constant 0 : i32
      %dma_start3A_118 = arith.constant 0 : i32
      %dma_start3A_119 = tpu.memref_slice %arg5[%dma_start3A_110, %dma_start3A_117, %dma_start3A_118] : memref<4x8x512xf32, #tpu.memory_space<vmem>> -> memref<1x8x512xf32, #tpu.memory_space<vmem>>
      %dma_start3A_120 = tpu.memref_squeeze %dma_start3A_119 : memref<1x8x512xf32, #tpu.memory_space<vmem>> -> memref<8x512xf32, #tpu.memory_space<vmem>>
      %dma_start3A_121 = arith.constant 1024 : i32
      %dma_start3A_122 = tpu.memref_slice %arg3[%add3A_107, %dma_start3A_121] : memref<4096x2048xf32, #tpu.memory_space<hbm>> -> memref<8x512xf32, #tpu.memory_space<hbm>>
      tpu.enqueue_dma source(%dma_start3A_122 : memref<8x512xf32, #tpu.memory_space<hbm>>) target(%dma_start3A_120 : memref<8x512xf32, #tpu.memory_space<vmem>>) target_semaphore(%arg9 : memref<!tpu.dma_semaphore, #tpu.memory_space<semaphore_mem>>)
      %dma_start3A_123 = arith.constant 2 : i32
      %dma_start3A_124 = arith.constant 0 : i32
      %dma_start3A_125 = arith.constant 0 : i32
      %dma_start3A_126 = arith.constant 0 : i32
      %dma_start3A_127 = tpu.memref_slice %arg6[%dma_start3A_123, %dma_start3A_124, %dma_start3A_125, %dma_start3A_126] : memref<4x4x8x512xf32, #tpu.memory_space<vmem>> -> memref<1x4x8x512xf32, #tpu.memory_space<vmem>>
      %dma_start3A_128 = tpu.memref_squeeze %dma_start3A_127 : memref<1x4x8x512xf32, #tpu.memory_space<vmem>> -> memref<4x8x512xf32, #tpu.memory_space<vmem>>
      %dma_start3A_129 = arith.constant 0 : i32
      %dma_start3A_130 = arith.constant 1024 : i32
      %dma_start3A_131 = tpu.memref_slice %arg2[%dma_start3A_129, %add3A_107, %dma_start3A_130] : memref<4x4096x2048xf32, #tpu.memory_space<hbm>> -> memref<4x8x512xf32, #tpu.memory_space<hbm>>
      %dma_start3A_132 = arith.constant 0 : i32
      %dma_start3A_133 = arith.constant 0 : i32
      %dma_start3A_134 = arith.constant 0 : i32
      %dma_start3A_135 = tpu.memref_slice %arg6[%dma_start3A_123, %dma_start3A_132, %dma_start3A_133, %dma_start3A_134] : memref<4x4x8x512xf32, #tpu.memory_space<vmem>> -> memref<1x4x8x512xf32, #tpu.memory_space<vmem>>
      %dma_start3A_136 = tpu.memref_squeeze %dma_start3A_135 : memref<1x4x8x512xf32, #tpu.memory_space<vmem>> -> memref<4x8x512xf32, #tpu.memory_space<vmem>>
      %dma_start3A_137 = arith.constant 0 : i32
      %dma_start3A_138 = arith.constant 1024 : i32
      %dma_start3A_139 = tpu.memref_slice %arg2[%dma_start3A_137, %add3A_107, %dma_start3A_138] : memref<4x4096x2048xf32, #tpu.memory_space<hbm>> -> memref<4x8x512xf32, #tpu.memory_space<hbm>>
      tpu.enqueue_dma source(%dma_start3A_139 : memref<4x8x512xf32, #tpu.memory_space<hbm>>) target(%dma_start3A_136 : memref<4x8x512xf32, #tpu.memory_space<vmem>>) target_semaphore(%arg9 : memref<!tpu.dma_semaphore, #tpu.memory_space<semaphore_mem>>)
      %dma_wait3A_140 = arith.constant 0 : i32
      %dma_wait3A_141 = arith.constant 0 : i32
      %dma_wait3A_142 = arith.constant 0 : i32
      %dma_wait3A_143 = tpu.memref_slice %arg5[%dma_wait3A_140, %dma_wait3A_141, %dma_wait3A_142] : memref<4x8x512xf32, #tpu.memory_space<vmem>> -> memref<1x8x512xf32, #tpu.memory_space<vmem>>
      %dma_wait3A_144 = tpu.memref_squeeze %dma_wait3A_143 : memref<1x8x512xf32, #tpu.memory_space<vmem>> -> memref<8x512xf32, #tpu.memory_space<vmem>>
      %dma_wait3A_145 = arith.constant 0 : i32
      %dma_wait3A_146 = tpu.memref_slice %arg3[%add3A_104, %dma_wait3A_145] : memref<4096x2048xf32, #tpu.memory_space<hbm>> -> memref<8x512xf32, #tpu.memory_space<hbm>>
      %dma_wait3A_147 = arith.constant 0 : i32
      %dma_wait3A_148 = arith.constant 0 : i32
      %dma_wait3A_149 = tpu.memref_slice %arg5[%dma_wait3A_140, %dma_wait3A_147, %dma_wait3A_148] : memref<4x8x512xf32, #tpu.memory_space<vmem>> -> memref<1x8x512xf32, #tpu.memory_space<vmem>>
      %dma_wait3A_150 = tpu.memref_squeeze %dma_wait3A_149 : memref<1x8x512xf32, #tpu.memory_space<vmem>> -> memref<8x512xf32, #tpu.memory_space<vmem>>
      %dma_wait3A_151 = arith.constant 0 : i32
      %dma_wait3A_152 = tpu.memref_slice %arg3[%add3A_104, %dma_wait3A_151] : memref<4096x2048xf32, #tpu.memory_space<hbm>> -> memref<8x512xf32, #tpu.memory_space<hbm>>
      tpu.wait_dma2 semaphore(%arg7 : memref<!tpu.dma_semaphore, #tpu.memory_space<semaphore_mem>>) src(%dma_wait3A_152 : memref<8x512xf32, #tpu.memory_space<hbm>>) dst(%dma_wait3A_150 : memref<8x512xf32, #tpu.memory_space<vmem>>)
      %dma_wait3A_153 = arith.constant 0 : i32
      %dma_wait3A_154 = arith.constant 0 : i32
      %dma_wait3A_155 = arith.constant 0 : i32
      %dma_wait3A_156 = arith.constant 0 : i32
      %dma_wait3A_157 = tpu.memref_slice %arg6[%dma_wait3A_153, %dma_wait3A_154, %dma_wait3A_155, %dma_wait3A_156] : memref<4x4x8x512xf32, #tpu.memory_space<vmem>> -> memref<1x4x8x512xf32, #tpu.memory_space<vmem>>
      %dma_wait3A_158 = tpu.memref_squeeze %dma_wait3A_157 : memref<1x4x8x512xf32, #tpu.memory_space<vmem>> -> memref<4x8x512xf32, #tpu.memory_space<vmem>>
      %dma_wait3A_159 = arith.constant 0 : i32
      %dma_wait3A_160 = arith.constant 0 : i32
      %dma_wait3A_161 = tpu.memref_slice %arg2[%dma_wait3A_159, %add3A_104, %dma_wait3A_160] : memref<4x4096x2048xf32, #tpu.memory_space<hbm>> -> memref<4x8x512xf32, #tpu.memory_space<hbm>>
      %dma_wait3A_162 = arith.constant 0 : i32
      %dma_wait3A_163 = arith.constant 0 : i32
      %dma_wait3A_164 = arith.constant 0 : i32
      %dma_wait3A_165 = tpu.memref_slice %arg6[%dma_wait3A_153, %dma_wait3A_162, %dma_wait3A_163, %dma_wait3A_164] : memref<4x4x8x512xf32, #tpu.memory_space<vmem>> -> memref<1x4x8x512xf32, #tpu.memory_space<vmem>>
      %dma_wait3A_166 = tpu.memref_squeeze %dma_wait3A_165 : memref<1x4x8x512xf32, #tpu.memory_space<vmem>> -> memref<4x8x512xf32, #tpu.memory_space<vmem>>
      %dma_wait3A_167 = arith.constant 0 : i32
      %dma_wait3A_168 = arith.constant 0 : i32
      %dma_wait3A_169 = tpu.memref_slice %arg2[%dma_wait3A_167, %add3A_104, %dma_wait3A_168] : memref<4x4096x2048xf32, #tpu.memory_space<hbm>> -> memref<4x8x512xf32, #tpu.memory_space<hbm>>
      tpu.wait_dma2 semaphore(%arg7 : memref<!tpu.dma_semaphore, #tpu.memory_space<semaphore_mem>>) src(%dma_wait3A_169 : memref<4x8x512xf32, #tpu.memory_space<hbm>>) dst(%dma_wait3A_166 : memref<4x8x512xf32, #tpu.memory_space<vmem>>)
      %parallel_loop3A = arith.constant 0 : i32
      %parallel_loop3A_170 = arith.constant 512 : i32
      %parallel_loop3A_171 = arith.constant 16 : i32
      scf.for %parallel_loop3A_430 = %parallel_loop3A to %parallel_loop3A_170 step %parallel_loop3A_171  : i32 {
        %parallel_loop3A_431 = arith.constant 0 : i32
        %parallel_loop3A_432 = arith.constant 0 : i32
        %parallel_loop3A_433 = arith.index_cast %parallel_loop3A_431 : i32 to index
        %parallel_loop3A_434 = arith.index_cast %parallel_loop3A_432 : i32 to index
        %parallel_loop3A_435 = arith.index_cast %parallel_loop3A_430 : i32 to index
        %parallel_loop3A_436 = tpu.vector_load %arg5[%parallel_loop3A_433, %parallel_loop3A_434, %parallel_loop3A_435] {strides = array<i32>} : memref<4x8x512xf32, #tpu.memory_space<vmem>>, vector<1x1x16xf32>,
        %parallel_loop3A_437 = vector.shape_cast %parallel_loop3A_436 : vector<1x1x16xf32> to vector<16xf32>
        %parallel_loop3A_438 = arith.constant 0 : i32
        %parallel_loop3A_439 = arith.constant 0 : i32
        %parallel_loop3A_440 = arith.constant 0 : i32
        %parallel_loop3A_441 = arith.index_cast %parallel_loop3A_438 : i32 to index
        %parallel_loop3A_442 = arith.index_cast %parallel_loop3A_439 : i32 to index
        %parallel_loop3A_443 = arith.index_cast %parallel_loop3A_440 : i32 to index
        %parallel_loop3A_444 = arith.index_cast %parallel_loop3A_430 : i32 to index
        %parallel_loop3A_445 = tpu.vector_load %arg6[%parallel_loop3A_441, %parallel_loop3A_442, %parallel_loop3A_443, %parallel_loop3A_444] {strides = array<i32>} : memref<4x4x8x512xf32, #tpu.memory_space<vmem>>, vector<1x1x1x16xf32>,
        %parallel_loop3A_446 = vector.shape_cast %parallel_loop3A_445 : vector<1x1x1x16xf32> to vector<16xf32>
        %parallel_loop3A_447 = vector.shape_cast %parallel_loop3A_437 : vector<16xf32> to vector<1x1x1x16xf32>
        tpu.vector_store %arg6[%parallel_loop3A_441, %parallel_loop3A_442, %parallel_loop3A_443, %parallel_loop3A_444], %parallel_loop3A_447 {add = true, strides = array<i32>} : memref<4x4x8x512xf32, #tpu.memory_space<vmem>>, vector<1x1x1x16xf32>,
        %parallel_loop3A_448 = arith.constant 0 : i32
        %parallel_loop3A_449 = arith.constant 1 : i32
        %parallel_loop3A_450 = arith.constant 0 : i32
        %parallel_loop3A_451 = arith.index_cast %parallel_loop3A_448 : i32 to index
        %parallel_loop3A_452 = arith.index_cast %parallel_loop3A_449 : i32 to index
        %parallel_loop3A_453 = arith.index_cast %parallel_loop3A_450 : i32 to index
        %parallel_loop3A_454 = arith.index_cast %parallel_loop3A_430 : i32 to index
        %parallel_loop3A_455 = tpu.vector_load %arg6[%parallel_loop3A_451, %parallel_loop3A_452, %parallel_loop3A_453, %parallel_loop3A_454] {strides = array<i32>} : memref<4x4x8x512xf32, #tpu.memory_space<vmem>>, vector<1x1x1x16xf32>,
        %parallel_loop3A_456 = vector.shape_cast %parallel_loop3A_455 : vector<1x1x1x16xf32> to vector<16xf32>
        %parallel_loop3A_457 = vector.shape_cast %parallel_loop3A_437 : vector<16xf32> to vector<1x1x1x16xf32>
        tpu.vector_store %arg6[%parallel_loop3A_451, %parallel_loop3A_452, %parallel_loop3A_453, %parallel_loop3A_454], %parallel_loop3A_457 {add = true, strides = array<i32>} : memref<4x4x8x512xf32, #tpu.memory_space<vmem>>, vector<1x1x1x16xf32>,
        %parallel_loop3A_458 = arith.constant 0 : i32
        %parallel_loop3A_459 = arith.constant 2 : i32
        %parallel_loop3A_460 = arith.constant 0 : i32
        %parallel_loop3A_461 = arith.index_cast %parallel_loop3A_458 : i32 to index
        %parallel_loop3A_462 = arith.index_cast %parallel_loop3A_459 : i32 to index
        %parallel_loop3A_463 = arith.index_cast %parallel_loop3A_460 : i32 to index
        %parallel_loop3A_464 = arith.index_cast %parallel_loop3A_430 : i32 to index
        %parallel_loop3A_465 = tpu.vector_load %arg6[%parallel_loop3A_461, %parallel_loop3A_462, %parallel_loop3A_463, %parallel_loop3A_464] {strides = array<i32>} : memref<4x4x8x512xf32, #tpu.memory_space<vmem>>, vector<1x1x1x16xf32>,
        %parallel_loop3A_466 = vector.shape_cast %parallel_loop3A_465 : vector<1x1x1x16xf32> to vector<16xf32>
        %parallel_loop3A_467 = vector.shape_cast %parallel_loop3A_437 : vector<16xf32> to vector<1x1x1x16xf32>
        tpu.vector_store %arg6[%parallel_loop3A_461, %parallel_loop3A_462, %parallel_loop3A_463, %parallel_loop3A_464], %parallel_loop3A_467 {add = true, strides = array<i32>} : memref<4x4x8x512xf32, #tpu.memory_space<vmem>>, vector<1x1x1x16xf32>,
        %parallel_loop3A_468 = arith.constant 0 : i32
        %parallel_loop3A_469 = arith.constant 3 : i32
        %parallel_loop3A_470 = arith.constant 0 : i32
        %parallel_loop3A_471 = arith.index_cast %parallel_loop3A_468 : i32 to index
        %parallel_loop3A_472 = arith.index_cast %parallel_loop3A_469 : i32 to index
        %parallel_loop3A_473 = arith.index_cast %parallel_loop3A_470 : i32 to index
        %parallel_loop3A_474 = arith.index_cast %parallel_loop3A_430 : i32 to index
        %parallel_loop3A_475 = tpu.vector_load %arg6[%parallel_loop3A_471, %parallel_loop3A_472, %parallel_loop3A_473, %parallel_loop3A_474] {strides = array<i32>} : memref<4x4x8x512xf32, #tpu.memory_space<vmem>>, vector<1x1x1x16xf32>,
        %parallel_loop3A_476 = vector.shape_cast %parallel_loop3A_475 : vector<1x1x1x16xf32> to vector<16xf32>
        %parallel_loop3A_477 = vector.shape_cast %parallel_loop3A_437 : vector<16xf32> to vector<1x1x1x16xf32>
        tpu.vector_store %arg6[%parallel_loop3A_471, %parallel_loop3A_472, %parallel_loop3A_473, %parallel_loop3A_474], %parallel_loop3A_477 {add = true, strides = array<i32>} : memref<4x4x8x512xf32, #tpu.memory_space<vmem>>, vector<1x1x1x16xf32>,
        %parallel_loop3A_478 = arith.constant 0 : i32
        %parallel_loop3A_479 = arith.constant 1 : i32
        %parallel_loop3A_480 = arith.index_cast %parallel_loop3A_478 : i32 to index
        %parallel_loop3A_481 = arith.index_cast %parallel_loop3A_479 : i32 to index
        %parallel_loop3A_482 = arith.index_cast %parallel_loop3A_430 : i32 to index
        %parallel_loop3A_483 = tpu.vector_load %arg5[%parallel_loop3A_480, %parallel_loop3A_481, %parallel_loop3A_482] {strides = array<i32>} : memref<4x8x512xf32, #tpu.memory_space<vmem>>, vector<1x1x16xf32>,
        %parallel_loop3A_484 = vector.shape_cast %parallel_loop3A_483 : vector<1x1x16xf32> to vector<16xf32>
        %parallel_loop3A_485 = arith.constant 0 : i32
        %parallel_loop3A_486 = arith.constant 0 : i32
        %parallel_loop3A_487 = arith.constant 1 : i32
        %parallel_loop3A_488 = arith.index_cast %parallel_loop3A_485 : i32 to index
        %parallel_loop3A_489 = arith.index_cast %parallel_loop3A_486 : i32 to index
        %parallel_loop3A_490 = arith.index_cast %parallel_loop3A_487 : i32 to index
        %parallel_loop3A_491 = arith.index_cast %parallel_loop3A_430 : i32 to index
        %parallel_loop3A_492 = tpu.vector_load %arg6[%parallel_loop3A_488, %parallel_loop3A_489, %parallel_loop3A_490, %parallel_loop3A_491] {strides = array<i32>} : memref<4x4x8x512xf32, #tpu.memory_space<vmem>>, vector<1x1x1x16xf32>,
        %parallel_loop3A_493 = vector.shape_cast %parallel_loop3A_492 : vector<1x1x1x16xf32> to vector<16xf32>
        %parallel_loop3A_494 = vector.shape_cast %parallel_loop3A_484 : vector<16xf32> to vector<1x1x1x16xf32>
        tpu.vector_store %arg6[%parallel_loop3A_488, %parallel_loop3A_489, %parallel_loop3A_490, %parallel_loop3A_491], %parallel_loop3A_494 {add = true, strides = array<i32>} : memref<4x4x8x512xf32, #tpu.memory_space<vmem>>, vector<1x1x1x16xf32>,
        %parallel_loop3A_495 = arith.constant 0 : i32
        %parallel_loop3A_496 = arith.constant 1 : i32
        %parallel_loop3A_497 = arith.constant 1 : i32
        %parallel_loop3A_498 = arith.index_cast %parallel_loop3A_495 : i32 to index
        %parallel_loop3A_499 = arith.index_cast %parallel_loop3A_496 : i32 to index
        %parallel_loop3A_500 = arith.index_cast %parallel_loop3A_497 : i32 to index
        %parallel_loop3A_501 = arith.index_cast %parallel_loop3A_430 : i32 to index
        %parallel_loop3A_502 = tpu.vector_load %arg6[%parallel_loop3A_498, %parallel_loop3A_499, %parallel_loop3A_500, %parallel_loop3A_501] {strides = array<i32>} : memref<4x4x8x512xf32, #tpu.memory_space<vmem>>, vector<1x1x1x16xf32>,
        %parallel_loop3A_503 = vector.shape_cast %parallel_loop3A_502 : vector<1x1x1x16xf32> to vector<16xf32>
        %parallel_loop3A_504 = vector.shape_cast %parallel_loop3A_484 : vector<16xf32> to vector<1x1x1x16xf32>
        tpu.vector_store %arg6[%parallel_loop3A_498, %parallel_loop3A_499, %parallel_loop3A_500, %parallel_loop3A_501], %parallel_loop3A_504 {add = true, strides = array<i32>} : memref<4x4x8x512xf32, #tpu.memory_space<vmem>>, vector<1x1x1x16xf32>,
        %parallel_loop3A_505 = arith.constant 0 : i32
        %parallel_loop3A_506 = arith.constant 2 : i32
        %parallel_loop3A_507 = arith.constant 1 : i32
        %parallel_loop3A_508 = arith.index_cast %parallel_loop3A_505 : i32 to index
        %parallel_loop3A_509 = arith.index_cast %parallel_loop3A_506 : i32 to index
        %parallel_loop3A_510 = arith.index_cast %parallel_loop3A_507 : i32 to index
        %parallel_loop3A_511 = arith.index_cast %parallel_loop3A_430 : i32 to index
        %parallel_loop3A_512 = tpu.vector_load %arg6[%parallel_loop3A_508, %parallel_loop3A_509, %parallel_loop3A_510, %parallel_loop3A_511] {strides = array<i32>} : memref<4x4x8x512xf32, #tpu.memory_space<vmem>>, vector<1x1x1x16xf32>,
        %parallel_loop3A_513 = vector.shape_cast %parallel_loop3A_512 : vector<1x1x1x16xf32> to vector<16xf32>
        %parallel_loop3A_514 = vector.shape_cast %parallel_loop3A_484 : vector<16xf32> to vector<1x1x1x16xf32>
        tpu.vector_store %arg6[%parallel_loop3A_508, %parallel_loop3A_509, %parallel_loop3A_510, %parallel_loop3A_511], %parallel_loop3A_514 {add = true, strides = array<i32>} : memref<4x4x8x512xf32, #tpu.memory_space<vmem>>, vector<1x1x1x16xf32>,
        %parallel_loop3A_515 = arith.constant 0 : i32
        %parallel_loop3A_516 = arith.constant 3 : i32
        %parallel_loop3A_517 = arith.constant 1 : i32
        %parallel_loop3A_518 = arith.index_cast %parallel_loop3A_515 : i32 to index
        %parallel_loop3A_519 = arith.index_cast %parallel_loop3A_516 : i32 to index
        %parallel_loop3A_520 = arith.index_cast %parallel_loop3A_517 : i32 to index
        %parallel_loop3A_521 = arith.index_cast %parallel_loop3A_430 : i32 to index
        %parallel_loop3A_522 = tpu.vector_load %arg6[%parallel_loop3A_518, %parallel_loop3A_519, %parallel_loop3A_520, %parallel_loop3A_521] {strides = array<i32>} : memref<4x4x8x512xf32, #tpu.memory_space<vmem>>, vector<1x1x1x16xf32>,
        %parallel_loop3A_523 = vector.shape_cast %parallel_loop3A_522 : vector<1x1x1x16xf32> to vector<16xf32>
        %parallel_loop3A_524 = vector.shape_cast %parallel_loop3A_484 : vector<16xf32> to vector<1x1x1x16xf32>
        tpu.vector_store %arg6[%parallel_loop3A_518, %parallel_loop3A_519, %parallel_loop3A_520, %parallel_loop3A_521], %parallel_loop3A_524 {add = true, strides = array<i32>} : memref<4x4x8x512xf32, #tpu.memory_space<vmem>>, vector<1x1x1x16xf32>,
        %parallel_loop3A_525 = arith.constant 0 : i32
        %parallel_loop3A_526 = arith.constant 2 : i32
        %parallel_loop3A_527 = arith.index_cast %parallel_loop3A_525 : i32 to index
        %parallel_loop3A_528 = arith.index_cast %parallel_loop3A_526 : i32 to index
        %parallel_loop3A_529 = arith.index_cast %parallel_loop3A_430 : i32 to index
        %parallel_loop3A_530 = tpu.vector_load %arg5[%parallel_loop3A_527, %parallel_loop3A_528, %parallel_loop3A_529] {strides = array<i32>} : memref<4x8x512xf32, #tpu.memory_space<vmem>>, vector<1x1x16xf32>,
        %parallel_loop3A_531 = vector.shape_cast %parallel_loop3A_530 : vector<1x1x16xf32> to vector<16xf32>
        %parallel_loop3A_532 = arith.constant 0 : i32
        %parallel_loop3A_533 = arith.constant 0 : i32
        %parallel_loop3A_534 = arith.constant 2 : i32
        %parallel_loop3A_535 = arith.index_cast %parallel_loop3A_532 : i32 to index
        %parallel_loop3A_536 = arith.index_cast %parallel_loop3A_533 : i32 to index
        %parallel_loop3A_537 = arith.index_cast %parallel_loop3A_534 : i32 to index
        %parallel_loop3A_538 = arith.index_cast %parallel_loop3A_430 : i32 to index
        %parallel_loop3A_539 = tpu.vector_load %arg6[%parallel_loop3A_535, %parallel_loop3A_536, %parallel_loop3A_537, %parallel_loop3A_538] {strides = array<i32>} : memref<4x4x8x512xf32, #tpu.memory_space<vmem>>, vector<1x1x1x16xf32>,
        %parallel_loop3A_540 = vector.shape_cast %parallel_loop3A_539 : vector<1x1x1x16xf32> to vector<16xf32>
        %parallel_loop3A_541 = vector.shape_cast %parallel_loop3A_531 : vector<16xf32> to vector<1x1x1x16xf32>
        tpu.vector_store %arg6[%parallel_loop3A_535, %parallel_loop3A_536, %parallel_loop3A_537, %parallel_loop3A_538], %parallel_loop3A_541 {add = true, strides = array<i32>} : memref<4x4x8x512xf32, #tpu.memory_space<vmem>>, vector<1x1x1x16xf32>,
        %parallel_loop3A_542 = arith.constant 0 : i32
        %parallel_loop3A_543 = arith.constant 1 : i32
        %parallel_loop3A_544 = arith.constant 2 : i32
        %parallel_loop3A_545 = arith.index_cast %parallel_loop3A_542 : i32 to index
        %parallel_loop3A_546 = arith.index_cast %parallel_loop3A_543 : i32 to index
        %parallel_loop3A_547 = arith.index_cast %parallel_loop3A_544 : i32 to index
        %parallel_loop3A_548 = arith.index_cast %parallel_loop3A_430 : i32 to index
        %parallel_loop3A_549 = tpu.vector_load %arg6[%parallel_loop3A_545, %parallel_loop3A_546, %parallel_loop3A_547, %parallel_loop3A_548] {strides = array<i32>} : memref<4x4x8x512xf32, #tpu.memory_space<vmem>>, vector<1x1x1x16xf32>,
        %parallel_loop3A_550 = vector.shape_cast %parallel_loop3A_549 : vector<1x1x1x16xf32> to vector<16xf32>
        %parallel_loop3A_551 = vector.shape_cast %parallel_loop3A_531 : vector<16xf32> to vector<1x1x1x16xf32>
        tpu.vector_store %arg6[%parallel_loop3A_545, %parallel_loop3A_546, %parallel_loop3A_547, %parallel_loop3A_548], %parallel_loop3A_551 {add = true, strides = array<i32>} : memref<4x4x8x512xf32, #tpu.memory_space<vmem>>, vector<1x1x1x16xf32>,
        %parallel_loop3A_552 = arith.constant 0 : i32
        %parallel_loop3A_553 = arith.constant 2 : i32
        %parallel_loop3A_554 = arith.constant 2 : i32
        %parallel_loop3A_555 = arith.index_cast %parallel_loop3A_552 : i32 to index
        %parallel_loop3A_556 = arith.index_cast %parallel_loop3A_553 : i32 to index
        %parallel_loop3A_557 = arith.index_cast %parallel_loop3A_554 : i32 to index
        %parallel_loop3A_558 = arith.index_cast %parallel_loop3A_430 : i32 to index
        %parallel_loop3A_559 = tpu.vector_load %arg6[%parallel_loop3A_555, %parallel_loop3A_556, %parallel_loop3A_557, %parallel_loop3A_558] {strides = array<i32>} : memref<4x4x8x512xf32, #tpu.memory_space<vmem>>, vector<1x1x1x16xf32>,
        %parallel_loop3A_560 = vector.shape_cast %parallel_loop3A_559 : vector<1x1x1x16xf32> to vector<16xf32>
        %parallel_loop3A_561 = vector.shape_cast %parallel_loop3A_531 : vector<16xf32> to vector<1x1x1x16xf32>
        tpu.vector_store %arg6[%parallel_loop3A_555, %parallel_loop3A_556, %parallel_loop3A_557, %parallel_loop3A_558], %parallel_loop3A_561 {add = true, strides = array<i32>} : memref<4x4x8x512xf32, #tpu.memory_space<vmem>>, vector<1x1x1x16xf32>,
        %parallel_loop3A_562 = arith.constant 0 : i32
        %parallel_loop3A_563 = arith.constant 3 : i32
        %parallel_loop3A_564 = arith.constant 2 : i32
        %parallel_loop3A_565 = arith.index_cast %parallel_loop3A_562 : i32 to index
        %parallel_loop3A_566 = arith.index_cast %parallel_loop3A_563 : i32 to index
        %parallel_loop3A_567 = arith.index_cast %parallel_loop3A_564 : i32 to index
        %parallel_loop3A_568 = arith.index_cast %parallel_loop3A_430 : i32 to index
        %parallel_loop3A_569 = tpu.vector_load %arg6[%parallel_loop3A_565, %parallel_loop3A_566, %parallel_loop3A_567, %parallel_loop3A_568] {strides = array<i32>} : memref<4x4x8x512xf32, #tpu.memory_space<vmem>>, vector<1x1x1x16xf32>,
        %parallel_loop3A_570 = vector.shape_cast %parallel_loop3A_569 : vector<1x1x1x16xf32> to vector<16xf32>
        %parallel_loop3A_571 = vector.shape_cast %parallel_loop3A_531 : vector<16xf32> to vector<1x1x1x16xf32>
        tpu.vector_store %arg6[%parallel_loop3A_565, %parallel_loop3A_566, %parallel_loop3A_567, %parallel_loop3A_568], %parallel_loop3A_571 {add = true, strides = array<i32>} : memref<4x4x8x512xf32, #tpu.memory_space<vmem>>, vector<1x1x1x16xf32>,
        %parallel_loop3A_572 = arith.constant 0 : i32
        %parallel_loop3A_573 = arith.constant 3 : i32
        %parallel_loop3A_574 = arith.index_cast %parallel_loop3A_572 : i32 to index
        %parallel_loop3A_575 = arith.index_cast %parallel_loop3A_573 : i32 to index
        %parallel_loop3A_576 = arith.index_cast %parallel_loop3A_430 : i32 to index
        %parallel_loop3A_577 = tpu.vector_load %arg5[%parallel_loop3A_574, %parallel_loop3A_575, %parallel_loop3A_576] {strides = array<i32>} : memref<4x8x512xf32, #tpu.memory_space<vmem>>, vector<1x1x16xf32>,
        %parallel_loop3A_578 = vector.shape_cast %parallel_loop3A_577 : vector<1x1x16xf32> to vector<16xf32>
        %parallel_loop3A_579 = arith.constant 0 : i32
        %parallel_loop3A_580 = arith.constant 0 : i32
        %parallel_loop3A_581 = arith.constant 3 : i32
        %parallel_loop3A_582 = arith.index_cast %parallel_loop3A_579 : i32 to index
        %parallel_loop3A_583 = arith.index_cast %parallel_loop3A_580 : i32 to index
        %parallel_loop3A_584 = arith.index_cast %parallel_loop3A_581 : i32 to index
        %parallel_loop3A_585 = arith.index_cast %parallel_loop3A_430 : i32 to index
        %parallel_loop3A_586 = tpu.vector_load %arg6[%parallel_loop3A_582, %parallel_loop3A_583, %parallel_loop3A_584, %parallel_loop3A_585] {strides = array<i32>} : memref<4x4x8x512xf32, #tpu.memory_space<vmem>>, vector<1x1x1x16xf32>,
        %parallel_loop3A_587 = vector.shape_cast %parallel_loop3A_586 : vector<1x1x1x16xf32> to vector<16xf32>
        %parallel_loop3A_588 = vector.shape_cast %parallel_loop3A_578 : vector<16xf32> to vector<1x1x1x16xf32>
        tpu.vector_store %arg6[%parallel_loop3A_582, %parallel_loop3A_583, %parallel_loop3A_584, %parallel_loop3A_585], %parallel_loop3A_588 {add = true, strides = array<i32>} : memref<4x4x8x512xf32, #tpu.memory_space<vmem>>, vector<1x1x1x16xf32>,
        %parallel_loop3A_589 = arith.constant 0 : i32
        %parallel_loop3A_590 = arith.constant 1 : i32
        %parallel_loop3A_591 = arith.constant 3 : i32
        %parallel_loop3A_592 = arith.index_cast %parallel_loop3A_589 : i32 to index
        %parallel_loop3A_593 = arith.index_cast %parallel_loop3A_590 : i32 to index
        %parallel_loop3A_594 = arith.index_cast %parallel_loop3A_591 : i32 to index
        %parallel_loop3A_595 = arith.index_cast %parallel_loop3A_430 : i32 to index
        %parallel_loop3A_596 = tpu.vector_load %arg6[%parallel_loop3A_592, %parallel_loop3A_593, %parallel_loop3A_594, %parallel_loop3A_595] {strides = array<i32>} : memref<4x4x8x512xf32, #tpu.memory_space<vmem>>, vector<1x1x1x16xf32>,
        %parallel_loop3A_597 = vector.shape_cast %parallel_loop3A_596 : vector<1x1x1x16xf32> to vector<16xf32>
        %parallel_loop3A_598 = vector.shape_cast %parallel_loop3A_578 : vector<16xf32> to vector<1x1x1x16xf32>
        tpu.vector_store %arg6[%parallel_loop3A_592, %parallel_loop3A_593, %parallel_loop3A_594, %parallel_loop3A_595], %parallel_loop3A_598 {add = true, strides = array<i32>} : memref<4x4x8x512xf32, #tpu.memory_space<vmem>>, vector<1x1x1x16xf32>,
        %parallel_loop3A_599 = arith.constant 0 : i32
        %parallel_loop3A_600 = arith.constant 2 : i32
        %parallel_loop3A_601 = arith.constant 3 : i32
        %parallel_loop3A_602 = arith.index_cast %parallel_loop3A_599 : i32 to index
        %parallel_loop3A_603 = arith.index_cast %parallel_loop3A_600 : i32 to index
        %parallel_loop3A_604 = arith.index_cast %parallel_loop3A_601 : i32 to index
        %parallel_loop3A_605 = arith.index_cast %parallel_loop3A_430 : i32 to index
        %parallel_loop3A_606 = tpu.vector_load %arg6[%parallel_loop3A_602, %parallel_loop3A_603, %parallel_loop3A_604, %parallel_loop3A_605] {strides = array<i32>} : memref<4x4x8x512xf32, #tpu.memory_space<vmem>>, vector<1x1x1x16xf32>,
        %parallel_loop3A_607 = vector.shape_cast %parallel_loop3A_606 : vector<1x1x1x16xf32> to vector<16xf32>
        %parallel_loop3A_608 = vector.shape_cast %parallel_loop3A_578 : vector<16xf32> to vector<1x1x1x16xf32>
        tpu.vector_store %arg6[%parallel_loop3A_602, %parallel_loop3A_603, %parallel_loop3A_604, %parallel_loop3A_605], %parallel_loop3A_608 {add = true, strides = array<i32>} : memref<4x4x8x512xf32, #tpu.memory_space<vmem>>, vector<1x1x1x16xf32>,
        %parallel_loop3A_609 = arith.constant 0 : i32
        %parallel_loop3A_610 = arith.constant 3 : i32
        %parallel_loop3A_611 = arith.constant 3 : i32
        %parallel_loop3A_612 = arith.index_cast %parallel_loop3A_609 : i32 to index
        %parallel_loop3A_613 = arith.index_cast %parallel_loop3A_610 : i32 to index
        %parallel_loop3A_614 = arith.index_cast %parallel_loop3A_611 : i32 to index
        %parallel_loop3A_615 = arith.index_cast %parallel_loop3A_430 : i32 to index
        %parallel_loop3A_616 = tpu.vector_load %arg6[%parallel_loop3A_612, %parallel_loop3A_613, %parallel_loop3A_614, %parallel_loop3A_615] {strides = array<i32>} : memref<4x4x8x512xf32, #tpu.memory_space<vmem>>, vector<1x1x1x16xf32>,
        %parallel_loop3A_617 = vector.shape_cast %parallel_loop3A_616 : vector<1x1x1x16xf32> to vector<16xf32>
        %parallel_loop3A_618 = vector.shape_cast %parallel_loop3A_578 : vector<16xf32> to vector<1x1x1x16xf32>
        tpu.vector_store %arg6[%parallel_loop3A_612, %parallel_loop3A_613, %parallel_loop3A_614, %parallel_loop3A_615], %parallel_loop3A_618 {add = true, strides = array<i32>} : memref<4x4x8x512xf32, #tpu.memory_space<vmem>>, vector<1x1x1x16xf32>,
        %parallel_loop3A_619 = arith.constant 0 : i32
        %parallel_loop3A_620 = arith.constant 4 : i32
        %parallel_loop3A_621 = arith.index_cast %parallel_loop3A_619 : i32 to index
        %parallel_loop3A_622 = arith.index_cast %parallel_loop3A_620 : i32 to index
        %parallel_loop3A_623 = arith.index_cast %parallel_loop3A_430 : i32 to index
        %parallel_loop3A_624 = tpu.vector_load %arg5[%parallel_loop3A_621, %parallel_loop3A_622, %parallel_loop3A_623] {strides = array<i32>} : memref<4x8x512xf32, #tpu.memory_space<vmem>>, vector<1x1x16xf32>,
        %parallel_loop3A_625 = vector.shape_cast %parallel_loop3A_624 : vector<1x1x16xf32> to vector<16xf32>
        %parallel_loop3A_626 = arith.constant 0 : i32
        %parallel_loop3A_627 = arith.constant 0 : i32
        %parallel_loop3A_628 = arith.constant 4 : i32
        %parallel_loop3A_629 = arith.index_cast %parallel_loop3A_626 : i32 to index
        %parallel_loop3A_630 = arith.index_cast %parallel_loop3A_627 : i32 to index
        %parallel_loop3A_631 = arith.index_cast %parallel_loop3A_628 : i32 to index
        %parallel_loop3A_632 = arith.index_cast %parallel_loop3A_430 : i32 to index
        %parallel_loop3A_633 = tpu.vector_load %arg6[%parallel_loop3A_629, %parallel_loop3A_630, %parallel_loop3A_631, %parallel_loop3A_632] {strides = array<i32>} : memref<4x4x8x512xf32, #tpu.memory_space<vmem>>, vector<1x1x1x16xf32>,
        %parallel_loop3A_634 = vector.shape_cast %parallel_loop3A_633 : vector<1x1x1x16xf32> to vector<16xf32>
        %parallel_loop3A_635 = vector.shape_cast %parallel_loop3A_625 : vector<16xf32> to vector<1x1x1x16xf32>
        tpu.vector_store %arg6[%parallel_loop3A_629, %parallel_loop3A_630, %parallel_loop3A_631, %parallel_loop3A_632], %parallel_loop3A_635 {add = true, strides = array<i32>} : memref<4x4x8x512xf32, #tpu.memory_space<vmem>>, vector<1x1x1x16xf32>,
        %parallel_loop3A_636 = arith.constant 0 : i32
        %parallel_loop3A_637 = arith.constant 1 : i32
        %parallel_loop3A_638 = arith.constant 4 : i32
        %parallel_loop3A_639 = arith.index_cast %parallel_loop3A_636 : i32 to index
        %parallel_loop3A_640 = arith.index_cast %parallel_loop3A_637 : i32 to index
        %parallel_loop3A_641 = arith.index_cast %parallel_loop3A_638 : i32 to index
        %parallel_loop3A_642 = arith.index_cast %parallel_loop3A_430 : i32 to index
        %parallel_loop3A_643 = tpu.vector_load %arg6[%parallel_loop3A_639, %parallel_loop3A_640, %parallel_loop3A_641, %parallel_loop3A_642] {strides = array<i32>} : memref<4x4x8x512xf32, #tpu.memory_space<vmem>>, vector<1x1x1x16xf32>,
        %parallel_loop3A_644 = vector.shape_cast %parallel_loop3A_643 : vector<1x1x1x16xf32> to vector<16xf32>
        %parallel_loop3A_645 = vector.shape_cast %parallel_loop3A_625 : vector<16xf32> to vector<1x1x1x16xf32>
        tpu.vector_store %arg6[%parallel_loop3A_639, %parallel_loop3A_640, %parallel_loop3A_641, %parallel_loop3A_642], %parallel_loop3A_645 {add = true, strides = array<i32>} : memref<4x4x8x512xf32, #tpu.memory_space<vmem>>, vector<1x1x1x16xf32>,
        %parallel_loop3A_646 = arith.constant 0 : i32
        %parallel_loop3A_647 = arith.constant 2 : i32
        %parallel_loop3A_648 = arith.constant 4 : i32
        %parallel_loop3A_649 = arith.index_cast %parallel_loop3A_646 : i32 to index
        %parallel_loop3A_650 = arith.index_cast %parallel_loop3A_647 : i32 to index
        %parallel_loop3A_651 = arith.index_cast %parallel_loop3A_648 : i32 to index
        %parallel_loop3A_652 = arith.index_cast %parallel_loop3A_430 : i32 to index
        %parallel_loop3A_653 = tpu.vector_load %arg6[%parallel_loop3A_649, %parallel_loop3A_650, %parallel_loop3A_651, %parallel_loop3A_652] {strides = array<i32>} : memref<4x4x8x512xf32, #tpu.memory_space<vmem>>, vector<1x1x1x16xf32>,
        %parallel_loop3A_654 = vector.shape_cast %parallel_loop3A_653 : vector<1x1x1x16xf32> to vector<16xf32>
        %parallel_loop3A_655 = vector.shape_cast %parallel_loop3A_625 : vector<16xf32> to vector<1x1x1x16xf32>
        tpu.vector_store %arg6[%parallel_loop3A_649, %parallel_loop3A_650, %parallel_loop3A_651, %parallel_loop3A_652], %parallel_loop3A_655 {add = true, strides = array<i32>} : memref<4x4x8x512xf32, #tpu.memory_space<vmem>>, vector<1x1x1x16xf32>,
        %parallel_loop3A_656 = arith.constant 0 : i32
        %parallel_loop3A_657 = arith.constant 3 : i32
        %parallel_loop3A_658 = arith.constant 4 : i32
        %parallel_loop3A_659 = arith.index_cast %parallel_loop3A_656 : i32 to index
        %parallel_loop3A_660 = arith.index_cast %parallel_loop3A_657 : i32 to index
        %parallel_loop3A_661 = arith.index_cast %parallel_loop3A_658 : i32 to index
        %parallel_loop3A_662 = arith.index_cast %parallel_loop3A_430 : i32 to index
        %parallel_loop3A_663 = tpu.vector_load %arg6[%parallel_loop3A_659, %parallel_loop3A_660, %parallel_loop3A_661, %parallel_loop3A_662] {strides = array<i32>} : memref<4x4x8x512xf32, #tpu.memory_space<vmem>>, vector<1x1x1x16xf32>,
        %parallel_loop3A_664 = vector.shape_cast %parallel_loop3A_663 : vector<1x1x1x16xf32> to vector<16xf32>
        %parallel_loop3A_665 = vector.shape_cast %parallel_loop3A_625 : vector<16xf32> to vector<1x1x1x16xf32>
        tpu.vector_store %arg6[%parallel_loop3A_659, %parallel_loop3A_660, %parallel_loop3A_661, %parallel_loop3A_662], %parallel_loop3A_665 {add = true, strides = array<i32>} : memref<4x4x8x512xf32, #tpu.memory_space<vmem>>, vector<1x1x1x16xf32>,
        %parallel_loop3A_666 = arith.constant 0 : i32
        %parallel_loop3A_667 = arith.constant 5 : i32
        %parallel_loop3A_668 = arith.index_cast %parallel_loop3A_666 : i32 to index
        %parallel_loop3A_669 = arith.index_cast %parallel_loop3A_667 : i32 to index
        %parallel_loop3A_670 = arith.index_cast %parallel_loop3A_430 : i32 to index
        %parallel_loop3A_671 = tpu.vector_load %arg5[%parallel_loop3A_668, %parallel_loop3A_669, %parallel_loop3A_670] {strides = array<i32>} : memref<4x8x512xf32, #tpu.memory_space<vmem>>, vector<1x1x16xf32>,
        %parallel_loop3A_672 = vector.shape_cast %parallel_loop3A_671 : vector<1x1x16xf32> to vector<16xf32>
        %parallel_loop3A_673 = arith.constant 0 : i32
        %parallel_loop3A_674 = arith.constant 0 : i32
        %parallel_loop3A_675 = arith.constant 5 : i32
        %parallel_loop3A_676 = arith.index_cast %parallel_loop3A_673 : i32 to index
        %parallel_loop3A_677 = arith.index_cast %parallel_loop3A_674 : i32 to index
        %parallel_loop3A_678 = arith.index_cast %parallel_loop3A_675 : i32 to index
        %parallel_loop3A_679 = arith.index_cast %parallel_loop3A_430 : i32 to index
        %parallel_loop3A_680 = tpu.vector_load %arg6[%parallel_loop3A_676, %parallel_loop3A_677, %parallel_loop3A_678, %parallel_loop3A_679] {strides = array<i32>} : memref<4x4x8x512xf32, #tpu.memory_space<vmem>>, vector<1x1x1x16xf32>,
        %parallel_loop3A_681 = vector.shape_cast %parallel_loop3A_680 : vector<1x1x1x16xf32> to vector<16xf32>
        %parallel_loop3A_682 = vector.shape_cast %parallel_loop3A_672 : vector<16xf32> to vector<1x1x1x16xf32>
        tpu.vector_store %arg6[%parallel_loop3A_676, %parallel_loop3A_677, %parallel_loop3A_678, %parallel_loop3A_679], %parallel_loop3A_682 {add = true, strides = array<i32>} : memref<4x4x8x512xf32, #tpu.memory_space<vmem>>, vector<1x1x1x16xf32>,
        %parallel_loop3A_683 = arith.constant 0 : i32
        %parallel_loop3A_684 = arith.constant 1 : i32
        %parallel_loop3A_685 = arith.constant 5 : i32
        %parallel_loop3A_686 = arith.index_cast %parallel_loop3A_683 : i32 to index
        %parallel_loop3A_687 = arith.index_cast %parallel_loop3A_684 : i32 to index
        %parallel_loop3A_688 = arith.index_cast %parallel_loop3A_685 : i32 to index
        %parallel_loop3A_689 = arith.index_cast %parallel_loop3A_430 : i32 to index
        %parallel_loop3A_690 = tpu.vector_load %arg6[%parallel_loop3A_686, %parallel_loop3A_687, %parallel_loop3A_688, %parallel_loop3A_689] {strides = array<i32>} : memref<4x4x8x512xf32, #tpu.memory_space<vmem>>, vector<1x1x1x16xf32>,
        %parallel_loop3A_691 = vector.shape_cast %parallel_loop3A_690 : vector<1x1x1x16xf32> to vector<16xf32>
        %parallel_loop3A_692 = vector.shape_cast %parallel_loop3A_672 : vector<16xf32> to vector<1x1x1x16xf32>
        tpu.vector_store %arg6[%parallel_loop3A_686, %parallel_loop3A_687, %parallel_loop3A_688, %parallel_loop3A_689], %parallel_loop3A_692 {add = true, strides = array<i32>} : memref<4x4x8x512xf32, #tpu.memory_space<vmem>>, vector<1x1x1x16xf32>,
        %parallel_loop3A_693 = arith.constant 0 : i32
        %parallel_loop3A_694 = arith.constant 2 : i32
        %parallel_loop3A_695 = arith.constant 5 : i32
        %parallel_loop3A_696 = arith.index_cast %parallel_loop3A_693 : i32 to index
        %parallel_loop3A_697 = arith.index_cast %parallel_loop3A_694 : i32 to index
        %parallel_loop3A_698 = arith.index_cast %parallel_loop3A_695 : i32 to index
        %parallel_loop3A_699 = arith.index_cast %parallel_loop3A_430 : i32 to index
        %parallel_loop3A_700 = tpu.vector_load %arg6[%parallel_loop3A_696, %parallel_loop3A_697, %parallel_loop3A_698, %parallel_loop3A_699] {strides = array<i32>} : memref<4x4x8x512xf32, #tpu.memory_space<vmem>>, vector<1x1x1x16xf32>,
        %parallel_loop3A_701 = vector.shape_cast %parallel_loop3A_700 : vector<1x1x1x16xf32> to vector<16xf32>
        %parallel_loop3A_702 = vector.shape_cast %parallel_loop3A_672 : vector<16xf32> to vector<1x1x1x16xf32>
        tpu.vector_store %arg6[%parallel_loop3A_696, %parallel_loop3A_697, %parallel_loop3A_698, %parallel_loop3A_699], %parallel_loop3A_702 {add = true, strides = array<i32>} : memref<4x4x8x512xf32, #tpu.memory_space<vmem>>, vector<1x1x1x16xf32>,
        %parallel_loop3A_703 = arith.constant 0 : i32
        %parallel_loop3A_704 = arith.constant 3 : i32
        %parallel_loop3A_705 = arith.constant 5 : i32
        %parallel_loop3A_706 = arith.index_cast %parallel_loop3A_703 : i32 to index
        %parallel_loop3A_707 = arith.index_cast %parallel_loop3A_704 : i32 to index
        %parallel_loop3A_708 = arith.index_cast %parallel_loop3A_705 : i32 to index
        %parallel_loop3A_709 = arith.index_cast %parallel_loop3A_430 : i32 to index
        %parallel_loop3A_710 = tpu.vector_load %arg6[%parallel_loop3A_706, %parallel_loop3A_707, %parallel_loop3A_708, %parallel_loop3A_709] {strides = array<i32>} : memref<4x4x8x512xf32, #tpu.memory_space<vmem>>, vector<1x1x1x16xf32>,
        %parallel_loop3A_711 = vector.shape_cast %parallel_loop3A_710 : vector<1x1x1x16xf32> to vector<16xf32>
        %parallel_loop3A_712 = vector.shape_cast %parallel_loop3A_672 : vector<16xf32> to vector<1x1x1x16xf32>
        tpu.vector_store %arg6[%parallel_loop3A_706, %parallel_loop3A_707, %parallel_loop3A_708, %parallel_loop3A_709], %parallel_loop3A_712 {add = true, strides = array<i32>} : memref<4x4x8x512xf32, #tpu.memory_space<vmem>>, vector<1x1x1x16xf32>,
        %parallel_loop3A_713 = arith.constant 0 : i32
        %parallel_loop3A_714 = arith.constant 6 : i32
        %parallel_loop3A_715 = arith.index_cast %parallel_loop3A_713 : i32 to index
        %parallel_loop3A_716 = arith.index_cast %parallel_loop3A_714 : i32 to index
        %parallel_loop3A_717 = arith.index_cast %parallel_loop3A_430 : i32 to index
        %parallel_loop3A_718 = tpu.vector_load %arg5[%parallel_loop3A_715, %parallel_loop3A_716, %parallel_loop3A_717] {strides = array<i32>} : memref<4x8x512xf32, #tpu.memory_space<vmem>>, vector<1x1x16xf32>,
        %parallel_loop3A_719 = vector.shape_cast %parallel_loop3A_718 : vector<1x1x16xf32> to vector<16xf32>
        %parallel_loop3A_720 = arith.constant 0 : i32
        %parallel_loop3A_721 = arith.constant 0 : i32
        %parallel_loop3A_722 = arith.constant 6 : i32
        %parallel_loop3A_723 = arith.index_cast %parallel_loop3A_720 : i32 to index
        %parallel_loop3A_724 = arith.index_cast %parallel_loop3A_721 : i32 to index
        %parallel_loop3A_725 = arith.index_cast %parallel_loop3A_722 : i32 to index
        %parallel_loop3A_726 = arith.index_cast %parallel_loop3A_430 : i32 to index
        %parallel_loop3A_727 = tpu.vector_load %arg6[%parallel_loop3A_723, %parallel_loop3A_724, %parallel_loop3A_725, %parallel_loop3A_726] {strides = array<i32>} : memref<4x4x8x512xf32, #tpu.memory_space<vmem>>, vector<1x1x1x16xf32>,
        %parallel_loop3A_728 = vector.shape_cast %parallel_loop3A_727 : vector<1x1x1x16xf32> to vector<16xf32>
        %parallel_loop3A_729 = vector.shape_cast %parallel_loop3A_719 : vector<16xf32> to vector<1x1x1x16xf32>
        tpu.vector_store %arg6[%parallel_loop3A_723, %parallel_loop3A_724, %parallel_loop3A_725, %parallel_loop3A_726], %parallel_loop3A_729 {add = true, strides = array<i32>} : memref<4x4x8x512xf32, #tpu.memory_space<vmem>>, vector<1x1x1x16xf32>,
        %parallel_loop3A_730 = arith.constant 0 : i32
        %parallel_loop3A_731 = arith.constant 1 : i32
        %parallel_loop3A_732 = arith.constant 6 : i32
        %parallel_loop3A_733 = arith.index_cast %parallel_loop3A_730 : i32 to index
        %parallel_loop3A_734 = arith.index_cast %parallel_loop3A_731 : i32 to index
        %parallel_loop3A_735 = arith.index_cast %parallel_loop3A_732 : i32 to index
        %parallel_loop3A_736 = arith.index_cast %parallel_loop3A_430 : i32 to index
        %parallel_loop3A_737 = tpu.vector_load %arg6[%parallel_loop3A_733, %parallel_loop3A_734, %parallel_loop3A_735, %parallel_loop3A_736] {strides = array<i32>} : memref<4x4x8x512xf32, #tpu.memory_space<vmem>>, vector<1x1x1x16xf32>,
        %parallel_loop3A_738 = vector.shape_cast %parallel_loop3A_737 : vector<1x1x1x16xf32> to vector<16xf32>
        %parallel_loop3A_739 = vector.shape_cast %parallel_loop3A_719 : vector<16xf32> to vector<1x1x1x16xf32>
        tpu.vector_store %arg6[%parallel_loop3A_733, %parallel_loop3A_734, %parallel_loop3A_735, %parallel_loop3A_736], %parallel_loop3A_739 {add = true, strides = array<i32>} : memref<4x4x8x512xf32, #tpu.memory_space<vmem>>, vector<1x1x1x16xf32>,
        %parallel_loop3A_740 = arith.constant 0 : i32
        %parallel_loop3A_741 = arith.constant 2 : i32
        %parallel_loop3A_742 = arith.constant 6 : i32
        %parallel_loop3A_743 = arith.index_cast %parallel_loop3A_740 : i32 to index
        %parallel_loop3A_744 = arith.index_cast %parallel_loop3A_741 : i32 to index
        %parallel_loop3A_745 = arith.index_cast %parallel_loop3A_742 : i32 to index
        %parallel_loop3A_746 = arith.index_cast %parallel_loop3A_430 : i32 to index
        %parallel_loop3A_747 = tpu.vector_load %arg6[%parallel_loop3A_743, %parallel_loop3A_744, %parallel_loop3A_745, %parallel_loop3A_746] {strides = array<i32>} : memref<4x4x8x512xf32, #tpu.memory_space<vmem>>, vector<1x1x1x16xf32>,
        %parallel_loop3A_748 = vector.shape_cast %parallel_loop3A_747 : vector<1x1x1x16xf32> to vector<16xf32>
        %parallel_loop3A_749 = vector.shape_cast %parallel_loop3A_719 : vector<16xf32> to vector<1x1x1x16xf32>
        tpu.vector_store %arg6[%parallel_loop3A_743, %parallel_loop3A_744, %parallel_loop3A_745, %parallel_loop3A_746], %parallel_loop3A_749 {add = true, strides = array<i32>} : memref<4x4x8x512xf32, #tpu.memory_space<vmem>>, vector<1x1x1x16xf32>,
        %parallel_loop3A_750 = arith.constant 0 : i32
        %parallel_loop3A_751 = arith.constant 3 : i32
        %parallel_loop3A_752 = arith.constant 6 : i32
        %parallel_loop3A_753 = arith.index_cast %parallel_loop3A_750 : i32 to index
        %parallel_loop3A_754 = arith.index_cast %parallel_loop3A_751 : i32 to index
        %parallel_loop3A_755 = arith.index_cast %parallel_loop3A_752 : i32 to index
        %parallel_loop3A_756 = arith.index_cast %parallel_loop3A_430 : i32 to index
        %parallel_loop3A_757 = tpu.vector_load %arg6[%parallel_loop3A_753, %parallel_loop3A_754, %parallel_loop3A_755, %parallel_loop3A_756] {strides = array<i32>} : memref<4x4x8x512xf32, #tpu.memory_space<vmem>>, vector<1x1x1x16xf32>,
        %parallel_loop3A_758 = vector.shape_cast %parallel_loop3A_757 : vector<1x1x1x16xf32> to vector<16xf32>
        %parallel_loop3A_759 = vector.shape_cast %parallel_loop3A_719 : vector<16xf32> to vector<1x1x1x16xf32>
        tpu.vector_store %arg6[%parallel_loop3A_753, %parallel_loop3A_754, %parallel_loop3A_755, %parallel_loop3A_756], %parallel_loop3A_759 {add = true, strides = array<i32>} : memref<4x4x8x512xf32, #tpu.memory_space<vmem>>, vector<1x1x1x16xf32>,
        %parallel_loop3A_760 = arith.constant 0 : i32
        %parallel_loop3A_761 = arith.constant 7 : i32
        %parallel_loop3A_762 = arith.index_cast %parallel_loop3A_760 : i32 to index
        %parallel_loop3A_763 = arith.index_cast %parallel_loop3A_761 : i32 to index
        %parallel_loop3A_764 = arith.index_cast %parallel_loop3A_430 : i32 to index
        %parallel_loop3A_765 = tpu.vector_load %arg5[%parallel_loop3A_762, %parallel_loop3A_763, %parallel_loop3A_764] {strides = array<i32>} : memref<4x8x512xf32, #tpu.memory_space<vmem>>, vector<1x1x16xf32>,
        %parallel_loop3A_766 = vector.shape_cast %parallel_loop3A_765 : vector<1x1x16xf32> to vector<16xf32>
        %parallel_loop3A_767 = arith.constant 0 : i32
        %parallel_loop3A_768 = arith.constant 0 : i32
        %parallel_loop3A_769 = arith.constant 7 : i32
        %parallel_loop3A_770 = arith.index_cast %parallel_loop3A_767 : i32 to index
        %parallel_loop3A_771 = arith.index_cast %parallel_loop3A_768 : i32 to index
        %parallel_loop3A_772 = arith.index_cast %parallel_loop3A_769 : i32 to index
        %parallel_loop3A_773 = arith.index_cast %parallel_loop3A_430 : i32 to index
        %parallel_loop3A_774 = tpu.vector_load %arg6[%parallel_loop3A_770, %parallel_loop3A_771, %parallel_loop3A_772, %parallel_loop3A_773] {strides = array<i32>} : memref<4x4x8x512xf32, #tpu.memory_space<vmem>>, vector<1x1x1x16xf32>,
        %parallel_loop3A_775 = vector.shape_cast %parallel_loop3A_774 : vector<1x1x1x16xf32> to vector<16xf32>
        %parallel_loop3A_776 = vector.shape_cast %parallel_loop3A_766 : vector<16xf32> to vector<1x1x1x16xf32>
        tpu.vector_store %arg6[%parallel_loop3A_770, %parallel_loop3A_771, %parallel_loop3A_772, %parallel_loop3A_773], %parallel_loop3A_776 {add = true, strides = array<i32>} : memref<4x4x8x512xf32, #tpu.memory_space<vmem>>, vector<1x1x1x16xf32>,
        %parallel_loop3A_777 = arith.constant 0 : i32
        %parallel_loop3A_778 = arith.constant 1 : i32
        %parallel_loop3A_779 = arith.constant 7 : i32
        %parallel_loop3A_780 = arith.index_cast %parallel_loop3A_777 : i32 to index
        %parallel_loop3A_781 = arith.index_cast %parallel_loop3A_778 : i32 to index
        %parallel_loop3A_782 = arith.index_cast %parallel_loop3A_779 : i32 to index
        %parallel_loop3A_783 = arith.index_cast %parallel_loop3A_430 : i32 to index
        %parallel_loop3A_784 = tpu.vector_load %arg6[%parallel_loop3A_780, %parallel_loop3A_781, %parallel_loop3A_782, %parallel_loop3A_783] {strides = array<i32>} : memref<4x4x8x512xf32, #tpu.memory_space<vmem>>, vector<1x1x1x16xf32>,
        %parallel_loop3A_785 = vector.shape_cast %parallel_loop3A_784 : vector<1x1x1x16xf32> to vector<16xf32>
        %parallel_loop3A_786 = vector.shape_cast %parallel_loop3A_766 : vector<16xf32> to vector<1x1x1x16xf32>
        tpu.vector_store %arg6[%parallel_loop3A_780, %parallel_loop3A_781, %parallel_loop3A_782, %parallel_loop3A_783], %parallel_loop3A_786 {add = true, strides = array<i32>} : memref<4x4x8x512xf32, #tpu.memory_space<vmem>>, vector<1x1x1x16xf32>,
        %parallel_loop3A_787 = arith.constant 0 : i32
        %parallel_loop3A_788 = arith.constant 2 : i32
        %parallel_loop3A_789 = arith.constant 7 : i32
        %parallel_loop3A_790 = arith.index_cast %parallel_loop3A_787 : i32 to index
        %parallel_loop3A_791 = arith.index_cast %parallel_loop3A_788 : i32 to index
        %parallel_loop3A_792 = arith.index_cast %parallel_loop3A_789 : i32 to index
        %parallel_loop3A_793 = arith.index_cast %parallel_loop3A_430 : i32 to index
        %parallel_loop3A_794 = tpu.vector_load %arg6[%parallel_loop3A_790, %parallel_loop3A_791, %parallel_loop3A_792, %parallel_loop3A_793] {strides = array<i32>} : memref<4x4x8x512xf32, #tpu.memory_space<vmem>>, vector<1x1x1x16xf32>,
        %parallel_loop3A_795 = vector.shape_cast %parallel_loop3A_794 : vector<1x1x1x16xf32> to vector<16xf32>
        %parallel_loop3A_796 = vector.shape_cast %parallel_loop3A_766 : vector<16xf32> to vector<1x1x1x16xf32>
        tpu.vector_store %arg6[%parallel_loop3A_790, %parallel_loop3A_791, %parallel_loop3A_792, %parallel_loop3A_793], %parallel_loop3A_796 {add = true, strides = array<i32>} : memref<4x4x8x512xf32, #tpu.memory_space<vmem>>, vector<1x1x1x16xf32>,
        %parallel_loop3A_797 = arith.constant 0 : i32
        %parallel_loop3A_798 = arith.constant 3 : i32
        %parallel_loop3A_799 = arith.constant 7 : i32
        %parallel_loop3A_800 = arith.index_cast %parallel_loop3A_797 : i32 to index
        %parallel_loop3A_801 = arith.index_cast %parallel_loop3A_798 : i32 to index
        %parallel_loop3A_802 = arith.index_cast %parallel_loop3A_799 : i32 to index
        %parallel_loop3A_803 = arith.index_cast %parallel_loop3A_430 : i32 to index
        %parallel_loop3A_804 = tpu.vector_load %arg6[%parallel_loop3A_800, %parallel_loop3A_801, %parallel_loop3A_802, %parallel_loop3A_803] {strides = array<i32>} : memref<4x4x8x512xf32, #tpu.memory_space<vmem>>, vector<1x1x1x16xf32>,
        %parallel_loop3A_805 = vector.shape_cast %parallel_loop3A_804 : vector<1x1x1x16xf32> to vector<16xf32>
        %parallel_loop3A_806 = vector.shape_cast %parallel_loop3A_766 : vector<16xf32> to vector<1x1x1x16xf32>
        tpu.vector_store %arg6[%parallel_loop3A_800, %parallel_loop3A_801, %parallel_loop3A_802, %parallel_loop3A_803], %parallel_loop3A_806 {add = true, strides = array<i32>} : memref<4x4x8x512xf32, #tpu.memory_space<vmem>>, vector<1x1x1x16xf32>,
      } {sc.loop_unroll_factor = 2 : i64, sc.parallel_access}
      %dma_start3A_172 = arith.constant 0 : i32
      %dma_start3A_173 = arith.constant 0 : i32
      %dma_start3A_174 = arith.constant 0 : i32
      %dma_start3A_175 = arith.constant 0 : i32
      %dma_start3A_176 = tpu.memref_slice %arg6[%dma_start3A_172, %dma_start3A_173, %dma_start3A_174, %dma_start3A_175] : memref<4x4x8x512xf32, #tpu.memory_space<vmem>> -> memref<1x4x8x512xf32, #tpu.memory_space<vmem>>
      %dma_start3A_177 = tpu.memref_squeeze %dma_start3A_176 : memref<1x4x8x512xf32, #tpu.memory_space<vmem>> -> memref<4x8x512xf32, #tpu.memory_space<vmem>>
      %dma_start3A_178 = arith.constant 0 : i32
      %dma_start3A_179 = arith.constant 0 : i32
      %dma_start3A_180 = tpu.memref_slice %arg4[%dma_start3A_178, %add3A_104, %dma_start3A_179] : memref<4x4096x2048xf32, #tpu.memory_space<hbm>> -> memref<4x8x512xf32, #tpu.memory_space<hbm>>
      %dma_start3A_181 = arith.constant 0 : i32
      %dma_start3A_182 = arith.constant 0 : i32
      %dma_start3A_183 = tpu.memref_slice %arg4[%dma_start3A_181, %add3A_104, %dma_start3A_182] : memref<4x4096x2048xf32, #tpu.memory_space<hbm>> -> memref<4x8x512xf32, #tpu.memory_space<hbm>>
      %dma_start3A_184 = arith.constant 0 : i32
      %dma_start3A_185 = arith.constant 0 : i32
      %dma_start3A_186 = arith.constant 0 : i32
      %dma_start3A_187 = tpu.memref_slice %arg6[%dma_start3A_172, %dma_start3A_184, %dma_start3A_185, %dma_start3A_186] : memref<4x4x8x512xf32, #tpu.memory_space<vmem>> -> memref<1x4x8x512xf32, #tpu.memory_space<vmem>>
      %dma_start3A_188 = tpu.memref_squeeze %dma_start3A_187 : memref<1x4x8x512xf32, #tpu.memory_space<vmem>> -> memref<4x8x512xf32, #tpu.memory_space<vmem>>
      tpu.enqueue_dma source(%dma_start3A_188 : memref<4x8x512xf32, #tpu.memory_space<vmem>>) target(%dma_start3A_183 : memref<4x8x512xf32, #tpu.memory_space<hbm>>) target_semaphore(%arg11 : memref<!tpu.dma_semaphore, #tpu.memory_space<semaphore_mem>>)
      %mul3A_189 = arith.constant 8 : i32
      %mul3A_190 = arith.muli %scan3A_101, %mul3A_189 : i32
      %add3A_191 = arith.addi %mul3A_2, %mul3A_190 : i32
      %ge3A_192 = arith.constant 1 : i32
      %ge3A_193 = arith.cmpi sge, %scan3A_101, %ge3A_192 : i32
      %convert_element_type3A_194 = arith.extui %ge3A_193 : i1 to i32
      %cond3A_195 = arith.constant 0 : i32
      %cond3A_196 = arith.cmpi ne, %convert_element_type3A_194, %cond3A_195 : i32
      scf.if %cond3A_196 {
        %sub3A = arith.constant 1 : i32
        %sub3A_430 = arith.subi %scan3A_101, %sub3A : i32
        %mul3A_431 = arith.constant 8 : i32
        %mul3A_432 = arith.muli %sub3A_430, %mul3A_431 : i32
        %add3A_433 = arith.addi %mul3A_2, %mul3A_432 : i32
        %dma_wait3A_434 = arith.constant 3 : i32
        %dma_wait3A_435 = arith.constant 0 : i32
        %dma_wait3A_436 = arith.constant 0 : i32
        %dma_wait3A_437 = arith.constant 0 : i32
        %dma_wait3A_438 = tpu.memref_slice %arg6[%dma_wait3A_434, %dma_wait3A_435, %dma_wait3A_436, %dma_wait3A_437] : memref<4x4x8x512xf32, #tpu.memory_space<vmem>> -> memref<1x4x8x512xf32, #tpu.memory_space<vmem>>
        %dma_wait3A_439 = tpu.memref_squeeze %dma_wait3A_438 : memref<1x4x8x512xf32, #tpu.memory_space<vmem>> -> memref<4x8x512xf32, #tpu.memory_space<vmem>>
        %dma_wait3A_440 = arith.constant 0 : i32
        %dma_wait3A_441 = arith.constant 1536 : i32
        %dma_wait3A_442 = tpu.memref_slice %arg4[%dma_wait3A_440, %add3A_433, %dma_wait3A_441] : memref<4x4096x2048xf32, #tpu.memory_space<hbm>> -> memref<4x8x512xf32, #tpu.memory_space<hbm>>
        %dma_wait3A_443 = arith.constant 0 : i32
        %dma_wait3A_444 = arith.constant 1536 : i32
        %dma_wait3A_445 = tpu.memref_slice %arg4[%dma_wait3A_443, %add3A_433, %dma_wait3A_444] : memref<4x4096x2048xf32, #tpu.memory_space<hbm>> -> memref<4x8x512xf32, #tpu.memory_space<hbm>>
        %dma_wait3A_446 = arith.constant 0 : i32
        %dma_wait3A_447 = arith.constant 0 : i32
        %dma_wait3A_448 = arith.constant 0 : i32
        %dma_wait3A_449 = tpu.memref_slice %arg6[%dma_wait3A_434, %dma_wait3A_446, %dma_wait3A_447, %dma_wait3A_448] : memref<4x4x8x512xf32, #tpu.memory_space<vmem>> -> memref<1x4x8x512xf32, #tpu.memory_space<vmem>>
        %dma_wait3A_450 = tpu.memref_squeeze %dma_wait3A_449 : memref<1x4x8x512xf32, #tpu.memory_space<vmem>> -> memref<4x8x512xf32, #tpu.memory_space<vmem>>
        tpu.wait_dma2 semaphore(%arg14 : memref<!tpu.dma_semaphore, #tpu.memory_space<semaphore_mem>>) src(%dma_wait3A_450 : memref<4x8x512xf32, #tpu.memory_space<vmem>>) dst(%dma_wait3A_445 : memref<4x8x512xf32, #tpu.memory_space<hbm>>)
      } else {
      }
      %dma_start3A_197 = arith.constant 3 : i32
      %dma_start3A_198 = arith.constant 0 : i32
      %dma_start3A_199 = arith.constant 0 : i32
      %dma_start3A_200 = tpu.memref_slice %arg5[%dma_start3A_197, %dma_start3A_198, %dma_start3A_199] : memref<4x8x512xf32, #tpu.memory_space<vmem>> -> memref<1x8x512xf32, #tpu.memory_space<vmem>>
      %dma_start3A_201 = tpu.memref_squeeze %dma_start3A_200 : memref<1x8x512xf32, #tpu.memory_space<vmem>> -> memref<8x512xf32, #tpu.memory_space<vmem>>
      %dma_start3A_202 = arith.constant 1536 : i32
      %dma_start3A_203 = tpu.memref_slice %arg3[%add3A_191, %dma_start3A_202] : memref<4096x2048xf32, #tpu.memory_space<hbm>> -> memref<8x512xf32, #tpu.memory_space<hbm>>
      %dma_start3A_204 = arith.constant 0 : i32
      %dma_start3A_205 = arith.constant 0 : i32
      %dma_start3A_206 = tpu.memref_slice %arg5[%dma_start3A_197, %dma_start3A_204, %dma_start3A_205] : memref<4x8x512xf32, #tpu.memory_space<vmem>> -> memref<1x8x512xf32, #tpu.memory_space<vmem>>
      %dma_start3A_207 = tpu.memref_squeeze %dma_start3A_206 : memref<1x8x512xf32, #tpu.memory_space<vmem>> -> memref<8x512xf32, #tpu.memory_space<vmem>>
      %dma_start3A_208 = arith.constant 1536 : i32
      %dma_start3A_209 = tpu.memref_slice %arg3[%add3A_191, %dma_start3A_208] : memref<4096x2048xf32, #tpu.memory_space<hbm>> -> memref<8x512xf32, #tpu.memory_space<hbm>>
      tpu.enqueue_dma source(%dma_start3A_209 : memref<8x512xf32, #tpu.memory_space<hbm>>) target(%dma_start3A_207 : memref<8x512xf32, #tpu.memory_space<vmem>>) target_semaphore(%arg10 : memref<!tpu.dma_semaphore, #tpu.memory_space<semaphore_mem>>)
      %dma_start3A_210 = arith.constant 3 : i32
      %dma_start3A_211 = arith.constant 0 : i32
      %dma_start3A_212 = arith.constant 0 : i32
      %dma_start3A_213 = arith.constant 0 : i32
      %dma_start3A_214 = tpu.memref_slice %arg6[%dma_start3A_210, %dma_start3A_211, %dma_start3A_212, %dma_start3A_213] : memref<4x4x8x512xf32, #tpu.memory_space<vmem>> -> memref<1x4x8x512xf32, #tpu.memory_space<vmem>>
      %dma_start3A_215 = tpu.memref_squeeze %dma_start3A_214 : memref<1x4x8x512xf32, #tpu.memory_space<vmem>> -> memref<4x8x512xf32, #tpu.memory_space<vmem>>
      %dma_start3A_216 = arith.constant 0 : i32
      %dma_start3A_217 = arith.constant 1536 : i32
      %dma_start3A_218 = tpu.memref_slice %arg2[%dma_start3A_216, %add3A_191, %dma_start3A_217] : memref<4x4096x2048xf32, #tpu.memory_space<hbm>> -> memref<4x8x512xf32, #tpu.memory_space<hbm>>
      %dma_start3A_219 = arith.constant 0 : i32
      %dma_start3A_220 = arith.constant 0 : i32
      %dma_start3A_221 = arith.constant 0 : i32
      %dma_start3A_222 = tpu.memref_slice %arg6[%dma_start3A_210, %dma_start3A_219, %dma_start3A_220, %dma_start3A_221] : memref<4x4x8x512xf32, #tpu.memory_space<vmem>> -> memref<1x4x8x512xf32, #tpu.memory_space<vmem>>
      %dma_start3A_223 = tpu.memref_squeeze %dma_start3A_222 : memref<1x4x8x512xf32, #tpu.memory_space<vmem>> -> memref<4x8x512xf32, #tpu.memory_space<vmem>>
      %dma_start3A_224 = arith.constant 0 : i32
      %dma_start3A_225 = arith.constant 1536 : i32
      %dma_start3A_226 = tpu.memref_slice %arg2[%dma_start3A_224, %add3A_191, %dma_start3A_225] : memref<4x4096x2048xf32, #tpu.memory_space<hbm>> -> memref<4x8x512xf32, #tpu.memory_space<hbm>>
      tpu.enqueue_dma source(%dma_start3A_226 : memref<4x8x512xf32, #tpu.memory_space<hbm>>) target(%dma_start3A_223 : memref<4x8x512xf32, #tpu.memory_space<vmem>>) target_semaphore(%arg10 : memref<!tpu.dma_semaphore, #tpu.memory_space<semaphore_mem>>)
      %dma_wait3A_227 = arith.constant 1 : i32
      %dma_wait3A_228 = arith.constant 0 : i32
      %dma_wait3A_229 = arith.constant 0 : i32
      %dma_wait3A_230 = tpu.memref_slice %arg5[%dma_wait3A_227, %dma_wait3A_228, %dma_wait3A_229] : memref<4x8x512xf32, #tpu.memory_space<vmem>> -> memref<1x8x512xf32, #tpu.memory_space<vmem>>
      %dma_wait3A_231 = tpu.memref_squeeze %dma_wait3A_230 : memref<1x8x512xf32, #tpu.memory_space<vmem>> -> memref<8x512xf32, #tpu.memory_space<vmem>>
      %dma_wait3A_232 = arith.constant 512 : i32
      %dma_wait3A_233 = tpu.memref_slice %arg3[%add3A_104, %dma_wait3A_232] : memref<4096x2048xf32, #tpu.memory_space<hbm>> -> memref<8x512xf32, #tpu.memory_space<hbm>>
      %dma_wait3A_234 = arith.constant 0 : i32
      %dma_wait3A_235 = arith.constant 0 : i32
      %dma_wait3A_236 = tpu.memref_slice %arg5[%dma_wait3A_227, %dma_wait3A_234, %dma_wait3A_235] : memref<4x8x512xf32, #tpu.memory_space<vmem>> -> memref<1x8x512xf32, #tpu.memory_space<vmem>>
      %dma_wait3A_237 = tpu.memref_squeeze %dma_wait3A_236 : memref<1x8x512xf32, #tpu.memory_space<vmem>> -> memref<8x512xf32, #tpu.memory_space<vmem>>
      %dma_wait3A_238 = arith.constant 512 : i32
      %dma_wait3A_239 = tpu.memref_slice %arg3[%add3A_104, %dma_wait3A_238] : memref<4096x2048xf32, #tpu.memory_space<hbm>> -> memref<8x512xf32, #tpu.memory_space<hbm>>
      tpu.wait_dma2 semaphore(%arg8 : memref<!tpu.dma_semaphore, #tpu.memory_space<semaphore_mem>>) src(%dma_wait3A_239 : memref<8x512xf32, #tpu.memory_space<hbm>>) dst(%dma_wait3A_237 : memref<8x512xf32, #tpu.memory_space<vmem>>)
      %dma_wait3A_240 = arith.constant 1 : i32
      %dma_wait3A_241 = arith.constant 0 : i32
      %dma_wait3A_242 = arith.constant 0 : i32
      %dma_wait3A_243 = arith.constant 0 : i32
      %dma_wait3A_244 = tpu.memref_slice %arg6[%dma_wait3A_240, %dma_wait3A_241, %dma_wait3A_242, %dma_wait3A_243] : memref<4x4x8x512xf32, #tpu.memory_space<vmem>> -> memref<1x4x8x512xf32, #tpu.memory_space<vmem>>
      %dma_wait3A_245 = tpu.memref_squeeze %dma_wait3A_244 : memref<1x4x8x512xf32, #tpu.memory_space<vmem>> -> memref<4x8x512xf32, #tpu.memory_space<vmem>>
      %dma_wait3A_246 = arith.constant 0 : i32
      %dma_wait3A_247 = arith.constant 512 : i32
      %dma_wait3A_248 = tpu.memref_slice %arg2[%dma_wait3A_246, %add3A_104, %dma_wait3A_247] : memref<4x4096x2048xf32, #tpu.memory_space<hbm>> -> memref<4x8x512xf32, #tpu.memory_space<hbm>>
      %dma_wait3A_249 = arith.constant 0 : i32
      %dma_wait3A_250 = arith.constant 0 : i32
      %dma_wait3A_251 = arith.constant 0 : i32
      %dma_wait3A_252 = tpu.memref_slice %arg6[%dma_wait3A_240, %dma_wait3A_249, %dma_wait3A_250, %dma_wait3A_251] : memref<4x4x8x512xf32, #tpu.memory_space<vmem>> -> memref<1x4x8x512xf32, #tpu.memory_space<vmem>>
      %dma_wait3A_253 = tpu.memref_squeeze %dma_wait3A_252 : memref<1x4x8x512xf32, #tpu.memory_space<vmem>> -> memref<4x8x512xf32, #tpu.memory_space<vmem>>
      %dma_wait3A_254 = arith.constant 0 : i32
      %dma_wait3A_255 = arith.constant 512 : i32
      %dma_wait3A_256 = tpu.memref_slice %arg2[%dma_wait3A_254, %add3A_104, %dma_wait3A_255] : memref<4x4096x2048xf32, #tpu.memory_space<hbm>> -> memref<4x8x512xf32, #tpu.memory_space<hbm>>
      tpu.wait_dma2 semaphore(%arg8 : memref<!tpu.dma_semaphore, #tpu.memory_space<semaphore_mem>>) src(%dma_wait3A_256 : memref<4x8x512xf32, #tpu.memory_space<hbm>>) dst(%dma_wait3A_253 : memref<4x8x512xf32, #tpu.memory_space<vmem>>)
      %parallel_loop3A_257 = arith.constant 0 : i32
      %parallel_loop3A_258 = arith.constant 512 : i32
      %parallel_loop3A_259 = arith.constant 16 : i32
      scf.for %parallel_loop3A_430 = %parallel_loop3A_257 to %parallel_loop3A_258 step %parallel_loop3A_259  : i32 {
        %parallel_loop3A_431 = arith.constant 1 : i32
        %parallel_loop3A_432 = arith.constant 0 : i32
        %parallel_loop3A_433 = arith.index_cast %parallel_loop3A_431 : i32 to index
        %parallel_loop3A_434 = arith.index_cast %parallel_loop3A_432 : i32 to index
        %parallel_loop3A_435 = arith.index_cast %parallel_loop3A_430 : i32 to index
        %parallel_loop3A_436 = tpu.vector_load %arg5[%parallel_loop3A_433, %parallel_loop3A_434, %parallel_loop3A_435] {strides = array<i32>} : memref<4x8x512xf32, #tpu.memory_space<vmem>>, vector<1x1x16xf32>,
        %parallel_loop3A_437 = vector.shape_cast %parallel_loop3A_436 : vector<1x1x16xf32> to vector<16xf32>
        %parallel_loop3A_438 = arith.constant 1 : i32
        %parallel_loop3A_439 = arith.constant 0 : i32
        %parallel_loop3A_440 = arith.constant 0 : i32
        %parallel_loop3A_441 = arith.index_cast %parallel_loop3A_438 : i32 to index
        %parallel_loop3A_442 = arith.index_cast %parallel_loop3A_439 : i32 to index
        %parallel_loop3A_443 = arith.index_cast %parallel_loop3A_440 : i32 to index
        %parallel_loop3A_444 = arith.index_cast %parallel_loop3A_430 : i32 to index
        %parallel_loop3A_445 = tpu.vector_load %arg6[%parallel_loop3A_441, %parallel_loop3A_442, %parallel_loop3A_443, %parallel_loop3A_444] {strides = array<i32>} : memref<4x4x8x512xf32, #tpu.memory_space<vmem>>, vector<1x1x1x16xf32>,
        %parallel_loop3A_446 = vector.shape_cast %parallel_loop3A_445 : vector<1x1x1x16xf32> to vector<16xf32>
        %parallel_loop3A_447 = vector.shape_cast %parallel_loop3A_437 : vector<16xf32> to vector<1x1x1x16xf32>
        tpu.vector_store %arg6[%parallel_loop3A_441, %parallel_loop3A_442, %parallel_loop3A_443, %parallel_loop3A_444], %parallel_loop3A_447 {add = true, strides = array<i32>} : memref<4x4x8x512xf32, #tpu.memory_space<vmem>>, vector<1x1x1x16xf32>,
        %parallel_loop3A_448 = arith.constant 1 : i32
        %parallel_loop3A_449 = arith.constant 1 : i32
        %parallel_loop3A_450 = arith.constant 0 : i32
        %parallel_loop3A_451 = arith.index_cast %parallel_loop3A_448 : i32 to index
        %parallel_loop3A_452 = arith.index_cast %parallel_loop3A_449 : i32 to index
        %parallel_loop3A_453 = arith.index_cast %parallel_loop3A_450 : i32 to index
        %parallel_loop3A_454 = arith.index_cast %parallel_loop3A_430 : i32 to index
        %parallel_loop3A_455 = tpu.vector_load %arg6[%parallel_loop3A_451, %parallel_loop3A_452, %parallel_loop3A_453, %parallel_loop3A_454] {strides = array<i32>} : memref<4x4x8x512xf32, #tpu.memory_space<vmem>>, vector<1x1x1x16xf32>,
        %parallel_loop3A_456 = vector.shape_cast %parallel_loop3A_455 : vector<1x1x1x16xf32> to vector<16xf32>
        %parallel_loop3A_457 = vector.shape_cast %parallel_loop3A_437 : vector<16xf32> to vector<1x1x1x16xf32>
        tpu.vector_store %arg6[%parallel_loop3A_451, %parallel_loop3A_452, %parallel_loop3A_453, %parallel_loop3A_454], %parallel_loop3A_457 {add = true, strides = array<i32>} : memref<4x4x8x512xf32, #tpu.memory_space<vmem>>, vector<1x1x1x16xf32>,
        %parallel_loop3A_458 = arith.constant 1 : i32
        %parallel_loop3A_459 = arith.constant 2 : i32
        %parallel_loop3A_460 = arith.constant 0 : i32
        %parallel_loop3A_461 = arith.index_cast %parallel_loop3A_458 : i32 to index
        %parallel_loop3A_462 = arith.index_cast %parallel_loop3A_459 : i32 to index
        %parallel_loop3A_463 = arith.index_cast %parallel_loop3A_460 : i32 to index
        %parallel_loop3A_464 = arith.index_cast %parallel_loop3A_430 : i32 to index
        %parallel_loop3A_465 = tpu.vector_load %arg6[%parallel_loop3A_461, %parallel_loop3A_462, %parallel_loop3A_463, %parallel_loop3A_464] {strides = array<i32>} : memref<4x4x8x512xf32, #tpu.memory_space<vmem>>, vector<1x1x1x16xf32>,
        %parallel_loop3A_466 = vector.shape_cast %parallel_loop3A_465 : vector<1x1x1x16xf32> to vector<16xf32>
        %parallel_loop3A_467 = vector.shape_cast %parallel_loop3A_437 : vector<16xf32> to vector<1x1x1x16xf32>
        tpu.vector_store %arg6[%parallel_loop3A_461, %parallel_loop3A_462, %parallel_loop3A_463, %parallel_loop3A_464], %parallel_loop3A_467 {add = true, strides = array<i32>} : memref<4x4x8x512xf32, #tpu.memory_space<vmem>>, vector<1x1x1x16xf32>,
        %parallel_loop3A_468 = arith.constant 1 : i32
        %parallel_loop3A_469 = arith.constant 3 : i32
        %parallel_loop3A_470 = arith.constant 0 : i32
        %parallel_loop3A_471 = arith.index_cast %parallel_loop3A_468 : i32 to index
        %parallel_loop3A_472 = arith.index_cast %parallel_loop3A_469 : i32 to index
        %parallel_loop3A_473 = arith.index_cast %parallel_loop3A_470 : i32 to index
        %parallel_loop3A_474 = arith.index_cast %parallel_loop3A_430 : i32 to index
        %parallel_loop3A_475 = tpu.vector_load %arg6[%parallel_loop3A_471, %parallel_loop3A_472, %parallel_loop3A_473, %parallel_loop3A_474] {strides = array<i32>} : memref<4x4x8x512xf32, #tpu.memory_space<vmem>>, vector<1x1x1x16xf32>,
        %parallel_loop3A_476 = vector.shape_cast %parallel_loop3A_475 : vector<1x1x1x16xf32> to vector<16xf32>
        %parallel_loop3A_477 = vector.shape_cast %parallel_loop3A_437 : vector<16xf32> to vector<1x1x1x16xf32>
        tpu.vector_store %arg6[%parallel_loop3A_471, %parallel_loop3A_472, %parallel_loop3A_473, %parallel_loop3A_474], %parallel_loop3A_477 {add = true, strides = array<i32>} : memref<4x4x8x512xf32, #tpu.memory_space<vmem>>, vector<1x1x1x16xf32>,
        %parallel_loop3A_478 = arith.constant 1 : i32
        %parallel_loop3A_479 = arith.constant 1 : i32
        %parallel_loop3A_480 = arith.index_cast %parallel_loop3A_478 : i32 to index
        %parallel_loop3A_481 = arith.index_cast %parallel_loop3A_479 : i32 to index
        %parallel_loop3A_482 = arith.index_cast %parallel_loop3A_430 : i32 to index
        %parallel_loop3A_483 = tpu.vector_load %arg5[%parallel_loop3A_480, %parallel_loop3A_481, %parallel_loop3A_482] {strides = array<i32>} : memref<4x8x512xf32, #tpu.memory_space<vmem>>, vector<1x1x16xf32>,
        %parallel_loop3A_484 = vector.shape_cast %parallel_loop3A_483 : vector<1x1x16xf32> to vector<16xf32>
        %parallel_loop3A_485 = arith.constant 1 : i32
        %parallel_loop3A_486 = arith.constant 0 : i32
        %parallel_loop3A_487 = arith.constant 1 : i32
        %parallel_loop3A_488 = arith.index_cast %parallel_loop3A_485 : i32 to index
        %parallel_loop3A_489 = arith.index_cast %parallel_loop3A_486 : i32 to index
        %parallel_loop3A_490 = arith.index_cast %parallel_loop3A_487 : i32 to index
        %parallel_loop3A_491 = arith.index_cast %parallel_loop3A_430 : i32 to index
        %parallel_loop3A_492 = tpu.vector_load %arg6[%parallel_loop3A_488, %parallel_loop3A_489, %parallel_loop3A_490, %parallel_loop3A_491] {strides = array<i32>} : memref<4x4x8x512xf32, #tpu.memory_space<vmem>>, vector<1x1x1x16xf32>,
        %parallel_loop3A_493 = vector.shape_cast %parallel_loop3A_492 : vector<1x1x1x16xf32> to vector<16xf32>
        %parallel_loop3A_494 = vector.shape_cast %parallel_loop3A_484 : vector<16xf32> to vector<1x1x1x16xf32>
        tpu.vector_store %arg6[%parallel_loop3A_488, %parallel_loop3A_489, %parallel_loop3A_490, %parallel_loop3A_491], %parallel_loop3A_494 {add = true, strides = array<i32>} : memref<4x4x8x512xf32, #tpu.memory_space<vmem>>, vector<1x1x1x16xf32>,
        %parallel_loop3A_495 = arith.constant 1 : i32
        %parallel_loop3A_496 = arith.constant 1 : i32
        %parallel_loop3A_497 = arith.constant 1 : i32
        %parallel_loop3A_498 = arith.index_cast %parallel_loop3A_495 : i32 to index
        %parallel_loop3A_499 = arith.index_cast %parallel_loop3A_496 : i32 to index
        %parallel_loop3A_500 = arith.index_cast %parallel_loop3A_497 : i32 to index
        %parallel_loop3A_501 = arith.index_cast %parallel_loop3A_430 : i32 to index
        %parallel_loop3A_502 = tpu.vector_load %arg6[%parallel_loop3A_498, %parallel_loop3A_499, %parallel_loop3A_500, %parallel_loop3A_501] {strides = array<i32>} : memref<4x4x8x512xf32, #tpu.memory_space<vmem>>, vector<1x1x1x16xf32>,
        %parallel_loop3A_503 = vector.shape_cast %parallel_loop3A_502 : vector<1x1x1x16xf32> to vector<16xf32>
        %parallel_loop3A_504 = vector.shape_cast %parallel_loop3A_484 : vector<16xf32> to vector<1x1x1x16xf32>
        tpu.vector_store %arg6[%parallel_loop3A_498, %parallel_loop3A_499, %parallel_loop3A_500, %parallel_loop3A_501], %parallel_loop3A_504 {add = true, strides = array<i32>} : memref<4x4x8x512xf32, #tpu.memory_space<vmem>>, vector<1x1x1x16xf32>,
        %parallel_loop3A_505 = arith.constant 1 : i32
        %parallel_loop3A_506 = arith.constant 2 : i32
        %parallel_loop3A_507 = arith.constant 1 : i32
        %parallel_loop3A_508 = arith.index_cast %parallel_loop3A_505 : i32 to index
        %parallel_loop3A_509 = arith.index_cast %parallel_loop3A_506 : i32 to index
        %parallel_loop3A_510 = arith.index_cast %parallel_loop3A_507 : i32 to index
        %parallel_loop3A_511 = arith.index_cast %parallel_loop3A_430 : i32 to index
        %parallel_loop3A_512 = tpu.vector_load %arg6[%parallel_loop3A_508, %parallel_loop3A_509, %parallel_loop3A_510, %parallel_loop3A_511] {strides = array<i32>} : memref<4x4x8x512xf32, #tpu.memory_space<vmem>>, vector<1x1x1x16xf32>,
        %parallel_loop3A_513 = vector.shape_cast %parallel_loop3A_512 : vector<1x1x1x16xf32> to vector<16xf32>
        %parallel_loop3A_514 = vector.shape_cast %parallel_loop3A_484 : vector<16xf32> to vector<1x1x1x16xf32>
        tpu.vector_store %arg6[%parallel_loop3A_508, %parallel_loop3A_509, %parallel_loop3A_510, %parallel_loop3A_511], %parallel_loop3A_514 {add = true, strides = array<i32>} : memref<4x4x8x512xf32, #tpu.memory_space<vmem>>, vector<1x1x1x16xf32>,
        %parallel_loop3A_515 = arith.constant 1 : i32
        %parallel_loop3A_516 = arith.constant 3 : i32
        %parallel_loop3A_517 = arith.constant 1 : i32
        %parallel_loop3A_518 = arith.index_cast %parallel_loop3A_515 : i32 to index
        %parallel_loop3A_519 = arith.index_cast %parallel_loop3A_516 : i32 to index
        %parallel_loop3A_520 = arith.index_cast %parallel_loop3A_517 : i32 to index
        %parallel_loop3A_521 = arith.index_cast %parallel_loop3A_430 : i32 to index
        %parallel_loop3A_522 = tpu.vector_load %arg6[%parallel_loop3A_518, %parallel_loop3A_519, %parallel_loop3A_520, %parallel_loop3A_521] {strides = array<i32>} : memref<4x4x8x512xf32, #tpu.memory_space<vmem>>, vector<1x1x1x16xf32>,
        %parallel_loop3A_523 = vector.shape_cast %parallel_loop3A_522 : vector<1x1x1x16xf32> to vector<16xf32>
        %parallel_loop3A_524 = vector.shape_cast %parallel_loop3A_484 : vector<16xf32> to vector<1x1x1x16xf32>
        tpu.vector_store %arg6[%parallel_loop3A_518, %parallel_loop3A_519, %parallel_loop3A_520, %parallel_loop3A_521], %parallel_loop3A_524 {add = true, strides = array<i32>} : memref<4x4x8x512xf32, #tpu.memory_space<vmem>>, vector<1x1x1x16xf32>,
        %parallel_loop3A_525 = arith.constant 1 : i32
        %parallel_loop3A_526 = arith.constant 2 : i32
        %parallel_loop3A_527 = arith.index_cast %parallel_loop3A_525 : i32 to index
        %parallel_loop3A_528 = arith.index_cast %parallel_loop3A_526 : i32 to index
        %parallel_loop3A_529 = arith.index_cast %parallel_loop3A_430 : i32 to index
        %parallel_loop3A_530 = tpu.vector_load %arg5[%parallel_loop3A_527, %parallel_loop3A_528, %parallel_loop3A_529] {strides = array<i32>} : memref<4x8x512xf32, #tpu.memory_space<vmem>>, vector<1x1x16xf32>,
        %parallel_loop3A_531 = vector.shape_cast %parallel_loop3A_530 : vector<1x1x16xf32> to vector<16xf32>
        %parallel_loop3A_532 = arith.constant 1 : i32
        %parallel_loop3A_533 = arith.constant 0 : i32
        %parallel_loop3A_534 = arith.constant 2 : i32
        %parallel_loop3A_535 = arith.index_cast %parallel_loop3A_532 : i32 to index
        %parallel_loop3A_536 = arith.index_cast %parallel_loop3A_533 : i32 to index
        %parallel_loop3A_537 = arith.index_cast %parallel_loop3A_534 : i32 to index
        %parallel_loop3A_538 = arith.index_cast %parallel_loop3A_430 : i32 to index
        %parallel_loop3A_539 = tpu.vector_load %arg6[%parallel_loop3A_535, %parallel_loop3A_536, %parallel_loop3A_537, %parallel_loop3A_538] {strides = array<i32>} : memref<4x4x8x512xf32, #tpu.memory_space<vmem>>, vector<1x1x1x16xf32>,
        %parallel_loop3A_540 = vector.shape_cast %parallel_loop3A_539 : vector<1x1x1x16xf32> to vector<16xf32>
        %parallel_loop3A_541 = vector.shape_cast %parallel_loop3A_531 : vector<16xf32> to vector<1x1x1x16xf32>
        tpu.vector_store %arg6[%parallel_loop3A_535, %parallel_loop3A_536, %parallel_loop3A_537, %parallel_loop3A_538], %parallel_loop3A_541 {add = true, strides = array<i32>} : memref<4x4x8x512xf32, #tpu.memory_space<vmem>>, vector<1x1x1x16xf32>,
        %parallel_loop3A_542 = arith.constant 1 : i32
        %parallel_loop3A_543 = arith.constant 1 : i32
        %parallel_loop3A_544 = arith.constant 2 : i32
        %parallel_loop3A_545 = arith.index_cast %parallel_loop3A_542 : i32 to index
        %parallel_loop3A_546 = arith.index_cast %parallel_loop3A_543 : i32 to index
        %parallel_loop3A_547 = arith.index_cast %parallel_loop3A_544 : i32 to index
        %parallel_loop3A_548 = arith.index_cast %parallel_loop3A_430 : i32 to index
        %parallel_loop3A_549 = tpu.vector_load %arg6[%parallel_loop3A_545, %parallel_loop3A_546, %parallel_loop3A_547, %parallel_loop3A_548] {strides = array<i32>} : memref<4x4x8x512xf32, #tpu.memory_space<vmem>>, vector<1x1x1x16xf32>,
        %parallel_loop3A_550 = vector.shape_cast %parallel_loop3A_549 : vector<1x1x1x16xf32> to vector<16xf32>
        %parallel_loop3A_551 = vector.shape_cast %parallel_loop3A_531 : vector<16xf32> to vector<1x1x1x16xf32>
        tpu.vector_store %arg6[%parallel_loop3A_545, %parallel_loop3A_546, %parallel_loop3A_547, %parallel_loop3A_548], %parallel_loop3A_551 {add = true, strides = array<i32>} : memref<4x4x8x512xf32, #tpu.memory_space<vmem>>, vector<1x1x1x16xf32>,
        %parallel_loop3A_552 = arith.constant 1 : i32
        %parallel_loop3A_553 = arith.constant 2 : i32
        %parallel_loop3A_554 = arith.constant 2 : i32
        %parallel_loop3A_555 = arith.index_cast %parallel_loop3A_552 : i32 to index
        %parallel_loop3A_556 = arith.index_cast %parallel_loop3A_553 : i32 to index
        %parallel_loop3A_557 = arith.index_cast %parallel_loop3A_554 : i32 to index
        %parallel_loop3A_558 = arith.index_cast %parallel_loop3A_430 : i32 to index
        %parallel_loop3A_559 = tpu.vector_load %arg6[%parallel_loop3A_555, %parallel_loop3A_556, %parallel_loop3A_557, %parallel_loop3A_558] {strides = array<i32>} : memref<4x4x8x512xf32, #tpu.memory_space<vmem>>, vector<1x1x1x16xf32>,
        %parallel_loop3A_560 = vector.shape_cast %parallel_loop3A_559 : vector<1x1x1x16xf32> to vector<16xf32>
        %parallel_loop3A_561 = vector.shape_cast %parallel_loop3A_531 : vector<16xf32> to vector<1x1x1x16xf32>
        tpu.vector_store %arg6[%parallel_loop3A_555, %parallel_loop3A_556, %parallel_loop3A_557, %parallel_loop3A_558], %parallel_loop3A_561 {add = true, strides = array<i32>} : memref<4x4x8x512xf32, #tpu.memory_space<vmem>>, vector<1x1x1x16xf32>,
        %parallel_loop3A_562 = arith.constant 1 : i32
        %parallel_loop3A_563 = arith.constant 3 : i32
        %parallel_loop3A_564 = arith.constant 2 : i32
        %parallel_loop3A_565 = arith.index_cast %parallel_loop3A_562 : i32 to index
        %parallel_loop3A_566 = arith.index_cast %parallel_loop3A_563 : i32 to index
        %parallel_loop3A_567 = arith.index_cast %parallel_loop3A_564 : i32 to index
        %parallel_loop3A_568 = arith.index_cast %parallel_loop3A_430 : i32 to index
        %parallel_loop3A_569 = tpu.vector_load %arg6[%parallel_loop3A_565, %parallel_loop3A_566, %parallel_loop3A_567, %parallel_loop3A_568] {strides = array<i32>} : memref<4x4x8x512xf32, #tpu.memory_space<vmem>>, vector<1x1x1x16xf32>,
        %parallel_loop3A_570 = vector.shape_cast %parallel_loop3A_569 : vector<1x1x1x16xf32> to vector<16xf32>
        %parallel_loop3A_571 = vector.shape_cast %parallel_loop3A_531 : vector<16xf32> to vector<1x1x1x16xf32>
        tpu.vector_store %arg6[%parallel_loop3A_565, %parallel_loop3A_566, %parallel_loop3A_567, %parallel_loop3A_568], %parallel_loop3A_571 {add = true, strides = array<i32>} : memref<4x4x8x512xf32, #tpu.memory_space<vmem>>, vector<1x1x1x16xf32>,
        %parallel_loop3A_572 = arith.constant 1 : i32
        %parallel_loop3A_573 = arith.constant 3 : i32
        %parallel_loop3A_574 = arith.index_cast %parallel_loop3A_572 : i32 to index
        %parallel_loop3A_575 = arith.index_cast %parallel_loop3A_573 : i32 to index
        %parallel_loop3A_576 = arith.index_cast %parallel_loop3A_430 : i32 to index
        %parallel_loop3A_577 = tpu.vector_load %arg5[%parallel_loop3A_574, %parallel_loop3A_575, %parallel_loop3A_576] {strides = array<i32>} : memref<4x8x512xf32, #tpu.memory_space<vmem>>, vector<1x1x16xf32>,
        %parallel_loop3A_578 = vector.shape_cast %parallel_loop3A_577 : vector<1x1x16xf32> to vector<16xf32>
        %parallel_loop3A_579 = arith.constant 1 : i32
        %parallel_loop3A_580 = arith.constant 0 : i32
        %parallel_loop3A_581 = arith.constant 3 : i32
        %parallel_loop3A_582 = arith.index_cast %parallel_loop3A_579 : i32 to index
        %parallel_loop3A_583 = arith.index_cast %parallel_loop3A_580 : i32 to index
        %parallel_loop3A_584 = arith.index_cast %parallel_loop3A_581 : i32 to index
        %parallel_loop3A_585 = arith.index_cast %parallel_loop3A_430 : i32 to index
        %parallel_loop3A_586 = tpu.vector_load %arg6[%parallel_loop3A_582, %parallel_loop3A_583, %parallel_loop3A_584, %parallel_loop3A_585] {strides = array<i32>} : memref<4x4x8x512xf32, #tpu.memory_space<vmem>>, vector<1x1x1x16xf32>,
        %parallel_loop3A_587 = vector.shape_cast %parallel_loop3A_586 : vector<1x1x1x16xf32> to vector<16xf32>
        %parallel_loop3A_588 = vector.shape_cast %parallel_loop3A_578 : vector<16xf32> to vector<1x1x1x16xf32>
        tpu.vector_store %arg6[%parallel_loop3A_582, %parallel_loop3A_583, %parallel_loop3A_584, %parallel_loop3A_585], %parallel_loop3A_588 {add = true, strides = array<i32>} : memref<4x4x8x512xf32, #tpu.memory_space<vmem>>, vector<1x1x1x16xf32>,
        %parallel_loop3A_589 = arith.constant 1 : i32
        %parallel_loop3A_590 = arith.constant 1 : i32
        %parallel_loop3A_591 = arith.constant 3 : i32
        %parallel_loop3A_592 = arith.index_cast %parallel_loop3A_589 : i32 to index
        %parallel_loop3A_593 = arith.index_cast %parallel_loop3A_590 : i32 to index
        %parallel_loop3A_594 = arith.index_cast %parallel_loop3A_591 : i32 to index
        %parallel_loop3A_595 = arith.index_cast %parallel_loop3A_430 : i32 to index
        %parallel_loop3A_596 = tpu.vector_load %arg6[%parallel_loop3A_592, %parallel_loop3A_593, %parallel_loop3A_594, %parallel_loop3A_595] {strides = array<i32>} : memref<4x4x8x512xf32, #tpu.memory_space<vmem>>, vector<1x1x1x16xf32>,
        %parallel_loop3A_597 = vector.shape_cast %parallel_loop3A_596 : vector<1x1x1x16xf32> to vector<16xf32>
        %parallel_loop3A_598 = vector.shape_cast %parallel_loop3A_578 : vector<16xf32> to vector<1x1x1x16xf32>
        tpu.vector_store %arg6[%parallel_loop3A_592, %parallel_loop3A_593, %parallel_loop3A_594, %parallel_loop3A_595], %parallel_loop3A_598 {add = true, strides = array<i32>} : memref<4x4x8x512xf32, #tpu.memory_space<vmem>>, vector<1x1x1x16xf32>,
        %parallel_loop3A_599 = arith.constant 1 : i32
        %parallel_loop3A_600 = arith.constant 2 : i32
        %parallel_loop3A_601 = arith.constant 3 : i32
        %parallel_loop3A_602 = arith.index_cast %parallel_loop3A_599 : i32 to index
        %parallel_loop3A_603 = arith.index_cast %parallel_loop3A_600 : i32 to index
        %parallel_loop3A_604 = arith.index_cast %parallel_loop3A_601 : i32 to index
        %parallel_loop3A_605 = arith.index_cast %parallel_loop3A_430 : i32 to index
        %parallel_loop3A_606 = tpu.vector_load %arg6[%parallel_loop3A_602, %parallel_loop3A_603, %parallel_loop3A_604, %parallel_loop3A_605] {strides = array<i32>} : memref<4x4x8x512xf32, #tpu.memory_space<vmem>>, vector<1x1x1x16xf32>,
        %parallel_loop3A_607 = vector.shape_cast %parallel_loop3A_606 : vector<1x1x1x16xf32> to vector<16xf32>
        %parallel_loop3A_608 = vector.shape_cast %parallel_loop3A_578 : vector<16xf32> to vector<1x1x1x16xf32>
        tpu.vector_store %arg6[%parallel_loop3A_602, %parallel_loop3A_603, %parallel_loop3A_604, %parallel_loop3A_605], %parallel_loop3A_608 {add = true, strides = array<i32>} : memref<4x4x8x512xf32, #tpu.memory_space<vmem>>, vector<1x1x1x16xf32>,
        %parallel_loop3A_609 = arith.constant 1 : i32
        %parallel_loop3A_610 = arith.constant 3 : i32
        %parallel_loop3A_611 = arith.constant 3 : i32
        %parallel_loop3A_612 = arith.index_cast %parallel_loop3A_609 : i32 to index
        %parallel_loop3A_613 = arith.index_cast %parallel_loop3A_610 : i32 to index
        %parallel_loop3A_614 = arith.index_cast %parallel_loop3A_611 : i32 to index
        %parallel_loop3A_615 = arith.index_cast %parallel_loop3A_430 : i32 to index
        %parallel_loop3A_616 = tpu.vector_load %arg6[%parallel_loop3A_612, %parallel_loop3A_613, %parallel_loop3A_614, %parallel_loop3A_615] {strides = array<i32>} : memref<4x4x8x512xf32, #tpu.memory_space<vmem>>, vector<1x1x1x16xf32>,
        %parallel_loop3A_617 = vector.shape_cast %parallel_loop3A_616 : vector<1x1x1x16xf32> to vector<16xf32>
        %parallel_loop3A_618 = vector.shape_cast %parallel_loop3A_578 : vector<16xf32> to vector<1x1x1x16xf32>
        tpu.vector_store %arg6[%parallel_loop3A_612, %parallel_loop3A_613, %parallel_loop3A_614, %parallel_loop3A_615], %parallel_loop3A_618 {add = true, strides = array<i32>} : memref<4x4x8x512xf32, #tpu.memory_space<vmem>>, vector<1x1x1x16xf32>,
        %parallel_loop3A_619 = arith.constant 1 : i32
        %parallel_loop3A_620 = arith.constant 4 : i32
        %parallel_loop3A_621 = arith.index_cast %parallel_loop3A_619 : i32 to index
        %parallel_loop3A_622 = arith.index_cast %parallel_loop3A_620 : i32 to index
        %parallel_loop3A_623 = arith.index_cast %parallel_loop3A_430 : i32 to index
        %parallel_loop3A_624 = tpu.vector_load %arg5[%parallel_loop3A_621, %parallel_loop3A_622, %parallel_loop3A_623] {strides = array<i32>} : memref<4x8x512xf32, #tpu.memory_space<vmem>>, vector<1x1x16xf32>,
        %parallel_loop3A_625 = vector.shape_cast %parallel_loop3A_624 : vector<1x1x16xf32> to vector<16xf32>
        %parallel_loop3A_626 = arith.constant 1 : i32
        %parallel_loop3A_627 = arith.constant 0 : i32
        %parallel_loop3A_628 = arith.constant 4 : i32
        %parallel_loop3A_629 = arith.index_cast %parallel_loop3A_626 : i32 to index
        %parallel_loop3A_630 = arith.index_cast %parallel_loop3A_627 : i32 to index
        %parallel_loop3A_631 = arith.index_cast %parallel_loop3A_628 : i32 to index
        %parallel_loop3A_632 = arith.index_cast %parallel_loop3A_430 : i32 to index
        %parallel_loop3A_633 = tpu.vector_load %arg6[%parallel_loop3A_629, %parallel_loop3A_630, %parallel_loop3A_631, %parallel_loop3A_632] {strides = array<i32>} : memref<4x4x8x512xf32, #tpu.memory_space<vmem>>, vector<1x1x1x16xf32>,
        %parallel_loop3A_634 = vector.shape_cast %parallel_loop3A_633 : vector<1x1x1x16xf32> to vector<16xf32>
        %parallel_loop3A_635 = vector.shape_cast %parallel_loop3A_625 : vector<16xf32> to vector<1x1x1x16xf32>
        tpu.vector_store %arg6[%parallel_loop3A_629, %parallel_loop3A_630, %parallel_loop3A_631, %parallel_loop3A_632], %parallel_loop3A_635 {add = true, strides = array<i32>} : memref<4x4x8x512xf32, #tpu.memory_space<vmem>>, vector<1x1x1x16xf32>,
        %parallel_loop3A_636 = arith.constant 1 : i32
        %parallel_loop3A_637 = arith.constant 1 : i32
        %parallel_loop3A_638 = arith.constant 4 : i32
        %parallel_loop3A_639 = arith.index_cast %parallel_loop3A_636 : i32 to index
        %parallel_loop3A_640 = arith.index_cast %parallel_loop3A_637 : i32 to index
        %parallel_loop3A_641 = arith.index_cast %parallel_loop3A_638 : i32 to index
        %parallel_loop3A_642 = arith.index_cast %parallel_loop3A_430 : i32 to index
        %parallel_loop3A_643 = tpu.vector_load %arg6[%parallel_loop3A_639, %parallel_loop3A_640, %parallel_loop3A_641, %parallel_loop3A_642] {strides = array<i32>} : memref<4x4x8x512xf32, #tpu.memory_space<vmem>>, vector<1x1x1x16xf32>,
        %parallel_loop3A_644 = vector.shape_cast %parallel_loop3A_643 : vector<1x1x1x16xf32> to vector<16xf32>
        %parallel_loop3A_645 = vector.shape_cast %parallel_loop3A_625 : vector<16xf32> to vector<1x1x1x16xf32>
        tpu.vector_store %arg6[%parallel_loop3A_639, %parallel_loop3A_640, %parallel_loop3A_641, %parallel_loop3A_642], %parallel_loop3A_645 {add = true, strides = array<i32>} : memref<4x4x8x512xf32, #tpu.memory_space<vmem>>, vector<1x1x1x16xf32>,
        %parallel_loop3A_646 = arith.constant 1 : i32
        %parallel_loop3A_647 = arith.constant 2 : i32
        %parallel_loop3A_648 = arith.constant 4 : i32
        %parallel_loop3A_649 = arith.index_cast %parallel_loop3A_646 : i32 to index
        %parallel_loop3A_650 = arith.index_cast %parallel_loop3A_647 : i32 to index
        %parallel_loop3A_651 = arith.index_cast %parallel_loop3A_648 : i32 to index
        %parallel_loop3A_652 = arith.index_cast %parallel_loop3A_430 : i32 to index
        %parallel_loop3A_653 = tpu.vector_load %arg6[%parallel_loop3A_649, %parallel_loop3A_650, %parallel_loop3A_651, %parallel_loop3A_652] {strides = array<i32>} : memref<4x4x8x512xf32, #tpu.memory_space<vmem>>, vector<1x1x1x16xf32>,
        %parallel_loop3A_654 = vector.shape_cast %parallel_loop3A_653 : vector<1x1x1x16xf32> to vector<16xf32>
        %parallel_loop3A_655 = vector.shape_cast %parallel_loop3A_625 : vector<16xf32> to vector<1x1x1x16xf32>
        tpu.vector_store %arg6[%parallel_loop3A_649, %parallel_loop3A_650, %parallel_loop3A_651, %parallel_loop3A_652], %parallel_loop3A_655 {add = true, strides = array<i32>} : memref<4x4x8x512xf32, #tpu.memory_space<vmem>>, vector<1x1x1x16xf32>,
        %parallel_loop3A_656 = arith.constant 1 : i32
        %parallel_loop3A_657 = arith.constant 3 : i32
        %parallel_loop3A_658 = arith.constant 4 : i32
        %parallel_loop3A_659 = arith.index_cast %parallel_loop3A_656 : i32 to index
        %parallel_loop3A_660 = arith.index_cast %parallel_loop3A_657 : i32 to index
        %parallel_loop3A_661 = arith.index_cast %parallel_loop3A_658 : i32 to index
        %parallel_loop3A_662 = arith.index_cast %parallel_loop3A_430 : i32 to index
        %parallel_loop3A_663 = tpu.vector_load %arg6[%parallel_loop3A_659, %parallel_loop3A_660, %parallel_loop3A_661, %parallel_loop3A_662] {strides = array<i32>} : memref<4x4x8x512xf32, #tpu.memory_space<vmem>>, vector<1x1x1x16xf32>,
        %parallel_loop3A_664 = vector.shape_cast %parallel_loop3A_663 : vector<1x1x1x16xf32> to vector<16xf32>
        %parallel_loop3A_665 = vector.shape_cast %parallel_loop3A_625 : vector<16xf32> to vector<1x1x1x16xf32>
        tpu.vector_store %arg6[%parallel_loop3A_659, %parallel_loop3A_660, %parallel_loop3A_661, %parallel_loop3A_662], %parallel_loop3A_665 {add = true, strides = array<i32>} : memref<4x4x8x512xf32, #tpu.memory_space<vmem>>, vector<1x1x1x16xf32>,
        %parallel_loop3A_666 = arith.constant 1 : i32
        %parallel_loop3A_667 = arith.constant 5 : i32
        %parallel_loop3A_668 = arith.index_cast %parallel_loop3A_666 : i32 to index
        %parallel_loop3A_669 = arith.index_cast %parallel_loop3A_667 : i32 to index
        %parallel_loop3A_670 = arith.index_cast %parallel_loop3A_430 : i32 to index
        %parallel_loop3A_671 = tpu.vector_load %arg5[%parallel_loop3A_668, %parallel_loop3A_669, %parallel_loop3A_670] {strides = array<i32>} : memref<4x8x512xf32, #tpu.memory_space<vmem>>, vector<1x1x16xf32>,
        %parallel_loop3A_672 = vector.shape_cast %parallel_loop3A_671 : vector<1x1x16xf32> to vector<16xf32>
        %parallel_loop3A_673 = arith.constant 1 : i32
        %parallel_loop3A_674 = arith.constant 0 : i32
        %parallel_loop3A_675 = arith.constant 5 : i32
        %parallel_loop3A_676 = arith.index_cast %parallel_loop3A_673 : i32 to index
        %parallel_loop3A_677 = arith.index_cast %parallel_loop3A_674 : i32 to index
        %parallel_loop3A_678 = arith.index_cast %parallel_loop3A_675 : i32 to index
        %parallel_loop3A_679 = arith.index_cast %parallel_loop3A_430 : i32 to index
        %parallel_loop3A_680 = tpu.vector_load %arg6[%parallel_loop3A_676, %parallel_loop3A_677, %parallel_loop3A_678, %parallel_loop3A_679] {strides = array<i32>} : memref<4x4x8x512xf32, #tpu.memory_space<vmem>>, vector<1x1x1x16xf32>,
        %parallel_loop3A_681 = vector.shape_cast %parallel_loop3A_680 : vector<1x1x1x16xf32> to vector<16xf32>
        %parallel_loop3A_682 = vector.shape_cast %parallel_loop3A_672 : vector<16xf32> to vector<1x1x1x16xf32>
        tpu.vector_store %arg6[%parallel_loop3A_676, %parallel_loop3A_677, %parallel_loop3A_678, %parallel_loop3A_679], %parallel_loop3A_682 {add = true, strides = array<i32>} : memref<4x4x8x512xf32, #tpu.memory_space<vmem>>, vector<1x1x1x16xf32>,
        %parallel_loop3A_683 = arith.constant 1 : i32
        %parallel_loop3A_684 = arith.constant 1 : i32
        %parallel_loop3A_685 = arith.constant 5 : i32
        %parallel_loop3A_686 = arith.index_cast %parallel_loop3A_683 : i32 to index
        %parallel_loop3A_687 = arith.index_cast %parallel_loop3A_684 : i32 to index
        %parallel_loop3A_688 = arith.index_cast %parallel_loop3A_685 : i32 to index
        %parallel_loop3A_689 = arith.index_cast %parallel_loop3A_430 : i32 to index
        %parallel_loop3A_690 = tpu.vector_load %arg6[%parallel_loop3A_686, %parallel_loop3A_687, %parallel_loop3A_688, %parallel_loop3A_689] {strides = array<i32>} : memref<4x4x8x512xf32, #tpu.memory_space<vmem>>, vector<1x1x1x16xf32>,
        %parallel_loop3A_691 = vector.shape_cast %parallel_loop3A_690 : vector<1x1x1x16xf32> to vector<16xf32>
        %parallel_loop3A_692 = vector.shape_cast %parallel_loop3A_672 : vector<16xf32> to vector<1x1x1x16xf32>
        tpu.vector_store %arg6[%parallel_loop3A_686, %parallel_loop3A_687, %parallel_loop3A_688, %parallel_loop3A_689], %parallel_loop3A_692 {add = true, strides = array<i32>} : memref<4x4x8x512xf32, #tpu.memory_space<vmem>>, vector<1x1x1x16xf32>,
        %parallel_loop3A_693 = arith.constant 1 : i32
        %parallel_loop3A_694 = arith.constant 2 : i32
        %parallel_loop3A_695 = arith.constant 5 : i32
        %parallel_loop3A_696 = arith.index_cast %parallel_loop3A_693 : i32 to index
        %parallel_loop3A_697 = arith.index_cast %parallel_loop3A_694 : i32 to index
        %parallel_loop3A_698 = arith.index_cast %parallel_loop3A_695 : i32 to index
        %parallel_loop3A_699 = arith.index_cast %parallel_loop3A_430 : i32 to index
        %parallel_loop3A_700 = tpu.vector_load %arg6[%parallel_loop3A_696, %parallel_loop3A_697, %parallel_loop3A_698, %parallel_loop3A_699] {strides = array<i32>} : memref<4x4x8x512xf32, #tpu.memory_space<vmem>>, vector<1x1x1x16xf32>,
        %parallel_loop3A_701 = vector.shape_cast %parallel_loop3A_700 : vector<1x1x1x16xf32> to vector<16xf32>
        %parallel_loop3A_702 = vector.shape_cast %parallel_loop3A_672 : vector<16xf32> to vector<1x1x1x16xf32>
        tpu.vector_store %arg6[%parallel_loop3A_696, %parallel_loop3A_697, %parallel_loop3A_698, %parallel_loop3A_699], %parallel_loop3A_702 {add = true, strides = array<i32>} : memref<4x4x8x512xf32, #tpu.memory_space<vmem>>, vector<1x1x1x16xf32>,
        %parallel_loop3A_703 = arith.constant 1 : i32
        %parallel_loop3A_704 = arith.constant 3 : i32
        %parallel_loop3A_705 = arith.constant 5 : i32
        %parallel_loop3A_706 = arith.index_cast %parallel_loop3A_703 : i32 to index
        %parallel_loop3A_707 = arith.index_cast %parallel_loop3A_704 : i32 to index
        %parallel_loop3A_708 = arith.index_cast %parallel_loop3A_705 : i32 to index
        %parallel_loop3A_709 = arith.index_cast %parallel_loop3A_430 : i32 to index
        %parallel_loop3A_710 = tpu.vector_load %arg6[%parallel_loop3A_706, %parallel_loop3A_707, %parallel_loop3A_708, %parallel_loop3A_709] {strides = array<i32>} : memref<4x4x8x512xf32, #tpu.memory_space<vmem>>, vector<1x1x1x16xf32>,
        %parallel_loop3A_711 = vector.shape_cast %parallel_loop3A_710 : vector<1x1x1x16xf32> to vector<16xf32>
        %parallel_loop3A_712 = vector.shape_cast %parallel_loop3A_672 : vector<16xf32> to vector<1x1x1x16xf32>
        tpu.vector_store %arg6[%parallel_loop3A_706, %parallel_loop3A_707, %parallel_loop3A_708, %parallel_loop3A_709], %parallel_loop3A_712 {add = true, strides = array<i32>} : memref<4x4x8x512xf32, #tpu.memory_space<vmem>>, vector<1x1x1x16xf32>,
        %parallel_loop3A_713 = arith.constant 1 : i32
        %parallel_loop3A_714 = arith.constant 6 : i32
        %parallel_loop3A_715 = arith.index_cast %parallel_loop3A_713 : i32 to index
        %parallel_loop3A_716 = arith.index_cast %parallel_loop3A_714 : i32 to index
        %parallel_loop3A_717 = arith.index_cast %parallel_loop3A_430 : i32 to index
        %parallel_loop3A_718 = tpu.vector_load %arg5[%parallel_loop3A_715, %parallel_loop3A_716, %parallel_loop3A_717] {strides = array<i32>} : memref<4x8x512xf32, #tpu.memory_space<vmem>>, vector<1x1x16xf32>,
        %parallel_loop3A_719 = vector.shape_cast %parallel_loop3A_718 : vector<1x1x16xf32> to vector<16xf32>
        %parallel_loop3A_720 = arith.constant 1 : i32
        %parallel_loop3A_721 = arith.constant 0 : i32
        %parallel_loop3A_722 = arith.constant 6 : i32
        %parallel_loop3A_723 = arith.index_cast %parallel_loop3A_720 : i32 to index
        %parallel_loop3A_724 = arith.index_cast %parallel_loop3A_721 : i32 to index
        %parallel_loop3A_725 = arith.index_cast %parallel_loop3A_722 : i32 to index
        %parallel_loop3A_726 = arith.index_cast %parallel_loop3A_430 : i32 to index
        %parallel_loop3A_727 = tpu.vector_load %arg6[%parallel_loop3A_723, %parallel_loop3A_724, %parallel_loop3A_725, %parallel_loop3A_726] {strides = array<i32>} : memref<4x4x8x512xf32, #tpu.memory_space<vmem>>, vector<1x1x1x16xf32>,
        %parallel_loop3A_728 = vector.shape_cast %parallel_loop3A_727 : vector<1x1x1x16xf32> to vector<16xf32>
        %parallel_loop3A_729 = vector.shape_cast %parallel_loop3A_719 : vector<16xf32> to vector<1x1x1x16xf32>
        tpu.vector_store %arg6[%parallel_loop3A_723, %parallel_loop3A_724, %parallel_loop3A_725, %parallel_loop3A_726], %parallel_loop3A_729 {add = true, strides = array<i32>} : memref<4x4x8x512xf32, #tpu.memory_space<vmem>>, vector<1x1x1x16xf32>,
        %parallel_loop3A_730 = arith.constant 1 : i32
        %parallel_loop3A_731 = arith.constant 1 : i32
        %parallel_loop3A_732 = arith.constant 6 : i32
        %parallel_loop3A_733 = arith.index_cast %parallel_loop3A_730 : i32 to index
        %parallel_loop3A_734 = arith.index_cast %parallel_loop3A_731 : i32 to index
        %parallel_loop3A_735 = arith.index_cast %parallel_loop3A_732 : i32 to index
        %parallel_loop3A_736 = arith.index_cast %parallel_loop3A_430 : i32 to index
        %parallel_loop3A_737 = tpu.vector_load %arg6[%parallel_loop3A_733, %parallel_loop3A_734, %parallel_loop3A_735, %parallel_loop3A_736] {strides = array<i32>} : memref<4x4x8x512xf32, #tpu.memory_space<vmem>>, vector<1x1x1x16xf32>,
        %parallel_loop3A_738 = vector.shape_cast %parallel_loop3A_737 : vector<1x1x1x16xf32> to vector<16xf32>
        %parallel_loop3A_739 = vector.shape_cast %parallel_loop3A_719 : vector<16xf32> to vector<1x1x1x16xf32>
        tpu.vector_store %arg6[%parallel_loop3A_733, %parallel_loop3A_734, %parallel_loop3A_735, %parallel_loop3A_736], %parallel_loop3A_739 {add = true, strides = array<i32>} : memref<4x4x8x512xf32, #tpu.memory_space<vmem>>, vector<1x1x1x16xf32>,
        %parallel_loop3A_740 = arith.constant 1 : i32
        %parallel_loop3A_741 = arith.constant 2 : i32
        %parallel_loop3A_742 = arith.constant 6 : i32
        %parallel_loop3A_743 = arith.index_cast %parallel_loop3A_740 : i32 to index
        %parallel_loop3A_744 = arith.index_cast %parallel_loop3A_741 : i32 to index
        %parallel_loop3A_745 = arith.index_cast %parallel_loop3A_742 : i32 to index
        %parallel_loop3A_746 = arith.index_cast %parallel_loop3A_430 : i32 to index
        %parallel_loop3A_747 = tpu.vector_load %arg6[%parallel_loop3A_743, %parallel_loop3A_744, %parallel_loop3A_745, %parallel_loop3A_746] {strides = array<i32>} : memref<4x4x8x512xf32, #tpu.memory_space<vmem>>, vector<1x1x1x16xf32>,
        %parallel_loop3A_748 = vector.shape_cast %parallel_loop3A_747 : vector<1x1x1x16xf32> to vector<16xf32>
        %parallel_loop3A_749 = vector.shape_cast %parallel_loop3A_719 : vector<16xf32> to vector<1x1x1x16xf32>
        tpu.vector_store %arg6[%parallel_loop3A_743, %parallel_loop3A_744, %parallel_loop3A_745, %parallel_loop3A_746], %parallel_loop3A_749 {add = true, strides = array<i32>} : memref<4x4x8x512xf32, #tpu.memory_space<vmem>>, vector<1x1x1x16xf32>,
        %parallel_loop3A_750 = arith.constant 1 : i32
        %parallel_loop3A_751 = arith.constant 3 : i32
        %parallel_loop3A_752 = arith.constant 6 : i32
        %parallel_loop3A_753 = arith.index_cast %parallel_loop3A_750 : i32 to index
        %parallel_loop3A_754 = arith.index_cast %parallel_loop3A_751 : i32 to index
        %parallel_loop3A_755 = arith.index_cast %parallel_loop3A_752 : i32 to index
        %parallel_loop3A_756 = arith.index_cast %parallel_loop3A_430 : i32 to index
        %parallel_loop3A_757 = tpu.vector_load %arg6[%parallel_loop3A_753, %parallel_loop3A_754, %parallel_loop3A_755, %parallel_loop3A_756] {strides = array<i32>} : memref<4x4x8x512xf32, #tpu.memory_space<vmem>>, vector<1x1x1x16xf32>,
        %parallel_loop3A_758 = vector.shape_cast %parallel_loop3A_757 : vector<1x1x1x16xf32> to vector<16xf32>
        %parallel_loop3A_759 = vector.shape_cast %parallel_loop3A_719 : vector<16xf32> to vector<1x1x1x16xf32>
        tpu.vector_store %arg6[%parallel_loop3A_753, %parallel_loop3A_754, %parallel_loop3A_755, %parallel_loop3A_756], %parallel_loop3A_759 {add = true, strides = array<i32>} : memref<4x4x8x512xf32, #tpu.memory_space<vmem>>, vector<1x1x1x16xf32>,
        %parallel_loop3A_760 = arith.constant 1 : i32
        %parallel_loop3A_761 = arith.constant 7 : i32
        %parallel_loop3A_762 = arith.index_cast %parallel_loop3A_760 : i32 to index
        %parallel_loop3A_763 = arith.index_cast %parallel_loop3A_761 : i32 to index
        %parallel_loop3A_764 = arith.index_cast %parallel_loop3A_430 : i32 to index
        %parallel_loop3A_765 = tpu.vector_load %arg5[%parallel_loop3A_762, %parallel_loop3A_763, %parallel_loop3A_764] {strides = array<i32>} : memref<4x8x512xf32, #tpu.memory_space<vmem>>, vector<1x1x16xf32>,
        %parallel_loop3A_766 = vector.shape_cast %parallel_loop3A_765 : vector<1x1x16xf32> to vector<16xf32>
        %parallel_loop3A_767 = arith.constant 1 : i32
        %parallel_loop3A_768 = arith.constant 0 : i32
        %parallel_loop3A_769 = arith.constant 7 : i32
        %parallel_loop3A_770 = arith.index_cast %parallel_loop3A_767 : i32 to index
        %parallel_loop3A_771 = arith.index_cast %parallel_loop3A_768 : i32 to index
        %parallel_loop3A_772 = arith.index_cast %parallel_loop3A_769 : i32 to index
        %parallel_loop3A_773 = arith.index_cast %parallel_loop3A_430 : i32 to index
        %parallel_loop3A_774 = tpu.vector_load %arg6[%parallel_loop3A_770, %parallel_loop3A_771, %parallel_loop3A_772, %parallel_loop3A_773] {strides = array<i32>} : memref<4x4x8x512xf32, #tpu.memory_space<vmem>>, vector<1x1x1x16xf32>,
        %parallel_loop3A_775 = vector.shape_cast %parallel_loop3A_774 : vector<1x1x1x16xf32> to vector<16xf32>
        %parallel_loop3A_776 = vector.shape_cast %parallel_loop3A_766 : vector<16xf32> to vector<1x1x1x16xf32>
        tpu.vector_store %arg6[%parallel_loop3A_770, %parallel_loop3A_771, %parallel_loop3A_772, %parallel_loop3A_773], %parallel_loop3A_776 {add = true, strides = array<i32>} : memref<4x4x8x512xf32, #tpu.memory_space<vmem>>, vector<1x1x1x16xf32>,
        %parallel_loop3A_777 = arith.constant 1 : i32
        %parallel_loop3A_778 = arith.constant 1 : i32
        %parallel_loop3A_779 = arith.constant 7 : i32
        %parallel_loop3A_780 = arith.index_cast %parallel_loop3A_777 : i32 to index
        %parallel_loop3A_781 = arith.index_cast %parallel_loop3A_778 : i32 to index
        %parallel_loop3A_782 = arith.index_cast %parallel_loop3A_779 : i32 to index
        %parallel_loop3A_783 = arith.index_cast %parallel_loop3A_430 : i32 to index
        %parallel_loop3A_784 = tpu.vector_load %arg6[%parallel_loop3A_780, %parallel_loop3A_781, %parallel_loop3A_782, %parallel_loop3A_783] {strides = array<i32>} : memref<4x4x8x512xf32, #tpu.memory_space<vmem>>, vector<1x1x1x16xf32>,
        %parallel_loop3A_785 = vector.shape_cast %parallel_loop3A_784 : vector<1x1x1x16xf32> to vector<16xf32>
        %parallel_loop3A_786 = vector.shape_cast %parallel_loop3A_766 : vector<16xf32> to vector<1x1x1x16xf32>
        tpu.vector_store %arg6[%parallel_loop3A_780, %parallel_loop3A_781, %parallel_loop3A_782, %parallel_loop3A_783], %parallel_loop3A_786 {add = true, strides = array<i32>} : memref<4x4x8x512xf32, #tpu.memory_space<vmem>>, vector<1x1x1x16xf32>,
        %parallel_loop3A_787 = arith.constant 1 : i32
        %parallel_loop3A_788 = arith.constant 2 : i32
        %parallel_loop3A_789 = arith.constant 7 : i32
        %parallel_loop3A_790 = arith.index_cast %parallel_loop3A_787 : i32 to index
        %parallel_loop3A_791 = arith.index_cast %parallel_loop3A_788 : i32 to index
        %parallel_loop3A_792 = arith.index_cast %parallel_loop3A_789 : i32 to index
        %parallel_loop3A_793 = arith.index_cast %parallel_loop3A_430 : i32 to index
        %parallel_loop3A_794 = tpu.vector_load %arg6[%parallel_loop3A_790, %parallel_loop3A_791, %parallel_loop3A_792, %parallel_loop3A_793] {strides = array<i32>} : memref<4x4x8x512xf32, #tpu.memory_space<vmem>>, vector<1x1x1x16xf32>,
        %parallel_loop3A_795 = vector.shape_cast %parallel_loop3A_794 : vector<1x1x1x16xf32> to vector<16xf32>
        %parallel_loop3A_796 = vector.shape_cast %parallel_loop3A_766 : vector<16xf32> to vector<1x1x1x16xf32>
        tpu.vector_store %arg6[%parallel_loop3A_790, %parallel_loop3A_791, %parallel_loop3A_792, %parallel_loop3A_793], %parallel_loop3A_796 {add = true, strides = array<i32>} : memref<4x4x8x512xf32, #tpu.memory_space<vmem>>, vector<1x1x1x16xf32>,
        %parallel_loop3A_797 = arith.constant 1 : i32
        %parallel_loop3A_798 = arith.constant 3 : i32
        %parallel_loop3A_799 = arith.constant 7 : i32
        %parallel_loop3A_800 = arith.index_cast %parallel_loop3A_797 : i32 to index
        %parallel_loop3A_801 = arith.index_cast %parallel_loop3A_798 : i32 to index
        %parallel_loop3A_802 = arith.index_cast %parallel_loop3A_799 : i32 to index
        %parallel_loop3A_803 = arith.index_cast %parallel_loop3A_430 : i32 to index
        %parallel_loop3A_804 = tpu.vector_load %arg6[%parallel_loop3A_800, %parallel_loop3A_801, %parallel_loop3A_802, %parallel_loop3A_803] {strides = array<i32>} : memref<4x4x8x512xf32, #tpu.memory_space<vmem>>, vector<1x1x1x16xf32>,
        %parallel_loop3A_805 = vector.shape_cast %parallel_loop3A_804 : vector<1x1x1x16xf32> to vector<16xf32>
        %parallel_loop3A_806 = vector.shape_cast %parallel_loop3A_766 : vector<16xf32> to vector<1x1x1x16xf32>
        tpu.vector_store %arg6[%parallel_loop3A_800, %parallel_loop3A_801, %parallel_loop3A_802, %parallel_loop3A_803], %parallel_loop3A_806 {add = true, strides = array<i32>} : memref<4x4x8x512xf32, #tpu.memory_space<vmem>>, vector<1x1x1x16xf32>,
      } {sc.loop_unroll_factor = 2 : i64, sc.parallel_access}
      %dma_start3A_260 = arith.constant 1 : i32
      %dma_start3A_261 = arith.constant 0 : i32
      %dma_start3A_262 = arith.constant 0 : i32
      %dma_start3A_263 = arith.constant 0 : i32
      %dma_start3A_264 = tpu.memref_slice %arg6[%dma_start3A_260, %dma_start3A_261, %dma_start3A_262, %dma_start3A_263] : memref<4x4x8x512xf32, #tpu.memory_space<vmem>> -> memref<1x4x8x512xf32, #tpu.memory_space<vmem>>
      %dma_start3A_265 = tpu.memref_squeeze %dma_start3A_264 : memref<1x4x8x512xf32, #tpu.memory_space<vmem>> -> memref<4x8x512xf32, #tpu.memory_space<vmem>>
      %dma_start3A_266 = arith.constant 0 : i32
      %dma_start3A_267 = arith.constant 512 : i32
      %dma_start3A_268 = tpu.memref_slice %arg4[%dma_start3A_266, %add3A_104, %dma_start3A_267] : memref<4x4096x2048xf32, #tpu.memory_space<hbm>> -> memref<4x8x512xf32, #tpu.memory_space<hbm>>
      %dma_start3A_269 = arith.constant 0 : i32
      %dma_start3A_270 = arith.constant 512 : i32
      %dma_start3A_271 = tpu.memref_slice %arg4[%dma_start3A_269, %add3A_104, %dma_start3A_270] : memref<4x4096x2048xf32, #tpu.memory_space<hbm>> -> memref<4x8x512xf32, #tpu.memory_space<hbm>>
      %dma_start3A_272 = arith.constant 0 : i32
      %dma_start3A_273 = arith.constant 0 : i32
      %dma_start3A_274 = arith.constant 0 : i32
      %dma_start3A_275 = tpu.memref_slice %arg6[%dma_start3A_260, %dma_start3A_272, %dma_start3A_273, %dma_start3A_274] : memref<4x4x8x512xf32, #tpu.memory_space<vmem>> -> memref<1x4x8x512xf32, #tpu.memory_space<vmem>>
      %dma_start3A_276 = tpu.memref_squeeze %dma_start3A_275 : memref<1x4x8x512xf32, #tpu.memory_space<vmem>> -> memref<4x8x512xf32, #tpu.memory_space<vmem>>
      tpu.enqueue_dma source(%dma_start3A_276 : memref<4x8x512xf32, #tpu.memory_space<vmem>>) target(%dma_start3A_271 : memref<4x8x512xf32, #tpu.memory_space<hbm>>) target_semaphore(%arg12 : memref<!tpu.dma_semaphore, #tpu.memory_space<semaphore_mem>>)
      %add3A_277 = arith.constant 1 : i32
      %add3A_278 = arith.addi %scan3A_101, %add3A_277 : i32
      %mul3A_279 = arith.constant 8 : i32
      %mul3A_280 = arith.muli %add3A_278, %mul3A_279 : i32
      %add3A_281 = arith.addi %mul3A_2, %mul3A_280 : i32
      %dma_wait3A_282 = arith.constant 0 : i32
      %dma_wait3A_283 = arith.constant 0 : i32
      %dma_wait3A_284 = arith.constant 0 : i32
      %dma_wait3A_285 = arith.constant 0 : i32
      %dma_wait3A_286 = tpu.memref_slice %arg6[%dma_wait3A_282, %dma_wait3A_283, %dma_wait3A_284, %dma_wait3A_285] : memref<4x4x8x512xf32, #tpu.memory_space<vmem>> -> memref<1x4x8x512xf32, #tpu.memory_space<vmem>>
      %dma_wait3A_287 = tpu.memref_squeeze %dma_wait3A_286 : memref<1x4x8x512xf32, #tpu.memory_space<vmem>> -> memref<4x8x512xf32, #tpu.memory_space<vmem>>
      %dma_wait3A_288 = arith.constant 0 : i32
      %dma_wait3A_289 = arith.constant 0 : i32
      %dma_wait3A_290 = tpu.memref_slice %arg4[%dma_wait3A_288, %add3A_104, %dma_wait3A_289] : memref<4x4096x2048xf32, #tpu.memory_space<hbm>> -> memref<4x8x512xf32, #tpu.memory_space<hbm>>
      %dma_wait3A_291 = arith.constant 0 : i32
      %dma_wait3A_292 = arith.constant 0 : i32
      %dma_wait3A_293 = tpu.memref_slice %arg4[%dma_wait3A_291, %add3A_104, %dma_wait3A_292] : memref<4x4096x2048xf32, #tpu.memory_space<hbm>> -> memref<4x8x512xf32, #tpu.memory_space<hbm>>
      %dma_wait3A_294 = arith.constant 0 : i32
      %dma_wait3A_295 = arith.constant 0 : i32
      %dma_wait3A_296 = arith.constant 0 : i32
      %dma_wait3A_297 = tpu.memref_slice %arg6[%dma_wait3A_282, %dma_wait3A_294, %dma_wait3A_295, %dma_wait3A_296] : memref<4x4x8x512xf32, #tpu.memory_space<vmem>> -> memref<1x4x8x512xf32, #tpu.memory_space<vmem>>
      %dma_wait3A_298 = tpu.memref_squeeze %dma_wait3A_297 : memref<1x4x8x512xf32, #tpu.memory_space<vmem>> -> memref<4x8x512xf32, #tpu.memory_space<vmem>>
      tpu.wait_dma2 semaphore(%arg11 : memref<!tpu.dma_semaphore, #tpu.memory_space<semaphore_mem>>) src(%dma_wait3A_298 : memref<4x8x512xf32, #tpu.memory_space<vmem>>) dst(%dma_wait3A_293 : memref<4x8x512xf32, #tpu.memory_space<hbm>>)
      %lt3A = arith.constant 15 : i32
      %lt3A_299 = arith.cmpi slt, %scan3A_101, %lt3A : i32
      %convert_element_type3A_300 = arith.extui %lt3A_299 : i1 to i32
      %cond3A_301 = arith.constant 0 : i32
      %cond3A_302 = arith.cmpi ne, %convert_element_type3A_300, %cond3A_301 : i32
      scf.if %cond3A_302 {
        %dma_start3A_430 = arith.constant 0 : i32
        %dma_start3A_431 = arith.constant 0 : i32
        %dma_start3A_432 = arith.constant 0 : i32
        %dma_start3A_433 = tpu.memref_slice %arg5[%dma_start3A_430, %dma_start3A_431, %dma_start3A_432] : memref<4x8x512xf32, #tpu.memory_space<vmem>> -> memref<1x8x512xf32, #tpu.memory_space<vmem>>
        %dma_start3A_434 = tpu.memref_squeeze %dma_start3A_433 : memref<1x8x512xf32, #tpu.memory_space<vmem>> -> memref<8x512xf32, #tpu.memory_space<vmem>>
        %dma_start3A_435 = arith.constant 0 : i32
        %dma_start3A_436 = tpu.memref_slice %arg3[%add3A_281, %dma_start3A_435] : memref<4096x2048xf32, #tpu.memory_space<hbm>> -> memref<8x512xf32, #tpu.memory_space<hbm>>
        %dma_start3A_437 = arith.constant 0 : i32
        %dma_start3A_438 = arith.constant 0 : i32
        %dma_start3A_439 = tpu.memref_slice %arg5[%dma_start3A_430, %dma_start3A_437, %dma_start3A_438] : memref<4x8x512xf32, #tpu.memory_space<vmem>> -> memref<1x8x512xf32, #tpu.memory_space<vmem>>
        %dma_start3A_440 = tpu.memref_squeeze %dma_start3A_439 : memref<1x8x512xf32, #tpu.memory_space<vmem>> -> memref<8x512xf32, #tpu.memory_space<vmem>>
        %dma_start3A_441 = arith.constant 0 : i32
        %dma_start3A_442 = tpu.memref_slice %arg3[%add3A_281, %dma_start3A_441] : memref<4096x2048xf32, #tpu.memory_space<hbm>> -> memref<8x512xf32, #tpu.memory_space<hbm>>
        tpu.enqueue_dma source(%dma_start3A_442 : memref<8x512xf32, #tpu.memory_space<hbm>>) target(%dma_start3A_440 : memref<8x512xf32, #tpu.memory_space<vmem>>) target_semaphore(%arg7 : memref<!tpu.dma_semaphore, #tpu.memory_space<semaphore_mem>>)
        %dma_start3A_443 = arith.constant 0 : i32
        %dma_start3A_444 = arith.constant 0 : i32
        %dma_start3A_445 = arith.constant 0 : i32
        %dma_start3A_446 = arith.constant 0 : i32
        %dma_start3A_447 = tpu.memref_slice %arg6[%dma_start3A_443, %dma_start3A_444, %dma_start3A_445, %dma_start3A_446] : memref<4x4x8x512xf32, #tpu.memory_space<vmem>> -> memref<1x4x8x512xf32, #tpu.memory_space<vmem>>
        %dma_start3A_448 = tpu.memref_squeeze %dma_start3A_447 : memref<1x4x8x512xf32, #tpu.memory_space<vmem>> -> memref<4x8x512xf32, #tpu.memory_space<vmem>>
        %dma_start3A_449 = arith.constant 0 : i32
        %dma_start3A_450 = arith.constant 0 : i32
        %dma_start3A_451 = tpu.memref_slice %arg2[%dma_start3A_449, %add3A_281, %dma_start3A_450] : memref<4x4096x2048xf32, #tpu.memory_space<hbm>> -> memref<4x8x512xf32, #tpu.memory_space<hbm>>
        %dma_start3A_452 = arith.constant 0 : i32
        %dma_start3A_453 = arith.constant 0 : i32
        %dma_start3A_454 = arith.constant 0 : i32
        %dma_start3A_455 = tpu.memref_slice %arg6[%dma_start3A_443, %dma_start3A_452, %dma_start3A_453, %dma_start3A_454] : memref<4x4x8x512xf32, #tpu.memory_space<vmem>> -> memref<1x4x8x512xf32, #tpu.memory_space<vmem>>
        %dma_start3A_456 = tpu.memref_squeeze %dma_start3A_455 : memref<1x4x8x512xf32, #tpu.memory_space<vmem>> -> memref<4x8x512xf32, #tpu.memory_space<vmem>>
        %dma_start3A_457 = arith.constant 0 : i32
        %dma_start3A_458 = arith.constant 0 : i32
        %dma_start3A_459 = tpu.memref_slice %arg2[%dma_start3A_457, %add3A_281, %dma_start3A_458] : memref<4x4096x2048xf32, #tpu.memory_space<hbm>> -> memref<4x8x512xf32, #tpu.memory_space<hbm>>
        tpu.enqueue_dma source(%dma_start3A_459 : memref<4x8x512xf32, #tpu.memory_space<hbm>>) target(%dma_start3A_456 : memref<4x8x512xf32, #tpu.memory_space<vmem>>) target_semaphore(%arg7 : memref<!tpu.dma_semaphore, #tpu.memory_space<semaphore_mem>>)
      } else {
      }
      %dma_wait3A_303 = arith.constant 2 : i32
      %dma_wait3A_304 = arith.constant 0 : i32
      %dma_wait3A_305 = arith.constant 0 : i32
      %dma_wait3A_306 = tpu.memref_slice %arg5[%dma_wait3A_303, %dma_wait3A_304, %dma_wait3A_305] : memref<4x8x512xf32, #tpu.memory_space<vmem>> -> memref<1x8x512xf32, #tpu.memory_space<vmem>>
      %dma_wait3A_307 = tpu.memref_squeeze %dma_wait3A_306 : memref<1x8x512xf32, #tpu.memory_space<vmem>> -> memref<8x512xf32, #tpu.memory_space<vmem>>
      %dma_wait3A_308 = arith.constant 1024 : i32
      %dma_wait3A_309 = tpu.memref_slice %arg3[%add3A_104, %dma_wait3A_308] : memref<4096x2048xf32, #tpu.memory_space<hbm>> -> memref<8x512xf32, #tpu.memory_space<hbm>>
      %dma_wait3A_310 = arith.constant 0 : i32
      %dma_wait3A_311 = arith.constant 0 : i32
      %dma_wait3A_312 = tpu.memref_slice %arg5[%dma_wait3A_303, %dma_wait3A_310, %dma_wait3A_311] : memref<4x8x512xf32, #tpu.memory_space<vmem>> -> memref<1x8x512xf32, #tpu.memory_space<vmem>>
      %dma_wait3A_313 = tpu.memref_squeeze %dma_wait3A_312 : memref<1x8x512xf32, #tpu.memory_space<vmem>> -> memref<8x512xf32, #tpu.memory_space<vmem>>
      %dma_wait3A_314 = arith.constant 1024 : i32
      %dma_wait3A_315 = tpu.memref_slice %arg3[%add3A_104, %dma_wait3A_314] : memref<4096x2048xf32, #tpu.memory_space<hbm>> -> memref<8x512xf32, #tpu.memory_space<hbm>>
      tpu.wait_dma2 semaphore(%arg9 : memref<!tpu.dma_semaphore, #tpu.memory_space<semaphore_mem>>) src(%dma_wait3A_315 : memref<8x512xf32, #tpu.memory_space<hbm>>) dst(%dma_wait3A_313 : memref<8x512xf32, #tpu.memory_space<vmem>>)
      %dma_wait3A_316 = arith.constant 2 : i32
      %dma_wait3A_317 = arith.constant 0 : i32
      %dma_wait3A_318 = arith.constant 0 : i32
      %dma_wait3A_319 = arith.constant 0 : i32
      %dma_wait3A_320 = tpu.memref_slice %arg6[%dma_wait3A_316, %dma_wait3A_317, %dma_wait3A_318, %dma_wait3A_319] : memref<4x4x8x512xf32, #tpu.memory_space<vmem>> -> memref<1x4x8x512xf32, #tpu.memory_space<vmem>>
      %dma_wait3A_321 = tpu.memref_squeeze %dma_wait3A_320 : memref<1x4x8x512xf32, #tpu.memory_space<vmem>> -> memref<4x8x512xf32, #tpu.memory_space<vmem>>
      %dma_wait3A_322 = arith.constant 0 : i32
      %dma_wait3A_323 = arith.constant 1024 : i32
      %dma_wait3A_324 = tpu.memref_slice %arg2[%dma_wait3A_322, %add3A_104, %dma_wait3A_323] : memref<4x4096x2048xf32, #tpu.memory_space<hbm>> -> memref<4x8x512xf32, #tpu.memory_space<hbm>>
      %dma_wait3A_325 = arith.constant 0 : i32
      %dma_wait3A_326 = arith.constant 0 : i32
      %dma_wait3A_327 = arith.constant 0 : i32
      %dma_wait3A_328 = tpu.memref_slice %arg6[%dma_wait3A_316, %dma_wait3A_325, %dma_wait3A_326, %dma_wait3A_327] : memref<4x4x8x512xf32, #tpu.memory_space<vmem>> -> memref<1x4x8x512xf32, #tpu.memory_space<vmem>>
      %dma_wait3A_329 = tpu.memref_squeeze %dma_wait3A_328 : memref<1x4x8x512xf32, #tpu.memory_space<vmem>> -> memref<4x8x512xf32, #tpu.memory_space<vmem>>
      %dma_wait3A_330 = arith.constant 0 : i32
      %dma_wait3A_331 = arith.constant 1024 : i32
      %dma_wait3A_332 = tpu.memref_slice %arg2[%dma_wait3A_330, %add3A_104, %dma_wait3A_331] : memref<4x4096x2048xf32, #tpu.memory_space<hbm>> -> memref<4x8x512xf32, #tpu.memory_space<hbm>>
      tpu.wait_dma2 semaphore(%arg9 : memref<!tpu.dma_semaphore, #tpu.memory_space<semaphore_mem>>) src(%dma_wait3A_332 : memref<4x8x512xf32, #tpu.memory_space<hbm>>) dst(%dma_wait3A_329 : memref<4x8x512xf32, #tpu.memory_space<vmem>>)
      %parallel_loop3A_333 = arith.constant 0 : i32
      %parallel_loop3A_334 = arith.constant 512 : i32
      %parallel_loop3A_335 = arith.constant 16 : i32
      scf.for %parallel_loop3A_430 = %parallel_loop3A_333 to %parallel_loop3A_334 step %parallel_loop3A_335  : i32 {
        %parallel_loop3A_431 = arith.constant 2 : i32
        %parallel_loop3A_432 = arith.constant 0 : i32
        %parallel_loop3A_433 = arith.index_cast %parallel_loop3A_431 : i32 to index
        %parallel_loop3A_434 = arith.index_cast %parallel_loop3A_432 : i32 to index
        %parallel_loop3A_435 = arith.index_cast %parallel_loop3A_430 : i32 to index
        %parallel_loop3A_436 = tpu.vector_load %arg5[%parallel_loop3A_433, %parallel_loop3A_434, %parallel_loop3A_435] {strides = array<i32>} : memref<4x8x512xf32, #tpu.memory_space<vmem>>, vector<1x1x16xf32>,
        %parallel_loop3A_437 = vector.shape_cast %parallel_loop3A_436 : vector<1x1x16xf32> to vector<16xf32>
        %parallel_loop3A_438 = arith.constant 2 : i32
        %parallel_loop3A_439 = arith.constant 0 : i32
        %parallel_loop3A_440 = arith.constant 0 : i32
        %parallel_loop3A_441 = arith.index_cast %parallel_loop3A_438 : i32 to index
        %parallel_loop3A_442 = arith.index_cast %parallel_loop3A_439 : i32 to index
        %parallel_loop3A_443 = arith.index_cast %parallel_loop3A_440 : i32 to index
        %parallel_loop3A_444 = arith.index_cast %parallel_loop3A_430 : i32 to index
        %parallel_loop3A_445 = tpu.vector_load %arg6[%parallel_loop3A_441, %parallel_loop3A_442, %parallel_loop3A_443, %parallel_loop3A_444] {strides = array<i32>} : memref<4x4x8x512xf32, #tpu.memory_space<vmem>>, vector<1x1x1x16xf32>,
        %parallel_loop3A_446 = vector.shape_cast %parallel_loop3A_445 : vector<1x1x1x16xf32> to vector<16xf32>
        %parallel_loop3A_447 = vector.shape_cast %parallel_loop3A_437 : vector<16xf32> to vector<1x1x1x16xf32>
        tpu.vector_store %arg6[%parallel_loop3A_441, %parallel_loop3A_442, %parallel_loop3A_443, %parallel_loop3A_444], %parallel_loop3A_447 {add = true, strides = array<i32>} : memref<4x4x8x512xf32, #tpu.memory_space<vmem>>, vector<1x1x1x16xf32>,
        %parallel_loop3A_448 = arith.constant 2 : i32
        %parallel_loop3A_449 = arith.constant 1 : i32
        %parallel_loop3A_450 = arith.constant 0 : i32
        %parallel_loop3A_451 = arith.index_cast %parallel_loop3A_448 : i32 to index
        %parallel_loop3A_452 = arith.index_cast %parallel_loop3A_449 : i32 to index
        %parallel_loop3A_453 = arith.index_cast %parallel_loop3A_450 : i32 to index
        %parallel_loop3A_454 = arith.index_cast %parallel_loop3A_430 : i32 to index
        %parallel_loop3A_455 = tpu.vector_load %arg6[%parallel_loop3A_451, %parallel_loop3A_452, %parallel_loop3A_453, %parallel_loop3A_454] {strides = array<i32>} : memref<4x4x8x512xf32, #tpu.memory_space<vmem>>, vector<1x1x1x16xf32>,
        %parallel_loop3A_456 = vector.shape_cast %parallel_loop3A_455 : vector<1x1x1x16xf32> to vector<16xf32>
        %parallel_loop3A_457 = vector.shape_cast %parallel_loop3A_437 : vector<16xf32> to vector<1x1x1x16xf32>
        tpu.vector_store %arg6[%parallel_loop3A_451, %parallel_loop3A_452, %parallel_loop3A_453, %parallel_loop3A_454], %parallel_loop3A_457 {add = true, strides = array<i32>} : memref<4x4x8x512xf32, #tpu.memory_space<vmem>>, vector<1x1x1x16xf32>,
        %parallel_loop3A_458 = arith.constant 2 : i32
        %parallel_loop3A_459 = arith.constant 2 : i32
        %parallel_loop3A_460 = arith.constant 0 : i32
        %parallel_loop3A_461 = arith.index_cast %parallel_loop3A_458 : i32 to index
        %parallel_loop3A_462 = arith.index_cast %parallel_loop3A_459 : i32 to index
        %parallel_loop3A_463 = arith.index_cast %parallel_loop3A_460 : i32 to index
        %parallel_loop3A_464 = arith.index_cast %parallel_loop3A_430 : i32 to index
        %parallel_loop3A_465 = tpu.vector_load %arg6[%parallel_loop3A_461, %parallel_loop3A_462, %parallel_loop3A_463, %parallel_loop3A_464] {strides = array<i32>} : memref<4x4x8x512xf32, #tpu.memory_space<vmem>>, vector<1x1x1x16xf32>,
        %parallel_loop3A_466 = vector.shape_cast %parallel_loop3A_465 : vector<1x1x1x16xf32> to vector<16xf32>
        %parallel_loop3A_467 = vector.shape_cast %parallel_loop3A_437 : vector<16xf32> to vector<1x1x1x16xf32>
        tpu.vector_store %arg6[%parallel_loop3A_461, %parallel_loop3A_462, %parallel_loop3A_463, %parallel_loop3A_464], %parallel_loop3A_467 {add = true, strides = array<i32>} : memref<4x4x8x512xf32, #tpu.memory_space<vmem>>, vector<1x1x1x16xf32>,
        %parallel_loop3A_468 = arith.constant 2 : i32
        %parallel_loop3A_469 = arith.constant 3 : i32
        %parallel_loop3A_470 = arith.constant 0 : i32
        %parallel_loop3A_471 = arith.index_cast %parallel_loop3A_468 : i32 to index
        %parallel_loop3A_472 = arith.index_cast %parallel_loop3A_469 : i32 to index
        %parallel_loop3A_473 = arith.index_cast %parallel_loop3A_470 : i32 to index
        %parallel_loop3A_474 = arith.index_cast %parallel_loop3A_430 : i32 to index
        %parallel_loop3A_475 = tpu.vector_load %arg6[%parallel_loop3A_471, %parallel_loop3A_472, %parallel_loop3A_473, %parallel_loop3A_474] {strides = array<i32>} : memref<4x4x8x512xf32, #tpu.memory_space<vmem>>, vector<1x1x1x16xf32>,
        %parallel_loop3A_476 = vector.shape_cast %parallel_loop3A_475 : vector<1x1x1x16xf32> to vector<16xf32>
        %parallel_loop3A_477 = vector.shape_cast %parallel_loop3A_437 : vector<16xf32> to vector<1x1x1x16xf32>
        tpu.vector_store %arg6[%parallel_loop3A_471, %parallel_loop3A_472, %parallel_loop3A_473, %parallel_loop3A_474], %parallel_loop3A_477 {add = true, strides = array<i32>} : memref<4x4x8x512xf32, #tpu.memory_space<vmem>>, vector<1x1x1x16xf32>,
        %parallel_loop3A_478 = arith.constant 2 : i32
        %parallel_loop3A_479 = arith.constant 1 : i32
        %parallel_loop3A_480 = arith.index_cast %parallel_loop3A_478 : i32 to index
        %parallel_loop3A_481 = arith.index_cast %parallel_loop3A_479 : i32 to index
        %parallel_loop3A_482 = arith.index_cast %parallel_loop3A_430 : i32 to index
        %parallel_loop3A_483 = tpu.vector_load %arg5[%parallel_loop3A_480, %parallel_loop3A_481, %parallel_loop3A_482] {strides = array<i32>} : memref<4x8x512xf32, #tpu.memory_space<vmem>>, vector<1x1x16xf32>,
        %parallel_loop3A_484 = vector.shape_cast %parallel_loop3A_483 : vector<1x1x16xf32> to vector<16xf32>
        %parallel_loop3A_485 = arith.constant 2 : i32
        %parallel_loop3A_486 = arith.constant 0 : i32
        %parallel_loop3A_487 = arith.constant 1 : i32
        %parallel_loop3A_488 = arith.index_cast %parallel_loop3A_485 : i32 to index
        %parallel_loop3A_489 = arith.index_cast %parallel_loop3A_486 : i32 to index
        %parallel_loop3A_490 = arith.index_cast %parallel_loop3A_487 : i32 to index
        %parallel_loop3A_491 = arith.index_cast %parallel_loop3A_430 : i32 to index
        %parallel_loop3A_492 = tpu.vector_load %arg6[%parallel_loop3A_488, %parallel_loop3A_489, %parallel_loop3A_490, %parallel_loop3A_491] {strides = array<i32>} : memref<4x4x8x512xf32, #tpu.memory_space<vmem>>, vector<1x1x1x16xf32>,
        %parallel_loop3A_493 = vector.shape_cast %parallel_loop3A_492 : vector<1x1x1x16xf32> to vector<16xf32>
        %parallel_loop3A_494 = vector.shape_cast %parallel_loop3A_484 : vector<16xf32> to vector<1x1x1x16xf32>
        tpu.vector_store %arg6[%parallel_loop3A_488, %parallel_loop3A_489, %parallel_loop3A_490, %parallel_loop3A_491], %parallel_loop3A_494 {add = true, strides = array<i32>} : memref<4x4x8x512xf32, #tpu.memory_space<vmem>>, vector<1x1x1x16xf32>,
        %parallel_loop3A_495 = arith.constant 2 : i32
        %parallel_loop3A_496 = arith.constant 1 : i32
        %parallel_loop3A_497 = arith.constant 1 : i32
        %parallel_loop3A_498 = arith.index_cast %parallel_loop3A_495 : i32 to index
        %parallel_loop3A_499 = arith.index_cast %parallel_loop3A_496 : i32 to index
        %parallel_loop3A_500 = arith.index_cast %parallel_loop3A_497 : i32 to index
        %parallel_loop3A_501 = arith.index_cast %parallel_loop3A_430 : i32 to index
        %parallel_loop3A_502 = tpu.vector_load %arg6[%parallel_loop3A_498, %parallel_loop3A_499, %parallel_loop3A_500, %parallel_loop3A_501] {strides = array<i32>} : memref<4x4x8x512xf32, #tpu.memory_space<vmem>>, vector<1x1x1x16xf32>,
        %parallel_loop3A_503 = vector.shape_cast %parallel_loop3A_502 : vector<1x1x1x16xf32> to vector<16xf32>
        %parallel_loop3A_504 = vector.shape_cast %parallel_loop3A_484 : vector<16xf32> to vector<1x1x1x16xf32>
        tpu.vector_store %arg6[%parallel_loop3A_498, %parallel_loop3A_499, %parallel_loop3A_500, %parallel_loop3A_501], %parallel_loop3A_504 {add = true, strides = array<i32>} : memref<4x4x8x512xf32, #tpu.memory_space<vmem>>, vector<1x1x1x16xf32>,
        %parallel_loop3A_505 = arith.constant 2 : i32
        %parallel_loop3A_506 = arith.constant 2 : i32
        %parallel_loop3A_507 = arith.constant 1 : i32
        %parallel_loop3A_508 = arith.index_cast %parallel_loop3A_505 : i32 to index
        %parallel_loop3A_509 = arith.index_cast %parallel_loop3A_506 : i32 to index
        %parallel_loop3A_510 = arith.index_cast %parallel_loop3A_507 : i32 to index
        %parallel_loop3A_511 = arith.index_cast %parallel_loop3A_430 : i32 to index
        %parallel_loop3A_512 = tpu.vector_load %arg6[%parallel_loop3A_508, %parallel_loop3A_509, %parallel_loop3A_510, %parallel_loop3A_511] {strides = array<i32>} : memref<4x4x8x512xf32, #tpu.memory_space<vmem>>, vector<1x1x1x16xf32>,
        %parallel_loop3A_513 = vector.shape_cast %parallel_loop3A_512 : vector<1x1x1x16xf32> to vector<16xf32>
        %parallel_loop3A_514 = vector.shape_cast %parallel_loop3A_484 : vector<16xf32> to vector<1x1x1x16xf32>
        tpu.vector_store %arg6[%parallel_loop3A_508, %parallel_loop3A_509, %parallel_loop3A_510, %parallel_loop3A_511], %parallel_loop3A_514 {add = true, strides = array<i32>} : memref<4x4x8x512xf32, #tpu.memory_space<vmem>>, vector<1x1x1x16xf32>,
        %parallel_loop3A_515 = arith.constant 2 : i32
        %parallel_loop3A_516 = arith.constant 3 : i32
        %parallel_loop3A_517 = arith.constant 1 : i32
        %parallel_loop3A_518 = arith.index_cast %parallel_loop3A_515 : i32 to index
        %parallel_loop3A_519 = arith.index_cast %parallel_loop3A_516 : i32 to index
        %parallel_loop3A_520 = arith.index_cast %parallel_loop3A_517 : i32 to index
        %parallel_loop3A_521 = arith.index_cast %parallel_loop3A_430 : i32 to index
        %parallel_loop3A_522 = tpu.vector_load %arg6[%parallel_loop3A_518, %parallel_loop3A_519, %parallel_loop3A_520, %parallel_loop3A_521] {strides = array<i32>} : memref<4x4x8x512xf32, #tpu.memory_space<vmem>>, vector<1x1x1x16xf32>,
        %parallel_loop3A_523 = vector.shape_cast %parallel_loop3A_522 : vector<1x1x1x16xf32> to vector<16xf32>
        %parallel_loop3A_524 = vector.shape_cast %parallel_loop3A_484 : vector<16xf32> to vector<1x1x1x16xf32>
        tpu.vector_store %arg6[%parallel_loop3A_518, %parallel_loop3A_519, %parallel_loop3A_520, %parallel_loop3A_521], %parallel_loop3A_524 {add = true, strides = array<i32>} : memref<4x4x8x512xf32, #tpu.memory_space<vmem>>, vector<1x1x1x16xf32>,
        %parallel_loop3A_525 = arith.constant 2 : i32
        %parallel_loop3A_526 = arith.constant 2 : i32
        %parallel_loop3A_527 = arith.index_cast %parallel_loop3A_525 : i32 to index
        %parallel_loop3A_528 = arith.index_cast %parallel_loop3A_526 : i32 to index
        %parallel_loop3A_529 = arith.index_cast %parallel_loop3A_430 : i32 to index
        %parallel_loop3A_530 = tpu.vector_load %arg5[%parallel_loop3A_527, %parallel_loop3A_528, %parallel_loop3A_529] {strides = array<i32>} : memref<4x8x512xf32, #tpu.memory_space<vmem>>, vector<1x1x16xf32>,
        %parallel_loop3A_531 = vector.shape_cast %parallel_loop3A_530 : vector<1x1x16xf32> to vector<16xf32>
        %parallel_loop3A_532 = arith.constant 2 : i32
        %parallel_loop3A_533 = arith.constant 0 : i32
        %parallel_loop3A_534 = arith.constant 2 : i32
        %parallel_loop3A_535 = arith.index_cast %parallel_loop3A_532 : i32 to index
        %parallel_loop3A_536 = arith.index_cast %parallel_loop3A_533 : i32 to index
        %parallel_loop3A_537 = arith.index_cast %parallel_loop3A_534 : i32 to index
        %parallel_loop3A_538 = arith.index_cast %parallel_loop3A_430 : i32 to index
        %parallel_loop3A_539 = tpu.vector_load %arg6[%parallel_loop3A_535, %parallel_loop3A_536, %parallel_loop3A_537, %parallel_loop3A_538] {strides = array<i32>} : memref<4x4x8x512xf32, #tpu.memory_space<vmem>>, vector<1x1x1x16xf32>,
        %parallel_loop3A_540 = vector.shape_cast %parallel_loop3A_539 : vector<1x1x1x16xf32> to vector<16xf32>
        %parallel_loop3A_541 = vector.shape_cast %parallel_loop3A_531 : vector<16xf32> to vector<1x1x1x16xf32>
        tpu.vector_store %arg6[%parallel_loop3A_535, %parallel_loop3A_536, %parallel_loop3A_537, %parallel_loop3A_538], %parallel_loop3A_541 {add = true, strides = array<i32>} : memref<4x4x8x512xf32, #tpu.memory_space<vmem>>, vector<1x1x1x16xf32>,
        %parallel_loop3A_542 = arith.constant 2 : i32
        %parallel_loop3A_543 = arith.constant 1 : i32
        %parallel_loop3A_544 = arith.constant 2 : i32
        %parallel_loop3A_545 = arith.index_cast %parallel_loop3A_542 : i32 to index
        %parallel_loop3A_546 = arith.index_cast %parallel_loop3A_543 : i32 to index
        %parallel_loop3A_547 = arith.index_cast %parallel_loop3A_544 : i32 to index
        %parallel_loop3A_548 = arith.index_cast %parallel_loop3A_430 : i32 to index
        %parallel_loop3A_549 = tpu.vector_load %arg6[%parallel_loop3A_545, %parallel_loop3A_546, %parallel_loop3A_547, %parallel_loop3A_548] {strides = array<i32>} : memref<4x4x8x512xf32, #tpu.memory_space<vmem>>, vector<1x1x1x16xf32>,
        %parallel_loop3A_550 = vector.shape_cast %parallel_loop3A_549 : vector<1x1x1x16xf32> to vector<16xf32>
        %parallel_loop3A_551 = vector.shape_cast %parallel_loop3A_531 : vector<16xf32> to vector<1x1x1x16xf32>
        tpu.vector_store %arg6[%parallel_loop3A_545, %parallel_loop3A_546, %parallel_loop3A_547, %parallel_loop3A_548], %parallel_loop3A_551 {add = true, strides = array<i32>} : memref<4x4x8x512xf32, #tpu.memory_space<vmem>>, vector<1x1x1x16xf32>,
        %parallel_loop3A_552 = arith.constant 2 : i32
        %parallel_loop3A_553 = arith.constant 2 : i32
        %parallel_loop3A_554 = arith.constant 2 : i32
        %parallel_loop3A_555 = arith.index_cast %parallel_loop3A_552 : i32 to index
        %parallel_loop3A_556 = arith.index_cast %parallel_loop3A_553 : i32 to index
        %parallel_loop3A_557 = arith.index_cast %parallel_loop3A_554 : i32 to index
        %parallel_loop3A_558 = arith.index_cast %parallel_loop3A_430 : i32 to index
        %parallel_loop3A_559 = tpu.vector_load %arg6[%parallel_loop3A_555, %parallel_loop3A_556, %parallel_loop3A_557, %parallel_loop3A_558] {strides = array<i32>} : memref<4x4x8x512xf32, #tpu.memory_space<vmem>>, vector<1x1x1x16xf32>,
        %parallel_loop3A_560 = vector.shape_cast %parallel_loop3A_559 : vector<1x1x1x16xf32> to vector<16xf32>
        %parallel_loop3A_561 = vector.shape_cast %parallel_loop3A_531 : vector<16xf32> to vector<1x1x1x16xf32>
        tpu.vector_store %arg6[%parallel_loop3A_555, %parallel_loop3A_556, %parallel_loop3A_557, %parallel_loop3A_558], %parallel_loop3A_561 {add = true, strides = array<i32>} : memref<4x4x8x512xf32, #tpu.memory_space<vmem>>, vector<1x1x1x16xf32>,
        %parallel_loop3A_562 = arith.constant 2 : i32
        %parallel_loop3A_563 = arith.constant 3 : i32
        %parallel_loop3A_564 = arith.constant 2 : i32
        %parallel_loop3A_565 = arith.index_cast %parallel_loop3A_562 : i32 to index
        %parallel_loop3A_566 = arith.index_cast %parallel_loop3A_563 : i32 to index
        %parallel_loop3A_567 = arith.index_cast %parallel_loop3A_564 : i32 to index
        %parallel_loop3A_568 = arith.index_cast %parallel_loop3A_430 : i32 to index
        %parallel_loop3A_569 = tpu.vector_load %arg6[%parallel_loop3A_565, %parallel_loop3A_566, %parallel_loop3A_567, %parallel_loop3A_568] {strides = array<i32>} : memref<4x4x8x512xf32, #tpu.memory_space<vmem>>, vector<1x1x1x16xf32>,
        %parallel_loop3A_570 = vector.shape_cast %parallel_loop3A_569 : vector<1x1x1x16xf32> to vector<16xf32>
        %parallel_loop3A_571 = vector.shape_cast %parallel_loop3A_531 : vector<16xf32> to vector<1x1x1x16xf32>
        tpu.vector_store %arg6[%parallel_loop3A_565, %parallel_loop3A_566, %parallel_loop3A_567, %parallel_loop3A_568], %parallel_loop3A_571 {add = true, strides = array<i32>} : memref<4x4x8x512xf32, #tpu.memory_space<vmem>>, vector<1x1x1x16xf32>,
        %parallel_loop3A_572 = arith.constant 2 : i32
        %parallel_loop3A_573 = arith.constant 3 : i32
        %parallel_loop3A_574 = arith.index_cast %parallel_loop3A_572 : i32 to index
        %parallel_loop3A_575 = arith.index_cast %parallel_loop3A_573 : i32 to index
        %parallel_loop3A_576 = arith.index_cast %parallel_loop3A_430 : i32 to index
        %parallel_loop3A_577 = tpu.vector_load %arg5[%parallel_loop3A_574, %parallel_loop3A_575, %parallel_loop3A_576] {strides = array<i32>} : memref<4x8x512xf32, #tpu.memory_space<vmem>>, vector<1x1x16xf32>,
        %parallel_loop3A_578 = vector.shape_cast %parallel_loop3A_577 : vector<1x1x16xf32> to vector<16xf32>
        %parallel_loop3A_579 = arith.constant 2 : i32
        %parallel_loop3A_580 = arith.constant 0 : i32
        %parallel_loop3A_581 = arith.constant 3 : i32
        %parallel_loop3A_582 = arith.index_cast %parallel_loop3A_579 : i32 to index
        %parallel_loop3A_583 = arith.index_cast %parallel_loop3A_580 : i32 to index
        %parallel_loop3A_584 = arith.index_cast %parallel_loop3A_581 : i32 to index
        %parallel_loop3A_585 = arith.index_cast %parallel_loop3A_430 : i32 to index
        %parallel_loop3A_586 = tpu.vector_load %arg6[%parallel_loop3A_582, %parallel_loop3A_583, %parallel_loop3A_584, %parallel_loop3A_585] {strides = array<i32>} : memref<4x4x8x512xf32, #tpu.memory_space<vmem>>, vector<1x1x1x16xf32>,
        %parallel_loop3A_587 = vector.shape_cast %parallel_loop3A_586 : vector<1x1x1x16xf32> to vector<16xf32>
        %parallel_loop3A_588 = vector.shape_cast %parallel_loop3A_578 : vector<16xf32> to vector<1x1x1x16xf32>
        tpu.vector_store %arg6[%parallel_loop3A_582, %parallel_loop3A_583, %parallel_loop3A_584, %parallel_loop3A_585], %parallel_loop3A_588 {add = true, strides = array<i32>} : memref<4x4x8x512xf32, #tpu.memory_space<vmem>>, vector<1x1x1x16xf32>,
        %parallel_loop3A_589 = arith.constant 2 : i32
        %parallel_loop3A_590 = arith.constant 1 : i32
        %parallel_loop3A_591 = arith.constant 3 : i32
        %parallel_loop3A_592 = arith.index_cast %parallel_loop3A_589 : i32 to index
        %parallel_loop3A_593 = arith.index_cast %parallel_loop3A_590 : i32 to index
        %parallel_loop3A_594 = arith.index_cast %parallel_loop3A_591 : i32 to index
        %parallel_loop3A_595 = arith.index_cast %parallel_loop3A_430 : i32 to index
        %parallel_loop3A_596 = tpu.vector_load %arg6[%parallel_loop3A_592, %parallel_loop3A_593, %parallel_loop3A_594, %parallel_loop3A_595] {strides = array<i32>} : memref<4x4x8x512xf32, #tpu.memory_space<vmem>>, vector<1x1x1x16xf32>,
        %parallel_loop3A_597 = vector.shape_cast %parallel_loop3A_596 : vector<1x1x1x16xf32> to vector<16xf32>
        %parallel_loop3A_598 = vector.shape_cast %parallel_loop3A_578 : vector<16xf32> to vector<1x1x1x16xf32>
        tpu.vector_store %arg6[%parallel_loop3A_592, %parallel_loop3A_593, %parallel_loop3A_594, %parallel_loop3A_595], %parallel_loop3A_598 {add = true, strides = array<i32>} : memref<4x4x8x512xf32, #tpu.memory_space<vmem>>, vector<1x1x1x16xf32>,
        %parallel_loop3A_599 = arith.constant 2 : i32
        %parallel_loop3A_600 = arith.constant 2 : i32
        %parallel_loop3A_601 = arith.constant 3 : i32
        %parallel_loop3A_602 = arith.index_cast %parallel_loop3A_599 : i32 to index
        %parallel_loop3A_603 = arith.index_cast %parallel_loop3A_600 : i32 to index
        %parallel_loop3A_604 = arith.index_cast %parallel_loop3A_601 : i32 to index
        %parallel_loop3A_605 = arith.index_cast %parallel_loop3A_430 : i32 to index
        %parallel_loop3A_606 = tpu.vector_load %arg6[%parallel_loop3A_602, %parallel_loop3A_603, %parallel_loop3A_604, %parallel_loop3A_605] {strides = array<i32>} : memref<4x4x8x512xf32, #tpu.memory_space<vmem>>, vector<1x1x1x16xf32>,
        %parallel_loop3A_607 = vector.shape_cast %parallel_loop3A_606 : vector<1x1x1x16xf32> to vector<16xf32>
        %parallel_loop3A_608 = vector.shape_cast %parallel_loop3A_578 : vector<16xf32> to vector<1x1x1x16xf32>
        tpu.vector_store %arg6[%parallel_loop3A_602, %parallel_loop3A_603, %parallel_loop3A_604, %parallel_loop3A_605], %parallel_loop3A_608 {add = true, strides = array<i32>} : memref<4x4x8x512xf32, #tpu.memory_space<vmem>>, vector<1x1x1x16xf32>,
        %parallel_loop3A_609 = arith.constant 2 : i32
        %parallel_loop3A_610 = arith.constant 3 : i32
        %parallel_loop3A_611 = arith.constant 3 : i32
        %parallel_loop3A_612 = arith.index_cast %parallel_loop3A_609 : i32 to index
        %parallel_loop3A_613 = arith.index_cast %parallel_loop3A_610 : i32 to index
        %parallel_loop3A_614 = arith.index_cast %parallel_loop3A_611 : i32 to index
        %parallel_loop3A_615 = arith.index_cast %parallel_loop3A_430 : i32 to index
        %parallel_loop3A_616 = tpu.vector_load %arg6[%parallel_loop3A_612, %parallel_loop3A_613, %parallel_loop3A_614, %parallel_loop3A_615] {strides = array<i32>} : memref<4x4x8x512xf32, #tpu.memory_space<vmem>>, vector<1x1x1x16xf32>,
        %parallel_loop3A_617 = vector.shape_cast %parallel_loop3A_616 : vector<1x1x1x16xf32> to vector<16xf32>
        %parallel_loop3A_618 = vector.shape_cast %parallel_loop3A_578 : vector<16xf32> to vector<1x1x1x16xf32>
        tpu.vector_store %arg6[%parallel_loop3A_612, %parallel_loop3A_613, %parallel_loop3A_614, %parallel_loop3A_615], %parallel_loop3A_618 {add = true, strides = array<i32>} : memref<4x4x8x512xf32, #tpu.memory_space<vmem>>, vector<1x1x1x16xf32>,
        %parallel_loop3A_619 = arith.constant 2 : i32
        %parallel_loop3A_620 = arith.constant 4 : i32
        %parallel_loop3A_621 = arith.index_cast %parallel_loop3A_619 : i32 to index
        %parallel_loop3A_622 = arith.index_cast %parallel_loop3A_620 : i32 to index
        %parallel_loop3A_623 = arith.index_cast %parallel_loop3A_430 : i32 to index
        %parallel_loop3A_624 = tpu.vector_load %arg5[%parallel_loop3A_621, %parallel_loop3A_622, %parallel_loop3A_623] {strides = array<i32>} : memref<4x8x512xf32, #tpu.memory_space<vmem>>, vector<1x1x16xf32>,
        %parallel_loop3A_625 = vector.shape_cast %parallel_loop3A_624 : vector<1x1x16xf32> to vector<16xf32>
        %parallel_loop3A_626 = arith.constant 2 : i32
        %parallel_loop3A_627 = arith.constant 0 : i32
        %parallel_loop3A_628 = arith.constant 4 : i32
        %parallel_loop3A_629 = arith.index_cast %parallel_loop3A_626 : i32 to index
        %parallel_loop3A_630 = arith.index_cast %parallel_loop3A_627 : i32 to index
        %parallel_loop3A_631 = arith.index_cast %parallel_loop3A_628 : i32 to index
        %parallel_loop3A_632 = arith.index_cast %parallel_loop3A_430 : i32 to index
        %parallel_loop3A_633 = tpu.vector_load %arg6[%parallel_loop3A_629, %parallel_loop3A_630, %parallel_loop3A_631, %parallel_loop3A_632] {strides = array<i32>} : memref<4x4x8x512xf32, #tpu.memory_space<vmem>>, vector<1x1x1x16xf32>,
        %parallel_loop3A_634 = vector.shape_cast %parallel_loop3A_633 : vector<1x1x1x16xf32> to vector<16xf32>
        %parallel_loop3A_635 = vector.shape_cast %parallel_loop3A_625 : vector<16xf32> to vector<1x1x1x16xf32>
        tpu.vector_store %arg6[%parallel_loop3A_629, %parallel_loop3A_630, %parallel_loop3A_631, %parallel_loop3A_632], %parallel_loop3A_635 {add = true, strides = array<i32>} : memref<4x4x8x512xf32, #tpu.memory_space<vmem>>, vector<1x1x1x16xf32>,
        %parallel_loop3A_636 = arith.constant 2 : i32
        %parallel_loop3A_637 = arith.constant 1 : i32
        %parallel_loop3A_638 = arith.constant 4 : i32
        %parallel_loop3A_639 = arith.index_cast %parallel_loop3A_636 : i32 to index
        %parallel_loop3A_640 = arith.index_cast %parallel_loop3A_637 : i32 to index
        %parallel_loop3A_641 = arith.index_cast %parallel_loop3A_638 : i32 to index
        %parallel_loop3A_642 = arith.index_cast %parallel_loop3A_430 : i32 to index
        %parallel_loop3A_643 = tpu.vector_load %arg6[%parallel_loop3A_639, %parallel_loop3A_640, %parallel_loop3A_641, %parallel_loop3A_642] {strides = array<i32>} : memref<4x4x8x512xf32, #tpu.memory_space<vmem>>, vector<1x1x1x16xf32>,
        %parallel_loop3A_644 = vector.shape_cast %parallel_loop3A_643 : vector<1x1x1x16xf32> to vector<16xf32>
        %parallel_loop3A_645 = vector.shape_cast %parallel_loop3A_625 : vector<16xf32> to vector<1x1x1x16xf32>
        tpu.vector_store %arg6[%parallel_loop3A_639, %parallel_loop3A_640, %parallel_loop3A_641, %parallel_loop3A_642], %parallel_loop3A_645 {add = true, strides = array<i32>} : memref<4x4x8x512xf32, #tpu.memory_space<vmem>>, vector<1x1x1x16xf32>,
        %parallel_loop3A_646 = arith.constant 2 : i32
        %parallel_loop3A_647 = arith.constant 2 : i32
        %parallel_loop3A_648 = arith.constant 4 : i32
        %parallel_loop3A_649 = arith.index_cast %parallel_loop3A_646 : i32 to index
        %parallel_loop3A_650 = arith.index_cast %parallel_loop3A_647 : i32 to index
        %parallel_loop3A_651 = arith.index_cast %parallel_loop3A_648 : i32 to index
        %parallel_loop3A_652 = arith.index_cast %parallel_loop3A_430 : i32 to index
        %parallel_loop3A_653 = tpu.vector_load %arg6[%parallel_loop3A_649, %parallel_loop3A_650, %parallel_loop3A_651, %parallel_loop3A_652] {strides = array<i32>} : memref<4x4x8x512xf32, #tpu.memory_space<vmem>>, vector<1x1x1x16xf32>,
        %parallel_loop3A_654 = vector.shape_cast %parallel_loop3A_653 : vector<1x1x1x16xf32> to vector<16xf32>
        %parallel_loop3A_655 = vector.shape_cast %parallel_loop3A_625 : vector<16xf32> to vector<1x1x1x16xf32>
        tpu.vector_store %arg6[%parallel_loop3A_649, %parallel_loop3A_650, %parallel_loop3A_651, %parallel_loop3A_652], %parallel_loop3A_655 {add = true, strides = array<i32>} : memref<4x4x8x512xf32, #tpu.memory_space<vmem>>, vector<1x1x1x16xf32>,
        %parallel_loop3A_656 = arith.constant 2 : i32
        %parallel_loop3A_657 = arith.constant 3 : i32
        %parallel_loop3A_658 = arith.constant 4 : i32
        %parallel_loop3A_659 = arith.index_cast %parallel_loop3A_656 : i32 to index
        %parallel_loop3A_660 = arith.index_cast %parallel_loop3A_657 : i32 to index
        %parallel_loop3A_661 = arith.index_cast %parallel_loop3A_658 : i32 to index
        %parallel_loop3A_662 = arith.index_cast %parallel_loop3A_430 : i32 to index
        %parallel_loop3A_663 = tpu.vector_load %arg6[%parallel_loop3A_659, %parallel_loop3A_660, %parallel_loop3A_661, %parallel_loop3A_662] {strides = array<i32>} : memref<4x4x8x512xf32, #tpu.memory_space<vmem>>, vector<1x1x1x16xf32>,
        %parallel_loop3A_664 = vector.shape_cast %parallel_loop3A_663 : vector<1x1x1x16xf32> to vector<16xf32>
        %parallel_loop3A_665 = vector.shape_cast %parallel_loop3A_625 : vector<16xf32> to vector<1x1x1x16xf32>
        tpu.vector_store %arg6[%parallel_loop3A_659, %parallel_loop3A_660, %parallel_loop3A_661, %parallel_loop3A_662], %parallel_loop3A_665 {add = true, strides = array<i32>} : memref<4x4x8x512xf32, #tpu.memory_space<vmem>>, vector<1x1x1x16xf32>,
        %parallel_loop3A_666 = arith.constant 2 : i32
        %parallel_loop3A_667 = arith.constant 5 : i32
        %parallel_loop3A_668 = arith.index_cast %parallel_loop3A_666 : i32 to index
        %parallel_loop3A_669 = arith.index_cast %parallel_loop3A_667 : i32 to index
        %parallel_loop3A_670 = arith.index_cast %parallel_loop3A_430 : i32 to index
        %parallel_loop3A_671 = tpu.vector_load %arg5[%parallel_loop3A_668, %parallel_loop3A_669, %parallel_loop3A_670] {strides = array<i32>} : memref<4x8x512xf32, #tpu.memory_space<vmem>>, vector<1x1x16xf32>,
        %parallel_loop3A_672 = vector.shape_cast %parallel_loop3A_671 : vector<1x1x16xf32> to vector<16xf32>
        %parallel_loop3A_673 = arith.constant 2 : i32
        %parallel_loop3A_674 = arith.constant 0 : i32
        %parallel_loop3A_675 = arith.constant 5 : i32
        %parallel_loop3A_676 = arith.index_cast %parallel_loop3A_673 : i32 to index
        %parallel_loop3A_677 = arith.index_cast %parallel_loop3A_674 : i32 to index
        %parallel_loop3A_678 = arith.index_cast %parallel_loop3A_675 : i32 to index
        %parallel_loop3A_679 = arith.index_cast %parallel_loop3A_430 : i32 to index
        %parallel_loop3A_680 = tpu.vector_load %arg6[%parallel_loop3A_676, %parallel_loop3A_677, %parallel_loop3A_678, %parallel_loop3A_679] {strides = array<i32>} : memref<4x4x8x512xf32, #tpu.memory_space<vmem>>, vector<1x1x1x16xf32>,
        %parallel_loop3A_681 = vector.shape_cast %parallel_loop3A_680 : vector<1x1x1x16xf32> to vector<16xf32>
        %parallel_loop3A_682 = vector.shape_cast %parallel_loop3A_672 : vector<16xf32> to vector<1x1x1x16xf32>
        tpu.vector_store %arg6[%parallel_loop3A_676, %parallel_loop3A_677, %parallel_loop3A_678, %parallel_loop3A_679], %parallel_loop3A_682 {add = true, strides = array<i32>} : memref<4x4x8x512xf32, #tpu.memory_space<vmem>>, vector<1x1x1x16xf32>,
        %parallel_loop3A_683 = arith.constant 2 : i32
        %parallel_loop3A_684 = arith.constant 1 : i32
        %parallel_loop3A_685 = arith.constant 5 : i32
        %parallel_loop3A_686 = arith.index_cast %parallel_loop3A_683 : i32 to index
        %parallel_loop3A_687 = arith.index_cast %parallel_loop3A_684 : i32 to index
        %parallel_loop3A_688 = arith.index_cast %parallel_loop3A_685 : i32 to index
        %parallel_loop3A_689 = arith.index_cast %parallel_loop3A_430 : i32 to index
        %parallel_loop3A_690 = tpu.vector_load %arg6[%parallel_loop3A_686, %parallel_loop3A_687, %parallel_loop3A_688, %parallel_loop3A_689] {strides = array<i32>} : memref<4x4x8x512xf32, #tpu.memory_space<vmem>>, vector<1x1x1x16xf32>,
        %parallel_loop3A_691 = vector.shape_cast %parallel_loop3A_690 : vector<1x1x1x16xf32> to vector<16xf32>
        %parallel_loop3A_692 = vector.shape_cast %parallel_loop3A_672 : vector<16xf32> to vector<1x1x1x16xf32>
        tpu.vector_store %arg6[%parallel_loop3A_686, %parallel_loop3A_687, %parallel_loop3A_688, %parallel_loop3A_689], %parallel_loop3A_692 {add = true, strides = array<i32>} : memref<4x4x8x512xf32, #tpu.memory_space<vmem>>, vector<1x1x1x16xf32>,
        %parallel_loop3A_693 = arith.constant 2 : i32
        %parallel_loop3A_694 = arith.constant 2 : i32
        %parallel_loop3A_695 = arith.constant 5 : i32
        %parallel_loop3A_696 = arith.index_cast %parallel_loop3A_693 : i32 to index
        %parallel_loop3A_697 = arith.index_cast %parallel_loop3A_694 : i32 to index
        %parallel_loop3A_698 = arith.index_cast %parallel_loop3A_695 : i32 to index
        %parallel_loop3A_699 = arith.index_cast %parallel_loop3A_430 : i32 to index
        %parallel_loop3A_700 = tpu.vector_load %arg6[%parallel_loop3A_696, %parallel_loop3A_697, %parallel_loop3A_698, %parallel_loop3A_699] {strides = array<i32>} : memref<4x4x8x512xf32, #tpu.memory_space<vmem>>, vector<1x1x1x16xf32>,
        %parallel_loop3A_701 = vector.shape_cast %parallel_loop3A_700 : vector<1x1x1x16xf32> to vector<16xf32>
        %parallel_loop3A_702 = vector.shape_cast %parallel_loop3A_672 : vector<16xf32> to vector<1x1x1x16xf32>
        tpu.vector_store %arg6[%parallel_loop3A_696, %parallel_loop3A_697, %parallel_loop3A_698, %parallel_loop3A_699], %parallel_loop3A_702 {add = true, strides = array<i32>} : memref<4x4x8x512xf32, #tpu.memory_space<vmem>>, vector<1x1x1x16xf32>,
        %parallel_loop3A_703 = arith.constant 2 : i32
        %parallel_loop3A_704 = arith.constant 3 : i32
        %parallel_loop3A_705 = arith.constant 5 : i32
        %parallel_loop3A_706 = arith.index_cast %parallel_loop3A_703 : i32 to index
        %parallel_loop3A_707 = arith.index_cast %parallel_loop3A_704 : i32 to index
        %parallel_loop3A_708 = arith.index_cast %parallel_loop3A_705 : i32 to index
        %parallel_loop3A_709 = arith.index_cast %parallel_loop3A_430 : i32 to index
        %parallel_loop3A_710 = tpu.vector_load %arg6[%parallel_loop3A_706, %parallel_loop3A_707, %parallel_loop3A_708, %parallel_loop3A_709] {strides = array<i32>} : memref<4x4x8x512xf32, #tpu.memory_space<vmem>>, vector<1x1x1x16xf32>,
        %parallel_loop3A_711 = vector.shape_cast %parallel_loop3A_710 : vector<1x1x1x16xf32> to vector<16xf32>
        %parallel_loop3A_712 = vector.shape_cast %parallel_loop3A_672 : vector<16xf32> to vector<1x1x1x16xf32>
        tpu.vector_store %arg6[%parallel_loop3A_706, %parallel_loop3A_707, %parallel_loop3A_708, %parallel_loop3A_709], %parallel_loop3A_712 {add = true, strides = array<i32>} : memref<4x4x8x512xf32, #tpu.memory_space<vmem>>, vector<1x1x1x16xf32>,
        %parallel_loop3A_713 = arith.constant 2 : i32
        %parallel_loop3A_714 = arith.constant 6 : i32
        %parallel_loop3A_715 = arith.index_cast %parallel_loop3A_713 : i32 to index
        %parallel_loop3A_716 = arith.index_cast %parallel_loop3A_714 : i32 to index
        %parallel_loop3A_717 = arith.index_cast %parallel_loop3A_430 : i32 to index
        %parallel_loop3A_718 = tpu.vector_load %arg5[%parallel_loop3A_715, %parallel_loop3A_716, %parallel_loop3A_717] {strides = array<i32>} : memref<4x8x512xf32, #tpu.memory_space<vmem>>, vector<1x1x16xf32>,
        %parallel_loop3A_719 = vector.shape_cast %parallel_loop3A_718 : vector<1x1x16xf32> to vector<16xf32>
        %parallel_loop3A_720 = arith.constant 2 : i32
        %parallel_loop3A_721 = arith.constant 0 : i32
        %parallel_loop3A_722 = arith.constant 6 : i32
        %parallel_loop3A_723 = arith.index_cast %parallel_loop3A_720 : i32 to index
        %parallel_loop3A_724 = arith.index_cast %parallel_loop3A_721 : i32 to index
        %parallel_loop3A_725 = arith.index_cast %parallel_loop3A_722 : i32 to index
        %parallel_loop3A_726 = arith.index_cast %parallel_loop3A_430 : i32 to index
        %parallel_loop3A_727 = tpu.vector_load %arg6[%parallel_loop3A_723, %parallel_loop3A_724, %parallel_loop3A_725, %parallel_loop3A_726] {strides = array<i32>} : memref<4x4x8x512xf32, #tpu.memory_space<vmem>>, vector<1x1x1x16xf32>,
        %parallel_loop3A_728 = vector.shape_cast %parallel_loop3A_727 : vector<1x1x1x16xf32> to vector<16xf32>
        %parallel_loop3A_729 = vector.shape_cast %parallel_loop3A_719 : vector<16xf32> to vector<1x1x1x16xf32>
        tpu.vector_store %arg6[%parallel_loop3A_723, %parallel_loop3A_724, %parallel_loop3A_725, %parallel_loop3A_726], %parallel_loop3A_729 {add = true, strides = array<i32>} : memref<4x4x8x512xf32, #tpu.memory_space<vmem>>, vector<1x1x1x16xf32>,
        %parallel_loop3A_730 = arith.constant 2 : i32
        %parallel_loop3A_731 = arith.constant 1 : i32
        %parallel_loop3A_732 = arith.constant 6 : i32
        %parallel_loop3A_733 = arith.index_cast %parallel_loop3A_730 : i32 to index
        %parallel_loop3A_734 = arith.index_cast %parallel_loop3A_731 : i32 to index
        %parallel_loop3A_735 = arith.index_cast %parallel_loop3A_732 : i32 to index
        %parallel_loop3A_736 = arith.index_cast %parallel_loop3A_430 : i32 to index
        %parallel_loop3A_737 = tpu.vector_load %arg6[%parallel_loop3A_733, %parallel_loop3A_734, %parallel_loop3A_735, %parallel_loop3A_736] {strides = array<i32>} : memref<4x4x8x512xf32, #tpu.memory_space<vmem>>, vector<1x1x1x16xf32>,
        %parallel_loop3A_738 = vector.shape_cast %parallel_loop3A_737 : vector<1x1x1x16xf32> to vector<16xf32>
        %parallel_loop3A_739 = vector.shape_cast %parallel_loop3A_719 : vector<16xf32> to vector<1x1x1x16xf32>
        tpu.vector_store %arg6[%parallel_loop3A_733, %parallel_loop3A_734, %parallel_loop3A_735, %parallel_loop3A_736], %parallel_loop3A_739 {add = true, strides = array<i32>} : memref<4x4x8x512xf32, #tpu.memory_space<vmem>>, vector<1x1x1x16xf32>,
        %parallel_loop3A_740 = arith.constant 2 : i32
        %parallel_loop3A_741 = arith.constant 2 : i32
        %parallel_loop3A_742 = arith.constant 6 : i32
        %parallel_loop3A_743 = arith.index_cast %parallel_loop3A_740 : i32 to index
        %parallel_loop3A_744 = arith.index_cast %parallel_loop3A_741 : i32 to index
        %parallel_loop3A_745 = arith.index_cast %parallel_loop3A_742 : i32 to index
        %parallel_loop3A_746 = arith.index_cast %parallel_loop3A_430 : i32 to index
        %parallel_loop3A_747 = tpu.vector_load %arg6[%parallel_loop3A_743, %parallel_loop3A_744, %parallel_loop3A_745, %parallel_loop3A_746] {strides = array<i32>} : memref<4x4x8x512xf32, #tpu.memory_space<vmem>>, vector<1x1x1x16xf32>,
        %parallel_loop3A_748 = vector.shape_cast %parallel_loop3A_747 : vector<1x1x1x16xf32> to vector<16xf32>
        %parallel_loop3A_749 = vector.shape_cast %parallel_loop3A_719 : vector<16xf32> to vector<1x1x1x16xf32>
        tpu.vector_store %arg6[%parallel_loop3A_743, %parallel_loop3A_744, %parallel_loop3A_745, %parallel_loop3A_746], %parallel_loop3A_749 {add = true, strides = array<i32>} : memref<4x4x8x512xf32, #tpu.memory_space<vmem>>, vector<1x1x1x16xf32>,
        %parallel_loop3A_750 = arith.constant 2 : i32
        %parallel_loop3A_751 = arith.constant 3 : i32
        %parallel_loop3A_752 = arith.constant 6 : i32
        %parallel_loop3A_753 = arith.index_cast %parallel_loop3A_750 : i32 to index
        %parallel_loop3A_754 = arith.index_cast %parallel_loop3A_751 : i32 to index
        %parallel_loop3A_755 = arith.index_cast %parallel_loop3A_752 : i32 to index
        %parallel_loop3A_756 = arith.index_cast %parallel_loop3A_430 : i32 to index
        %parallel_loop3A_757 = tpu.vector_load %arg6[%parallel_loop3A_753, %parallel_loop3A_754, %parallel_loop3A_755, %parallel_loop3A_756] {strides = array<i32>} : memref<4x4x8x512xf32, #tpu.memory_space<vmem>>, vector<1x1x1x16xf32>,
        %parallel_loop3A_758 = vector.shape_cast %parallel_loop3A_757 : vector<1x1x1x16xf32> to vector<16xf32>
        %parallel_loop3A_759 = vector.shape_cast %parallel_loop3A_719 : vector<16xf32> to vector<1x1x1x16xf32>
        tpu.vector_store %arg6[%parallel_loop3A_753, %parallel_loop3A_754, %parallel_loop3A_755, %parallel_loop3A_756], %parallel_loop3A_759 {add = true, strides = array<i32>} : memref<4x4x8x512xf32, #tpu.memory_space<vmem>>, vector<1x1x1x16xf32>,
        %parallel_loop3A_760 = arith.constant 2 : i32
        %parallel_loop3A_761 = arith.constant 7 : i32
        %parallel_loop3A_762 = arith.index_cast %parallel_loop3A_760 : i32 to index
        %parallel_loop3A_763 = arith.index_cast %parallel_loop3A_761 : i32 to index
        %parallel_loop3A_764 = arith.index_cast %parallel_loop3A_430 : i32 to index
        %parallel_loop3A_765 = tpu.vector_load %arg5[%parallel_loop3A_762, %parallel_loop3A_763, %parallel_loop3A_764] {strides = array<i32>} : memref<4x8x512xf32, #tpu.memory_space<vmem>>, vector<1x1x16xf32>,
        %parallel_loop3A_766 = vector.shape_cast %parallel_loop3A_765 : vector<1x1x16xf32> to vector<16xf32>
        %parallel_loop3A_767 = arith.constant 2 : i32
        %parallel_loop3A_768 = arith.constant 0 : i32
        %parallel_loop3A_769 = arith.constant 7 : i32
        %parallel_loop3A_770 = arith.index_cast %parallel_loop3A_767 : i32 to index
        %parallel_loop3A_771 = arith.index_cast %parallel_loop3A_768 : i32 to index
        %parallel_loop3A_772 = arith.index_cast %parallel_loop3A_769 : i32 to index
        %parallel_loop3A_773 = arith.index_cast %parallel_loop3A_430 : i32 to index
        %parallel_loop3A_774 = tpu.vector_load %arg6[%parallel_loop3A_770, %parallel_loop3A_771, %parallel_loop3A_772, %parallel_loop3A_773] {strides = array<i32>} : memref<4x4x8x512xf32, #tpu.memory_space<vmem>>, vector<1x1x1x16xf32>,
        %parallel_loop3A_775 = vector.shape_cast %parallel_loop3A_774 : vector<1x1x1x16xf32> to vector<16xf32>
        %parallel_loop3A_776 = vector.shape_cast %parallel_loop3A_766 : vector<16xf32> to vector<1x1x1x16xf32>
        tpu.vector_store %arg6[%parallel_loop3A_770, %parallel_loop3A_771, %parallel_loop3A_772, %parallel_loop3A_773], %parallel_loop3A_776 {add = true, strides = array<i32>} : memref<4x4x8x512xf32, #tpu.memory_space<vmem>>, vector<1x1x1x16xf32>,
        %parallel_loop3A_777 = arith.constant 2 : i32
        %parallel_loop3A_778 = arith.constant 1 : i32
        %parallel_loop3A_779 = arith.constant 7 : i32
        %parallel_loop3A_780 = arith.index_cast %parallel_loop3A_777 : i32 to index
        %parallel_loop3A_781 = arith.index_cast %parallel_loop3A_778 : i32 to index
        %parallel_loop3A_782 = arith.index_cast %parallel_loop3A_779 : i32 to index
        %parallel_loop3A_783 = arith.index_cast %parallel_loop3A_430 : i32 to index
        %parallel_loop3A_784 = tpu.vector_load %arg6[%parallel_loop3A_780, %parallel_loop3A_781, %parallel_loop3A_782, %parallel_loop3A_783] {strides = array<i32>} : memref<4x4x8x512xf32, #tpu.memory_space<vmem>>, vector<1x1x1x16xf32>,
        %parallel_loop3A_785 = vector.shape_cast %parallel_loop3A_784 : vector<1x1x1x16xf32> to vector<16xf32>
        %parallel_loop3A_786 = vector.shape_cast %parallel_loop3A_766 : vector<16xf32> to vector<1x1x1x16xf32>
        tpu.vector_store %arg6[%parallel_loop3A_780, %parallel_loop3A_781, %parallel_loop3A_782, %parallel_loop3A_783], %parallel_loop3A_786 {add = true, strides = array<i32>} : memref<4x4x8x512xf32, #tpu.memory_space<vmem>>, vector<1x1x1x16xf32>,
        %parallel_loop3A_787 = arith.constant 2 : i32
        %parallel_loop3A_788 = arith.constant 2 : i32
        %parallel_loop3A_789 = arith.constant 7 : i32
        %parallel_loop3A_790 = arith.index_cast %parallel_loop3A_787 : i32 to index
        %parallel_loop3A_791 = arith.index_cast %parallel_loop3A_788 : i32 to index
        %parallel_loop3A_792 = arith.index_cast %parallel_loop3A_789 : i32 to index
        %parallel_loop3A_793 = arith.index_cast %parallel_loop3A_430 : i32 to index
        %parallel_loop3A_794 = tpu.vector_load %arg6[%parallel_loop3A_790, %parallel_loop3A_791, %parallel_loop3A_792, %parallel_loop3A_793] {strides = array<i32>} : memref<4x4x8x512xf32, #tpu.memory_space<vmem>>, vector<1x1x1x16xf32>,
        %parallel_loop3A_795 = vector.shape_cast %parallel_loop3A_794 : vector<1x1x1x16xf32> to vector<16xf32>
        %parallel_loop3A_796 = vector.shape_cast %parallel_loop3A_766 : vector<16xf32> to vector<1x1x1x16xf32>
        tpu.vector_store %arg6[%parallel_loop3A_790, %parallel_loop3A_791, %parallel_loop3A_792, %parallel_loop3A_793], %parallel_loop3A_796 {add = true, strides = array<i32>} : memref<4x4x8x512xf32, #tpu.memory_space<vmem>>, vector<1x1x1x16xf32>,
        %parallel_loop3A_797 = arith.constant 2 : i32
        %parallel_loop3A_798 = arith.constant 3 : i32
        %parallel_loop3A_799 = arith.constant 7 : i32
        %parallel_loop3A_800 = arith.index_cast %parallel_loop3A_797 : i32 to index
        %parallel_loop3A_801 = arith.index_cast %parallel_loop3A_798 : i32 to index
        %parallel_loop3A_802 = arith.index_cast %parallel_loop3A_799 : i32 to index
        %parallel_loop3A_803 = arith.index_cast %parallel_loop3A_430 : i32 to index
        %parallel_loop3A_804 = tpu.vector_load %arg6[%parallel_loop3A_800, %parallel_loop3A_801, %parallel_loop3A_802, %parallel_loop3A_803] {strides = array<i32>} : memref<4x4x8x512xf32, #tpu.memory_space<vmem>>, vector<1x1x1x16xf32>,
        %parallel_loop3A_805 = vector.shape_cast %parallel_loop3A_804 : vector<1x1x1x16xf32> to vector<16xf32>
        %parallel_loop3A_806 = vector.shape_cast %parallel_loop3A_766 : vector<16xf32> to vector<1x1x1x16xf32>
        tpu.vector_store %arg6[%parallel_loop3A_800, %parallel_loop3A_801, %parallel_loop3A_802, %parallel_loop3A_803], %parallel_loop3A_806 {add = true, strides = array<i32>} : memref<4x4x8x512xf32, #tpu.memory_space<vmem>>, vector<1x1x1x16xf32>,
      } {sc.loop_unroll_factor = 2 : i64, sc.parallel_access}
      %dma_start3A_336 = arith.constant 2 : i32
      %dma_start3A_337 = arith.constant 0 : i32
      %dma_start3A_338 = arith.constant 0 : i32
      %dma_start3A_339 = arith.constant 0 : i32
      %dma_start3A_340 = tpu.memref_slice %arg6[%dma_start3A_336, %dma_start3A_337, %dma_start3A_338, %dma_start3A_339] : memref<4x4x8x512xf32, #tpu.memory_space<vmem>> -> memref<1x4x8x512xf32, #tpu.memory_space<vmem>>
      %dma_start3A_341 = tpu.memref_squeeze %dma_start3A_340 : memref<1x4x8x512xf32, #tpu.memory_space<vmem>> -> memref<4x8x512xf32, #tpu.memory_space<vmem>>
      %dma_start3A_342 = arith.constant 0 : i32
      %dma_start3A_343 = arith.constant 1024 : i32
      %dma_start3A_344 = tpu.memref_slice %arg4[%dma_start3A_342, %add3A_104, %dma_start3A_343] : memref<4x4096x2048xf32, #tpu.memory_space<hbm>> -> memref<4x8x512xf32, #tpu.memory_space<hbm>>
      %dma_start3A_345 = arith.constant 0 : i32
      %dma_start3A_346 = arith.constant 1024 : i32
      %dma_start3A_347 = tpu.memref_slice %arg4[%dma_start3A_345, %add3A_104, %dma_start3A_346] : memref<4x4096x2048xf32, #tpu.memory_space<hbm>> -> memref<4x8x512xf32, #tpu.memory_space<hbm>>
      %dma_start3A_348 = arith.constant 0 : i32
      %dma_start3A_349 = arith.constant 0 : i32
      %dma_start3A_350 = arith.constant 0 : i32
      %dma_start3A_351 = tpu.memref_slice %arg6[%dma_start3A_336, %dma_start3A_348, %dma_start3A_349, %dma_start3A_350] : memref<4x4x8x512xf32, #tpu.memory_space<vmem>> -> memref<1x4x8x512xf32, #tpu.memory_space<vmem>>
      %dma_start3A_352 = tpu.memref_squeeze %dma_start3A_351 : memref<1x4x8x512xf32, #tpu.memory_space<vmem>> -> memref<4x8x512xf32, #tpu.memory_space<vmem>>
      tpu.enqueue_dma source(%dma_start3A_352 : memref<4x8x512xf32, #tpu.memory_space<vmem>>) target(%dma_start3A_347 : memref<4x8x512xf32, #tpu.memory_space<hbm>>) target_semaphore(%arg13 : memref<!tpu.dma_semaphore, #tpu.memory_space<semaphore_mem>>)
      %add3A_353 = arith.constant 1 : i32
      %add3A_354 = arith.addi %scan3A_101, %add3A_353 : i32
      %mul3A_355 = arith.constant 8 : i32
      %mul3A_356 = arith.muli %add3A_354, %mul3A_355 : i32
      %add3A_357 = arith.addi %mul3A_2, %mul3A_356 : i32
      %dma_wait3A_358 = arith.constant 1 : i32
      %dma_wait3A_359 = arith.constant 0 : i32
      %dma_wait3A_360 = arith.constant 0 : i32
      %dma_wait3A_361 = arith.constant 0 : i32
      %dma_wait3A_362 = tpu.memref_slice %arg6[%dma_wait3A_358, %dma_wait3A_359, %dma_wait3A_360, %dma_wait3A_361] : memref<4x4x8x512xf32, #tpu.memory_space<vmem>> -> memref<1x4x8x512xf32, #tpu.memory_space<vmem>>
      %dma_wait3A_363 = tpu.memref_squeeze %dma_wait3A_362 : memref<1x4x8x512xf32, #tpu.memory_space<vmem>> -> memref<4x8x512xf32, #tpu.memory_space<vmem>>
      %dma_wait3A_364 = arith.constant 0 : i32
      %dma_wait3A_365 = arith.constant 512 : i32
      %dma_wait3A_366 = tpu.memref_slice %arg4[%dma_wait3A_364, %add3A_104, %dma_wait3A_365] : memref<4x4096x2048xf32, #tpu.memory_space<hbm>> -> memref<4x8x512xf32, #tpu.memory_space<hbm>>
      %dma_wait3A_367 = arith.constant 0 : i32
      %dma_wait3A_368 = arith.constant 512 : i32
      %dma_wait3A_369 = tpu.memref_slice %arg4[%dma_wait3A_367, %add3A_104, %dma_wait3A_368] : memref<4x4096x2048xf32, #tpu.memory_space<hbm>> -> memref<4x8x512xf32, #tpu.memory_space<hbm>>
      %dma_wait3A_370 = arith.constant 0 : i32
      %dma_wait3A_371 = arith.constant 0 : i32
      %dma_wait3A_372 = arith.constant 0 : i32
      %dma_wait3A_373 = tpu.memref_slice %arg6[%dma_wait3A_358, %dma_wait3A_370, %dma_wait3A_371, %dma_wait3A_372] : memref<4x4x8x512xf32, #tpu.memory_space<vmem>> -> memref<1x4x8x512xf32, #tpu.memory_space<vmem>>
      %dma_wait3A_374 = tpu.memref_squeeze %dma_wait3A_373 : memref<1x4x8x512xf32, #tpu.memory_space<vmem>> -> memref<4x8x512xf32, #tpu.memory_space<vmem>>
      tpu.wait_dma2 semaphore(%arg12 : memref<!tpu.dma_semaphore, #tpu.memory_space<semaphore_mem>>) src(%dma_wait3A_374 : memref<4x8x512xf32, #tpu.memory_space<vmem>>) dst(%dma_wait3A_369 : memref<4x8x512xf32, #tpu.memory_space<hbm>>)
      %lt3A_375 = arith.constant 15 : i32
      %lt3A_376 = arith.cmpi slt, %scan3A_101, %lt3A_375 : i32
      %convert_element_type3A_377 = arith.extui %lt3A_376 : i1 to i32
      %cond3A_378 = arith.constant 0 : i32
      %cond3A_379 = arith.cmpi ne, %convert_element_type3A_377, %cond3A_378 : i32
      scf.if %cond3A_379 {
        %dma_start3A_430 = arith.constant 1 : i32
        %dma_start3A_431 = arith.constant 0 : i32
        %dma_start3A_432 = arith.constant 0 : i32
        %dma_start3A_433 = tpu.memref_slice %arg5[%dma_start3A_430, %dma_start3A_431, %dma_start3A_432] : memref<4x8x512xf32, #tpu.memory_space<vmem>> -> memref<1x8x512xf32, #tpu.memory_space<vmem>>
        %dma_start3A_434 = tpu.memref_squeeze %dma_start3A_433 : memref<1x8x512xf32, #tpu.memory_space<vmem>> -> memref<8x512xf32, #tpu.memory_space<vmem>>
        %dma_start3A_435 = arith.constant 512 : i32
        %dma_start3A_436 = tpu.memref_slice %arg3[%add3A_357, %dma_start3A_435] : memref<4096x2048xf32, #tpu.memory_space<hbm>> -> memref<8x512xf32, #tpu.memory_space<hbm>>
        %dma_start3A_437 = arith.constant 0 : i32
        %dma_start3A_438 = arith.constant 0 : i32
        %dma_start3A_439 = tpu.memref_slice %arg5[%dma_start3A_430, %dma_start3A_437, %dma_start3A_438] : memref<4x8x512xf32, #tpu.memory_space<vmem>> -> memref<1x8x512xf32, #tpu.memory_space<vmem>>
        %dma_start3A_440 = tpu.memref_squeeze %dma_start3A_439 : memref<1x8x512xf32, #tpu.memory_space<vmem>> -> memref<8x512xf32, #tpu.memory_space<vmem>>
        %dma_start3A_441 = arith.constant 512 : i32
        %dma_start3A_442 = tpu.memref_slice %arg3[%add3A_357, %dma_start3A_441] : memref<4096x2048xf32, #tpu.memory_space<hbm>> -> memref<8x512xf32, #tpu.memory_space<hbm>>
        tpu.enqueue_dma source(%dma_start3A_442 : memref<8x512xf32, #tpu.memory_space<hbm>>) target(%dma_start3A_440 : memref<8x512xf32, #tpu.memory_space<vmem>>) target_semaphore(%arg8 : memref<!tpu.dma_semaphore, #tpu.memory_space<semaphore_mem>>)
        %dma_start3A_443 = arith.constant 1 : i32
        %dma_start3A_444 = arith.constant 0 : i32
        %dma_start3A_445 = arith.constant 0 : i32
        %dma_start3A_446 = arith.constant 0 : i32
        %dma_start3A_447 = tpu.memref_slice %arg6[%dma_start3A_443, %dma_start3A_444, %dma_start3A_445, %dma_start3A_446] : memref<4x4x8x512xf32, #tpu.memory_space<vmem>> -> memref<1x4x8x512xf32, #tpu.memory_space<vmem>>
        %dma_start3A_448 = tpu.memref_squeeze %dma_start3A_447 : memref<1x4x8x512xf32, #tpu.memory_space<vmem>> -> memref<4x8x512xf32, #tpu.memory_space<vmem>>
        %dma_start3A_449 = arith.constant 0 : i32
        %dma_start3A_450 = arith.constant 512 : i32
        %dma_start3A_451 = tpu.memref_slice %arg2[%dma_start3A_449, %add3A_357, %dma_start3A_450] : memref<4x4096x2048xf32, #tpu.memory_space<hbm>> -> memref<4x8x512xf32, #tpu.memory_space<hbm>>
        %dma_start3A_452 = arith.constant 0 : i32
        %dma_start3A_453 = arith.constant 0 : i32
        %dma_start3A_454 = arith.constant 0 : i32
        %dma_start3A_455 = tpu.memref_slice %arg6[%dma_start3A_443, %dma_start3A_452, %dma_start3A_453, %dma_start3A_454] : memref<4x4x8x512xf32, #tpu.memory_space<vmem>> -> memref<1x4x8x512xf32, #tpu.memory_space<vmem>>
        %dma_start3A_456 = tpu.memref_squeeze %dma_start3A_455 : memref<1x4x8x512xf32, #tpu.memory_space<vmem>> -> memref<4x8x512xf32, #tpu.memory_space<vmem>>
        %dma_start3A_457 = arith.constant 0 : i32
        %dma_start3A_458 = arith.constant 512 : i32
        %dma_start3A_459 = tpu.memref_slice %arg2[%dma_start3A_457, %add3A_357, %dma_start3A_458] : memref<4x4096x2048xf32, #tpu.memory_space<hbm>> -> memref<4x8x512xf32, #tpu.memory_space<hbm>>
        tpu.enqueue_dma source(%dma_start3A_459 : memref<4x8x512xf32, #tpu.memory_space<hbm>>) target(%dma_start3A_456 : memref<4x8x512xf32, #tpu.memory_space<vmem>>) target_semaphore(%arg8 : memref<!tpu.dma_semaphore, #tpu.memory_space<semaphore_mem>>)
      } else {
      }
      %dma_wait3A_380 = arith.constant 3 : i32
      %dma_wait3A_381 = arith.constant 0 : i32
      %dma_wait3A_382 = arith.constant 0 : i32
      %dma_wait3A_383 = tpu.memref_slice %arg5[%dma_wait3A_380, %dma_wait3A_381, %dma_wait3A_382] : memref<4x8x512xf32, #tpu.memory_space<vmem>> -> memref<1x8x512xf32, #tpu.memory_space<vmem>>
      %dma_wait3A_384 = tpu.memref_squeeze %dma_wait3A_383 : memref<1x8x512xf32, #tpu.memory_space<vmem>> -> memref<8x512xf32, #tpu.memory_space<vmem>>
      %dma_wait3A_385 = arith.constant 1536 : i32
      %dma_wait3A_386 = tpu.memref_slice %arg3[%add3A_104, %dma_wait3A_385] : memref<4096x2048xf32, #tpu.memory_space<hbm>> -> memref<8x512xf32, #tpu.memory_space<hbm>>
      %dma_wait3A_387 = arith.constant 0 : i32
      %dma_wait3A_388 = arith.constant 0 : i32
      %dma_wait3A_389 = tpu.memref_slice %arg5[%dma_wait3A_380, %dma_wait3A_387, %dma_wait3A_388] : memref<4x8x512xf32, #tpu.memory_space<vmem>> -> memref<1x8x512xf32, #tpu.memory_space<vmem>>
      %dma_wait3A_390 = tpu.memref_squeeze %dma_wait3A_389 : memref<1x8x512xf32, #tpu.memory_space<vmem>> -> memref<8x512xf32, #tpu.memory_space<vmem>>
      %dma_wait3A_391 = arith.constant 1536 : i32
      %dma_wait3A_392 = tpu.memref_slice %arg3[%add3A_104, %dma_wait3A_391] : memref<4096x2048xf32, #tpu.memory_space<hbm>> -> memref<8x512xf32, #tpu.memory_space<hbm>>
      tpu.wait_dma2 semaphore(%arg10 : memref<!tpu.dma_semaphore, #tpu.memory_space<semaphore_mem>>) src(%dma_wait3A_392 : memref<8x512xf32, #tpu.memory_space<hbm>>) dst(%dma_wait3A_390 : memref<8x512xf32, #tpu.memory_space<vmem>>)
      %dma_wait3A_393 = arith.constant 3 : i32
      %dma_wait3A_394 = arith.constant 0 : i32
      %dma_wait3A_395 = arith.constant 0 : i32
      %dma_wait3A_396 = arith.constant 0 : i32
      %dma_wait3A_397 = tpu.memref_slice %arg6[%dma_wait3A_393, %dma_wait3A_394, %dma_wait3A_395, %dma_wait3A_396] : memref<4x4x8x512xf32, #tpu.memory_space<vmem>> -> memref<1x4x8x512xf32, #tpu.memory_space<vmem>>
      %dma_wait3A_398 = tpu.memref_squeeze %dma_wait3A_397 : memref<1x4x8x512xf32, #tpu.memory_space<vmem>> -> memref<4x8x512xf32, #tpu.memory_space<vmem>>
      %dma_wait3A_399 = arith.constant 0 : i32
      %dma_wait3A_400 = arith.constant 1536 : i32
      %dma_wait3A_401 = tpu.memref_slice %arg2[%dma_wait3A_399, %add3A_104, %dma_wait3A_400] : memref<4x4096x2048xf32, #tpu.memory_space<hbm>> -> memref<4x8x512xf32, #tpu.memory_space<hbm>>
      %dma_wait3A_402 = arith.constant 0 : i32
      %dma_wait3A_403 = arith.constant 0 : i32
      %dma_wait3A_404 = arith.constant 0 : i32
      %dma_wait3A_405 = tpu.memref_slice %arg6[%dma_wait3A_393, %dma_wait3A_402, %dma_wait3A_403, %dma_wait3A_404] : memref<4x4x8x512xf32, #tpu.memory_space<vmem>> -> memref<1x4x8x512xf32, #tpu.memory_space<vmem>>
      %dma_wait3A_406 = tpu.memref_squeeze %dma_wait3A_405 : memref<1x4x8x512xf32, #tpu.memory_space<vmem>> -> memref<4x8x512xf32, #tpu.memory_space<vmem>>
      %dma_wait3A_407 = arith.constant 0 : i32
      %dma_wait3A_408 = arith.constant 1536 : i32
      %dma_wait3A_409 = tpu.memref_slice %arg2[%dma_wait3A_407, %add3A_104, %dma_wait3A_408] : memref<4x4096x2048xf32, #tpu.memory_space<hbm>> -> memref<4x8x512xf32, #tpu.memory_space<hbm>>
      tpu.wait_dma2 semaphore(%arg10 : memref<!tpu.dma_semaphore, #tpu.memory_space<semaphore_mem>>) src(%dma_wait3A_409 : memref<4x8x512xf32, #tpu.memory_space<hbm>>) dst(%dma_wait3A_406 : memref<4x8x512xf32, #tpu.memory_space<vmem>>)
      %parallel_loop3A_410 = arith.constant 0 : i32
      %parallel_loop3A_411 = arith.constant 512 : i32
      %parallel_loop3A_412 = arith.constant 16 : i32
      scf.for %parallel_loop3A_430 = %parallel_loop3A_410 to %parallel_loop3A_411 step %parallel_loop3A_412  : i32 {
        %parallel_loop3A_431 = arith.constant 3 : i32
        %parallel_loop3A_432 = arith.constant 0 : i32
        %parallel_loop3A_433 = arith.index_cast %parallel_loop3A_431 : i32 to index
        %parallel_loop3A_434 = arith.index_cast %parallel_loop3A_432 : i32 to index
        %parallel_loop3A_435 = arith.index_cast %parallel_loop3A_430 : i32 to index
        %parallel_loop3A_436 = tpu.vector_load %arg5[%parallel_loop3A_433, %parallel_loop3A_434, %parallel_loop3A_435] {strides = array<i32>} : memref<4x8x512xf32, #tpu.memory_space<vmem>>, vector<1x1x16xf32>,
        %parallel_loop3A_437 = vector.shape_cast %parallel_loop3A_436 : vector<1x1x16xf32> to vector<16xf32>
        %parallel_loop3A_438 = arith.constant 3 : i32
        %parallel_loop3A_439 = arith.constant 0 : i32
        %parallel_loop3A_440 = arith.constant 0 : i32
        %parallel_loop3A_441 = arith.index_cast %parallel_loop3A_438 : i32 to index
        %parallel_loop3A_442 = arith.index_cast %parallel_loop3A_439 : i32 to index
        %parallel_loop3A_443 = arith.index_cast %parallel_loop3A_440 : i32 to index
        %parallel_loop3A_444 = arith.index_cast %parallel_loop3A_430 : i32 to index
        %parallel_loop3A_445 = tpu.vector_load %arg6[%parallel_loop3A_441, %parallel_loop3A_442, %parallel_loop3A_443, %parallel_loop3A_444] {strides = array<i32>} : memref<4x4x8x512xf32, #tpu.memory_space<vmem>>, vector<1x1x1x16xf32>,
        %parallel_loop3A_446 = vector.shape_cast %parallel_loop3A_445 : vector<1x1x1x16xf32> to vector<16xf32>
        %parallel_loop3A_447 = vector.shape_cast %parallel_loop3A_437 : vector<16xf32> to vector<1x1x1x16xf32>
        tpu.vector_store %arg6[%parallel_loop3A_441, %parallel_loop3A_442, %parallel_loop3A_443, %parallel_loop3A_444], %parallel_loop3A_447 {add = true, strides = array<i32>} : memref<4x4x8x512xf32, #tpu.memory_space<vmem>>, vector<1x1x1x16xf32>,
        %parallel_loop3A_448 = arith.constant 3 : i32
        %parallel_loop3A_449 = arith.constant 1 : i32
        %parallel_loop3A_450 = arith.constant 0 : i32
        %parallel_loop3A_451 = arith.index_cast %parallel_loop3A_448 : i32 to index
        %parallel_loop3A_452 = arith.index_cast %parallel_loop3A_449 : i32 to index
        %parallel_loop3A_453 = arith.index_cast %parallel_loop3A_450 : i32 to index
        %parallel_loop3A_454 = arith.index_cast %parallel_loop3A_430 : i32 to index
        %parallel_loop3A_455 = tpu.vector_load %arg6[%parallel_loop3A_451, %parallel_loop3A_452, %parallel_loop3A_453, %parallel_loop3A_454] {strides = array<i32>} : memref<4x4x8x512xf32, #tpu.memory_space<vmem>>, vector<1x1x1x16xf32>,
        %parallel_loop3A_456 = vector.shape_cast %parallel_loop3A_455 : vector<1x1x1x16xf32> to vector<16xf32>
        %parallel_loop3A_457 = vector.shape_cast %parallel_loop3A_437 : vector<16xf32> to vector<1x1x1x16xf32>
        tpu.vector_store %arg6[%parallel_loop3A_451, %parallel_loop3A_452, %parallel_loop3A_453, %parallel_loop3A_454], %parallel_loop3A_457 {add = true, strides = array<i32>} : memref<4x4x8x512xf32, #tpu.memory_space<vmem>>, vector<1x1x1x16xf32>,
        %parallel_loop3A_458 = arith.constant 3 : i32
        %parallel_loop3A_459 = arith.constant 2 : i32
        %parallel_loop3A_460 = arith.constant 0 : i32
        %parallel_loop3A_461 = arith.index_cast %parallel_loop3A_458 : i32 to index
        %parallel_loop3A_462 = arith.index_cast %parallel_loop3A_459 : i32 to index
        %parallel_loop3A_463 = arith.index_cast %parallel_loop3A_460 : i32 to index
        %parallel_loop3A_464 = arith.index_cast %parallel_loop3A_430 : i32 to index
        %parallel_loop3A_465 = tpu.vector_load %arg6[%parallel_loop3A_461, %parallel_loop3A_462, %parallel_loop3A_463, %parallel_loop3A_464] {strides = array<i32>} : memref<4x4x8x512xf32, #tpu.memory_space<vmem>>, vector<1x1x1x16xf32>,
        %parallel_loop3A_466 = vector.shape_cast %parallel_loop3A_465 : vector<1x1x1x16xf32> to vector<16xf32>
        %parallel_loop3A_467 = vector.shape_cast %parallel_loop3A_437 : vector<16xf32> to vector<1x1x1x16xf32>
        tpu.vector_store %arg6[%parallel_loop3A_461, %parallel_loop3A_462, %parallel_loop3A_463, %parallel_loop3A_464], %parallel_loop3A_467 {add = true, strides = array<i32>} : memref<4x4x8x512xf32, #tpu.memory_space<vmem>>, vector<1x1x1x16xf32>,
        %parallel_loop3A_468 = arith.constant 3 : i32
        %parallel_loop3A_469 = arith.constant 3 : i32
        %parallel_loop3A_470 = arith.constant 0 : i32
        %parallel_loop3A_471 = arith.index_cast %parallel_loop3A_468 : i32 to index
        %parallel_loop3A_472 = arith.index_cast %parallel_loop3A_469 : i32 to index
        %parallel_loop3A_473 = arith.index_cast %parallel_loop3A_470 : i32 to index
        %parallel_loop3A_474 = arith.index_cast %parallel_loop3A_430 : i32 to index
        %parallel_loop3A_475 = tpu.vector_load %arg6[%parallel_loop3A_471, %parallel_loop3A_472, %parallel_loop3A_473, %parallel_loop3A_474] {strides = array<i32>} : memref<4x4x8x512xf32, #tpu.memory_space<vmem>>, vector<1x1x1x16xf32>,
        %parallel_loop3A_476 = vector.shape_cast %parallel_loop3A_475 : vector<1x1x1x16xf32> to vector<16xf32>
        %parallel_loop3A_477 = vector.shape_cast %parallel_loop3A_437 : vector<16xf32> to vector<1x1x1x16xf32>
        tpu.vector_store %arg6[%parallel_loop3A_471, %parallel_loop3A_472, %parallel_loop3A_473, %parallel_loop3A_474], %parallel_loop3A_477 {add = true, strides = array<i32>} : memref<4x4x8x512xf32, #tpu.memory_space<vmem>>, vector<1x1x1x16xf32>,
        %parallel_loop3A_478 = arith.constant 3 : i32
        %parallel_loop3A_479 = arith.constant 1 : i32
        %parallel_loop3A_480 = arith.index_cast %parallel_loop3A_478 : i32 to index
        %parallel_loop3A_481 = arith.index_cast %parallel_loop3A_479 : i32 to index
        %parallel_loop3A_482 = arith.index_cast %parallel_loop3A_430 : i32 to index
        %parallel_loop3A_483 = tpu.vector_load %arg5[%parallel_loop3A_480, %parallel_loop3A_481, %parallel_loop3A_482] {strides = array<i32>} : memref<4x8x512xf32, #tpu.memory_space<vmem>>, vector<1x1x16xf32>,
        %parallel_loop3A_484 = vector.shape_cast %parallel_loop3A_483 : vector<1x1x16xf32> to vector<16xf32>
        %parallel_loop3A_485 = arith.constant 3 : i32
        %parallel_loop3A_486 = arith.constant 0 : i32
        %parallel_loop3A_487 = arith.constant 1 : i32
        %parallel_loop3A_488 = arith.index_cast %parallel_loop3A_485 : i32 to index
        %parallel_loop3A_489 = arith.index_cast %parallel_loop3A_486 : i32 to index
        %parallel_loop3A_490 = arith.index_cast %parallel_loop3A_487 : i32 to index
        %parallel_loop3A_491 = arith.index_cast %parallel_loop3A_430 : i32 to index
        %parallel_loop3A_492 = tpu.vector_load %arg6[%parallel_loop3A_488, %parallel_loop3A_489, %parallel_loop3A_490, %parallel_loop3A_491] {strides = array<i32>} : memref<4x4x8x512xf32, #tpu.memory_space<vmem>>, vector<1x1x1x16xf32>,
        %parallel_loop3A_493 = vector.shape_cast %parallel_loop3A_492 : vector<1x1x1x16xf32> to vector<16xf32>
        %parallel_loop3A_494 = vector.shape_cast %parallel_loop3A_484 : vector<16xf32> to vector<1x1x1x16xf32>
        tpu.vector_store %arg6[%parallel_loop3A_488, %parallel_loop3A_489, %parallel_loop3A_490, %parallel_loop3A_491], %parallel_loop3A_494 {add = true, strides = array<i32>} : memref<4x4x8x512xf32, #tpu.memory_space<vmem>>, vector<1x1x1x16xf32>,
        %parallel_loop3A_495 = arith.constant 3 : i32
        %parallel_loop3A_496 = arith.constant 1 : i32
        %parallel_loop3A_497 = arith.constant 1 : i32
        %parallel_loop3A_498 = arith.index_cast %parallel_loop3A_495 : i32 to index
        %parallel_loop3A_499 = arith.index_cast %parallel_loop3A_496 : i32 to index
        %parallel_loop3A_500 = arith.index_cast %parallel_loop3A_497 : i32 to index
        %parallel_loop3A_501 = arith.index_cast %parallel_loop3A_430 : i32 to index
        %parallel_loop3A_502 = tpu.vector_load %arg6[%parallel_loop3A_498, %parallel_loop3A_499, %parallel_loop3A_500, %parallel_loop3A_501] {strides = array<i32>} : memref<4x4x8x512xf32, #tpu.memory_space<vmem>>, vector<1x1x1x16xf32>,
        %parallel_loop3A_503 = vector.shape_cast %parallel_loop3A_502 : vector<1x1x1x16xf32> to vector<16xf32>
        %parallel_loop3A_504 = vector.shape_cast %parallel_loop3A_484 : vector<16xf32> to vector<1x1x1x16xf32>
        tpu.vector_store %arg6[%parallel_loop3A_498, %parallel_loop3A_499, %parallel_loop3A_500, %parallel_loop3A_501], %parallel_loop3A_504 {add = true, strides = array<i32>} : memref<4x4x8x512xf32, #tpu.memory_space<vmem>>, vector<1x1x1x16xf32>,
        %parallel_loop3A_505 = arith.constant 3 : i32
        %parallel_loop3A_506 = arith.constant 2 : i32
        %parallel_loop3A_507 = arith.constant 1 : i32
        %parallel_loop3A_508 = arith.index_cast %parallel_loop3A_505 : i32 to index
        %parallel_loop3A_509 = arith.index_cast %parallel_loop3A_506 : i32 to index
        %parallel_loop3A_510 = arith.index_cast %parallel_loop3A_507 : i32 to index
        %parallel_loop3A_511 = arith.index_cast %parallel_loop3A_430 : i32 to index
        %parallel_loop3A_512 = tpu.vector_load %arg6[%parallel_loop3A_508, %parallel_loop3A_509, %parallel_loop3A_510, %parallel_loop3A_511] {strides = array<i32>} : memref<4x4x8x512xf32, #tpu.memory_space<vmem>>, vector<1x1x1x16xf32>,
        %parallel_loop3A_513 = vector.shape_cast %parallel_loop3A_512 : vector<1x1x1x16xf32> to vector<16xf32>
        %parallel_loop3A_514 = vector.shape_cast %parallel_loop3A_484 : vector<16xf32> to vector<1x1x1x16xf32>
        tpu.vector_store %arg6[%parallel_loop3A_508, %parallel_loop3A_509, %parallel_loop3A_510, %parallel_loop3A_511], %parallel_loop3A_514 {add = true, strides = array<i32>} : memref<4x4x8x512xf32, #tpu.memory_space<vmem>>, vector<1x1x1x16xf32>,
        %parallel_loop3A_515 = arith.constant 3 : i32
        %parallel_loop3A_516 = arith.constant 3 : i32
        %parallel_loop3A_517 = arith.constant 1 : i32
        %parallel_loop3A_518 = arith.index_cast %parallel_loop3A_515 : i32 to index
        %parallel_loop3A_519 = arith.index_cast %parallel_loop3A_516 : i32 to index
        %parallel_loop3A_520 = arith.index_cast %parallel_loop3A_517 : i32 to index
        %parallel_loop3A_521 = arith.index_cast %parallel_loop3A_430 : i32 to index
        %parallel_loop3A_522 = tpu.vector_load %arg6[%parallel_loop3A_518, %parallel_loop3A_519, %parallel_loop3A_520, %parallel_loop3A_521] {strides = array<i32>} : memref<4x4x8x512xf32, #tpu.memory_space<vmem>>, vector<1x1x1x16xf32>,
        %parallel_loop3A_523 = vector.shape_cast %parallel_loop3A_522 : vector<1x1x1x16xf32> to vector<16xf32>
        %parallel_loop3A_524 = vector.shape_cast %parallel_loop3A_484 : vector<16xf32> to vector<1x1x1x16xf32>
        tpu.vector_store %arg6[%parallel_loop3A_518, %parallel_loop3A_519, %parallel_loop3A_520, %parallel_loop3A_521], %parallel_loop3A_524 {add = true, strides = array<i32>} : memref<4x4x8x512xf32, #tpu.memory_space<vmem>>, vector<1x1x1x16xf32>,
        %parallel_loop3A_525 = arith.constant 3 : i32
        %parallel_loop3A_526 = arith.constant 2 : i32
        %parallel_loop3A_527 = arith.index_cast %parallel_loop3A_525 : i32 to index
        %parallel_loop3A_528 = arith.index_cast %parallel_loop3A_526 : i32 to index
        %parallel_loop3A_529 = arith.index_cast %parallel_loop3A_430 : i32 to index
        %parallel_loop3A_530 = tpu.vector_load %arg5[%parallel_loop3A_527, %parallel_loop3A_528, %parallel_loop3A_529] {strides = array<i32>} : memref<4x8x512xf32, #tpu.memory_space<vmem>>, vector<1x1x16xf32>,
        %parallel_loop3A_531 = vector.shape_cast %parallel_loop3A_530 : vector<1x1x16xf32> to vector<16xf32>
        %parallel_loop3A_532 = arith.constant 3 : i32
        %parallel_loop3A_533 = arith.constant 0 : i32
        %parallel_loop3A_534 = arith.constant 2 : i32
        %parallel_loop3A_535 = arith.index_cast %parallel_loop3A_532 : i32 to index
        %parallel_loop3A_536 = arith.index_cast %parallel_loop3A_533 : i32 to index
        %parallel_loop3A_537 = arith.index_cast %parallel_loop3A_534 : i32 to index
        %parallel_loop3A_538 = arith.index_cast %parallel_loop3A_430 : i32 to index
        %parallel_loop3A_539 = tpu.vector_load %arg6[%parallel_loop3A_535, %parallel_loop3A_536, %parallel_loop3A_537, %parallel_loop3A_538] {strides = array<i32>} : memref<4x4x8x512xf32, #tpu.memory_space<vmem>>, vector<1x1x1x16xf32>,
        %parallel_loop3A_540 = vector.shape_cast %parallel_loop3A_539 : vector<1x1x1x16xf32> to vector<16xf32>
        %parallel_loop3A_541 = vector.shape_cast %parallel_loop3A_531 : vector<16xf32> to vector<1x1x1x16xf32>
        tpu.vector_store %arg6[%parallel_loop3A_535, %parallel_loop3A_536, %parallel_loop3A_537, %parallel_loop3A_538], %parallel_loop3A_541 {add = true, strides = array<i32>} : memref<4x4x8x512xf32, #tpu.memory_space<vmem>>, vector<1x1x1x16xf32>,
        %parallel_loop3A_542 = arith.constant 3 : i32
        %parallel_loop3A_543 = arith.constant 1 : i32
        %parallel_loop3A_544 = arith.constant 2 : i32
        %parallel_loop3A_545 = arith.index_cast %parallel_loop3A_542 : i32 to index
        %parallel_loop3A_546 = arith.index_cast %parallel_loop3A_543 : i32 to index
        %parallel_loop3A_547 = arith.index_cast %parallel_loop3A_544 : i32 to index
        %parallel_loop3A_548 = arith.index_cast %parallel_loop3A_430 : i32 to index
        %parallel_loop3A_549 = tpu.vector_load %arg6[%parallel_loop3A_545, %parallel_loop3A_546, %parallel_loop3A_547, %parallel_loop3A_548] {strides = array<i32>} : memref<4x4x8x512xf32, #tpu.memory_space<vmem>>, vector<1x1x1x16xf32>,
        %parallel_loop3A_550 = vector.shape_cast %parallel_loop3A_549 : vector<1x1x1x16xf32> to vector<16xf32>
        %parallel_loop3A_551 = vector.shape_cast %parallel_loop3A_531 : vector<16xf32> to vector<1x1x1x16xf32>
        tpu.vector_store %arg6[%parallel_loop3A_545, %parallel_loop3A_546, %parallel_loop3A_547, %parallel_loop3A_548], %parallel_loop3A_551 {add = true, strides = array<i32>} : memref<4x4x8x512xf32, #tpu.memory_space<vmem>>, vector<1x1x1x16xf32>,
        %parallel_loop3A_552 = arith.constant 3 : i32
        %parallel_loop3A_553 = arith.constant 2 : i32
        %parallel_loop3A_554 = arith.constant 2 : i32
        %parallel_loop3A_555 = arith.index_cast %parallel_loop3A_552 : i32 to index
        %parallel_loop3A_556 = arith.index_cast %parallel_loop3A_553 : i32 to index
        %parallel_loop3A_557 = arith.index_cast %parallel_loop3A_554 : i32 to index
        %parallel_loop3A_558 = arith.index_cast %parallel_loop3A_430 : i32 to index
        %parallel_loop3A_559 = tpu.vector_load %arg6[%parallel_loop3A_555, %parallel_loop3A_556, %parallel_loop3A_557, %parallel_loop3A_558] {strides = array<i32>} : memref<4x4x8x512xf32, #tpu.memory_space<vmem>>, vector<1x1x1x16xf32>,
        %parallel_loop3A_560 = vector.shape_cast %parallel_loop3A_559 : vector<1x1x1x16xf32> to vector<16xf32>
        %parallel_loop3A_561 = vector.shape_cast %parallel_loop3A_531 : vector<16xf32> to vector<1x1x1x16xf32>
        tpu.vector_store %arg6[%parallel_loop3A_555, %parallel_loop3A_556, %parallel_loop3A_557, %parallel_loop3A_558], %parallel_loop3A_561 {add = true, strides = array<i32>} : memref<4x4x8x512xf32, #tpu.memory_space<vmem>>, vector<1x1x1x16xf32>,
        %parallel_loop3A_562 = arith.constant 3 : i32
        %parallel_loop3A_563 = arith.constant 3 : i32
        %parallel_loop3A_564 = arith.constant 2 : i32
        %parallel_loop3A_565 = arith.index_cast %parallel_loop3A_562 : i32 to index
        %parallel_loop3A_566 = arith.index_cast %parallel_loop3A_563 : i32 to index
        %parallel_loop3A_567 = arith.index_cast %parallel_loop3A_564 : i32 to index
        %parallel_loop3A_568 = arith.index_cast %parallel_loop3A_430 : i32 to index
        %parallel_loop3A_569 = tpu.vector_load %arg6[%parallel_loop3A_565, %parallel_loop3A_566, %parallel_loop3A_567, %parallel_loop3A_568] {strides = array<i32>} : memref<4x4x8x512xf32, #tpu.memory_space<vmem>>, vector<1x1x1x16xf32>,
        %parallel_loop3A_570 = vector.shape_cast %parallel_loop3A_569 : vector<1x1x1x16xf32> to vector<16xf32>
        %parallel_loop3A_571 = vector.shape_cast %parallel_loop3A_531 : vector<16xf32> to vector<1x1x1x16xf32>
        tpu.vector_store %arg6[%parallel_loop3A_565, %parallel_loop3A_566, %parallel_loop3A_567, %parallel_loop3A_568], %parallel_loop3A_571 {add = true, strides = array<i32>} : memref<4x4x8x512xf32, #tpu.memory_space<vmem>>, vector<1x1x1x16xf32>,
        %parallel_loop3A_572 = arith.constant 3 : i32
        %parallel_loop3A_573 = arith.constant 3 : i32
        %parallel_loop3A_574 = arith.index_cast %parallel_loop3A_572 : i32 to index
        %parallel_loop3A_575 = arith.index_cast %parallel_loop3A_573 : i32 to index
        %parallel_loop3A_576 = arith.index_cast %parallel_loop3A_430 : i32 to index
        %parallel_loop3A_577 = tpu.vector_load %arg5[%parallel_loop3A_574, %parallel_loop3A_575, %parallel_loop3A_576] {strides = array<i32>} : memref<4x8x512xf32, #tpu.memory_space<vmem>>, vector<1x1x16xf32>,
        %parallel_loop3A_578 = vector.shape_cast %parallel_loop3A_577 : vector<1x1x16xf32> to vector<16xf32>
        %parallel_loop3A_579 = arith.constant 3 : i32
        %parallel_loop3A_580 = arith.constant 0 : i32
        %parallel_loop3A_581 = arith.constant 3 : i32
        %parallel_loop3A_582 = arith.index_cast %parallel_loop3A_579 : i32 to index
        %parallel_loop3A_583 = arith.index_cast %parallel_loop3A_580 : i32 to index
        %parallel_loop3A_584 = arith.index_cast %parallel_loop3A_581 : i32 to index
        %parallel_loop3A_585 = arith.index_cast %parallel_loop3A_430 : i32 to index
        %parallel_loop3A_586 = tpu.vector_load %arg6[%parallel_loop3A_582, %parallel_loop3A_583, %parallel_loop3A_584, %parallel_loop3A_585] {strides = array<i32>} : memref<4x4x8x512xf32, #tpu.memory_space<vmem>>, vector<1x1x1x16xf32>,
        %parallel_loop3A_587 = vector.shape_cast %parallel_loop3A_586 : vector<1x1x1x16xf32> to vector<16xf32>
        %parallel_loop3A_588 = vector.shape_cast %parallel_loop3A_578 : vector<16xf32> to vector<1x1x1x16xf32>
        tpu.vector_store %arg6[%parallel_loop3A_582, %parallel_loop3A_583, %parallel_loop3A_584, %parallel_loop3A_585], %parallel_loop3A_588 {add = true, strides = array<i32>} : memref<4x4x8x512xf32, #tpu.memory_space<vmem>>, vector<1x1x1x16xf32>,
        %parallel_loop3A_589 = arith.constant 3 : i32
        %parallel_loop3A_590 = arith.constant 1 : i32
        %parallel_loop3A_591 = arith.constant 3 : i32
        %parallel_loop3A_592 = arith.index_cast %parallel_loop3A_589 : i32 to index
        %parallel_loop3A_593 = arith.index_cast %parallel_loop3A_590 : i32 to index
        %parallel_loop3A_594 = arith.index_cast %parallel_loop3A_591 : i32 to index
        %parallel_loop3A_595 = arith.index_cast %parallel_loop3A_430 : i32 to index
        %parallel_loop3A_596 = tpu.vector_load %arg6[%parallel_loop3A_592, %parallel_loop3A_593, %parallel_loop3A_594, %parallel_loop3A_595] {strides = array<i32>} : memref<4x4x8x512xf32, #tpu.memory_space<vmem>>, vector<1x1x1x16xf32>,
        %parallel_loop3A_597 = vector.shape_cast %parallel_loop3A_596 : vector<1x1x1x16xf32> to vector<16xf32>
        %parallel_loop3A_598 = vector.shape_cast %parallel_loop3A_578 : vector<16xf32> to vector<1x1x1x16xf32>
        tpu.vector_store %arg6[%parallel_loop3A_592, %parallel_loop3A_593, %parallel_loop3A_594, %parallel_loop3A_595], %parallel_loop3A_598 {add = true, strides = array<i32>} : memref<4x4x8x512xf32, #tpu.memory_space<vmem>>, vector<1x1x1x16xf32>,
        %parallel_loop3A_599 = arith.constant 3 : i32
        %parallel_loop3A_600 = arith.constant 2 : i32
        %parallel_loop3A_601 = arith.constant 3 : i32
        %parallel_loop3A_602 = arith.index_cast %parallel_loop3A_599 : i32 to index
        %parallel_loop3A_603 = arith.index_cast %parallel_loop3A_600 : i32 to index
        %parallel_loop3A_604 = arith.index_cast %parallel_loop3A_601 : i32 to index
        %parallel_loop3A_605 = arith.index_cast %parallel_loop3A_430 : i32 to index
        %parallel_loop3A_606 = tpu.vector_load %arg6[%parallel_loop3A_602, %parallel_loop3A_603, %parallel_loop3A_604, %parallel_loop3A_605] {strides = array<i32>} : memref<4x4x8x512xf32, #tpu.memory_space<vmem>>, vector<1x1x1x16xf32>,
        %parallel_loop3A_607 = vector.shape_cast %parallel_loop3A_606 : vector<1x1x1x16xf32> to vector<16xf32>
        %parallel_loop3A_608 = vector.shape_cast %parallel_loop3A_578 : vector<16xf32> to vector<1x1x1x16xf32>
        tpu.vector_store %arg6[%parallel_loop3A_602, %parallel_loop3A_603, %parallel_loop3A_604, %parallel_loop3A_605], %parallel_loop3A_608 {add = true, strides = array<i32>} : memref<4x4x8x512xf32, #tpu.memory_space<vmem>>, vector<1x1x1x16xf32>,
        %parallel_loop3A_609 = arith.constant 3 : i32
        %parallel_loop3A_610 = arith.constant 3 : i32
        %parallel_loop3A_611 = arith.constant 3 : i32
        %parallel_loop3A_612 = arith.index_cast %parallel_loop3A_609 : i32 to index
        %parallel_loop3A_613 = arith.index_cast %parallel_loop3A_610 : i32 to index
        %parallel_loop3A_614 = arith.index_cast %parallel_loop3A_611 : i32 to index
        %parallel_loop3A_615 = arith.index_cast %parallel_loop3A_430 : i32 to index
        %parallel_loop3A_616 = tpu.vector_load %arg6[%parallel_loop3A_612, %parallel_loop3A_613, %parallel_loop3A_614, %parallel_loop3A_615] {strides = array<i32>} : memref<4x4x8x512xf32, #tpu.memory_space<vmem>>, vector<1x1x1x16xf32>,
        %parallel_loop3A_617 = vector.shape_cast %parallel_loop3A_616 : vector<1x1x1x16xf32> to vector<16xf32>
        %parallel_loop3A_618 = vector.shape_cast %parallel_loop3A_578 : vector<16xf32> to vector<1x1x1x16xf32>
        tpu.vector_store %arg6[%parallel_loop3A_612, %parallel_loop3A_613, %parallel_loop3A_614, %parallel_loop3A_615], %parallel_loop3A_618 {add = true, strides = array<i32>} : memref<4x4x8x512xf32, #tpu.memory_space<vmem>>, vector<1x1x1x16xf32>,
        %parallel_loop3A_619 = arith.constant 3 : i32
        %parallel_loop3A_620 = arith.constant 4 : i32
        %parallel_loop3A_621 = arith.index_cast %parallel_loop3A_619 : i32 to index
        %parallel_loop3A_622 = arith.index_cast %parallel_loop3A_620 : i32 to index
        %parallel_loop3A_623 = arith.index_cast %parallel_loop3A_430 : i32 to index
        %parallel_loop3A_624 = tpu.vector_load %arg5[%parallel_loop3A_621, %parallel_loop3A_622, %parallel_loop3A_623] {strides = array<i32>} : memref<4x8x512xf32, #tpu.memory_space<vmem>>, vector<1x1x16xf32>,
        %parallel_loop3A_625 = vector.shape_cast %parallel_loop3A_624 : vector<1x1x16xf32> to vector<16xf32>
        %parallel_loop3A_626 = arith.constant 3 : i32
        %parallel_loop3A_627 = arith.constant 0 : i32
        %parallel_loop3A_628 = arith.constant 4 : i32
        %parallel_loop3A_629 = arith.index_cast %parallel_loop3A_626 : i32 to index
        %parallel_loop3A_630 = arith.index_cast %parallel_loop3A_627 : i32 to index
        %parallel_loop3A_631 = arith.index_cast %parallel_loop3A_628 : i32 to index
        %parallel_loop3A_632 = arith.index_cast %parallel_loop3A_430 : i32 to index
        %parallel_loop3A_633 = tpu.vector_load %arg6[%parallel_loop3A_629, %parallel_loop3A_630, %parallel_loop3A_631, %parallel_loop3A_632] {strides = array<i32>} : memref<4x4x8x512xf32, #tpu.memory_space<vmem>>, vector<1x1x1x16xf32>,
        %parallel_loop3A_634 = vector.shape_cast %parallel_loop3A_633 : vector<1x1x1x16xf32> to vector<16xf32>
        %parallel_loop3A_635 = vector.shape_cast %parallel_loop3A_625 : vector<16xf32> to vector<1x1x1x16xf32>
        tpu.vector_store %arg6[%parallel_loop3A_629, %parallel_loop3A_630, %parallel_loop3A_631, %parallel_loop3A_632], %parallel_loop3A_635 {add = true, strides = array<i32>} : memref<4x4x8x512xf32, #tpu.memory_space<vmem>>, vector<1x1x1x16xf32>,
        %parallel_loop3A_636 = arith.constant 3 : i32
        %parallel_loop3A_637 = arith.constant 1 : i32
        %parallel_loop3A_638 = arith.constant 4 : i32
        %parallel_loop3A_639 = arith.index_cast %parallel_loop3A_636 : i32 to index
        %parallel_loop3A_640 = arith.index_cast %parallel_loop3A_637 : i32 to index
        %parallel_loop3A_641 = arith.index_cast %parallel_loop3A_638 : i32 to index
        %parallel_loop3A_642 = arith.index_cast %parallel_loop3A_430 : i32 to index
        %parallel_loop3A_643 = tpu.vector_load %arg6[%parallel_loop3A_639, %parallel_loop3A_640, %parallel_loop3A_641, %parallel_loop3A_642] {strides = array<i32>} : memref<4x4x8x512xf32, #tpu.memory_space<vmem>>, vector<1x1x1x16xf32>,
        %parallel_loop3A_644 = vector.shape_cast %parallel_loop3A_643 : vector<1x1x1x16xf32> to vector<16xf32>
        %parallel_loop3A_645 = vector.shape_cast %parallel_loop3A_625 : vector<16xf32> to vector<1x1x1x16xf32>
        tpu.vector_store %arg6[%parallel_loop3A_639, %parallel_loop3A_640, %parallel_loop3A_641, %parallel_loop3A_642], %parallel_loop3A_645 {add = true, strides = array<i32>} : memref<4x4x8x512xf32, #tpu.memory_space<vmem>>, vector<1x1x1x16xf32>,
        %parallel_loop3A_646 = arith.constant 3 : i32
        %parallel_loop3A_647 = arith.constant 2 : i32
        %parallel_loop3A_648 = arith.constant 4 : i32
        %parallel_loop3A_649 = arith.index_cast %parallel_loop3A_646 : i32 to index
        %parallel_loop3A_650 = arith.index_cast %parallel_loop3A_647 : i32 to index
        %parallel_loop3A_651 = arith.index_cast %parallel_loop3A_648 : i32 to index
        %parallel_loop3A_652 = arith.index_cast %parallel_loop3A_430 : i32 to index
        %parallel_loop3A_653 = tpu.vector_load %arg6[%parallel_loop3A_649, %parallel_loop3A_650, %parallel_loop3A_651, %parallel_loop3A_652] {strides = array<i32>} : memref<4x4x8x512xf32, #tpu.memory_space<vmem>>, vector<1x1x1x16xf32>,
        %parallel_loop3A_654 = vector.shape_cast %parallel_loop3A_653 : vector<1x1x1x16xf32> to vector<16xf32>
        %parallel_loop3A_655 = vector.shape_cast %parallel_loop3A_625 : vector<16xf32> to vector<1x1x1x16xf32>
        tpu.vector_store %arg6[%parallel_loop3A_649, %parallel_loop3A_650, %parallel_loop3A_651, %parallel_loop3A_652], %parallel_loop3A_655 {add = true, strides = array<i32>} : memref<4x4x8x512xf32, #tpu.memory_space<vmem>>, vector<1x1x1x16xf32>,
        %parallel_loop3A_656 = arith.constant 3 : i32
        %parallel_loop3A_657 = arith.constant 3 : i32
        %parallel_loop3A_658 = arith.constant 4 : i32
        %parallel_loop3A_659 = arith.index_cast %parallel_loop3A_656 : i32 to index
        %parallel_loop3A_660 = arith.index_cast %parallel_loop3A_657 : i32 to index
        %parallel_loop3A_661 = arith.index_cast %parallel_loop3A_658 : i32 to index
        %parallel_loop3A_662 = arith.index_cast %parallel_loop3A_430 : i32 to index
        %parallel_loop3A_663 = tpu.vector_load %arg6[%parallel_loop3A_659, %parallel_loop3A_660, %parallel_loop3A_661, %parallel_loop3A_662] {strides = array<i32>} : memref<4x4x8x512xf32, #tpu.memory_space<vmem>>, vector<1x1x1x16xf32>,
        %parallel_loop3A_664 = vector.shape_cast %parallel_loop3A_663 : vector<1x1x1x16xf32> to vector<16xf32>
        %parallel_loop3A_665 = vector.shape_cast %parallel_loop3A_625 : vector<16xf32> to vector<1x1x1x16xf32>
        tpu.vector_store %arg6[%parallel_loop3A_659, %parallel_loop3A_660, %parallel_loop3A_661, %parallel_loop3A_662], %parallel_loop3A_665 {add = true, strides = array<i32>} : memref<4x4x8x512xf32, #tpu.memory_space<vmem>>, vector<1x1x1x16xf32>,
        %parallel_loop3A_666 = arith.constant 3 : i32
        %parallel_loop3A_667 = arith.constant 5 : i32
        %parallel_loop3A_668 = arith.index_cast %parallel_loop3A_666 : i32 to index
        %parallel_loop3A_669 = arith.index_cast %parallel_loop3A_667 : i32 to index
        %parallel_loop3A_670 = arith.index_cast %parallel_loop3A_430 : i32 to index
        %parallel_loop3A_671 = tpu.vector_load %arg5[%parallel_loop3A_668, %parallel_loop3A_669, %parallel_loop3A_670] {strides = array<i32>} : memref<4x8x512xf32, #tpu.memory_space<vmem>>, vector<1x1x16xf32>,
        %parallel_loop3A_672 = vector.shape_cast %parallel_loop3A_671 : vector<1x1x16xf32> to vector<16xf32>
        %parallel_loop3A_673 = arith.constant 3 : i32
        %parallel_loop3A_674 = arith.constant 0 : i32
        %parallel_loop3A_675 = arith.constant 5 : i32
        %parallel_loop3A_676 = arith.index_cast %parallel_loop3A_673 : i32 to index
        %parallel_loop3A_677 = arith.index_cast %parallel_loop3A_674 : i32 to index
        %parallel_loop3A_678 = arith.index_cast %parallel_loop3A_675 : i32 to index
        %parallel_loop3A_679 = arith.index_cast %parallel_loop3A_430 : i32 to index
        %parallel_loop3A_680 = tpu.vector_load %arg6[%parallel_loop3A_676, %parallel_loop3A_677, %parallel_loop3A_678, %parallel_loop3A_679] {strides = array<i32>} : memref<4x4x8x512xf32, #tpu.memory_space<vmem>>, vector<1x1x1x16xf32>,
        %parallel_loop3A_681 = vector.shape_cast %parallel_loop3A_680 : vector<1x1x1x16xf32> to vector<16xf32>
        %parallel_loop3A_682 = vector.shape_cast %parallel_loop3A_672 : vector<16xf32> to vector<1x1x1x16xf32>
        tpu.vector_store %arg6[%parallel_loop3A_676, %parallel_loop3A_677, %parallel_loop3A_678, %parallel_loop3A_679], %parallel_loop3A_682 {add = true, strides = array<i32>} : memref<4x4x8x512xf32, #tpu.memory_space<vmem>>, vector<1x1x1x16xf32>,
        %parallel_loop3A_683 = arith.constant 3 : i32
        %parallel_loop3A_684 = arith.constant 1 : i32
        %parallel_loop3A_685 = arith.constant 5 : i32
        %parallel_loop3A_686 = arith.index_cast %parallel_loop3A_683 : i32 to index
        %parallel_loop3A_687 = arith.index_cast %parallel_loop3A_684 : i32 to index
        %parallel_loop3A_688 = arith.index_cast %parallel_loop3A_685 : i32 to index
        %parallel_loop3A_689 = arith.index_cast %parallel_loop3A_430 : i32 to index
        %parallel_loop3A_690 = tpu.vector_load %arg6[%parallel_loop3A_686, %parallel_loop3A_687, %parallel_loop3A_688, %parallel_loop3A_689] {strides = array<i32>} : memref<4x4x8x512xf32, #tpu.memory_space<vmem>>, vector<1x1x1x16xf32>,
        %parallel_loop3A_691 = vector.shape_cast %parallel_loop3A_690 : vector<1x1x1x16xf32> to vector<16xf32>
        %parallel_loop3A_692 = vector.shape_cast %parallel_loop3A_672 : vector<16xf32> to vector<1x1x1x16xf32>
        tpu.vector_store %arg6[%parallel_loop3A_686, %parallel_loop3A_687, %parallel_loop3A_688, %parallel_loop3A_689], %parallel_loop3A_692 {add = true, strides = array<i32>} : memref<4x4x8x512xf32, #tpu.memory_space<vmem>>, vector<1x1x1x16xf32>,
        %parallel_loop3A_693 = arith.constant 3 : i32
        %parallel_loop3A_694 = arith.constant 2 : i32
        %parallel_loop3A_695 = arith.constant 5 : i32
        %parallel_loop3A_696 = arith.index_cast %parallel_loop3A_693 : i32 to index
        %parallel_loop3A_697 = arith.index_cast %parallel_loop3A_694 : i32 to index
        %parallel_loop3A_698 = arith.index_cast %parallel_loop3A_695 : i32 to index
        %parallel_loop3A_699 = arith.index_cast %parallel_loop3A_430 : i32 to index
        %parallel_loop3A_700 = tpu.vector_load %arg6[%parallel_loop3A_696, %parallel_loop3A_697, %parallel_loop3A_698, %parallel_loop3A_699] {strides = array<i32>} : memref<4x4x8x512xf32, #tpu.memory_space<vmem>>, vector<1x1x1x16xf32>,
        %parallel_loop3A_701 = vector.shape_cast %parallel_loop3A_700 : vector<1x1x1x16xf32> to vector<16xf32>
        %parallel_loop3A_702 = vector.shape_cast %parallel_loop3A_672 : vector<16xf32> to vector<1x1x1x16xf32>
        tpu.vector_store %arg6[%parallel_loop3A_696, %parallel_loop3A_697, %parallel_loop3A_698, %parallel_loop3A_699], %parallel_loop3A_702 {add = true, strides = array<i32>} : memref<4x4x8x512xf32, #tpu.memory_space<vmem>>, vector<1x1x1x16xf32>,
        %parallel_loop3A_703 = arith.constant 3 : i32
        %parallel_loop3A_704 = arith.constant 3 : i32
        %parallel_loop3A_705 = arith.constant 5 : i32
        %parallel_loop3A_706 = arith.index_cast %parallel_loop3A_703 : i32 to index
        %parallel_loop3A_707 = arith.index_cast %parallel_loop3A_704 : i32 to index
        %parallel_loop3A_708 = arith.index_cast %parallel_loop3A_705 : i32 to index
        %parallel_loop3A_709 = arith.index_cast %parallel_loop3A_430 : i32 to index
        %parallel_loop3A_710 = tpu.vector_load %arg6[%parallel_loop3A_706, %parallel_loop3A_707, %parallel_loop3A_708, %parallel_loop3A_709] {strides = array<i32>} : memref<4x4x8x512xf32, #tpu.memory_space<vmem>>, vector<1x1x1x16xf32>,
        %parallel_loop3A_711 = vector.shape_cast %parallel_loop3A_710 : vector<1x1x1x16xf32> to vector<16xf32>
        %parallel_loop3A_712 = vector.shape_cast %parallel_loop3A_672 : vector<16xf32> to vector<1x1x1x16xf32>
        tpu.vector_store %arg6[%parallel_loop3A_706, %parallel_loop3A_707, %parallel_loop3A_708, %parallel_loop3A_709], %parallel_loop3A_712 {add = true, strides = array<i32>} : memref<4x4x8x512xf32, #tpu.memory_space<vmem>>, vector<1x1x1x16xf32>,
        %parallel_loop3A_713 = arith.constant 3 : i32
        %parallel_loop3A_714 = arith.constant 6 : i32
        %parallel_loop3A_715 = arith.index_cast %parallel_loop3A_713 : i32 to index
        %parallel_loop3A_716 = arith.index_cast %parallel_loop3A_714 : i32 to index
        %parallel_loop3A_717 = arith.index_cast %parallel_loop3A_430 : i32 to index
        %parallel_loop3A_718 = tpu.vector_load %arg5[%parallel_loop3A_715, %parallel_loop3A_716, %parallel_loop3A_717] {strides = array<i32>} : memref<4x8x512xf32, #tpu.memory_space<vmem>>, vector<1x1x16xf32>,
        %parallel_loop3A_719 = vector.shape_cast %parallel_loop3A_718 : vector<1x1x16xf32> to vector<16xf32>
        %parallel_loop3A_720 = arith.constant 3 : i32
        %parallel_loop3A_721 = arith.constant 0 : i32
        %parallel_loop3A_722 = arith.constant 6 : i32
        %parallel_loop3A_723 = arith.index_cast %parallel_loop3A_720 : i32 to index
        %parallel_loop3A_724 = arith.index_cast %parallel_loop3A_721 : i32 to index
        %parallel_loop3A_725 = arith.index_cast %parallel_loop3A_722 : i32 to index
        %parallel_loop3A_726 = arith.index_cast %parallel_loop3A_430 : i32 to index
        %parallel_loop3A_727 = tpu.vector_load %arg6[%parallel_loop3A_723, %parallel_loop3A_724, %parallel_loop3A_725, %parallel_loop3A_726] {strides = array<i32>} : memref<4x4x8x512xf32, #tpu.memory_space<vmem>>, vector<1x1x1x16xf32>,
        %parallel_loop3A_728 = vector.shape_cast %parallel_loop3A_727 : vector<1x1x1x16xf32> to vector<16xf32>
        %parallel_loop3A_729 = vector.shape_cast %parallel_loop3A_719 : vector<16xf32> to vector<1x1x1x16xf32>
        tpu.vector_store %arg6[%parallel_loop3A_723, %parallel_loop3A_724, %parallel_loop3A_725, %parallel_loop3A_726], %parallel_loop3A_729 {add = true, strides = array<i32>} : memref<4x4x8x512xf32, #tpu.memory_space<vmem>>, vector<1x1x1x16xf32>,
        %parallel_loop3A_730 = arith.constant 3 : i32
        %parallel_loop3A_731 = arith.constant 1 : i32
        %parallel_loop3A_732 = arith.constant 6 : i32
        %parallel_loop3A_733 = arith.index_cast %parallel_loop3A_730 : i32 to index
        %parallel_loop3A_734 = arith.index_cast %parallel_loop3A_731 : i32 to index
        %parallel_loop3A_735 = arith.index_cast %parallel_loop3A_732 : i32 to index
        %parallel_loop3A_736 = arith.index_cast %parallel_loop3A_430 : i32 to index
        %parallel_loop3A_737 = tpu.vector_load %arg6[%parallel_loop3A_733, %parallel_loop3A_734, %parallel_loop3A_735, %parallel_loop3A_736] {strides = array<i32>} : memref<4x4x8x512xf32, #tpu.memory_space<vmem>>, vector<1x1x1x16xf32>,
        %parallel_loop3A_738 = vector.shape_cast %parallel_loop3A_737 : vector<1x1x1x16xf32> to vector<16xf32>
        %parallel_loop3A_739 = vector.shape_cast %parallel_loop3A_719 : vector<16xf32> to vector<1x1x1x16xf32>
        tpu.vector_store %arg6[%parallel_loop3A_733, %parallel_loop3A_734, %parallel_loop3A_735, %parallel_loop3A_736], %parallel_loop3A_739 {add = true, strides = array<i32>} : memref<4x4x8x512xf32, #tpu.memory_space<vmem>>, vector<1x1x1x16xf32>,
        %parallel_loop3A_740 = arith.constant 3 : i32
        %parallel_loop3A_741 = arith.constant 2 : i32
        %parallel_loop3A_742 = arith.constant 6 : i32
        %parallel_loop3A_743 = arith.index_cast %parallel_loop3A_740 : i32 to index
        %parallel_loop3A_744 = arith.index_cast %parallel_loop3A_741 : i32 to index
        %parallel_loop3A_745 = arith.index_cast %parallel_loop3A_742 : i32 to index
        %parallel_loop3A_746 = arith.index_cast %parallel_loop3A_430 : i32 to index
        %parallel_loop3A_747 = tpu.vector_load %arg6[%parallel_loop3A_743, %parallel_loop3A_744, %parallel_loop3A_745, %parallel_loop3A_746] {strides = array<i32>} : memref<4x4x8x512xf32, #tpu.memory_space<vmem>>, vector<1x1x1x16xf32>,
        %parallel_loop3A_748 = vector.shape_cast %parallel_loop3A_747 : vector<1x1x1x16xf32> to vector<16xf32>
        %parallel_loop3A_749 = vector.shape_cast %parallel_loop3A_719 : vector<16xf32> to vector<1x1x1x16xf32>
        tpu.vector_store %arg6[%parallel_loop3A_743, %parallel_loop3A_744, %parallel_loop3A_745, %parallel_loop3A_746], %parallel_loop3A_749 {add = true, strides = array<i32>} : memref<4x4x8x512xf32, #tpu.memory_space<vmem>>, vector<1x1x1x16xf32>,
        %parallel_loop3A_750 = arith.constant 3 : i32
        %parallel_loop3A_751 = arith.constant 3 : i32
        %parallel_loop3A_752 = arith.constant 6 : i32
        %parallel_loop3A_753 = arith.index_cast %parallel_loop3A_750 : i32 to index
        %parallel_loop3A_754 = arith.index_cast %parallel_loop3A_751 : i32 to index
        %parallel_loop3A_755 = arith.index_cast %parallel_loop3A_752 : i32 to index
        %parallel_loop3A_756 = arith.index_cast %parallel_loop3A_430 : i32 to index
        %parallel_loop3A_757 = tpu.vector_load %arg6[%parallel_loop3A_753, %parallel_loop3A_754, %parallel_loop3A_755, %parallel_loop3A_756] {strides = array<i32>} : memref<4x4x8x512xf32, #tpu.memory_space<vmem>>, vector<1x1x1x16xf32>,
        %parallel_loop3A_758 = vector.shape_cast %parallel_loop3A_757 : vector<1x1x1x16xf32> to vector<16xf32>
        %parallel_loop3A_759 = vector.shape_cast %parallel_loop3A_719 : vector<16xf32> to vector<1x1x1x16xf32>
        tpu.vector_store %arg6[%parallel_loop3A_753, %parallel_loop3A_754, %parallel_loop3A_755, %parallel_loop3A_756], %parallel_loop3A_759 {add = true, strides = array<i32>} : memref<4x4x8x512xf32, #tpu.memory_space<vmem>>, vector<1x1x1x16xf32>,
        %parallel_loop3A_760 = arith.constant 3 : i32
        %parallel_loop3A_761 = arith.constant 7 : i32
        %parallel_loop3A_762 = arith.index_cast %parallel_loop3A_760 : i32 to index
        %parallel_loop3A_763 = arith.index_cast %parallel_loop3A_761 : i32 to index
        %parallel_loop3A_764 = arith.index_cast %parallel_loop3A_430 : i32 to index
        %parallel_loop3A_765 = tpu.vector_load %arg5[%parallel_loop3A_762, %parallel_loop3A_763, %parallel_loop3A_764] {strides = array<i32>} : memref<4x8x512xf32, #tpu.memory_space<vmem>>, vector<1x1x16xf32>,
        %parallel_loop3A_766 = vector.shape_cast %parallel_loop3A_765 : vector<1x1x16xf32> to vector<16xf32>
        %parallel_loop3A_767 = arith.constant 3 : i32
        %parallel_loop3A_768 = arith.constant 0 : i32
        %parallel_loop3A_769 = arith.constant 7 : i32
        %parallel_loop3A_770 = arith.index_cast %parallel_loop3A_767 : i32 to index
        %parallel_loop3A_771 = arith.index_cast %parallel_loop3A_768 : i32 to index
        %parallel_loop3A_772 = arith.index_cast %parallel_loop3A_769 : i32 to index
        %parallel_loop3A_773 = arith.index_cast %parallel_loop3A_430 : i32 to index
        %parallel_loop3A_774 = tpu.vector_load %arg6[%parallel_loop3A_770, %parallel_loop3A_771, %parallel_loop3A_772, %parallel_loop3A_773] {strides = array<i32>} : memref<4x4x8x512xf32, #tpu.memory_space<vmem>>, vector<1x1x1x16xf32>,
        %parallel_loop3A_775 = vector.shape_cast %parallel_loop3A_774 : vector<1x1x1x16xf32> to vector<16xf32>
        %parallel_loop3A_776 = vector.shape_cast %parallel_loop3A_766 : vector<16xf32> to vector<1x1x1x16xf32>
        tpu.vector_store %arg6[%parallel_loop3A_770, %parallel_loop3A_771, %parallel_loop3A_772, %parallel_loop3A_773], %parallel_loop3A_776 {add = true, strides = array<i32>} : memref<4x4x8x512xf32, #tpu.memory_space<vmem>>, vector<1x1x1x16xf32>,
        %parallel_loop3A_777 = arith.constant 3 : i32
        %parallel_loop3A_778 = arith.constant 1 : i32
        %parallel_loop3A_779 = arith.constant 7 : i32
        %parallel_loop3A_780 = arith.index_cast %parallel_loop3A_777 : i32 to index
        %parallel_loop3A_781 = arith.index_cast %parallel_loop3A_778 : i32 to index
        %parallel_loop3A_782 = arith.index_cast %parallel_loop3A_779 : i32 to index
        %parallel_loop3A_783 = arith.index_cast %parallel_loop3A_430 : i32 to index
        %parallel_loop3A_784 = tpu.vector_load %arg6[%parallel_loop3A_780, %parallel_loop3A_781, %parallel_loop3A_782, %parallel_loop3A_783] {strides = array<i32>} : memref<4x4x8x512xf32, #tpu.memory_space<vmem>>, vector<1x1x1x16xf32>,
        %parallel_loop3A_785 = vector.shape_cast %parallel_loop3A_784 : vector<1x1x1x16xf32> to vector<16xf32>
        %parallel_loop3A_786 = vector.shape_cast %parallel_loop3A_766 : vector<16xf32> to vector<1x1x1x16xf32>
        tpu.vector_store %arg6[%parallel_loop3A_780, %parallel_loop3A_781, %parallel_loop3A_782, %parallel_loop3A_783], %parallel_loop3A_786 {add = true, strides = array<i32>} : memref<4x4x8x512xf32, #tpu.memory_space<vmem>>, vector<1x1x1x16xf32>,
        %parallel_loop3A_787 = arith.constant 3 : i32
        %parallel_loop3A_788 = arith.constant 2 : i32
        %parallel_loop3A_789 = arith.constant 7 : i32
        %parallel_loop3A_790 = arith.index_cast %parallel_loop3A_787 : i32 to index
        %parallel_loop3A_791 = arith.index_cast %parallel_loop3A_788 : i32 to index
        %parallel_loop3A_792 = arith.index_cast %parallel_loop3A_789 : i32 to index
        %parallel_loop3A_793 = arith.index_cast %parallel_loop3A_430 : i32 to index
        %parallel_loop3A_794 = tpu.vector_load %arg6[%parallel_loop3A_790, %parallel_loop3A_791, %parallel_loop3A_792, %parallel_loop3A_793] {strides = array<i32>} : memref<4x4x8x512xf32, #tpu.memory_space<vmem>>, vector<1x1x1x16xf32>,
        %parallel_loop3A_795 = vector.shape_cast %parallel_loop3A_794 : vector<1x1x1x16xf32> to vector<16xf32>
        %parallel_loop3A_796 = vector.shape_cast %parallel_loop3A_766 : vector<16xf32> to vector<1x1x1x16xf32>
        tpu.vector_store %arg6[%parallel_loop3A_790, %parallel_loop3A_791, %parallel_loop3A_792, %parallel_loop3A_793], %parallel_loop3A_796 {add = true, strides = array<i32>} : memref<4x4x8x512xf32, #tpu.memory_space<vmem>>, vector<1x1x1x16xf32>,
        %parallel_loop3A_797 = arith.constant 3 : i32
        %parallel_loop3A_798 = arith.constant 3 : i32
        %parallel_loop3A_799 = arith.constant 7 : i32
        %parallel_loop3A_800 = arith.index_cast %parallel_loop3A_797 : i32 to index
        %parallel_loop3A_801 = arith.index_cast %parallel_loop3A_798 : i32 to index
        %parallel_loop3A_802 = arith.index_cast %parallel_loop3A_799 : i32 to index
        %parallel_loop3A_803 = arith.index_cast %parallel_loop3A_430 : i32 to index
        %parallel_loop3A_804 = tpu.vector_load %arg6[%parallel_loop3A_800, %parallel_loop3A_801, %parallel_loop3A_802, %parallel_loop3A_803] {strides = array<i32>} : memref<4x4x8x512xf32, #tpu.memory_space<vmem>>, vector<1x1x1x16xf32>,
        %parallel_loop3A_805 = vector.shape_cast %parallel_loop3A_804 : vector<1x1x1x16xf32> to vector<16xf32>
        %parallel_loop3A_806 = vector.shape_cast %parallel_loop3A_766 : vector<16xf32> to vector<1x1x1x16xf32>
        tpu.vector_store %arg6[%parallel_loop3A_800, %parallel_loop3A_801, %parallel_loop3A_802, %parallel_loop3A_803], %parallel_loop3A_806 {add = true, strides = array<i32>} : memref<4x4x8x512xf32, #tpu.memory_space<vmem>>, vector<1x1x1x16xf32>,
      } {sc.loop_unroll_factor = 2 : i64, sc.parallel_access}
      %dma_start3A_413 = arith.constant 3 : i32
      %dma_start3A_414 = arith.constant 0 : i32
      %dma_start3A_415 = arith.constant 0 : i32
      %dma_start3A_416 = arith.constant 0 : i32
      %dma_start3A_417 = tpu.memref_slice %arg6[%dma_start3A_413, %dma_start3A_414, %dma_start3A_415, %dma_start3A_416] : memref<4x4x8x512xf32, #tpu.memory_space<vmem>> -> memref<1x4x8x512xf32, #tpu.memory_space<vmem>>
      %dma_start3A_418 = tpu.memref_squeeze %dma_start3A_417 : memref<1x4x8x512xf32, #tpu.memory_space<vmem>> -> memref<4x8x512xf32, #tpu.memory_space<vmem>>
      %dma_start3A_419 = arith.constant 0 : i32
      %dma_start3A_420 = arith.constant 1536 : i32
      %dma_start3A_421 = tpu.memref_slice %arg4[%dma_start3A_419, %add3A_104, %dma_start3A_420] : memref<4x4096x2048xf32, #tpu.memory_space<hbm>> -> memref<4x8x512xf32, #tpu.memory_space<hbm>>
      %dma_start3A_422 = arith.constant 0 : i32
      %dma_start3A_423 = arith.constant 1536 : i32
      %dma_start3A_424 = tpu.memref_slice %arg4[%dma_start3A_422, %add3A_104, %dma_start3A_423] : memref<4x4096x2048xf32, #tpu.memory_space<hbm>> -> memref<4x8x512xf32, #tpu.memory_space<hbm>>
      %dma_start3A_425 = arith.constant 0 : i32
      %dma_start3A_426 = arith.constant 0 : i32
      %dma_start3A_427 = arith.constant 0 : i32
      %dma_start3A_428 = tpu.memref_slice %arg6[%dma_start3A_413, %dma_start3A_425, %dma_start3A_426, %dma_start3A_427] : memref<4x4x8x512xf32, #tpu.memory_space<vmem>> -> memref<1x4x8x512xf32, #tpu.memory_space<vmem>>
      %dma_start3A_429 = tpu.memref_squeeze %dma_start3A_428 : memref<1x4x8x512xf32, #tpu.memory_space<vmem>> -> memref<4x8x512xf32, #tpu.memory_space<vmem>>
      tpu.enqueue_dma source(%dma_start3A_429 : memref<4x8x512xf32, #tpu.memory_space<vmem>>) target(%dma_start3A_424 : memref<4x8x512xf32, #tpu.memory_space<hbm>>) target_semaphore(%arg14 : memref<!tpu.dma_semaphore, #tpu.memory_space<semaphore_mem>>)
    }
    %scan3A_65 = arith.constant 16 : i32
    %add3A_66 = arith.constant 120 : i32
    %add3A_67 = arith.addi %mul3A_2, %add3A_66 : i32
    %dma_wait3A = arith.constant 2 : i32
    %dma_wait3A_68 = arith.constant 0 : i32
    %dma_wait3A_69 = arith.constant 0 : i32
    %dma_wait3A_70 = arith.constant 0 : i32
    %dma_wait3A_71 = tpu.memref_slice %arg6[%dma_wait3A, %dma_wait3A_68, %dma_wait3A_69, %dma_wait3A_70] : memref<4x4x8x512xf32, #tpu.memory_space<vmem>> -> memref<1x4x8x512xf32, #tpu.memory_space<vmem>>
    %dma_wait3A_72 = tpu.memref_squeeze %dma_wait3A_71 : memref<1x4x8x512xf32, #tpu.memory_space<vmem>> -> memref<4x8x512xf32, #tpu.memory_space<vmem>>
    %dma_wait3A_73 = arith.constant 0 : i32
    %dma_wait3A_74 = arith.constant 1024 : i32
    %dma_wait3A_75 = tpu.memref_slice %arg4[%dma_wait3A_73, %add3A_67, %dma_wait3A_74] : memref<4x4096x2048xf32, #tpu.memory_space<hbm>> -> memref<4x8x512xf32, #tpu.memory_space<hbm>>
    %dma_wait3A_76 = arith.constant 0 : i32
    %dma_wait3A_77 = arith.constant 1024 : i32
    %dma_wait3A_78 = tpu.memref_slice %arg4[%dma_wait3A_76, %add3A_67, %dma_wait3A_77] : memref<4x4096x2048xf32, #tpu.memory_space<hbm>> -> memref<4x8x512xf32, #tpu.memory_space<hbm>>
    %dma_wait3A_79 = arith.constant 0 : i32
    %dma_wait3A_80 = arith.constant 0 : i32
    %dma_wait3A_81 = arith.constant 0 : i32
    %dma_wait3A_82 = tpu.memref_slice %arg6[%dma_wait3A, %dma_wait3A_79, %dma_wait3A_80, %dma_wait3A_81] : memref<4x4x8x512xf32, #tpu.memory_space<vmem>> -> memref<1x4x8x512xf32, #tpu.memory_space<vmem>>
    %dma_wait3A_83 = tpu.memref_squeeze %dma_wait3A_82 : memref<1x4x8x512xf32, #tpu.memory_space<vmem>> -> memref<4x8x512xf32, #tpu.memory_space<vmem>>
    tpu.wait_dma2 semaphore(%arg13 : memref<!tpu.dma_semaphore, #tpu.memory_space<semaphore_mem>>) src(%dma_wait3A_83 : memref<4x8x512xf32, #tpu.memory_space<vmem>>) dst(%dma_wait3A_78 : memref<4x8x512xf32, #tpu.memory_space<hbm>>)
    %dma_wait3A_84 = arith.constant 3 : i32
    %dma_wait3A_85 = arith.constant 0 : i32
    %dma_wait3A_86 = arith.constant 0 : i32
    %dma_wait3A_87 = arith.constant 0 : i32
    %dma_wait3A_88 = tpu.memref_slice %arg6[%dma_wait3A_84, %dma_wait3A_85, %dma_wait3A_86, %dma_wait3A_87] : memref<4x4x8x512xf32, #tpu.memory_space<vmem>> -> memref<1x4x8x512xf32, #tpu.memory_space<vmem>>
    %dma_wait3A_89 = tpu.memref_squeeze %dma_wait3A_88 : memref<1x4x8x512xf32, #tpu.memory_space<vmem>> -> memref<4x8x512xf32, #tpu.memory_space<vmem>>
    %dma_wait3A_90 = arith.constant 0 : i32
    %dma_wait3A_91 = arith.constant 1536 : i32
    %dma_wait3A_92 = tpu.memref_slice %arg4[%dma_wait3A_90, %add3A_67, %dma_wait3A_91] : memref<4x4096x2048xf32, #tpu.memory_space<hbm>> -> memref<4x8x512xf32, #tpu.memory_space<hbm>>
    %dma_wait3A_93 = arith.constant 0 : i32
    %dma_wait3A_94 = arith.constant 1536 : i32
    %dma_wait3A_95 = tpu.memref_slice %arg4[%dma_wait3A_93, %add3A_67, %dma_wait3A_94] : memref<4x4096x2048xf32, #tpu.memory_space<hbm>> -> memref<4x8x512xf32, #tpu.memory_space<hbm>>
    %dma_wait3A_96 = arith.constant 0 : i32
    %dma_wait3A_97 = arith.constant 0 : i32
    %dma_wait3A_98 = arith.constant 0 : i32
    %dma_wait3A_99 = tpu.memref_slice %arg6[%dma_wait3A_84, %dma_wait3A_96, %dma_wait3A_97, %dma_wait3A_98] : memref<4x4x8x512xf32, #tpu.memory_space<vmem>> -> memref<1x4x8x512xf32, #tpu.memory_space<vmem>>
    %dma_wait3A_100 = tpu.memref_squeeze %dma_wait3A_99 : memref<1x4x8x512xf32, #tpu.memory_space<vmem>> -> memref<4x8x512xf32, #tpu.memory_space<vmem>>
    tpu.wait_dma2 semaphore(%arg14 : memref<!tpu.dma_semaphore, #tpu.memory_space<semaphore_mem>>) src(%dma_wait3A_100 : memref<4x8x512xf32, #tpu.memory_space<vmem>>) dst(%dma_wait3A_95 : memref<4x8x512xf32, #tpu.memory_space<hbm>>)
    return
  }
}

</mosaic_0001>

<sc_bundles>
// kernel: kernel.3.cloned.1.call-start
scs
__scs_entry_jumppad:
0x0: {  	(pc) =	sbr.rel $0x88, $3  }
0x1: {  	(tag) =	ssettag $0x0;
	lr =	simm.s32 $0x1  }
0x2: {  	[smem:$0x3F9F] =	sst lr;
	_ =	strace $0xD0000000  }
0x3: {  	_ = 	snop  }
0x4: {  	_ = 	snop  }
0x5: {  	_ = 	snop  }
0x6: {  	_ = 	snop  }
0x7: {  	_ = 	snop  }
__scs_overlays_trampoline_lowered:
0x8: {  	[smem:$0x3FAE] =	sst s0  }
0x9: {  	[smem:$0x3FAF] =	sst s1  }
0xa: {  	[smem:$0x3FB0] =	sst s2  }
0xb: {  	[smem:$0x3FB1] =	sst s3  }
0xc: {  	[smem:$0x3FB2] =	sst s4  }
0xd: {  	[smem:$0x3FB3] =	sst s5  }
0xe: {  	[smem:$0x3FB4] =	sst s6  }
0xf: {  	[smem:$0x3FB5] =	sst s7  }
0x10: {  	[smem:$0x3FB6] =	sst s8  }
0x11: {  	[smem:$0x3FB7] =	sst s9;
	s0 =	simm.s32 @!p0 $0x0  }
0x12: {  	s1 =	sld [smem:$0x3F9D];
	s0 =	simm.s32 @p0 $0x1  }
0x13: {  	[smem:$0x3FB8] =	sst s0;
	s0 =	simm.s32 @!p1 $0x0  }
0x14: {  	s2 =	sld [smem:$0x3F9C];
	s0 =	simm.s32 @p1 $0x1  }
0x15: {  	[smem:$0x3FB9] =	sst s0;
	s0 =	simm.s32 @!p2 $0x0  }
0x16: {  	s3 =	sld [smem:$0x3FDB];
	s0 =	simm.s32 @p2 $0x1  }
0x17: {  	s4 =	simm.s32 $0x1BF5;
	[smem:$0x3FBB] =	sst s0  }
0x18: {  	s0 =	sld [smem:$0x3F9E];
	_ =	swait.ge [sflag:s4], $0x0  }
0x19: {  	s7 =	sld [smem:$0x3F9F]  }
0x1a: {  	s8 =	sadd.s32 $0xFFFFE003, lr  }
0x1b: {  	s9 =	sadd.s32 $0xFFFFFEF7, lr;
	s5 =	simm.s32 $0xFFFFFFFF;
	p2 =	slt.u32 s8, $0xFFFFF086  }
0x1c: {  	p1 =	slt.u32 s9, $0xF7A;
	s5 =	simm.s32 @!p2 $0x0  }
0x1d: {  	s5 =	simm.s32 @p1 $0x1;
	p0 =	seq.s32 s7, s2  }
0x1e: {  	s7 =	smul.u32 @!p0 $0xF7A, s2;
	p2 =	seq.s32 @!p0 s5, $0x0  }
0x1f: {  	s9 =	smul.u32 $0xF7A, s1;
	s8 =	simm.s32 @!p0 $0x1BF5;
	p2 =	por !p2, p0  }
0x20: {  	[sflag:s8] =	ssyncset.s32 @!p0 $0xFFFFF086;
	s6 =	sadd.s32 @!p0 s3, s7;
	s7 =	simm.s32 @!p0 $0x108  }
0x21: {  	s3 =	sadd.s32 s3, s9;
	s6 =	sadd.s32 @!p0 $0x88, s6;
	s7 =	simm.s32 @p2 $0x1082  }
0x22: {  	[simem:s7], [sflag:s8] =	dma.local @!p0 [hbm:s6], $0xF7A  }
0x23: {  	s9 =	sor.u32 $0xD0000000, s2;
	s6 =	simm.s32 $0x108;
	_ =	swait.ge @!p0 [sflag:s8], $0x0  }
0x24: {  	s3 =	sadd.s32 $0x88, s3;
	s6 =	simm.s32 @!p1 $0x1082;
	[sflag:s4] =	ssyncset.s32 $0xFFFFF086  }
0x25: {  	[simem:s6], [sflag:s4] =	dma.local [hbm:s3], $0xF7A  }
0x26: {  	[smem:$0x3F9F] =	sst s1;
	(tag) =	ssettag s2;
	_ =	strace s9  }
0x27: {  	s1 =	sld [smem:$0x3FAF]  }
0x28: {  	s2 =	sld [smem:$0x3FB0]  }
0x29: {  	s4 =	sld [smem:$0x3FB2]  }
0x2a: {  	p0 =	seq.s32 s5, $0x0;
	s5 =	sld [smem:$0x3FB3]  }
0x2b: {  	s6 =	sld [smem:$0x3FB4]  }
0x2c: {  	s7 =	sld [smem:$0x3FB5]  }
0x2d: {  	s3 =	simm.s32 $0x108;
	s8 =	sld [smem:$0x3FB6]  }
0x2e: {  	s3 =	simm.s32 @!p0 $0x1082;
	s9 =	sld [smem:$0x3FB7]  }
0x2f: {  	lr =	sadd.s32 s0, s3;
	s0 =	sld [smem:$0x3FAE]  }
0x30: {  	s3 =	sld [smem:$0x3FB1]  }
0x31: {  	[smem:$0x3FBA] =	sst s10  }
0x32: {  	s10 =	sld [smem:$0x3FB8];
	_ =	sdelay $0x3  }
0x33: {  	p0 =	seq.s32 s10, $0x1;
	s10 =	sld [smem:$0x3FBA];
	_ =	sdelay $0x3  }
0x34: {  	[smem:$0x3FBA] =	sst s10  }
0x35: {  	s10 =	sld [smem:$0x3FB9];
	_ =	sdelay $0x3  }
0x36: {  	p1 =	seq.s32 s10, $0x1;
	s10 =	sld [smem:$0x3FBA];
	_ =	sdelay $0x3  }
0x37: {  	[smem:$0x3FBA] =	sst s10  }
0x38: {  	s10 =	sld [smem:$0x3FBB]  }
0x39: {  	_ = 	snop;
	(pc) =	sbr.ind lr, $3  }
0x3a: {  	_ = 	snop  }
0x3b: {  	_ = 	snop  }
0x3c: {  	p2 =	seq.s32 s10, $0x1;
	s10 =	sld [smem:$0x3FBA]  }
0x3d: {  	_ =	shalt  }
0x3e: {  	_ =	shalt  }
0x3f: {  	_ =	shalt  }
0x40: {  	_ =	shalt  }
0x41: {  	_ =	shalt  }
0x42: {  	_ =	shalt  }
0x43: {  	_ =	shalt  }
0x44: {  	_ =	shalt  }
0x45: {  	_ =	shalt  }
0x46: {  	_ =	shalt  }
0x47: {  	_ =	shalt  }
0x48: {  	_ =	shalt  }
0x49: {  	_ =	shalt  }
0x4a: {  	_ =	shalt  }
0x4b: {  	_ =	shalt  }
0x4c: {  	_ =	shalt  }
0x4d: {  	_ =	shalt  }
0x4e: {  	_ =	shalt  }
0x4f: {  	_ =	shalt  }
0x50: {  	_ =	shalt  }
0x51: {  	_ =	shalt  }
0x52: {  	_ =	shalt  }
0x53: {  	_ =	shalt  }
0x54: {  	_ =	shalt  }
0x55: {  	_ =	shalt  }
0x56: {  	_ =	shalt  }
0x57: {  	_ =	shalt  }
0x58: {  	_ =	shalt  }
0x59: {  	_ =	shalt  }
0x5a: {  	_ =	shalt  }
0x5b: {  	_ =	shalt  }
0x5c: {  	_ =	shalt  }
0x5d: {  	_ =	shalt  }
0x5e: {  	_ =	shalt  }
0x5f: {  	_ =	shalt  }
0x60: {  	_ =	shalt  }
0x61: {  	_ =	shalt  }
0x62: {  	_ =	shalt  }
0x63: {  	_ =	shalt  }
0x64: {  	_ =	shalt  }
0x65: {  	_ =	shalt  }
0x66: {  	_ =	shalt  }
0x67: {  	_ =	shalt  }
0x68: {  	_ =	shalt  }
0x69: {  	_ =	shalt  }
0x6a: {  	_ =	shalt  }
0x6b: {  	_ =	shalt  }
0x6c: {  	_ =	shalt  }
0x6d: {  	_ =	shalt  }
0x6e: {  	_ =	shalt  }
0x6f: {  	_ =	shalt  }
0x70: {  	_ =	shalt  }
0x71: {  	_ =	shalt  }
0x72: {  	_ =	shalt  }
0x73: {  	_ =	shalt  }
0x74: {  	_ =	shalt  }
0x75: {  	_ =	shalt  }
0x76: {  	_ =	shalt  }
0x77: {  	_ =	shalt  }
0x78: {  	_ =	shalt  }
0x79: {  	_ =	shalt  }
0x7a: {  	_ =	shalt  }
0x7b: {  	_ =	shalt  }
0x7c: {  	_ =	shalt  }
0x7d: {  	_ =	shalt  }
0x7e: {  	_ =	shalt  }
0x7f: {  	_ =	shalt  }
0x80: {  	_ =	shalt  }
0x81: {  	_ =	shalt  }
0x82: {  	_ =	shalt  }
0x83: {  	_ =	shalt  }
0x84: {  	_ =	shalt  }
0x85: {  	_ =	shalt  }
0x86: {  	_ =	shalt  }
0x87: {  	_ =	shalt  }
.Lfunc_end0:
.L_simem_size_0:
called_computation_lowered:
.L_overlay_start_0:
0x88: {  	s2 =	sld [smem:$0x3FD9]  }
0x89: {  	s3 =	sld [smem:$0x3FFE];
	_ =	sdelay $0x1  }
0x8a: {  	s1 =	srdreg.scid  }
0x8b: {  	s0 =	sand.u32 $0x1, s1  }
0x8c: {  	s18 =	sshll.u32 s0, $0xA;
	s2 =	sadd.s32 s3, s2  }
0x8d: {  	s2 =	sadd.s32 s2, s18  }
0x8e: {  	[smem:$0x3FC6] =	sst s2  }
0x8f: {  	_ = 	snop  }
0x90: {  	s2 =	sld [smem:$0x3FC9]  }
0x91: {  	s19 =	sld [smem:$0x3FC8]  }
0x92: {  	s4 =	sld [smem:$0x3FD0];
	(tm) =	ssettm $0x1  }
0x93: {  	s5 =	sld [smem:$0x3FFB];
	_ =	sdelay $0x3  }
0x94: {  	_ =	strace s5  }
0x95: {  	s5 =	sld [smem:$0x3FFC];
	_ =	sdelay $0x3  }
0x96: {  	_ =	strace s5  }
0x97: {  	s5 =	sld [smem:$0x3FFD];
	_ =	sdelay $0x3  }
0x98: {  	_ =	strace s5  }
0x99: {  	_ =	strace $0x8FFFFFFF  }
0x9a: {  	s20 =	sld [smem:$0x3FDB];
	_ =	sdelay $0x1  }
0x9b: {  	s6 =	simm.s32 $_scs_section_size  }
0x9c: {  	s7 =	simm.s32 $_size__tile_overlayer_lowered;
	s8 =	simm.s32 $_tile_overlayer_lowered  }
0x9d: {  	s23 =	simm.s32 $0x1BFF;
	s22 =	sshll.u32 s8, $0x1;
	s5 =	sadd.s32 s6, s20  }
0x9e: {  	s9 =	simm.s32 $0x0;
	s21 =	sshll.u32 s7, $0x1;
	s7 =	sadd.s32 s22, s5  }
0x9f: {  	[timem:s9], [sflag:s23] =	dma.local [hbm:s7], s21  }
0xa0: {  	_ =	swait.ge [sflag:s23], s21  }
0xa1: {  	s6 =	ssub.s32 $0x0, s21;
	[sflag:s23] =	ssyncset.done $0x0  }
0xa2: {  	[sflag:s23] =	ssyncadd.s32 s6;
	_ =	sdelay $0x1  }
0xa3: {  	s24 =	simm.s32 $0x1B8B  }
0xa4: {  	_ =	swait.ge [sflag:s24], $0x1  }
0xa5: {  	[sflag:s24] =	ssyncset.done $0x0  }
0xa6: {  	s25 =	simm.s32 $0x1B8E;
	[sflag:s24] =	ssyncadd.s32 $0xFFFFFFFF  }
0xa7: {  	s26 =	simm.s32 $execute0_lowered;
	[smem:$0x3FD2] =	sst s25  }
0xa8: {  	s6 =	sshll.u32 s26, $0x1;
	_ =	strace $0x80000046;
	[dreg:$0x1] =	wrdreg $0xFFFFFFFF  }
0xa9: {  	s28 =	simm.s32 $_size_execute0_lowered;
	s5 =	sadd.s32 s5, s6;
	[dreg:$0x0] =	wrdreg $0x0  }
0xaa: {  	s6 =	sshll.u32 s28, $0x1;
	[dreg:$0x2] =	wrdreg s5  }
0xab: {  	[dreg:$0x3] =	wrdreg s6  }
0xac: {  	[dreg:$0x4] =	wrdreg $0xC0  }
0xad: {  	_ =	task [dreg:s9], $0x5FFFF  }
0xae: {  	[dreg:$0x1] =	wrdreg $0xFFFFFFFF  }
0xaf: {  	[dreg:$0x0] =	wrdreg $0x60  }
0xb0: {  	[dreg:$0x2] =	wrdreg s2  }
0xb1: {  	[dreg:$0x3] =	wrdreg s19  }
0xb2: {  	[dreg:$0x4] =	wrdreg s4  }
0xb3: {  	[dreg:$0x5] =	wrdreg $0x9  }
0xb4: {  	_ =	task.clear_ibuf [dreg:s9], $0x6FFFF;
	_ =	strace $0x90000046  }
0xb5: {  	s29 =	simm.s32 $0x9;
	_ =	strace $0x80000048  }
0xb6: {  	_ =	swait.ge [sflag:s29], $0x1  }
0xb7: {  	[sflag:s29] =	ssyncadd.s32 $0xFFFFFFFF  }
0xb8: {  	_ =	strace $0x90000048  }
0xb9: {  	_ =	sfence  }
0xba: {  	s30 =	sld [smem:$0x0];
	_ =	sdelay $0x2  }
0xbb: {  	s31 =	sshll.u32 s1, $0xD;
	s1 =	sshrl.u32 s1, $0x2  }
0xbc: {  	s3 =	sand.u32 $0x4000, s31;
	s1 =	sadd.s32 s1, s30  }
0xbd: {  	s0 =	sor.u32 s3, s0;
	s1 =	sshll.u32 s1, $0x11  }
0xbe: {  	s0 =	sor.u32 s1, s0  }
0xbf: {  	s0 =	sadd.s32 $0x8F2B, s0  }
0xc0: {  	[sflag:s0] =	ssyncadd.remote.s32 $0x1  }
0xc1: {  	_ =	sfence.sel $0xFFFF  }
0xc2: {  	[dreg:$0x0] =	wrdreg $0xFFFFFFFF;
	(pc) =	sbr.abs _section_cstart, $3  }
0xc3: {  	[dreg:$0x1] =	wrdreg $0xFFFFFFFF  }
0xc4: {  	_ =	task.clear_ibuf [dreg:s9], $0x2FFFF;
	_ =	strace $0x9FFFFFFF  }
0xc5: {  	(tm) =	ssettm $0x7FFFFFFF  }
tec
execute0_lowered:
.L_overlay_start_1:
0x0: {  	(tag) =	ssettag $0x1  }
0x1: {  	s3 =	rddreg [dreg:$0x0]  }
0x2: {  	s4 =	rddreg [dreg:$0x1]  }
0x3: {  	s0 =	srdreg.scid;
	s5 =	rddreg [dreg:$0x2]  }
0x4: {  	s1 =	stileid.u32;
	s6 =	simm.s32 $0x0;
	s0 =	sand.u32 $0x1, s0  }
0x5: {  	s1 =	sshll.u32 s1, $0x8;
	[smem:$0x7FF] =	sst s6;
	s31 =	sadd.s32 $0x200, s5  }
0x6: {  	s2 =	sshll.u32 s0, $0x7;
	s0 =	ssub.s32 $0x2, s0;
	_ =	strace $0x80000047  }
0x7: {  	[dreg:$0x1a] =	wrdreg s31;
	s7 =	sor.u32 s2, s1;
	s25 =	sshrl.u32 s0, $0x1  }
0x8: {  	s2 =	sshll.u32 s7, $0x8;
	[dreg:$0x14] =	wrdreg s7;
	s30 =	sshrl.u32 s7, $0x3  }
0x9: {  	s0 =	ssub.s32 s0, s25;
	s28 =	sadd.s32 s4, s2;
	[dreg:$0x19] =	wrdreg s30  }
0xa: {  	s26 =	sor.u32 $0x200, s2;
	s2 =	sadd.s32 s3, s2;
	[dreg:$0x15] =	wrdreg s28  }
0xb: {  	s0 =	smax.u32 s0, $0x1;
	[dreg:$0x16] =	wrdreg s2  }
0xc: {  	s29 =	sadd.s32 s4, s26;
	[dreg:$0x1b] =	wrdreg s0  }
0xd: {  	s1 =	sadd.s32 s3, s26;
	s2 =	simm.s32 $0x1000;
	[dreg:$0x17] =	wrdreg s29  }
0xe: {  	s3 =	simm.s32 $0x800000;
	s4 =	simm.s32 $0x0;
	[dreg:$0x18] =	wrdreg s1  }
.LBB2_1:
0xf: {  	[dreg:$0x1c] =	wrdreg s4  }
0x10: {  	s0 =	simm.s32 $0x0;
	s1 =	rddreg [dreg:$0x15]  }
0x11: {  	[tilespmem:s0], [sflag:$0x1] =	stream.linear.gather [hbm4b:s1+s0], $0x1000, $0x38;
	[tilespmem:$0x14000] =	vst v63  }
0x12: {  	s26 =	rddreg [dreg:$0x16];
	s28 =	simm.s32 $0x4000  }
0x13: {  	[tilespmem:s28], [sflag:$0x1] =	stream.strided.gather [hbm4b:s26+s2], $0x4000, s3, s2, $0x38;
	[tilespmem:$0x14000] =	vst v63  }
0x14: {  	s29 =	rddreg [dreg:$0x17]  }
0x15: {  	[tilespmem:s2], [sflag:$0x2] =	stream.linear.gather [hbm4b:s29+s0], $0x1000, $0x38;
	[tilespmem:$0x14000] =	vst v63  }
0x16: {  	s30 =	rddreg [dreg:$0x18];
	s31 =	simm.s32 $0x8000;
	s4 =	simm.s32 $0x0  }
0x17: {  	[tilespmem:s31], [sflag:$0x2] =	stream.strided.gather [hbm4b:s30+s2], $0x4000, s3, s2, $0x38;
	[tilespmem:$0x14000] =	vst v63  }
.LBB2_2:
0x18: {  	p0 =	seq.s32 s4, $0x0;
	s1 =	rddreg [dreg:$0x19]  }
0x19: {  	[smem:$0x7FB] =	sst s4;
	s0 =	simm.s32 @!p0 $0x7  }
0x1a: {  	s1 =	sor.u32 s1, s4;
	_ =	swait.ge @!p0 [sflag:s0], $0x4000  }
0x1b: {  	s1 =	sshll.u32 s1, $0xB;
	[sflag:s0] =	ssyncset.done @!p0 $0x0  }
0x1c: {  	s10 =	simm.s32 $0x0;
	[smem:$0x7FC] =	sst s1;
	[sflag:s0] =	ssyncadd.s32 @!p0 $0xFFFFC000  }
0x1d: {  	s22 =	simm.s32 $0x2000;
	s21 =	sor.u32 $0x400, s1;
	s0 =	rddreg [dreg:$0x1]  }
0x1e: {  	s24 =	simm.s32 $0xC000;
	s23 =	rddreg [dreg:$0x0];
	s0 =	sadd.s32 s0, s21  }
0x1f: {  	[tilespmem:s22], [sflag:$0x3] =	stream.linear.gather [hbm4b:s0+s10], $0x1000, $0x38;
	[tilespmem:$0x14000] =	vst v63  }
0x20: {  	s25 =	simm.s32 $0x1;
	[dreg:$0x1e] =	wrdreg s21;
	s0 =	sadd.s32 s23, s21  }
0x21: {  	[tilespmem:s24], [sflag:$0x3] =	stream.strided.gather [hbm4b:s0+s2], $0x4000, s3, s2, $0x38;
	[tilespmem:$0x14000] =	vst v63  }
0x22: {  	_ =	swait.ge [sflag:s25], $0x1000  }
0x23: {  	[sflag:s25] =	ssyncset.done $0x0  }
0x24: {  	s30 =	simm.s32 $0x0;
	[sflag:s25] =	ssyncadd.s32 $0xFFFFF000  }
0x25: {  	s9 =	sand.u32 $0x60, s30;
	_ =	swait.ge [sflag:s25], $0x4000  }
0x26: {  	s1 =	sand.u32 $0xC00, s10;
	s2 =	sor.u32 $0x10, s9;
	[sflag:s25] =	ssyncset.done $0x0  }
0x27: {  	s3 =	sor.u32 s2, s1;
	[sflag:s25] =	ssyncadd.s32 $0xFFFFC000  }
0x28: {  	s0 =	sor.u32 s9, s1;
	v0 =	vld [tilespmem:s3+$0x0]  }
0x29: {  	v1 =	vld [tilespmem:s0+$0x0];
	_ =	sdelay $0x2  }
0x2a: {  	s5 =	sor.u32 $0x4000, s3  }
0x2b: {  	s26 =	sor.u32 $0x5000, s1;
	s12 =	sor.u32 $0x4000, s0;
	[tilespmem:s5+$0x0] =	vst.add.f32.msk $0xffff, v0  }
0x2c: {  	s6 =	sor.u32 $0x6000, s1;
	s29 =	sor.u32 s2, s26;
	[tilespmem:s12+$0x0] =	vst.add.f32.msk $0xffff, v1  }
0x2d: {  	s7 =	sor.u32 $0x7000, s1;
	s8 =	sor.u32 s2, s6;
	[tilespmem:s29+$0x0] =	vst.add.f32.msk $0xffff, v0  }
0x2e: {  	s11 =	sor.u32 s2, s7;
	[tilespmem:s8+$0x0] =	vst.add.f32.msk $0xffff, v0  }
0x2f: {  	[tilespmem:s11+$0x0] =	vst.add.f32.msk $0xffff, v0  }
0x30: {  	s4 =	sor.u32 s9, s26;
	v0 =	vld [tilespmem:s3+$0x80]  }
0x31: {  	s6 =	sor.u32 s9, s6;
	[tilespmem:s4+$0x0] =	vst.add.f32.msk $0xffff, v1  }
0x32: {  	s18 =	sor.u32 s9, s7;
	[tilespmem:s6+$0x0] =	vst.add.f32.msk $0xffff, v1  }
0x33: {  	[tilespmem:s18+$0x0] =	vst.add.f32.msk $0xffff, v1  }
0x34: {  	s13 =	sor.u32 $0x5080, s1;
	s8 =	sor.u32 $0x4080, s3;
	v1 =	vld [tilespmem:s0+$0x80]  }
0x35: {  	s14 =	sor.u32 s2, s13;
	s12 =	sor.u32 $0x6080, s1;
	[tilespmem:s8+$0x0] =	vst.add.f32.msk $0xffff, v0  }
0x36: {  	s15 =	sor.u32 $0x7080, s1;
	s16 =	sor.u32 s2, s12;
	[tilespmem:s14+$0x0] =	vst.add.f32.msk $0xffff, v0  }
0x37: {  	s17 =	sor.u32 s2, s15;
	[tilespmem:s16+$0x0] =	vst.add.f32.msk $0xffff, v0  }
0x38: {  	[tilespmem:s17+$0x0] =	vst.add.f32.msk $0xffff, v0  }
0x39: {  	v0 =	vld [tilespmem:s3+$0x100];
	_ =	sdelay $0x2  }
0x3a: {  	s23 =	sor.u32 $0x4080, s0  }
0x3b: {  	s19 =	sor.u32 $0x4100, s3;
	s8 =	sor.u32 $0x5100, s1;
	[tilespmem:s23+$0x0] =	vst.add.f32.msk $0xffff, v1  }
0x3c: {  	s11 =	sor.u32 $0x6100, s1;
	s20 =	sor.u32 s2, s8;
	[tilespmem:s19+$0x0] =	vst.add.f32.msk $0xffff, v0  }
0x3d: {  	s21 =	sor.u32 s2, s11;
	s17 =	sor.u32 $0x7100, s1;
	[tilespmem:s20+$0x0] =	vst.add.f32.msk $0xffff, v0  }
0x3e: {  	s22 =	sor.u32 s2, s17;
	[tilespmem:s21+$0x0] =	vst.add.f32.msk $0xffff, v0  }
0x3f: {  	[tilespmem:s22+$0x0] =	vst.add.f32.msk $0xffff, v0  }
0x40: {  	s7 =	sor.u32 s9, s13;
	v0 =	vld [tilespmem:s3+$0x180]  }
0x41: {  	s12 =	sor.u32 s9, s12;
	[tilespmem:s7+$0x0] =	vst.add.f32.msk $0xffff, v1  }
0x42: {  	s13 =	sor.u32 s9, s15;
	[tilespmem:s12+$0x0] =	vst.add.f32.msk $0xffff, v1  }
0x43: {  	[tilespmem:s13+$0x0] =	vst.add.f32.msk $0xffff, v1  }
0x44: {  	s24 =	sor.u32 $0x4180, s3;
	s16 =	sor.u32 $0x5180, s1;
	v1 =	vld [tilespmem:s0+$0x100]  }
0x45: {  	s14 =	sor.u32 $0x6180, s1;
	s25 =	sor.u32 s2, s16;
	[tilespmem:s24+$0x0] =	vst.add.f32.msk $0xffff, v0  }
0x46: {  	s6 =	sor.u32 $0x7180, s1;
	s26 =	sor.u32 s2, s14;
	[tilespmem:s25+$0x0] =	vst.add.f32.msk $0xffff, v0  }
0x47: {  	s29 =	sor.u32 s2, s6;
	[tilespmem:s26+$0x0] =	vst.add.f32.msk $0xffff, v0  }
0x48: {  	[tilespmem:s29+$0x0] =	vst.add.f32.msk $0xffff, v0  }
0x49: {  	v0 =	vld [tilespmem:s3+$0x200];
	_ =	sdelay $0x2  }
0x4a: {  	s23 =	sor.u32 $0x4100, s0  }
0x4b: {  	s15 =	sor.u32 $0x4200, s3;
	s19 =	sor.u32 $0x5200, s1;
	[tilespmem:s23+$0x0] =	vst.add.f32.msk $0xffff, v1  }
0x4c: {  	s18 =	sor.u32 s2, s19;
	s21 =	sor.u32 $0x6200, s1;
	[tilespmem:s15+$0x0] =	vst.add.f32.msk $0xffff, v0  }
0x4d: {  	s20 =	sor.u32 s2, s21;
	s15 =	sor.u32 $0x7200, s1;
	[tilespmem:s18+$0x0] =	vst.add.f32.msk $0xffff, v0  }
0x4e: {  	s22 =	sor.u32 s2, s15;
	[tilespmem:s20+$0x0] =	vst.add.f32.msk $0xffff, v0  }
0x4f: {  	[tilespmem:s22+$0x0] =	vst.add.f32.msk $0xffff, v0  }
0x50: {  	s8 =	sor.u32 s9, s8;
	v0 =	vld [tilespmem:s3+$0x280]  }
0x51: {  	s11 =	sor.u32 s9, s11;
	[tilespmem:s8+$0x0] =	vst.add.f32.msk $0xffff, v1  }
0x52: {  	s17 =	sor.u32 s9, s17;
	[tilespmem:s11+$0x0] =	vst.add.f32.msk $0xffff, v1;
	s20 =	sor.u32 s1, s30  }
0x53: {  	[tilespmem:s17+$0x0] =	vst.add.f32.msk $0xffff, v1;
	s20 =	sor.u32 $0x180, s20  }
0x54: {  	s5 =	sor.u32 $0x5280, s1;
	s24 =	sand.u32 $0x3, s10;
	s3 =	sor.u32 $0x4280, s3;
	v1 =	vld [tilespmem:s20+$0x0]  }
0x55: {  	s12 =	sor.u32 $0x6280, s1;
	s4 =	sshll.u32 s24, $0x5;
	s25 =	sor.u32 s2, s5;
	[tilespmem:s3+$0x0] =	vst.add.f32.msk $0xffff, v0  }
0x56: {  	s7 =	sor.u32 $0x7280, s1;
	s4 =	sadd.s32 $0x0, s4;
	s26 =	sor.u32 s2, s12;
	[tilespmem:s25+$0x0] =	vst.add.f32.msk $0xffff, v0  }
0x57: {  	s29 =	sor.u32 s2, s7;
	s18 =	sadd.s32 $0x10, s4;
	[tilespmem:s26+$0x0] =	vst.add.f32.msk $0xffff, v0  }
0x58: {  	s13 =	sor.u32 $0x300, s18;
	[tilespmem:s29+$0x0] =	vst.add.f32.msk $0xffff, v0  }
0x59: {  	v0 =	vld [tilespmem:s13+$0x0];
	_ =	sdelay $0x3  }
0x5a: {  	s11 =	sor.u32 $0x5300, s1;
	[tilespmem:s20+$0x4000] =	vst.add.f32.msk $0xffff, v1  }
0x5b: {  	s8 =	sor.u32 $0x6300, s1;
	s22 =	sor.u32 s2, s11;
	[tilespmem:s13+$0x4000] =	vst.add.f32.msk $0xffff, v0  }
0x5c: {  	s23 =	sor.u32 s2, s8;
	s3 =	sor.u32 $0x7300, s1;
	[tilespmem:s22+$0x0] =	vst.add.f32.msk $0xffff, v0  }
0x5d: {  	s24 =	sor.u32 s2, s3;
	[tilespmem:s23+$0x0] =	vst.add.f32.msk $0xffff, v0  }
0x5e: {  	s18 =	sor.u32 $0x380, s18;
	s13 =	simm.s32 $0x20;
	[tilespmem:s24+$0x0] =	vst.add.f32.msk $0xffff, v0  }
0x5f: {  	s16 =	sor.u32 s9, s16;
	s25 =	simm.s32 $0x100;
	s29 =	sand.u32 $0x60, s13;
	v0 =	vld [tilespmem:s18+$0x0]  }
0x60: {  	s14 =	sor.u32 s9, s14;
	[tilespmem:s16+$0x0] =	vst.add.f32.msk $0xffff, v1;
	s20 =	sand.u32 $0xC00, s25;
	s17 =	sor.u32 $0x10, s29  }
0x61: {  	[tilespmem:s14+$0x0] =	vst.add.f32.msk $0xffff, v1;
	s14 =	sor.u32 s17, s20  }
0x62: {  	s6 =	sor.u32 s9, s6;
	v2 =	vld [tilespmem:s14+$0x0]  }
0x63: {  	[tilespmem:s6+$0x0] =	vst.add.f32.msk $0xffff, v1  }
0x64: {  	s26 =	sor.u32 $0x6380, s1;
	s13 =	sor.u32 $0x5380, s1;
	[tilespmem:s18+$0x4000] =	vst.add.f32.msk $0xffff, v0  }
0x65: {  	s18 =	sor.u32 s2, s13;
	[smem:$0x7FD] =	sst s26  }
0x66: {  	s23 =	sor.u32 $0x4000, s14;
	[tilespmem:s18+$0x0] =	vst.add.f32.msk $0xffff, v0  }
0x67: {  	[tilespmem:s23+$0x0] =	vst.add.f32.msk $0xffff, v2  }
0x68: {  	s22 =	sor.u32 s2, s26;
	v1 =	vld [tilespmem:s0+$0x200];
	s18 =	sor.u32 $0x7380, s1  }
0x69: {  	[tilespmem:s22+$0x0] =	vst.add.f32.msk $0xffff, v0;
	s1 =	sor.u32 s2, s18  }
0x6a: {  	s22 =	sor.u32 $0x5000, s20;
	s2 =	sor.u32 s29, s20;
	[tilespmem:s1+$0x0] =	vst.add.f32.msk $0xffff, v0  }
0x6b: {  	s23 =	sor.u32 $0x6000, s20;
	s24 =	sor.u32 s17, s22;
	v0 =	vld [tilespmem:s2+$0x0]  }
0x6c: {  	s25 =	sor.u32 s17, s23;
	[tilespmem:s24+$0x0] =	vst.add.f32.msk $0xffff, v2;
	s24 =	sor.u32 $0x7000, s20  }
0x6d: {  	[tilespmem:s25+$0x0] =	vst.add.f32.msk $0xffff, v2;
	s26 =	sor.u32 s17, s24  }
0x6e: {  	s6 =	sor.u32 $0x4200, s0;
	[tilespmem:s26+$0x0] =	vst.add.f32.msk $0xffff, v2  }
0x6f: {  	[tilespmem:s6+$0x0] =	vst.add.f32.msk $0xffff, v1  }
0x70: {  	s16 =	sor.u32 s9, s19;
	v2 =	vld [tilespmem:s14+$0x80]  }
0x71: {  	s19 =	sor.u32 s9, s21;
	[tilespmem:s16+$0x0] =	vst.add.f32.msk $0xffff, v1  }
0x72: {  	s15 =	sor.u32 s9, s15;
	[tilespmem:s19+$0x0] =	vst.add.f32.msk $0xffff, v1  }
0x73: {  	[tilespmem:s15+$0x0] =	vst.add.f32.msk $0xffff, v1  }
0x74: {  	s21 =	sor.u32 $0x4080, s14;
	s1 =	sor.u32 $0x5080, s20;
	v1 =	vld [tilespmem:s0+$0x280]  }
0x75: {  	s25 =	sor.u32 s17, s1;
	[tilespmem:s21+$0x0] =	vst.add.f32.msk $0xffff, v2;
	s21 =	sor.u32 $0x6080, s20  }
0x76: {  	[tilespmem:s25+$0x0] =	vst.add.f32.msk $0xffff, v2;
	s25 =	sor.u32 $0x7080, s20;
	s26 =	sor.u32 s17, s21  }
0x77: {  	[tilespmem:s26+$0x0] =	vst.add.f32.msk $0xffff, v2;
	s6 =	sor.u32 s17, s25  }
0x78: {  	[tilespmem:s6+$0x0] =	vst.add.f32.msk $0xffff, v2  }
0x79: {  	s16 =	sor.u32 $0x4000, s2;
	v2 =	vld [tilespmem:s14+$0x100]  }
0x7a: {  	[tilespmem:s16+$0x0] =	vst.add.f32.msk $0xffff, v0;
	s19 =	sor.u32 s29, s22  }
0x7b: {  	s22 =	sor.u32 s29, s23;
	[tilespmem:s19+$0x0] =	vst.add.f32.msk $0xffff, v0  }
0x7c: {  	[tilespmem:s22+$0x0] =	vst.add.f32.msk $0xffff, v0;
	s0 =	sor.u32 $0x4280, s0  }
0x7d: {  	s23 =	sor.u32 $0x4100, s14;
	s22 =	sor.u32 $0x5100, s20;
	[tilespmem:s0+$0x0] =	vst.add.f32.msk $0xffff, v1  }
0x7e: {  	s26 =	sor.u32 s17, s22;
	[tilespmem:s23+$0x0] =	vst.add.f32.msk $0xffff, v2;
	s23 =	sor.u32 $0x6100, s20  }
0x7f: {  	s19 =	sor.u32 $0x7100, s20;
	[tilespmem:s26+$0x0] =	vst.add.f32.msk $0xffff, v2;
	s6 =	sor.u32 s17, s23  }
0x80: {  	s16 =	sor.u32 s17, s19;
	[tilespmem:s6+$0x0] =	vst.add.f32.msk $0xffff, v2  }
0x81: {  	[tilespmem:s16+$0x0] =	vst.add.f32.msk $0xffff, v2  }
0x82: {  	s26 =	sor.u32 s29, s24;
	v2 =	vld [tilespmem:s14+$0x180]  }
0x83: {  	[tilespmem:s26+$0x0] =	vst.add.f32.msk $0xffff, v0  }
0x84: {  	s6 =	sor.u32 s9, s5;
	v0 =	vld [tilespmem:s2+$0x80]  }
0x85: {  	s15 =	sor.u32 s9, s12;
	[tilespmem:s6+$0x0] =	vst.add.f32.msk $0xffff, v1  }
0x86: {  	s0 =	sor.u32 $0x5180, s20;
	s16 =	sor.u32 $0x4180, s14;
	[tilespmem:s15+$0x0] =	vst.add.f32.msk $0xffff, v1  }
0x87: {  	s24 =	sor.u32 s17, s0;
	[tilespmem:s16+$0x0] =	vst.add.f32.msk $0xffff, v2  }
0x88: {  	s5 =	sor.u32 $0x6180, s20;
	s16 =	sor.u32 $0x4080, s2;
	[tilespmem:s24+$0x0] =	vst.add.f32.msk $0xffff, v2  }
0x89: {  	s26 =	sor.u32 s17, s5;
	[tilespmem:s16+$0x0] =	vst.add.f32.msk $0xffff, v0  }
0x8a: {  	s1 =	sor.u32 s29, s1;
	s12 =	sor.u32 $0x7180, s20;
	[tilespmem:s26+$0x0] =	vst.add.f32.msk $0xffff, v2  }
0x8b: {  	s6 =	sor.u32 s17, s12;
	[tilespmem:s1+$0x0] =	vst.add.f32.msk $0xffff, v0  }
0x8c: {  	s24 =	sor.u32 s29, s21;
	[tilespmem:s6+$0x0] =	vst.add.f32.msk $0xffff, v2  }
0x8d: {  	[tilespmem:s24+$0x0] =	vst.add.f32.msk $0xffff, v0  }
0x8e: {  	s25 =	sor.u32 s29, s25;
	v2 =	vld [tilespmem:s14+$0x200]  }
0x8f: {  	s24 =	sor.u32 s9, s7;
	[tilespmem:s25+$0x0] =	vst.add.f32.msk $0xffff, v0  }
0x90: {  	[tilespmem:s24+$0x0] =	vst.add.f32.msk $0xffff, v1  }
0x91: {  	s4 =	sor.u32 $0x300, s4;
	v0 =	vld [tilespmem:s2+$0x100]  }
0x92: {  	s15 =	sor.u32 $0x5200, s20;
	s26 =	sor.u32 $0x4200, s14;
	v1 =	vld [tilespmem:s4+$0x0]  }
0x93: {  	s6 =	sor.u32 s17, s15;
	[tilespmem:s26+$0x0] =	vst.add.f32.msk $0xffff, v2;
	s26 =	sor.u32 $0x6200, s20  }
0x94: {  	s28 =	sor.u32 $0x7200, s20;
	[tilespmem:s6+$0x0] =	vst.add.f32.msk $0xffff, v2;
	s16 =	sor.u32 s17, s26  }
0x95: {  	s21 =	sor.u32 s17, s28;
	[tilespmem:s16+$0x0] =	vst.add.f32.msk $0xffff, v2  }
0x96: {  	[tilespmem:s21+$0x0] =	vst.add.f32.msk $0xffff, v2  }
0x97: {  	s25 =	sor.u32 $0x4100, s2;
	v2 =	vld [tilespmem:s14+$0x280]  }
0x98: {  	[tilespmem:s25+$0x0] =	vst.add.f32.msk $0xffff, v0  }
0x99: {  	s6 =	sor.u32 s29, s22;
	[tilespmem:s4+$0x4000] =	vst.add.f32.msk $0xffff, v1  }
0x9a: {  	s7 =	sor.u32 s29, s23;
	[tilespmem:s6+$0x0] =	vst.add.f32.msk $0xffff, v0;
	s16 =	simm.s32 $0x1  }
0x9b: {  	[tilespmem:s7+$0x0] =	vst.add.f32.msk $0xffff, v0;
	s7 =	sor.u32 $0x5280, s20;
	s21 =	sand.u32 $0x3, s16;
	s14 =	sor.u32 $0x4280, s14  }
0x9c: {  	s22 =	sor.u32 s17, s7;
	s1 =	sshll.u32 s21, $0x5;
	[tilespmem:s14+$0x0] =	vst.add.f32.msk $0xffff, v2;
	s14 =	sor.u32 $0x6280, s20  }
0x9d: {  	s6 =	sor.u32 $0x7280, s20;
	[tilespmem:s22+$0x0] =	vst.add.f32.msk $0xffff, v2;
	s22 =	sadd.s32 $0x100, s1;
	s23 =	sor.u32 s17, s14  }
0x9e: {  	s24 =	sor.u32 s17, s6;
	[tilespmem:s23+$0x0] =	vst.add.f32.msk $0xffff, v2;
	s23 =	sadd.s32 $0x10, s22  }
0x9f: {  	[tilespmem:s24+$0x0] =	vst.add.f32.msk $0xffff, v2;
	s25 =	sor.u32 $0x300, s23  }
0xa0: {  	s19 =	sor.u32 s29, s19;
	v2 =	vld [tilespmem:s25+$0x0]  }
0xa1: {  	s31 =	simm.s32 $0x20;
	[tilespmem:s19+$0x0] =	vst.add.f32.msk $0xffff, v0;
	s1 =	sor.u32 s9, s11  }
0xa2: {  	s8 =	sor.u32 s9, s8;
	s11 =	sor.u32 s20, s31;
	[tilespmem:s1+$0x0] =	vst.add.f32.msk $0xffff, v1  }
0xa3: {  	s4 =	sor.u32 $0x180, s11;
	[tilespmem:s8+$0x0] =	vst.add.f32.msk $0xffff, v1  }
0xa4: {  	s24 =	sor.u32 $0x5300, s20;
	v0 =	vld [tilespmem:s4+$0x0]  }
0xa5: {  	s16 =	sor.u32 s17, s24;
	[tilespmem:s25+$0x4000] =	vst.add.f32.msk $0xffff, v2;
	s25 =	sor.u32 $0x6300, s20  }
0xa6: {  	[tilespmem:s16+$0x0] =	vst.add.f32.msk $0xffff, v2;
	s16 =	sor.u32 $0x7300, s20;
	s19 =	sor.u32 s17, s25  }
0xa7: {  	[tilespmem:s19+$0x0] =	vst.add.f32.msk $0xffff, v2;
	s21 =	sor.u32 s17, s16  }
0xa8: {  	s1 =	sor.u32 $0x380, s23;
	[tilespmem:s21+$0x0] =	vst.add.f32.msk $0xffff, v2  }
0xa9: {  	v2 =	vld [tilespmem:s1+$0x0]  }
0xaa: {  	s0 =	sor.u32 s29, s0;
	[tilespmem:s4+$0x4000] =	vst.add.f32.msk $0xffff, v0  }
0xab: {  	s5 =	sor.u32 s29, s5;
	[tilespmem:s0+$0x0] =	vst.add.f32.msk $0xffff, v0  }
0xac: {  	s11 =	sor.u32 s29, s12;
	[tilespmem:s5+$0x0] =	vst.add.f32.msk $0xffff, v0  }
0xad: {  	s0 =	simm.s32 $0x40;
	[tilespmem:s11+$0x0] =	vst.add.f32.msk $0xffff, v0;
	s21 =	sor.u32 $0x5380, s20  }
0xae: {  	s8 =	simm.s32 $0x200;
	s4 =	sand.u32 $0x60, s0;
	s12 =	sor.u32 s17, s21;
	[tilespmem:s1+$0x4000] =	vst.add.f32.msk $0xffff, v2  }
0xaf: {  	s19 =	sand.u32 $0xC00, s8;
	[tilespmem:s12+$0x0] =	vst.add.f32.msk $0xffff, v2;
	s12 =	sor.u32 $0x10, s4  }
0xb0: {  	v3 =	vld [tilespmem:s2+$0x200];
	s5 =	sor.u32 s12, s19  }
0xb1: {  	s3 =	sor.u32 s9, s3;
	s23 =	sor.u32 $0x6380, s20;
	v0 =	vld [tilespmem:s5+$0x0]  }
0xb2: {  	s31 =	sor.u32 s17, s23;
	[tilespmem:s3+$0x0] =	vst.add.f32.msk $0xffff, v1;
	s20 =	sor.u32 $0x7380, s20  }
0xb3: {  	s17 =	sor.u32 s17, s20;
	[tilespmem:s31+$0x0] =	vst.add.f32.msk $0xffff, v2  }
0xb4: {  	[tilespmem:s17+$0x0] =	vst.add.f32.msk $0xffff, v2;
	s17 =	sor.u32 $0x4200, s2  }
0xb5: {  	s3 =	sor.u32 $0x5000, s19;
	s1 =	sor.u32 $0x4000, s5;
	[tilespmem:s17+$0x0] =	vst.add.f32.msk $0xffff, v3  }
0xb6: {  	s31 =	sor.u32 s12, s3;
	s17 =	sor.u32 $0x6000, s19;
	[tilespmem:s1+$0x0] =	vst.add.f32.msk $0xffff, v0  }
0xb7: {  	s11 =	sor.u32 s12, s17;
	[tilespmem:s31+$0x0] =	vst.add.f32.msk $0xffff, v0;
	s31 =	sor.u32 $0x7000, s19  }
0xb8: {  	s10 =	sor.u32 s10, s30;
	[tilespmem:s11+$0x0] =	vst.add.f32.msk $0xffff, v0;
	s30 =	sor.u32 s12, s31  }
0xb9: {  	s11 =	sor.u32 $0x380, s10;
	[tilespmem:s30+$0x0] =	vst.add.f32.msk $0xffff, v0  }
0xba: {  	v0 =	vld [tilespmem:s11+$0x0]  }
0xbb: {  	s15 =	sor.u32 s29, s15;
	v1 =	vld [tilespmem:s5+$0x80]  }
0xbc: {  	s26 =	sor.u32 s29, s26;
	[tilespmem:s15+$0x0] =	vst.add.f32.msk $0xffff, v3  }
0xbd: {  	[tilespmem:s26+$0x0] =	vst.add.f32.msk $0xffff, v3;
	s30 =	sor.u32 s29, s28  }
0xbe: {  	[tilespmem:s30+$0x0] =	vst.add.f32.msk $0xffff, v3  }
0xbf: {  	s10 =	sor.u32 $0x4080, s5;
	[tilespmem:s11+$0x4000] =	vst.add.f32.msk $0xffff, v0  }
0xc0: {  	s1 =	sor.u32 $0x5080, s19;
	[tilespmem:s10+$0x0] =	vst.add.f32.msk $0xffff, v1;
	s10 =	sor.u32 s4, s19  }
0xc1: {  	s15 =	sor.u32 $0x6080, s19;
	s11 =	sor.u32 s12, s1;
	v2 =	vld [tilespmem:s10+$0x0]  }
0xc2: {  	s26 =	sor.u32 $0x7080, s19;
	s28 =	sor.u32 s12, s15;
	[tilespmem:s11+$0x0] =	vst.add.f32.msk $0xffff, v1  }
0xc3: {  	[tilespmem:s28+$0x0] =	vst.add.f32.msk $0xffff, v1;
	s28 =	sor.u32 s12, s26  }
0xc4: {  	[tilespmem:s28+$0x0] =	vst.add.f32.msk $0xffff, v1  }
0xc5: {  	s28 =	sor.u32 $0x4000, s10;
	v1 =	vld [tilespmem:s5+$0x100]  }
0xc6: {  	s3 =	sor.u32 s4, s3;
	[tilespmem:s28+$0x0] =	vst.add.f32.msk $0xffff, v2  }
0xc7: {  	s30 =	sor.u32 s4, s17;
	[tilespmem:s3+$0x0] =	vst.add.f32.msk $0xffff, v2  }
0xc8: {  	s11 =	sor.u32 s4, s31;
	[tilespmem:s30+$0x0] =	vst.add.f32.msk $0xffff, v2  }
0xc9: {  	s17 =	sor.u32 $0x4100, s5;
	s28 =	sor.u32 $0x5100, s19;
	[tilespmem:s11+$0x0] =	vst.add.f32.msk $0xffff, v2  }
0xca: {  	s30 =	sor.u32 s12, s28;
	[tilespmem:s17+$0x0] =	vst.add.f32.msk $0xffff, v1  }
0xcb: {  	[tilespmem:s30+$0x0] =	vst.add.f32.msk $0xffff, v1;
	s30 =	sor.u32 $0x6100, s19  }
0xcc: {  	v2 =	vld [tilespmem:s2+$0x280];
	s17 =	sor.u32 $0x7100, s19;
	s11 =	sor.u32 s12, s30  }
0xcd: {  	[tilespmem:s11+$0x0] =	vst.add.f32.msk $0xffff, v1;
	s11 =	sor.u32 s12, s17  }
0xce: {  	[tilespmem:s11+$0x0] =	vst.add.f32.msk $0xffff, v1  }
0xcf: {  	v1 =	vld [tilespmem:s10+$0x80]  }
0xd0: {  	s2 =	sor.u32 $0x4280, s2;
	v3 =	vld [tilespmem:s5+$0x180]  }
0xd1: {  	s11 =	sor.u32 s29, s7;
	[tilespmem:s2+$0x0] =	vst.add.f32.msk $0xffff, v2  }
0xd2: {  	s3 =	sor.u32 s29, s14;
	[tilespmem:s11+$0x0] =	vst.add.f32.msk $0xffff, v2  }
0xd3: {  	s7 =	sor.u32 $0x4080, s10;
	[tilespmem:s3+$0x0] =	vst.add.f32.msk $0xffff, v2  }
0xd4: {  	s11 =	sor.u32 $0x4180, s5;
	[tilespmem:s7+$0x0] =	vst.add.f32.msk $0xffff, v1;
	s7 =	sor.u32 $0x5180, s19  }
0xd5: {  	s3 =	sor.u32 $0x6180, s19;
	[tilespmem:s11+$0x0] =	vst.add.f32.msk $0xffff, v3;
	s14 =	sor.u32 s12, s7  }
0xd6: {  	s2 =	sor.u32 s12, s3;
	s11 =	sor.u32 $0x7180, s19;
	[tilespmem:s14+$0x0] =	vst.add.f32.msk $0xffff, v3  }
0xd7: {  	[tilespmem:s2+$0x0] =	vst.add.f32.msk $0xffff, v3;
	s2 =	sor.u32 s12, s11  }
0xd8: {  	[tilespmem:s2+$0x0] =	vst.add.f32.msk $0xffff, v3  }
0xd9: {  	s6 =	sor.u32 s29, s6;
	v3 =	vld [tilespmem:s5+$0x200]  }
0xda: {  	s1 =	sor.u32 s4, s1;
	[tilespmem:s6+$0x0] =	vst.add.f32.msk $0xffff, v2  }
0xdb: {  	s15 =	sor.u32 s4, s15;
	[tilespmem:s1+$0x0] =	vst.add.f32.msk $0xffff, v1  }
0xdc: {  	[tilespmem:s15+$0x0] =	vst.add.f32.msk $0xffff, v1;
	s2 =	sor.u32 s4, s26  }
0xdd: {  	s1 =	sor.u32 $0x5200, s19;
	s14 =	sor.u32 $0x4200, s5;
	[tilespmem:s2+$0x0] =	vst.add.f32.msk $0xffff, v1  }
0xde: {  	s15 =	sor.u32 s12, s1;
	[tilespmem:s14+$0x0] =	vst.add.f32.msk $0xffff, v3  }
0xdf: {  	[tilespmem:s15+$0x0] =	vst.add.f32.msk $0xffff, v3;
	s15 =	sor.u32 $0x6200, s19  }
0xe0: {  	v1 =	vld [tilespmem:s10+$0x100];
	s14 =	sor.u32 $0x7200, s19;
	s26 =	sor.u32 s12, s15  }
0xe1: {  	s2 =	sor.u32 s12, s14;
	[tilespmem:s26+$0x0] =	vst.add.f32.msk $0xffff, v3  }
0xe2: {  	s26 =	sor.u32 s9, s13;
	[tilespmem:s2+$0x0] =	vst.add.f32.msk $0xffff, v3  }
0xe3: {  	s22 =	sor.u32 $0x300, s22;
	[tilespmem:s26+$0x0] =	vst.add.f32.msk $0xffff, v0  }
0xe4: {  	v3 =	vld [tilespmem:s22+$0x0]  }
0xe5: {  	s2 =	sor.u32 $0x4100, s10;
	v2 =	vld [tilespmem:s5+$0x280]  }
0xe6: {  	s13 =	sor.u32 s4, s28;
	[tilespmem:s2+$0x0] =	vst.add.f32.msk $0xffff, v1  }
0xe7: {  	s26 =	sor.u32 s4, s30;
	[tilespmem:s13+$0x0] =	vst.add.f32.msk $0xffff, v1  }
0xe8: {  	s17 =	sor.u32 s4, s17;
	[tilespmem:s26+$0x0] =	vst.add.f32.msk $0xffff, v1  }
0xe9: {  	s6 =	sor.u32 $0x5280, s19;
	s13 =	simm.s32 $0x2;
	[tilespmem:s17+$0x0] =	vst.add.f32.msk $0xffff, v1  }
0xea: {  	s5 =	sor.u32 $0x4280, s5;
	s2 =	sor.u32 s12, s6;
	s30 =	sand.u32 $0x3, s13;
	[tilespmem:s22+$0x4000] =	vst.add.f32.msk $0xffff, v3  }
0xeb: {  	s22 =	sor.u32 s29, s24;
	s24 =	sor.u32 s29, s25;
	s25 =	sor.u32 s19, s0;
	[tilespmem:s5+$0x0] =	vst.add.f32.msk $0xffff, v2  }
0xec: {  	s26 =	sor.u32 $0x6280, s19;
	s5 =	sshll.u32 s30, $0x5;
	s17 =	sor.u32 $0x180, s25;
	[tilespmem:s2+$0x0] =	vst.add.f32.msk $0xffff, v2  }
0xed: {  	s28 =	sor.u32 s12, s26;
	s30 =	sor.u32 $0x7280, s19;
	s5 =	sadd.s32 $0x200, s5;
	v1 =	vld [tilespmem:s17+$0x0]  }
0xee: {  	[tilespmem:s28+$0x0] =	vst.add.f32.msk $0xffff, v2;
	s28 =	sor.u32 s12, s30;
	s31 =	sadd.s32 $0x10, s5  }
0xef: {  	[tilespmem:s28+$0x0] =	vst.add.f32.msk $0xffff, v2;
	s28 =	sor.u32 $0x300, s31  }
0xf0: {  	v2 =	vld [tilespmem:s28+$0x0];
	_ =	sdelay $0x1  }
0xf1: {  	[tilespmem:s22+$0x0] =	vst.add.f32.msk $0xffff, v3  }
0xf2: {  	[tilespmem:s24+$0x0] =	vst.add.f32.msk $0xffff, v3  }
0xf3: {  	s22 =	sor.u32 $0x5300, s19;
	[tilespmem:s17+$0x4000] =	vst.add.f32.msk $0xffff, v1  }
0xf4: {  	s24 =	sor.u32 $0x6300, s19;
	s2 =	sor.u32 s12, s22;
	[tilespmem:s28+$0x4000] =	vst.add.f32.msk $0xffff, v2  }
0xf5: {  	s25 =	sor.u32 s12, s24;
	[tilespmem:s2+$0x0] =	vst.add.f32.msk $0xffff, v2;
	s2 =	sor.u32 $0x7300, s19  }
0xf6: {  	[tilespmem:s25+$0x0] =	vst.add.f32.msk $0xffff, v2;
	s25 =	sor.u32 s12, s2  }
0xf7: {  	[tilespmem:s25+$0x0] =	vst.add.f32.msk $0xffff, v2  }
0xf8: {  	s17 =	sld [smem:$0x7FD];
	_ =	sdelay $0x2  }
0xf9: {  	s25 =	sor.u32 $0x380, s31;
	s17 =	sor.u32 s9, s17;
	s9 =	sor.u32 s9, s18  }
0xfa: {  	s7 =	sor.u32 s4, s7;
	v2 =	vld [tilespmem:s25+$0x0];
	[dreg:$0xd] =	wrdreg s9  }
0xfb: {  	s3 =	sor.u32 s4, s3;
	[tilespmem:s7+$0x0] =	vst.add.f32.msk $0xffff, v1  }
0xfc: {  	s7 =	sor.u32 s4, s11;
	[tilespmem:s3+$0x0] =	vst.add.f32.msk $0xffff, v1  }
0xfd: {  	s18 =	simm.s32 $0x20;
	s9 =	simm.s32 $0x100;
	s11 =	sor.u32 s29, s21;
	[tilespmem:s7+$0x0] =	vst.add.f32.msk $0xffff, v1  }
0xfe: {  	s3 =	sor.u32 s29, s16;
	s16 =	sor.u32 s29, s23;
	[dreg:$0xe] =	wrdreg s11  }
0xff: {  	s14 =	sor.u32 s4, s14;
	s28 =	sor.u32 s9, s18;
	[dreg:$0xf] =	wrdreg s16  }
0x100: {  	s18 =	sor.u32 $0x5380, s19;
	s21 =	sor.u32 $0x6380, s19;
	s19 =	sor.u32 $0x7380, s19;
	[tilespmem:s25+$0x4000] =	vst.add.f32.msk $0xffff, v2  }
0x101: {  	s23 =	sor.u32 s12, s18;
	s31 =	sor.u32 $0x380, s28;
	s28 =	sor.u32 s4, s1;
	[tilespmem:s3+$0x0] =	vst.add.f32.msk $0xffff, v3  }
0x102: {  	s1 =	sor.u32 s4, s15;
	s7 =	sor.u32 s29, s20;
	s29 =	sor.u32 s12, s19;
	[tilespmem:s17+$0x0] =	vst.add.f32.msk $0xffff, v0  }
0x103: {  	s16 =	sor.u32 s4, s22;
	s11 =	sor.u32 s4, s2;
	s2 =	sor.u32 s4, s19;
	v1 =	vld [tilespmem:s10+$0x200]  }
0x104: {  	s19 =	sor.u32 $0x4280, s10;
	s25 =	sor.u32 s12, s21;
	s17 =	sor.u32 s4, s24;
	[tilespmem:s23+$0x0] =	vst.add.f32.msk $0xffff, v2  }
0x105: {  	s3 =	sor.u32 s4, s18;
	s23 =	sor.u32 s4, s6;
	s6 =	sor.u32 s4, s21;
	[tilespmem:s25+$0x0] =	vst.add.f32.msk $0xffff, v2  }
0x106: {  	s25 =	sor.u32 s4, s26;
	s26 =	sor.u32 s4, s30;
	s30 =	sor.u32 s8, s0;
	[tilespmem:s29+$0x0] =	vst.add.f32.msk $0xffff, v2  }
0x107: {  	s21 =	sor.u32 $0x300, s5;
	s4 =	sor.u32 $0x4200, s10;
	s12 =	sor.u32 $0x380, s30;
	v2 =	vld [tilespmem:s31+$0x0]  }
.LBB2_3:
0x108: {  	s0 =	sadd.s32 $0x20, s0;
	s5 =	rddreg [dreg:$0xd]  }
0x109: {  	s29 =	smov.u32 s7;
	s8 =	sadd.s32 $0x100, s8;
	[tilespmem:s5+$0x0] =	vst.add.f32.msk $0xffff, v0;
	s22 =	sand.u32 $0x60, s0  }
0x10a: {  	s7 =	smov.u32 s2;
	s2 =	sand.u32 $0xC00, s8;
	s24 =	sor.u32 $0x10, s22;
	[tilespmem:s4+$0x0] =	vst.add.f32.msk $0xffff, v1  }
0x10b: {  	s15 =	sor.u32 s24, s2;
	[tilespmem:s28+$0x0] =	vst.add.f32.msk $0xffff, v1  }
0x10c: {  	v0 =	vmov v2;
	v2 =	vld [tilespmem:s15+$0x0]  }
0x10d: {  	[dreg:$0xd] =	wrdreg s29;
	s18 =	sor.u32 s22, s2;
	[tilespmem:s1+$0x0] =	vst.add.f32.msk $0xffff, v1  }
0x10e: {  	s30 =	sor.u32 s2, s0;
	s20 =	sor.u32 $0x4100, s18;
	s4 =	sor.u32 $0x4200, s18;
	v3 =	vld [tilespmem:s18+$0x0]  }
0x10f: {  	s5 =	sor.u32 $0x4280, s18;
	s28 =	sor.u32 $0x4000, s18;
	[dreg:$0x13] =	wrdreg s20;
	[tilespmem:s14+$0x0] =	vst.add.f32.msk $0xffff, v1  }
0x110: {  	s20 =	sor.u32 $0x180, s30;
	s29 =	sor.u32 $0x4000, s15;
	s1 =	sor.u32 $0x4080, s18;
	v1 =	vld [tilespmem:s10+$0x280]  }
0x111: {  	s14 =	sor.u32 $0x5000, s2;
	s10 =	smov.u32 s18;
	[tilespmem:s31+$0x4000] =	vst.add.f32.msk $0xffff, v0;
	s31 =	smov.u32 s12  }
0x112: {  	s30 =	sor.u32 s22, s14;
	s12 =	sor.u32 $0x6000, s2;
	s14 =	sor.u32 s24, s14;
	[tilespmem:s29+$0x0] =	vst.add.f32.msk $0xffff, v2  }
0x113: {  	s18 =	sor.u32 s22, s12;
	s12 =	sor.u32 s24, s12;
	s29 =	sor.u32 $0x7000, s2;
	[tilespmem:s14+$0x0] =	vst.add.f32.msk $0xffff, v2  }
0x114: {  	s14 =	sor.u32 s22, s29;
	s29 =	sor.u32 s24, s29;
	[tilespmem:s12+$0x0] =	vst.add.f32.msk $0xffff, v2  }
0x115: {  	[tilespmem:s29+$0x0] =	vst.add.f32.msk $0xffff, v2  }
0x116: {  	v2 =	vld [tilespmem:s15+$0x80]  }
0x117: {  	[tilespmem:s28+$0x0] =	vst.add.f32.msk $0xffff, v3  }
0x118: {  	[tilespmem:s30+$0x0] =	vst.add.f32.msk $0xffff, v3  }
0x119: {  	s9 =	sor.u32 s8, s0;
	[tilespmem:s18+$0x0] =	vst.add.f32.msk $0xffff, v3  }
0x11a: {  	s9 =	sor.u32 $0x380, s9;
	s30 =	sor.u32 $0x5080, s2;
	s29 =	sor.u32 $0x4080, s15;
	[tilespmem:s14+$0x0] =	vst.add.f32.msk $0xffff, v3  }
0x11b: {  	s12 =	smov.u32 s9;
	s28 =	sor.u32 $0x6080, s2;
	s9 =	sor.u32 s24, s30;
	[tilespmem:s29+$0x0] =	vst.add.f32.msk $0xffff, v2  }
0x11c: {  	s18 =	sor.u32 s22, s30;
	s30 =	sor.u32 s24, s28;
	s29 =	sor.u32 $0x7080, s2;
	[tilespmem:s9+$0x0] =	vst.add.f32.msk $0xffff, v2  }
0x11d: {  	s14 =	sor.u32 s22, s28;
	s28 =	sor.u32 s22, s29;
	s29 =	sor.u32 s24, s29;
	[tilespmem:s30+$0x0] =	vst.add.f32.msk $0xffff, v2  }
0x11e: {  	[tilespmem:s29+$0x0] =	vst.add.f32.msk $0xffff, v2  }
0x11f: {  	v2 =	vld [tilespmem:s15+$0x100]  }
0x120: {  	v3 =	vld [tilespmem:s10+$0x80]  }
0x121: {  	[tilespmem:s19+$0x0] =	vst.add.f32.msk $0xffff, v1  }
0x122: {  	[tilespmem:s23+$0x0] =	vst.add.f32.msk $0xffff, v1  }
0x123: {  	s19 =	smov.u32 s5;
	s5 =	sor.u32 $0x5100, s2;
	[tilespmem:s25+$0x0] =	vst.add.f32.msk $0xffff, v1;
	s9 =	sor.u32 $0x4100, s15  }
0x124: {  	s23 =	sor.u32 s22, s5;
	s5 =	sor.u32 s24, s5;
	s30 =	sor.u32 $0x6100, s2;
	[tilespmem:s9+$0x0] =	vst.add.f32.msk $0xffff, v2  }
0x125: {  	s29 =	sor.u32 s24, s30;
	s9 =	sor.u32 $0x7100, s2;
	[tilespmem:s5+$0x0] =	vst.add.f32.msk $0xffff, v2  }
0x126: {  	s25 =	sor.u32 s22, s30;
	s30 =	sor.u32 s22, s9;
	s9 =	sor.u32 s24, s9;
	[tilespmem:s29+$0x0] =	vst.add.f32.msk $0xffff, v2  }
0x127: {  	[tilespmem:s9+$0x0] =	vst.add.f32.msk $0xffff, v2  }
0x128: {  	v2 =	vld [tilespmem:s15+$0x180]  }
0x129: {  	[tilespmem:s1+$0x0] =	vst.add.f32.msk $0xffff, v3  }
0x12a: {  	[tilespmem:s18+$0x0] =	vst.add.f32.msk $0xffff, v3  }
0x12b: {  	[tilespmem:s14+$0x0] =	vst.add.f32.msk $0xffff, v3  }
0x12c: {  	s14 =	sor.u32 $0x4180, s15;
	[tilespmem:s28+$0x0] =	vst.add.f32.msk $0xffff, v3;
	s29 =	sor.u32 $0x5180, s2  }
0x12d: {  	s18 =	sor.u32 $0x6180, s2;
	s1 =	sor.u32 s24, s29;
	[tilespmem:s14+$0x0] =	vst.add.f32.msk $0xffff, v2  }
0x12e: {  	s28 =	sor.u32 $0x7180, s2;
	s5 =	sor.u32 s22, s29;
	s29 =	sor.u32 s24, s18;
	[tilespmem:s1+$0x0] =	vst.add.f32.msk $0xffff, v2  }
0x12f: {  	s14 =	sor.u32 s24, s28;
	[tilespmem:s29+$0x0] =	vst.add.f32.msk $0xffff, v2  }
0x130: {  	[tilespmem:s14+$0x0] =	vst.add.f32.msk $0xffff, v2  }
0x131: {  	v2 =	vld [tilespmem:s15+$0x200]  }
0x132: {  	v3 =	vld [tilespmem:s10+$0x100]  }
0x133: {  	[tilespmem:s26+$0x0] =	vst.add.f32.msk $0xffff, v1;
	s9 =	sor.u32 s22, s18  }
0x134: {  	v4 =	vld [tilespmem:s21+$0x0];
	s18 =	sor.u32 s22, s28;
	s1 =	sor.u32 $0x5200, s2;
	s29 =	rddreg [dreg:$0xe]  }
0x135: {  	s28 =	sor.u32 s22, s1;
	s14 =	sor.u32 $0x4200, s15;
	[tilespmem:s29+$0x0] =	vst.add.f32.msk $0xffff, v0;
	s29 =	smov.u32 s3  }
0x136: {  	s26 =	sor.u32 s24, s1;
	s3 =	sor.u32 $0x6200, s2;
	[dreg:$0xe] =	wrdreg s29;
	[tilespmem:s14+$0x0] =	vst.add.f32.msk $0xffff, v2  }
0x137: {  	s1 =	sor.u32 s22, s3;
	s29 =	sor.u32 $0x7200, s2;
	s3 =	sor.u32 s24, s3;
	[tilespmem:s26+$0x0] =	vst.add.f32.msk $0xffff, v2  }
0x138: {  	s14 =	sor.u32 s22, s29;
	s29 =	sor.u32 s24, s29;
	[tilespmem:s3+$0x0] =	vst.add.f32.msk $0xffff, v2  }
0x139: {  	[tilespmem:s29+$0x0] =	vst.add.f32.msk $0xffff, v2  }
0x13a: {  	s26 =	rddreg [dreg:$0x13];
	v1 =	vld [tilespmem:s15+$0x280]  }
0x13b: {  	[tilespmem:s26+$0x0] =	vst.add.f32.msk $0xffff, v3  }
0x13c: {  	[tilespmem:s23+$0x0] =	vst.add.f32.msk $0xffff, v3  }
0x13d: {  	s13 =	sadd.s32 $0x1, s13;
	[tilespmem:s25+$0x0] =	vst.add.f32.msk $0xffff, v3  }
0x13e: {  	s29 =	sand.u32 $0x3, s13;
	s23 =	sor.u32 $0x5280, s2;
	s15 =	sor.u32 $0x4280, s15;
	[tilespmem:s30+$0x0] =	vst.add.f32.msk $0xffff, v3  }
0x13f: {  	s3 =	sshll.u32 s29, $0x5;
	s25 =	sor.u32 $0x6280, s2;
	s30 =	sor.u32 s24, s23;
	[tilespmem:s15+$0x0] =	vst.add.f32.msk $0xffff, v1  }
0x140: {  	s26 =	sor.u32 $0x7280, s2;
	s3 =	sadd.s32 s3, s8;
	s29 =	sor.u32 s24, s25;
	[tilespmem:s30+$0x0] =	vst.add.f32.msk $0xffff, v1  }
0x141: {  	s30 =	sor.u32 s24, s26;
	[tilespmem:s29+$0x0] =	vst.add.f32.msk $0xffff, v1;
	s29 =	sadd.s32 $0x10, s3  }
0x142: {  	[tilespmem:s30+$0x0] =	vst.add.f32.msk $0xffff, v1;
	s15 =	sor.u32 $0x300, s29  }
0x143: {  	v1 =	vld [tilespmem:s15+$0x0]  }
0x144: {  	v2 =	vld [tilespmem:s20+$0x0]  }
0x145: {  	[tilespmem:s21+$0x4000] =	vst.add.f32.msk $0xffff, v4  }
0x146: {  	[tilespmem:s16+$0x0] =	vst.add.f32.msk $0xffff, v4;
	s3 =	sor.u32 $0x300, s3  }
0x147: {  	[tilespmem:s17+$0x0] =	vst.add.f32.msk $0xffff, v4;
	s21 =	smov.u32 s3;
	s3 =	sor.u32 $0x5300, s2  }
0x148: {  	s30 =	sor.u32 $0x6300, s2;
	s16 =	sor.u32 s22, s3;
	s3 =	sor.u32 s24, s3;
	[tilespmem:s15+$0x4000] =	vst.add.f32.msk $0xffff, v1  }
0x149: {  	s15 =	sor.u32 $0x7300, s2;
	[tilespmem:s3+$0x0] =	vst.add.f32.msk $0xffff, v1;
	s3 =	sor.u32 s24, s30  }
0x14a: {  	s17 =	sor.u32 s22, s30;
	s30 =	sor.u32 s22, s15;
	s15 =	sor.u32 s24, s15;
	[tilespmem:s3+$0x0] =	vst.add.f32.msk $0xffff, v1  }
0x14b: {  	s29 =	sor.u32 $0x380, s29;
	[tilespmem:s15+$0x0] =	vst.add.f32.msk $0xffff, v1  }
0x14c: {  	v1 =	vld [tilespmem:s29+$0x0]  }
0x14d: {  	[tilespmem:s20+$0x4000] =	vst.add.f32.msk $0xffff, v2  }
0x14e: {  	[tilespmem:s5+$0x0] =	vst.add.f32.msk $0xffff, v2  }
0x14f: {  	[tilespmem:s9+$0x0] =	vst.add.f32.msk $0xffff, v2  }
0x150: {  	[tilespmem:s18+$0x0] =	vst.add.f32.msk $0xffff, v2;
	s18 =	sor.u32 $0x5380, s2  }
0x151: {  	s20 =	sor.u32 $0x6380, s2;
	s5 =	sor.u32 s24, s18;
	[tilespmem:s29+$0x4000] =	vst.add.f32.msk $0xffff, v1  }
0x152: {  	s15 =	sor.u32 s22, s20;
	s20 =	sor.u32 s24, s20;
	s29 =	sor.u32 $0x7380, s2;
	[tilespmem:s5+$0x0] =	vst.add.f32.msk $0xffff, v1  }
0x153: {  	p1 =	slt.u32 s0, $0x1E0;
	s24 =	sor.u32 s24, s29;
	[tilespmem:s20+$0x0] =	vst.add.f32.msk $0xffff, v1  }
.Ltmp0:
0x154: {  	[tilespmem:s24+$0x0] =	vst.add.f32.msk $0xffff, v1;
	(pc) =	sbr.rel @p1 .LBB2_3-.Ltmp0, $4  }
0x155: {  	s23 =	sor.u32 s22, s23;
	v1 =	vld [tilespmem:s10+$0x200]  }
0x156: {  	s25 =	sor.u32 s22, s25;
	s26 =	sor.u32 s22, s26;
	s2 =	sor.u32 s22, s29;
	[tilespmem:s11+$0x0] =	vst.add.f32.msk $0xffff, v4  }
0x157: {  	s29 =	rddreg [dreg:$0xf];
	s11 =	smov.u32 s30;
	s30 =	smov.u32 s6;
	v2 =	vld [tilespmem:s31+$0x0]  }
0x158: {  	s3 =	sor.u32 s22, s18;
	s6 =	smov.u32 s15;
	[tilespmem:s29+$0x0] =	vst.add.f32.msk $0xffff, v0;
	[dreg:$0xf] =	wrdreg s30  }
0x159: {  	_ = 	snop  }
0x15a: {  	[tilespmem:s4+$0x0] =	vst.add.f32.msk $0xffff, v1  }
0x15b: {  	[tilespmem:s28+$0x0] =	vst.add.f32.msk $0xffff, v1  }
0x15c: {  	[tilespmem:s1+$0x0] =	vst.add.f32.msk $0xffff, v1  }
0x15d: {  	[tilespmem:s14+$0x0] =	vst.add.f32.msk $0xffff, v1  }
0x15e: {  	v1 =	vld [tilespmem:s10+$0x280];
	_ =	sdelay $0x4  }
0x15f: {  	[tilespmem:s19+$0x0] =	vst.add.f32.msk $0xffff, v1  }
0x160: {  	[tilespmem:s23+$0x0] =	vst.add.f32.msk $0xffff, v1  }
0x161: {  	[tilespmem:s25+$0x0] =	vst.add.f32.msk $0xffff, v1  }
0x162: {  	[tilespmem:s26+$0x0] =	vst.add.f32.msk $0xffff, v1  }
0x163: {  	v1 =	vld [tilespmem:s21+$0x0];
	_ =	sdelay $0x2  }
0x164: {  	s0 =	rddreg [dreg:$0xd];
	[tilespmem:s31+$0x4000] =	vst.add.f32.msk $0xffff, v2  }
0x165: {  	[tilespmem:s0+$0x0] =	vst.add.f32.msk $0xffff, v0  }
0x166: {  	[tilespmem:s21+$0x4000] =	vst.add.f32.msk $0xffff, v1  }
0x167: {  	[tilespmem:s16+$0x0] =	vst.add.f32.msk $0xffff, v1  }
0x168: {  	[tilespmem:s17+$0x0] =	vst.add.f32.msk $0xffff, v1  }
0x169: {  	[tilespmem:s11+$0x0] =	vst.add.f32.msk $0xffff, v1  }
0x16a: {  	v0 =	vld [tilespmem:s12+$0x0];
	s0 =	rddreg [dreg:$0xe]  }
0x16b: {  	[tilespmem:s0+$0x0] =	vst.add.f32.msk $0xffff, v2  }
0x16c: {  	s0 =	rddreg [dreg:$0xf]  }
0x16d: {  	[tilespmem:s0+$0x0] =	vst.add.f32.msk $0xffff, v2  }
0x16e: {  	[tilespmem:s7+$0x0] =	vst.add.f32.msk $0xffff, v2  }
0x16f: {  	[tilespmem:s12+$0x4000] =	vst.add.f32.msk $0xffff, v0  }
0x170: {  	[tilespmem:s3+$0x0] =	vst.add.f32.msk $0xffff, v0  }
0x171: {  	[tilespmem:s6+$0x0] =	vst.add.f32.msk $0xffff, v0  }
0x172: {  	[tilespmem:s2+$0x0] =	vst.add.f32.msk $0xffff, v0  }
0x173: {  	s4 =	sld [smem:$0x7FC];
	_ =	sdelay $0x1  }
0x174: {  	s13 =	simm.s32 $0x1000;
	s12 =	rddreg [dreg:$0x2]  }
0x175: {  	s15 =	simm.s32 $0x4000;
	s14 =	simm.s32 $0x800000;
	s0 =	sadd.s32 s12, s4  }
0x176: {  	[hbm4b:s0+s13] =	stream.strided.scatter [tilespmem:s15], [sflag:$0x5], $0x4000, s14, s13, $0x38;
	[tilespmem:$0x14000] =	vst v63  }
0x177: {  	s0 =	simm.s32 @!p0 $0x8  }
0x178: {  	_ =	swait.ge @!p0 [sflag:s0], $0x4000  }
0x179: {  	[sflag:s0] =	ssyncset.done @!p0 $0x0  }
0x17a: {  	s20 =	simm.s32 $0x2;
	[sflag:s0] =	ssyncadd.s32 @!p0 $0xFFFFC000  }
0x17b: {  	s16 =	simm.s32 $0x0;
	s5 =	sor.u32 $0x600, s4;
	s0 =	rddreg [dreg:$0x1]  }
0x17c: {  	s17 =	simm.s32 $0x3000;
	s18 =	rddreg [dreg:$0x0];
	s0 =	sadd.s32 s0, s5  }
0x17d: {  	[tilespmem:s17], [sflag:$0x4] =	stream.linear.gather [hbm4b:s0+s16], $0x1000, $0x38;
	[tilespmem:$0x14000] =	vst v63  }
0x17e: {  	s19 =	simm.s32 $0x10000;
	[dreg:$0x1d] =	wrdreg s5;
	s0 =	sadd.s32 s18, s5  }
0x17f: {  	[tilespmem:s19], [sflag:$0x4] =	stream.strided.gather [hbm4b:s0+s13], $0x4000, s14, s13, $0x38;
	[tilespmem:$0x14000] =	vst v63  }
0x180: {  	_ =	swait.ge [sflag:s20], $0x1000  }
0x181: {  	[sflag:s20] =	ssyncset.done $0x0  }
0x182: {  	s21 =	simm.s32 $0x0;
	[sflag:s20] =	ssyncadd.s32 $0xFFFFF000  }
0x183: {  	s8 =	sand.u32 $0x60, s21;
	s12 =	sand.u32 $0xC00, s16;
	_ =	swait.ge [sflag:s20], $0x4000  }
0x184: {  	s11 =	sor.u32 $0x10, s8;
	s22 =	sor.u32 $0x1000, s12;
	[sflag:s20] =	ssyncset.done $0x0  }
0x185: {  	s23 =	sor.u32 s11, s22;
	[sflag:s20] =	ssyncadd.s32 $0xFFFFC000  }
0x186: {  	v0 =	vld [tilespmem:s23+$0x0];
	_ =	sdelay $0x2  }
0x187: {  	s24 =	sor.u32 $0x8000, s12;
	s0 =	sor.u32 s8, s22  }
0x188: {  	s25 =	sor.u32 $0x9000, s12;
	s26 =	sor.u32 s11, s24;
	v1 =	vld [tilespmem:s0+$0x0]  }
0x189: {  	s29 =	sor.u32 $0xA000, s12;
	s4 =	sor.u32 s11, s25;
	[tilespmem:s26+$0x0] =	vst.add.f32.msk $0xffff, v0  }
0x18a: {  	s9 =	sor.u32 s11, s29;
	s5 =	sor.u32 $0xB000, s12;
	[tilespmem:s4+$0x0] =	vst.add.f32.msk $0xffff, v0  }
0x18b: {  	s10 =	sor.u32 $0x1080, s12;
	s13 =	sor.u32 s11, s5;
	[tilespmem:s9+$0x0] =	vst.add.f32.msk $0xffff, v0  }
0x18c: {  	s14 =	sor.u32 s11, s10;
	[tilespmem:s13+$0x0] =	vst.add.f32.msk $0xffff, v0  }
0x18d: {  	v0 =	vld [tilespmem:s14+$0x0];
	_ =	sdelay $0x2  }
0x18e: {  	s15 =	sor.u32 $0x8080, s12;
	s1 =	sor.u32 s8, s24  }
0x18f: {  	s16 =	sor.u32 s11, s15;
	[tilespmem:s1+$0x0] =	vst.add.f32.msk $0xffff, v1;
	s1 =	sor.u32 $0x9080, s12  }
0x190: {  	s7 =	sor.u32 $0xA080, s12;
	s17 =	sor.u32 s11, s1;
	[tilespmem:s16+$0x0] =	vst.add.f32.msk $0xffff, v0  }
0x191: {  	s18 =	sor.u32 s11, s7;
	s9 =	sor.u32 $0xB080, s12;
	[tilespmem:s17+$0x0] =	vst.add.f32.msk $0xffff, v0  }
0x192: {  	s19 =	sor.u32 s11, s9;
	s14 =	sor.u32 $0x1100, s12;
	[tilespmem:s18+$0x0] =	vst.add.f32.msk $0xffff, v0  }
0x193: {  	s20 =	sor.u32 s11, s14;
	[tilespmem:s19+$0x0] =	vst.add.f32.msk $0xffff, v0  }
0x194: {  	s0 =	sor.u32 s8, s25;
	v0 =	vld [tilespmem:s20+$0x0]  }
0x195: {  	s3 =	sor.u32 s8, s29;
	[tilespmem:s0+$0x0] =	vst.add.f32.msk $0xffff, v1  }
0x196: {  	s21 =	sor.u32 s8, s5;
	[tilespmem:s3+$0x0] =	vst.add.f32.msk $0xffff, v1  }
0x197: {  	s22 =	sor.u32 s8, s10;
	s0 =	sor.u32 $0x8100, s12;
	[tilespmem:s21+$0x0] =	vst.add.f32.msk $0xffff, v1  }
0x198: {  	s3 =	sor.u32 $0x9100, s12;
	s23 =	sor.u32 s11, s0;
	v1 =	vld [tilespmem:s22+$0x0]  }
0x199: {  	s4 =	sor.u32 $0xA100, s12;
	s24 =	sor.u32 s11, s3;
	[tilespmem:s23+$0x0] =	vst.add.f32.msk $0xffff, v0  }
0x19a: {  	s6 =	sor.u32 $0xB100, s12;
	s25 =	sor.u32 s11, s4;
	[tilespmem:s24+$0x0] =	vst.add.f32.msk $0xffff, v0  }
0x19b: {  	s10 =	sor.u32 $0x1180, s12;
	s26 =	sor.u32 s11, s6;
	[tilespmem:s25+$0x0] =	vst.add.f32.msk $0xffff, v0  }
0x19c: {  	s29 =	sor.u32 s11, s10;
	[tilespmem:s26+$0x0] =	vst.add.f32.msk $0xffff, v0  }
0x19d: {  	v0 =	vld [tilespmem:s29+$0x0];
	_ =	sdelay $0x2  }
0x19e: {  	s2 =	sor.u32 $0x8180, s12;
	s13 =	sor.u32 s8, s15  }
0x19f: {  	s15 =	sor.u32 s11, s2;
	[tilespmem:s13+$0x0] =	vst.add.f32.msk $0xffff, v1;
	s13 =	sor.u32 $0x9180, s12  }
0x1a0: {  	s16 =	sor.u32 s11, s13;
	s18 =	sor.u32 $0xA180, s12;
	[tilespmem:s15+$0x0] =	vst.add.f32.msk $0xffff, v0  }
0x1a1: {  	s21 =	sor.u32 $0xB180, s12;
	s17 =	sor.u32 s11, s18;
	[tilespmem:s16+$0x0] =	vst.add.f32.msk $0xffff, v0  }
0x1a2: {  	s22 =	sor.u32 $0x1200, s12;
	s19 =	sor.u32 s11, s21;
	[tilespmem:s17+$0x0] =	vst.add.f32.msk $0xffff, v0  }
0x1a3: {  	s20 =	sor.u32 s11, s22;
	[tilespmem:s19+$0x0] =	vst.add.f32.msk $0xffff, v0  }
0x1a4: {  	s1 =	sor.u32 s8, s1;
	v0 =	vld [tilespmem:s20+$0x0]  }
0x1a5: {  	[tilespmem:s1+$0x0] =	vst.add.f32.msk $0xffff, v1;
	s23 =	sor.u32 s8, s7  }
0x1a6: {  	s24 =	sor.u32 s8, s9;
	[tilespmem:s23+$0x0] =	vst.add.f32.msk $0xffff, v1  }
0x1a7: {  	s9 =	sor.u32 $0x8200, s12;
	s25 =	sor.u32 s8, s14;
	[tilespmem:s24+$0x0] =	vst.add.f32.msk $0xffff, v1  }
0x1a8: {  	v1 =	vld [tilespmem:s25+$0x0];
	s26 =	sor.u32 s11, s9;
	s17 =	sor.u32 $0x9200, s12  }
0x1a9: {  	s19 =	sor.u32 $0xA200, s12;
	s29 =	sor.u32 s11, s17;
	[tilespmem:s26+$0x0] =	vst.add.f32.msk $0xffff, v0  }
0x1aa: {  	s16 =	sor.u32 $0xB200, s12;
	s5 =	sor.u32 s11, s19;
	[tilespmem:s29+$0x0] =	vst.add.f32.msk $0xffff, v0  }
0x1ab: {  	s15 =	sor.u32 $0x1280, s12;
	s7 =	sor.u32 s11, s16;
	[tilespmem:s5+$0x0] =	vst.add.f32.msk $0xffff, v0  }
0x1ac: {  	s14 =	sor.u32 s11, s15;
	[tilespmem:s7+$0x0] =	vst.add.f32.msk $0xffff, v0  }
0x1ad: {  	s20 =	sor.u32 s8, s0;
	v0 =	vld [tilespmem:s14+$0x0]  }
0x1ae: {  	s3 =	sor.u32 s8, s3;
	[tilespmem:s20+$0x0] =	vst.add.f32.msk $0xffff, v1  }
0x1af: {  	s4 =	sor.u32 s8, s4;
	[tilespmem:s3+$0x0] =	vst.add.f32.msk $0xffff, v1  }
0x1b0: {  	s0 =	sor.u32 $0x8280, s12;
	[tilespmem:s4+$0x0] =	vst.add.f32.msk $0xffff, v1;
	s14 =	sor.u32 s8, s6  }
0x1b1: {  	s23 =	sor.u32 s11, s0;
	s5 =	sor.u32 $0x9280, s12;
	[tilespmem:s14+$0x0] =	vst.add.f32.msk $0xffff, v1  }
0x1b2: {  	s7 =	sor.u32 $0xA280, s12;
	s24 =	sor.u32 s11, s5;
	[tilespmem:s23+$0x0] =	vst.add.f32.msk $0xffff, v0  }
0x1b3: {  	s26 =	sor.u32 $0xB280, s12;
	s20 =	sor.u32 s11, s7;
	[tilespmem:s24+$0x0] =	vst.add.f32.msk $0xffff, v0  }
0x1b4: {  	s25 =	sor.u32 s11, s26;
	[tilespmem:s20+$0x0] =	vst.add.f32.msk $0xffff, v0  }
0x1b5: {  	s1 =	sor.u32 $0x1300, s12;
	s20 =	sor.u32 s8, s10;
	[tilespmem:s25+$0x0] =	vst.add.f32.msk $0xffff, v0  }
0x1b6: {  	s29 =	sor.u32 s11, s1;
	v1 =	vld [tilespmem:s20+$0x0]  }
0x1b7: {  	v0 =	vld [tilespmem:s29+$0x0];
	_ =	sdelay $0x1  }
0x1b8: {  	s23 =	sor.u32 $0x9300, s12  }
0x1b9: {  	s2 =	sor.u32 s8, s2;
	s3 =	sor.u32 $0x8300, s12;
	[smem:$0x7ED] =	sst s23  }
0x1ba: {  	s24 =	sor.u32 s11, s3;
	[tilespmem:s2+$0x0] =	vst.add.f32.msk $0xffff, v1  }
0x1bb: {  	s13 =	sor.u32 s8, s13;
	[tilespmem:s24+$0x0] =	vst.add.f32.msk $0xffff, v0  }
0x1bc: {  	s6 =	sor.u32 s11, s23;
	[tilespmem:s13+$0x0] =	vst.add.f32.msk $0xffff, v1  }
0x1bd: {  	s10 =	sor.u32 $0xA300, s12;
	s20 =	sor.u32 s8, s18;
	[tilespmem:s6+$0x0] =	vst.add.f32.msk $0xffff, v0  }
0x1be: {  	s4 =	sor.u32 $0xB300, s12;
	s25 =	sor.u32 s11, s10;
	[tilespmem:s20+$0x0] =	vst.add.f32.msk $0xffff, v1  }
0x1bf: {  	s29 =	sor.u32 s11, s4;
	s6 =	sor.u32 $0x1380, s12;
	[tilespmem:s25+$0x0] =	vst.add.f32.msk $0xffff, v0  }
0x1c0: {  	s14 =	sor.u32 s11, s6;
	[tilespmem:s29+$0x0] =	vst.add.f32.msk $0xffff, v0  }
0x1c1: {  	s21 =	sor.u32 s8, s21;
	v0 =	vld [tilespmem:s14+$0x0]  }
0x1c2: {  	s24 =	sor.u32 $0x9380, s12;
	[tilespmem:s21+$0x0] =	vst.add.f32.msk $0xffff, v1  }
0x1c3: {  	s23 =	sor.u32 s8, s22;
	[smem:$0x7EE] =	sst s24  }
0x1c4: {  	s2 =	sor.u32 $0x8380, s12;
	s29 =	sor.u32 $0xA380, s12;
	v1 =	vld [tilespmem:s23+$0x0]  }
0x1c5: {  	s25 =	sor.u32 s11, s2;
	[smem:$0x7F0] =	sst s29  }
0x1c6: {  	s21 =	sor.u32 $0xB380, s12;
	[tilespmem:s25+$0x0] =	vst.add.f32.msk $0xffff, v0  }
0x1c7: {  	s20 =	sor.u32 s11, s24;
	[smem:$0x7F1] =	sst s21  }
0x1c8: {  	s9 =	sor.u32 s8, s9;
	[tilespmem:s20+$0x0] =	vst.add.f32.msk $0xffff, v0  }
0x1c9: {  	s22 =	sor.u32 s11, s29;
	s24 =	simm.s32 $0x100;
	s23 =	simm.s32 $0x20;
	[tilespmem:s9+$0x0] =	vst.add.f32.msk $0xffff, v1  }
0x1ca: {  	s17 =	sor.u32 s8, s17;
	s12 =	sand.u32 $0xC00, s24;
	s13 =	sand.u32 $0x60, s23;
	[tilespmem:s22+$0x0] =	vst.add.f32.msk $0xffff, v0  }
0x1cb: {  	s11 =	sor.u32 s11, s21;
	s24 =	sor.u32 $0x10, s13;
	s25 =	sor.u32 $0x1000, s12;
	[tilespmem:s17+$0x0] =	vst.add.f32.msk $0xffff, v1  }
0x1cc: {  	s29 =	sor.u32 s24, s25;
	[tilespmem:s11+$0x0] =	vst.add.f32.msk $0xffff, v0  }
0x1cd: {  	s14 =	sor.u32 s8, s19;
	v0 =	vld [tilespmem:s29+$0x0]  }
0x1ce: {  	s11 =	sor.u32 s13, s25;
	[tilespmem:s14+$0x0] =	vst.add.f32.msk $0xffff, v1  }
0x1cf: {  	s16 =	sor.u32 s8, s16;
	v2 =	vld [tilespmem:s11+$0x0]  }
0x1d0: {  	s15 =	sor.u32 s8, s15;
	s17 =	sor.u32 $0x8000, s12;
	[tilespmem:s16+$0x0] =	vst.add.f32.msk $0xffff, v1  }
0x1d1: {  	s22 =	sor.u32 $0x9000, s12;
	s23 =	sor.u32 s24, s17;
	v1 =	vld [tilespmem:s15+$0x0]  }
0x1d2: {  	s25 =	sor.u32 $0xA000, s12;
	s29 =	sor.u32 s24, s22;
	[tilespmem:s23+$0x0] =	vst.add.f32.msk $0xffff, v0  }
0x1d3: {  	s19 =	sor.u32 $0xB000, s12;
	s14 =	sor.u32 s24, s25;
	[tilespmem:s29+$0x0] =	vst.add.f32.msk $0xffff, v0  }
0x1d4: {  	s18 =	sor.u32 s24, s19;
	s21 =	sor.u32 $0x1080, s12;
	[tilespmem:s14+$0x0] =	vst.add.f32.msk $0xffff, v0  }
0x1d5: {  	s20 =	sor.u32 s24, s21;
	[tilespmem:s18+$0x0] =	vst.add.f32.msk $0xffff, v0  }
0x1d6: {  	s11 =	sor.u32 s13, s17;
	v0 =	vld [tilespmem:s20+$0x0]  }
0x1d7: {  	s9 =	sor.u32 s13, s22;
	[tilespmem:s11+$0x0] =	vst.add.f32.msk $0xffff, v2  }
0x1d8: {  	s0 =	sor.u32 s8, s0;
	[tilespmem:s9+$0x0] =	vst.add.f32.msk $0xffff, v2  }
0x1d9: {  	s22 =	sor.u32 s13, s25;
	s9 =	sor.u32 $0x8080, s12;
	[tilespmem:s0+$0x0] =	vst.add.f32.msk $0xffff, v1  }
0x1da: {  	s15 =	sor.u32 $0x9080, s12;
	[tilespmem:s22+$0x0] =	vst.add.f32.msk $0xffff, v2;
	s23 =	sor.u32 s24, s9  }
0x1db: {  	s16 =	sor.u32 $0xA080, s12;
	s25 =	sor.u32 s24, s15;
	[tilespmem:s23+$0x0] =	vst.add.f32.msk $0xffff, v0  }
0x1dc: {  	s29 =	sor.u32 s24, s16;
	s23 =	sor.u32 $0xB080, s12;
	[tilespmem:s25+$0x0] =	vst.add.f32.msk $0xffff, v0  }
0x1dd: {  	s25 =	sor.u32 $0x1100, s12;
	s14 =	sor.u32 s24, s23;
	[tilespmem:s29+$0x0] =	vst.add.f32.msk $0xffff, v0  }
0x1de: {  	s17 =	sor.u32 s24, s25;
	[tilespmem:s14+$0x0] =	vst.add.f32.msk $0xffff, v0  }
0x1df: {  	s18 =	sor.u32 s13, s19;
	v0 =	vld [tilespmem:s17+$0x0]  }
0x1e0: {  	s19 =	sor.u32 s13, s21;
	[tilespmem:s18+$0x0] =	vst.add.f32.msk $0xffff, v2  }
0x1e1: {  	s5 =	sor.u32 s8, s5;
	v2 =	vld [tilespmem:s19+$0x0]  }
0x1e2: {  	[tilespmem:s5+$0x0] =	vst.add.f32.msk $0xffff, v1;
	s18 =	sor.u32 s8, s7;
	s19 =	sor.u32 $0x8100, s12  }
0x1e3: {  	[tilespmem:s18+$0x0] =	vst.add.f32.msk $0xffff, v1;
	s20 =	sor.u32 s24, s19;
	s29 =	sor.u32 $0x9100, s12  }
0x1e4: {  	s21 =	sor.u32 s24, s29;
	[tilespmem:s20+$0x0] =	vst.add.f32.msk $0xffff, v0  }
0x1e5: {  	s30 =	sor.u32 $0xA100, s12;
	s20 =	sor.u32 s13, s9;
	[tilespmem:s21+$0x0] =	vst.add.f32.msk $0xffff, v0  }
0x1e6: {  	s22 =	sor.u32 s24, s30;
	s14 =	sor.u32 $0xB100, s12;
	[tilespmem:s20+$0x0] =	vst.add.f32.msk $0xffff, v2  }
0x1e7: {  	s11 =	sor.u32 $0x1180, s12;
	s5 =	sor.u32 s24, s14;
	[tilespmem:s22+$0x0] =	vst.add.f32.msk $0xffff, v0  }
0x1e8: {  	s17 =	sor.u32 s24, s11;
	[tilespmem:s5+$0x0] =	vst.add.f32.msk $0xffff, v0  }
0x1e9: {  	s21 =	sor.u32 s13, s15;
	v0 =	vld [tilespmem:s17+$0x0]  }
0x1ea: {  	s22 =	sor.u32 s13, s16;
	[tilespmem:s21+$0x0] =	vst.add.f32.msk $0xffff, v2  }
0x1eb: {  	s23 =	sor.u32 s13, s23;
	[tilespmem:s22+$0x0] =	vst.add.f32.msk $0xffff, v2  }
0x1ec: {  	s16 =	sor.u32 $0x8180, s12;
	s5 =	sor.u32 s13, s25;
	[tilespmem:s23+$0x0] =	vst.add.f32.msk $0xffff, v2  }
0x1ed: {  	s7 =	sor.u32 s24, s16;
	s17 =	sor.u32 $0x9180, s12;
	v2 =	vld [tilespmem:s5+$0x0]  }
0x1ee: {  	s22 =	sor.u32 $0xA180, s12;
	s9 =	sor.u32 s24, s17;
	[tilespmem:s7+$0x0] =	vst.add.f32.msk $0xffff, v0  }
0x1ef: {  	s15 =	sor.u32 s24, s22;
	[tilespmem:s9+$0x0] =	vst.add.f32.msk $0xffff, v0;
	s9 =	sor.u32 $0xB180, s12  }
0x1f0: {  	s21 =	sor.u32 $0x1200, s12;
	[tilespmem:s15+$0x0] =	vst.add.f32.msk $0xffff, v0;
	s18 =	sor.u32 s24, s9  }
0x1f1: {  	s20 =	sor.u32 s24, s21;
	[tilespmem:s18+$0x0] =	vst.add.f32.msk $0xffff, v0  }
0x1f2: {  	v0 =	vld [tilespmem:s20+$0x0]  }
0x1f3: {  	s7 =	sor.u32 s8, s26  }
0x1f4: {  	s1 =	sor.u32 s8, s1;
	[tilespmem:s7+$0x0] =	vst.add.f32.msk $0xffff, v1  }
0x1f5: {  	s31 =	sor.u32 $0x8200, s12;
	s7 =	sor.u32 s13, s19;
	v1 =	vld [tilespmem:s1+$0x0]  }
0x1f6: {  	s28 =	sor.u32 $0x9200, s12;
	s15 =	sor.u32 s24, s31;
	[tilespmem:s7+$0x0] =	vst.add.f32.msk $0xffff, v2  }
0x1f7: {  	s26 =	sor.u32 $0xA200, s12;
	s18 =	sor.u32 s24, s28;
	[tilespmem:s15+$0x0] =	vst.add.f32.msk $0xffff, v0  }
0x1f8: {  	s0 =	sor.u32 $0xB200, s12;
	s20 =	sor.u32 s24, s26;
	[tilespmem:s18+$0x0] =	vst.add.f32.msk $0xffff, v0  }
0x1f9: {  	s23 =	sor.u32 s24, s0;
	s5 =	sor.u32 $0x1280, s12;
	[tilespmem:s20+$0x0] =	vst.add.f32.msk $0xffff, v0  }
0x1fa: {  	s25 =	sor.u32 s24, s5;
	[tilespmem:s23+$0x0] =	vst.add.f32.msk $0xffff, v0  }
0x1fb: {  	s3 =	sor.u32 s8, s3;
	v0 =	vld [tilespmem:s25+$0x0]  }
0x1fc: {  	[tilespmem:s3+$0x0] =	vst.add.f32.msk $0xffff, v1;
	s15 =	sor.u32 s13, s29  }
0x1fd: {  	[tilespmem:s15+$0x0] =	vst.add.f32.msk $0xffff, v2;
	s18 =	sor.u32 s13, s30  }
0x1fe: {  	s19 =	sor.u32 s13, s14;
	s1 =	sor.u32 $0x8280, s12;
	[tilespmem:s18+$0x0] =	vst.add.f32.msk $0xffff, v2  }
0x1ff: {  	s7 =	sor.u32 $0x9280, s12;
	s20 =	sor.u32 s24, s1;
	[tilespmem:s19+$0x0] =	vst.add.f32.msk $0xffff, v2  }
0x200: {  	s23 =	sor.u32 s24, s7;
	s25 =	sor.u32 $0xA280, s12;
	[tilespmem:s20+$0x0] =	vst.add.f32.msk $0xffff, v0  }
0x201: {  	s29 =	sor.u32 s24, s25;
	s20 =	sor.u32 $0xB280, s12;
	[tilespmem:s23+$0x0] =	vst.add.f32.msk $0xffff, v0  }
0x202: {  	s14 =	sor.u32 s24, s20;
	[tilespmem:s29+$0x0] =	vst.add.f32.msk $0xffff, v0  }
0x203: {  	[tilespmem:s14+$0x0] =	vst.add.f32.msk $0xffff, v0  }
0x204: {  	s18 =	sor.u32 $0x1300, s12;
	s3 =	sld [smem:$0x7ED]  }
0x205: {  	s15 =	sor.u32 s24, s18  }
0x206: {  	v0 =	vld [tilespmem:s15+$0x0]  }
0x207: {  	s3 =	sor.u32 s8, s3  }
0x208: {  	s11 =	sor.u32 s13, s11;
	s29 =	sor.u32 $0x8300, s12;
	[tilespmem:s3+$0x0] =	vst.add.f32.msk $0xffff, v1  }
0x209: {  	v2 =	vld [tilespmem:s11+$0x0];
	s23 =	sor.u32 s8, s10;
	[smem:$0x7EF] =	sst s29  }
0x20a: {  	s30 =	sor.u32 $0x9300, s12;
	s11 =	sor.u32 s24, s29;
	[tilespmem:s23+$0x0] =	vst.add.f32.msk $0xffff, v1  }
0x20b: {  	s14 =	sor.u32 s24, s30;
	[tilespmem:s11+$0x0] =	vst.add.f32.msk $0xffff, v0  }
0x20c: {  	s15 =	sor.u32 $0xB300, s12;
	s29 =	sor.u32 $0xA300, s12;
	[tilespmem:s14+$0x0] =	vst.add.f32.msk $0xffff, v0  }
0x20d: {  	s19 =	sor.u32 s24, s29;
	[smem:$0x7F2] =	sst s15  }
0x20e: {  	s23 =	sor.u32 $0x1380, s12;
	[tilespmem:s19+$0x0] =	vst.add.f32.msk $0xffff, v0  }
0x20f: {  	s10 =	sor.u32 s24, s15;
	[smem:$0x7F3] =	sst s23  }
0x210: {  	s14 =	sor.u32 s13, s16;
	[tilespmem:s10+$0x0] =	vst.add.f32.msk $0xffff, v0  }
0x211: {  	s11 =	sor.u32 s24, s23;
	[tilespmem:s14+$0x0] =	vst.add.f32.msk $0xffff, v2  }
0x212: {  	s15 =	sor.u32 s13, s17;
	v0 =	vld [tilespmem:s11+$0x0]  }
0x213: {  	s16 =	sor.u32 s13, s22;
	[tilespmem:s15+$0x0] =	vst.add.f32.msk $0xffff, v2  }
0x214: {  	s19 =	sor.u32 $0x8380, s12;
	[tilespmem:s16+$0x0] =	vst.add.f32.msk $0xffff, v2  }
0x215: {  	s17 =	sor.u32 s13, s9;
	[smem:$0x7F4] =	sst s19  }
0x216: {  	s22 =	sor.u32 $0x9380, s12;
	[tilespmem:s17+$0x0] =	vst.add.f32.msk $0xffff, v2  }
0x217: {  	s23 =	sor.u32 s24, s19;
	[smem:$0x7F5] =	sst s22  }
0x218: {  	s10 =	sor.u32 s24, s22;
	[tilespmem:s23+$0x0] =	vst.add.f32.msk $0xffff, v0  }
0x219: {  	s14 =	sor.u32 $0xA380, s12;
	[tilespmem:s10+$0x0] =	vst.add.f32.msk $0xffff, v0  }
0x21a: {  	s11 =	sor.u32 s13, s21;
	s15 =	sor.u32 $0xB380, s12;
	[smem:$0x7F6] =	sst s14  }
0x21b: {  	s9 =	simm.s32 $0x40;
	s16 =	sor.u32 s24, s14;
	v2 =	vld [tilespmem:s11+$0x0];
	[smem:$0x7F7] =	sst s15  }
0x21c: {  	s21 =	sor.u32 s8, s6;
	s19 =	sor.u32 s8, s4;
	s10 =	simm.s32 $0x200;
	[tilespmem:s16+$0x0] =	vst.add.f32.msk $0xffff, v0  }
0x21d: {  	s12 =	sand.u32 $0x60, s9;
	s17 =	sor.u32 s24, s15;
	s6 =	sand.u32 $0xC00, s10;
	[tilespmem:s19+$0x0] =	vst.add.f32.msk $0xffff, v1  }
0x21e: {  	s4 =	sor.u32 $0x10, s12;
	s24 =	sor.u32 s13, s26;
	s26 =	sor.u32 $0x1000, s6;
	[tilespmem:s17+$0x0] =	vst.add.f32.msk $0xffff, v0  }
0x21f: {  	s14 =	sor.u32 s4, s26;
	v0 =	vld [tilespmem:s21+$0x0]  }
0x220: {  	s15 =	sor.u32 s12, s26;
	v1 =	vld [tilespmem:s14+$0x0]  }
0x221: {  	s22 =	sor.u32 s13, s31;
	v3 =	vld [tilespmem:s15+$0x0]  }
0x222: {  	s23 =	sor.u32 s13, s28;
	[tilespmem:s22+$0x0] =	vst.add.f32.msk $0xffff, v2  }
0x223: {  	[tilespmem:s23+$0x0] =	vst.add.f32.msk $0xffff, v2  }
0x224: {  	s19 =	sor.u32 $0x8000, s6;
	s17 =	sor.u32 s8, s2;
	[tilespmem:s24+$0x0] =	vst.add.f32.msk $0xffff, v2  }
0x225: {  	s22 =	sor.u32 s4, s19;
	[tilespmem:s17+$0x0] =	vst.add.f32.msk $0xffff, v0  }
0x226: {  	s2 =	sor.u32 s12, s19;
	[tilespmem:s22+$0x0] =	vst.add.f32.msk $0xffff, v1  }
0x227: {  	s0 =	sor.u32 s13, s0;
	s21 =	sor.u32 $0x9000, s6;
	[tilespmem:s2+$0x0] =	vst.add.f32.msk $0xffff, v3  }
0x228: {  	s24 =	sor.u32 s4, s21;
	[tilespmem:s0+$0x0] =	vst.add.f32.msk $0xffff, v2  }
0x229: {  	s16 =	sor.u32 s13, s5;
	s23 =	sor.u32 $0xA000, s6;
	[tilespmem:s24+$0x0] =	vst.add.f32.msk $0xffff, v1  }
0x22a: {  	s26 =	sor.u32 $0xB000, s6;
	s14 =	sor.u32 s4, s23;
	v2 =	vld [tilespmem:s16+$0x0]  }
0x22b: {  	s11 =	sor.u32 $0x1080, s6;
	s15 =	sor.u32 s4, s26;
	[tilespmem:s14+$0x0] =	vst.add.f32.msk $0xffff, v1  }
0x22c: {  	s17 =	sor.u32 s4, s11;
	[tilespmem:s15+$0x0] =	vst.add.f32.msk $0xffff, v1  }
0x22d: {  	s0 =	sor.u32 s12, s21;
	v1 =	vld [tilespmem:s17+$0x0]  }
0x22e: {  	s19 =	sor.u32 s12, s23;
	[tilespmem:s0+$0x0] =	vst.add.f32.msk $0xffff, v3  }
0x22f: {  	s21 =	sor.u32 s12, s26;
	[tilespmem:s19+$0x0] =	vst.add.f32.msk $0xffff, v3  }
0x230: {  	s2 =	sor.u32 $0x8080, s6;
	s11 =	sor.u32 s12, s11;
	[tilespmem:s21+$0x0] =	vst.add.f32.msk $0xffff, v3  }
0x231: {  	s22 =	sor.u32 s4, s2;
	s0 =	sor.u32 $0x9080, s6;
	v3 =	vld [tilespmem:s11+$0x0]  }
0x232: {  	s3 =	sor.u32 $0xA080, s6;
	s23 =	sor.u32 s4, s0;
	[tilespmem:s22+$0x0] =	vst.add.f32.msk $0xffff, v1  }
0x233: {  	s5 =	sor.u32 $0xB080, s6;
	s24 =	sor.u32 s4, s3;
	[tilespmem:s23+$0x0] =	vst.add.f32.msk $0xffff, v1  }
0x234: {  	s26 =	sor.u32 s4, s5;
	[tilespmem:s24+$0x0] =	vst.add.f32.msk $0xffff, v1;
	s24 =	sor.u32 $0x1100, s6  }
0x235: {  	[tilespmem:s26+$0x0] =	vst.add.f32.msk $0xffff, v1;
	s14 =	sor.u32 s4, s24  }
0x236: {  	s1 =	sor.u32 s13, s1;
	v1 =	vld [tilespmem:s14+$0x0]  }
0x237: {  	s15 =	sor.u32 s13, s7;
	[tilespmem:s1+$0x0] =	vst.add.f32.msk $0xffff, v2  }
0x238: {  	s16 =	sor.u32 s13, s25;
	[tilespmem:s15+$0x0] =	vst.add.f32.msk $0xffff, v2  }
0x239: {  	s2 =	sor.u32 s12, s2;
	s15 =	sor.u32 $0x8100, s6;
	[tilespmem:s16+$0x0] =	vst.add.f32.msk $0xffff, v2  }
0x23a: {  	s17 =	sor.u32 s4, s15;
	[tilespmem:s2+$0x0] =	vst.add.f32.msk $0xffff, v3;
	s14 =	sor.u32 $0x9100, s6  }
0x23b: {  	s7 =	sor.u32 $0xA100, s6;
	s19 =	sor.u32 s4, s14;
	[tilespmem:s17+$0x0] =	vst.add.f32.msk $0xffff, v1  }
0x23c: {  	s21 =	sor.u32 s4, s7;
	s1 =	sor.u32 $0xB100, s6;
	[tilespmem:s19+$0x0] =	vst.add.f32.msk $0xffff, v1  }
0x23d: {  	s22 =	sor.u32 s4, s1;
	s26 =	sor.u32 $0x1180, s6;
	[tilespmem:s21+$0x0] =	vst.add.f32.msk $0xffff, v1  }
0x23e: {  	s23 =	sor.u32 s4, s26;
	[tilespmem:s22+$0x0] =	vst.add.f32.msk $0xffff, v1  }
0x23f: {  	s20 =	sor.u32 s13, s20;
	v1 =	vld [tilespmem:s23+$0x0]  }
0x240: {  	s0 =	sor.u32 s12, s0;
	[tilespmem:s20+$0x0] =	vst.add.f32.msk $0xffff, v2  }
0x241: {  	s25 =	sor.u32 s12, s3;
	[tilespmem:s0+$0x0] =	vst.add.f32.msk $0xffff, v3  }
0x242: {  	s2 =	sor.u32 s12, s5;
	[tilespmem:s25+$0x0] =	vst.add.f32.msk $0xffff, v3;
	s21 =	sor.u32 $0x8180, s6  }
0x243: {  	s31 =	sor.u32 $0x9180, s6;
	[tilespmem:s2+$0x0] =	vst.add.f32.msk $0xffff, v3;
	s3 =	sor.u32 s4, s21  }
0x244: {  	s5 =	sor.u32 s4, s31;
	s2 =	sor.u32 $0xA180, s6;
	[tilespmem:s3+$0x0] =	vst.add.f32.msk $0xffff, v1  }
0x245: {  	s11 =	sor.u32 s4, s2;
	s22 =	sor.u32 $0xB180, s6;
	[tilespmem:s5+$0x0] =	vst.add.f32.msk $0xffff, v1  }
0x246: {  	s16 =	sor.u32 s4, s22;
	[tilespmem:s11+$0x0] =	vst.add.f32.msk $0xffff, v1  }
0x247: {  	s23 =	sor.u32 $0x1200, s6;
	[tilespmem:s16+$0x0] =	vst.add.f32.msk $0xffff, v1  }
0x248: {  	s17 =	sor.u32 s4, s23;
	s25 =	sld [smem:$0x7EE]  }
0x249: {  	v1 =	vld [tilespmem:s17+$0x0]  }
0x24a: {  	s19 =	sor.u32 s12, s24  }
0x24b: {  	v3 =	vld [tilespmem:s19+$0x0];
	s0 =	sor.u32 s8, s25  }
0x24c: {  	s24 =	sor.u32 s13, s18;
	s3 =	sor.u32 $0x9200, s6;
	s25 =	sor.u32 $0x8200, s6;
	[tilespmem:s0+$0x0] =	vst.add.f32.msk $0xffff, v0  }
0x24d: {  	v2 =	vld [tilespmem:s24+$0x0];
	s11 =	sor.u32 s4, s25;
	[smem:$0x7F8] =	sst s3  }
0x24e: {  	s16 =	sor.u32 $0xA200, s6;
	[tilespmem:s11+$0x0] =	vst.add.f32.msk $0xffff, v1  }
0x24f: {  	s17 =	sor.u32 s4, s3;
	[smem:$0x7F9] =	sst s16  }
0x250: {  	s28 =	sor.u32 $0xB200, s6;
	s18 =	sor.u32 s4, s16;
	[tilespmem:s17+$0x0] =	vst.add.f32.msk $0xffff, v1  }
0x251: {  	s24 =	sor.u32 $0x1280, s6;
	s19 =	sor.u32 s4, s28;
	[tilespmem:s18+$0x0] =	vst.add.f32.msk $0xffff, v1  }
0x252: {  	s20 =	sor.u32 s4, s24;
	[tilespmem:s19+$0x0] =	vst.add.f32.msk $0xffff, v1  }
0x253: {  	s3 =	sor.u32 s12, s15;
	v1 =	vld [tilespmem:s20+$0x0]  }
0x254: {  	s5 =	sor.u32 s12, s14;
	[tilespmem:s3+$0x0] =	vst.add.f32.msk $0xffff, v3  }
0x255: {  	s11 =	sor.u32 s12, s7;
	[tilespmem:s5+$0x0] =	vst.add.f32.msk $0xffff, v3  }
0x256: {  	s14 =	sor.u32 s12, s1;
	s3 =	sor.u32 $0x8280, s6;
	[tilespmem:s11+$0x0] =	vst.add.f32.msk $0xffff, v3  }
0x257: {  	s15 =	sor.u32 s4, s3;
	[tilespmem:s14+$0x0] =	vst.add.f32.msk $0xffff, v3;
	s20 =	sor.u32 $0x9280, s6  }
0x258: {  	s19 =	sor.u32 $0xA280, s6;
	s16 =	sor.u32 s4, s20;
	[tilespmem:s15+$0x0] =	vst.add.f32.msk $0xffff, v1  }
0x259: {  	s18 =	sor.u32 $0xB280, s6;
	s17 =	sor.u32 s4, s19;
	[tilespmem:s16+$0x0] =	vst.add.f32.msk $0xffff, v1  }
0x25a: {  	s1 =	sor.u32 s4, s18;
	[tilespmem:s17+$0x0] =	vst.add.f32.msk $0xffff, v1  }
0x25b: {  	[tilespmem:s1+$0x0] =	vst.add.f32.msk $0xffff, v1  }
0x25c: {  	s17 =	sor.u32 $0x1300, s6;
	s0 =	sld [smem:$0x7EF]  }
0x25d: {  	s5 =	sor.u32 s4, s17  }
0x25e: {  	s11 =	sor.u32 s12, s26;
	v1 =	vld [tilespmem:s5+$0x0]  }
0x25f: {  	v3 =	vld [tilespmem:s11+$0x0];
	s14 =	sor.u32 s13, s0  }
0x260: {  	s15 =	sor.u32 s13, s30;
	[tilespmem:s14+$0x0] =	vst.add.f32.msk $0xffff, v2  }
0x261: {  	s16 =	sor.u32 s13, s29;
	s29 =	sor.u32 $0x8300, s6;
	[tilespmem:s15+$0x0] =	vst.add.f32.msk $0xffff, v2  }
0x262: {  	s26 =	sor.u32 s4, s29;
	[tilespmem:s16+$0x0] =	vst.add.f32.msk $0xffff, v2;
	s16 =	sor.u32 $0x9300, s6  }
0x263: {  	s11 =	sor.u32 $0xA300, s6;
	[tilespmem:s26+$0x0] =	vst.add.f32.msk $0xffff, v1;
	s0 =	sor.u32 s4, s16  }
0x264: {  	s7 =	sor.u32 $0xB300, s6;
	s1 =	sor.u32 s4, s11;
	[tilespmem:s0+$0x0] =	vst.add.f32.msk $0xffff, v1  }
0x265: {  	s5 =	sor.u32 s4, s7;
	[tilespmem:s1+$0x0] =	vst.add.f32.msk $0xffff, v1  }
0x266: {  	[tilespmem:s5+$0x0] =	vst.add.f32.msk $0xffff, v1  }
0x267: {  	s15 =	sld [smem:$0x7F0];
	_ =	sdelay $0x2  }
0x268: {  	s5 =	sld [smem:$0x7F1];
	s1 =	sor.u32 s8, s15  }
0x269: {  	s0 =	sor.u32 $0x1380, s6;
	s15 =	sor.u32 s12, s21;
	[smem:$0x7FA] =	sst s1  }
0x26a: {  	s26 =	sor.u32 s4, s0;
	s14 =	sld [smem:$0x7F2];
	[tilespmem:s15+$0x0] =	vst.add.f32.msk $0xffff, v3  }
0x26b: {  	v1 =	vld [tilespmem:s26+$0x0];
	s26 =	sld [smem:$0x7F4];
	_ =	sdelay $0x2  }
0x26c: {  	s1 =	sor.u32 s13, s26  }
0x26d: {  	[dreg:$0xa] =	wrdreg s1;
	s1 =	sor.u32 s12, s31  }
0x26e: {  	s21 =	sld [smem:$0x7F3];
	[tilespmem:s1+$0x0] =	vst.add.f32.msk $0xffff, v3  }
0x26f: {  	s30 =	sor.u32 s8, s5;
	s8 =	sor.u32 s13, s14;
	s14 =	sld [smem:$0x7F6]  }
0x270: {  	s26 =	sld [smem:$0x7F7];
	_ =	sdelay $0x1  }
0x271: {  	s5 =	sld [smem:$0x7F5];
	s1 =	sor.u32 s13, s14  }
0x272: {  	[dreg:$0x5] =	wrdreg s1;
	s1 =	sor.u32 s13, s26  }
0x273: {  	s28 =	sor.u32 s12, s28;
	s15 =	sor.u32 s12, s2;
	[dreg:$0x7] =	wrdreg s1  }
0x274: {  	s3 =	sor.u32 s12, s3;
	s2 =	sor.u32 s12, s22;
	s22 =	sor.u32 $0x8380, s6;
	[tilespmem:s15+$0x0] =	vst.add.f32.msk $0xffff, v3  }
0x275: {  	s31 =	sor.u32 s13, s5;
	s5 =	sor.u32 s4, s22;
	[tilespmem:s2+$0x0] =	vst.add.f32.msk $0xffff, v3;
	s2 =	sor.u32 $0x9380, s6  }
0x276: {  	s21 =	sor.u32 s13, s21;
	[tilespmem:s5+$0x0] =	vst.add.f32.msk $0xffff, v1;
	s5 =	sor.u32 $0xA380, s6;
	s15 =	sor.u32 s4, s2  }
0x277: {  	s13 =	sor.u32 s12, s23;
	s1 =	sor.u32 $0xB380, s6;
	s26 =	sor.u32 s4, s5;
	[tilespmem:s15+$0x0] =	vst.add.f32.msk $0xffff, v1  }
0x278: {  	s23 =	sor.u32 s12, s25;
	s4 =	sor.u32 s4, s1;
	s25 =	sld [smem:$0x7F8];
	[tilespmem:s26+$0x0] =	vst.add.f32.msk $0xffff, v1  }
0x279: {  	s11 =	sor.u32 s12, s11;
	s14 =	sor.u32 s12, s24;
	s6 =	sld [smem:$0x7F9];
	[tilespmem:s4+$0x0] =	vst.add.f32.msk $0xffff, v1  }
0x27a: {  	s24 =	sor.u32 s12, s17;
	s17 =	sor.u32 s12, s29;
	s2 =	sor.u32 s12, s2;
	[tilespmem:s8+$0x0] =	vst.add.f32.msk $0xffff, v2  }
0x27b: {  	s26 =	sor.u32 s12, s20;
	s20 =	sor.u32 s12, s19;
	v1 =	vld [tilespmem:s13+$0x0];
	s29 =	sld [smem:$0x7FA]  }
0x27c: {  	s4 =	sor.u32 s12, s18;
	s18 =	sor.u32 s12, s5;
	s5 =	sor.u32 s12, s1  }
0x27d: {  	v2 =	vld [tilespmem:s21+$0x0];
	s21 =	sor.u32 s12, s7;
	s25 =	sor.u32 s12, s25;
	s15 =	sor.u32 s12, s6  }
0x27e: {  	s6 =	sor.u32 s12, s16;
	s16 =	sor.u32 s12, s0;
	s0 =	sor.u32 s12, s22;
	[tilespmem:s29+$0x0] =	vst.add.f32.msk $0xffff, v0  }
.LBB2_5:
0x27f: {  	s9 =	sadd.s32 $0x20, s9;
	s10 =	sadd.s32 $0x100, s10;
	[tilespmem:s30+$0x0] =	vst.add.f32.msk $0xffff, v0  }
0x280: {  	s12 =	sand.u32 $0x60, s9;
	s22 =	sand.u32 $0xC00, s10;
	[tilespmem:s23+$0x0] =	vst.add.f32.msk $0xffff, v1  }
0x281: {  	s1 =	rddreg [dreg:$0x7];
	s19 =	sor.u32 $0x10, s12;
	s23 =	sor.u32 $0x1000, s22;
	[tilespmem:s25+$0x0] =	vst.add.f32.msk $0xffff, v1  }
0x282: {  	s7 =	smov.u32 s1;
	s1 =	sor.u32 s19, s23;
	[tilespmem:s15+$0x0] =	vst.add.f32.msk $0xffff, v1  }
0x283: {  	s8 =	sor.u32 s12, s23;
	v0 =	vmov v2;
	v2 =	vld [tilespmem:s1+$0x0]  }
0x284: {  	v3 =	vld [tilespmem:s8+$0x0]  }
0x285: {  	[tilespmem:s28+$0x0] =	vst.add.f32.msk $0xffff, v1  }
0x286: {  	s13 =	sor.u32 $0x8000, s22;
	s8 =	rddreg [dreg:$0xa];
	v1 =	vld [tilespmem:s14+$0x0]  }
0x287: {  	s29 =	smov.u32 s5;
	s1 =	sor.u32 s19, s13;
	s14 =	sor.u32 $0x9000, s22;
	[tilespmem:s8+$0x0] =	vst.add.f32.msk $0xffff, v0  }
0x288: {  	s5 =	sor.u32 s12, s13;
	s13 =	sor.u32 $0xA000, s22;
	s15 =	sor.u32 s19, s14;
	[tilespmem:s1+$0x0] =	vst.add.f32.msk $0xffff, v2  }
0x289: {  	[dreg:$0x7] =	wrdreg s29;
	s23 =	sor.u32 $0xB000, s22;
	s25 =	sor.u32 s19, s13;
	[tilespmem:s15+$0x0] =	vst.add.f32.msk $0xffff, v2  }
0x28a: {  	s29 =	sor.u32 $0x1080, s22;
	s8 =	sor.u32 s12, s14;
	s14 =	sor.u32 s19, s23;
	[tilespmem:s25+$0x0] =	vst.add.f32.msk $0xffff, v2  }
0x28b: {  	s25 =	sor.u32 s19, s29;
	[tilespmem:s14+$0x0] =	vst.add.f32.msk $0xffff, v2  }
0x28c: {  	v2 =	vld [tilespmem:s25+$0x0]  }
0x28d: {  	[tilespmem:s5+$0x0] =	vst.add.f32.msk $0xffff, v3  }
0x28e: {  	[dreg:$0x11] =	wrdreg s7;
	s7 =	sor.u32 s12, s13;
	[tilespmem:s8+$0x0] =	vst.add.f32.msk $0xffff, v3  }
0x28f: {  	s13 =	sor.u32 s12, s23;
	s23 =	sor.u32 s12, s29;
	[tilespmem:s7+$0x0] =	vst.add.f32.msk $0xffff, v3;
	s7 =	sor.u32 $0x8080, s22  }
0x290: {  	s29 =	smov.u32 s0;
	s8 =	sor.u32 $0x9080, s22;
	[tilespmem:s13+$0x0] =	vst.add.f32.msk $0xffff, v3;
	s0 =	sor.u32 s19, s7  }
0x291: {  	s14 =	sor.u32 s19, s8;
	s13 =	sor.u32 $0xA080, s22;
	[tilespmem:s0+$0x0] =	vst.add.f32.msk $0xffff, v2  }
0x292: {  	s15 =	sor.u32 $0xB080, s22;
	s25 =	sor.u32 s19, s13;
	[tilespmem:s14+$0x0] =	vst.add.f32.msk $0xffff, v2  }
0x293: {  	[dreg:$0xa] =	wrdreg s29;
	s29 =	sor.u32 $0x1100, s22;
	[tilespmem:s25+$0x0] =	vst.add.f32.msk $0xffff, v2;
	s25 =	sor.u32 s19, s15  }
0x294: {  	s14 =	sor.u32 s12, s29;
	s29 =	sor.u32 s19, s29;
	[tilespmem:s25+$0x0] =	vst.add.f32.msk $0xffff, v2  }
0x295: {  	v2 =	vld [tilespmem:s29+$0x0]  }
0x296: {  	v3 =	vld [tilespmem:s23+$0x0]  }
0x297: {  	s1 =	sor.u32 s12, s7;
	[tilespmem:s3+$0x0] =	vst.add.f32.msk $0xffff, v1  }
0x298: {  	s7 =	sor.u32 s12, s8;
	s5 =	sor.u32 s12, s13;
	s13 =	sor.u32 $0x8100, s22;
	[tilespmem:s26+$0x0] =	vst.add.f32.msk $0xffff, v1  }
0x299: {  	s8 =	sor.u32 s12, s15;
	[tilespmem:s20+$0x0] =	vst.add.f32.msk $0xffff, v1;
	s0 =	sor.u32 s19, s13;
	s15 =	sor.u32 $0x9100, s22  }
0x29a: {  	s23 =	sor.u32 $0xA100, s22;
	s3 =	sor.u32 s12, s13;
	s25 =	sor.u32 s19, s15;
	[tilespmem:s0+$0x0] =	vst.add.f32.msk $0xffff, v2  }
0x29b: {  	s20 =	sor.u32 s12, s15;
	s15 =	sor.u32 s19, s23;
	s29 =	sor.u32 $0xB100, s22;
	[tilespmem:s25+$0x0] =	vst.add.f32.msk $0xffff, v2  }
0x29c: {  	s26 =	sor.u32 s12, s23;
	s23 =	sor.u32 s19, s29;
	s25 =	sor.u32 $0x1180, s22;
	[tilespmem:s15+$0x0] =	vst.add.f32.msk $0xffff, v2  }
0x29d: {  	s13 =	sor.u32 s12, s29;
	s29 =	sor.u32 s12, s25;
	s25 =	sor.u32 s19, s25;
	[tilespmem:s23+$0x0] =	vst.add.f32.msk $0xffff, v2  }
0x29e: {  	v2 =	vld [tilespmem:s25+$0x0]  }
0x29f: {  	[tilespmem:s1+$0x0] =	vst.add.f32.msk $0xffff, v3  }
0x2a0: {  	[tilespmem:s7+$0x0] =	vst.add.f32.msk $0xffff, v3  }
0x2a1: {  	[tilespmem:s5+$0x0] =	vst.add.f32.msk $0xffff, v3;
	s5 =	sor.u32 $0x8180, s22;
	s15 =	sor.u32 $0x9180, s22  }
0x2a2: {  	[tilespmem:s8+$0x0] =	vst.add.f32.msk $0xffff, v3;
	s23 =	sor.u32 s19, s5;
	s0 =	sor.u32 s12, s15  }
0x2a3: {  	s1 =	sor.u32 s19, s15;
	s15 =	sor.u32 $0xB180, s22;
	s25 =	sor.u32 $0xA180, s22;
	[tilespmem:s23+$0x0] =	vst.add.f32.msk $0xffff, v2  }
0x2a4: {  	s7 =	sor.u32 s12, s5;
	s8 =	sor.u32 s12, s15;
	s23 =	sor.u32 s19, s25;
	[tilespmem:s1+$0x0] =	vst.add.f32.msk $0xffff, v2  }
0x2a5: {  	s15 =	sor.u32 s19, s15;
	s5 =	sor.u32 s12, s25;
	s25 =	sor.u32 $0x1200, s22;
	[tilespmem:s23+$0x0] =	vst.add.f32.msk $0xffff, v2  }
0x2a6: {  	s1 =	sor.u32 s12, s25;
	s25 =	sor.u32 s19, s25;
	[tilespmem:s15+$0x0] =	vst.add.f32.msk $0xffff, v2  }
0x2a7: {  	v2 =	vld [tilespmem:s25+$0x0]  }
0x2a8: {  	v3 =	vld [tilespmem:s14+$0x0]  }
0x2a9: {  	[tilespmem:s4+$0x0] =	vst.add.f32.msk $0xffff, v1  }
0x2aa: {  	s14 =	sor.u32 $0x8200, s22;
	v4 =	vld [tilespmem:s24+$0x0]  }
0x2ab: {  	s4 =	sor.u32 s19, s14;
	[tilespmem:s31+$0x0] =	vst.add.f32.msk $0xffff, v0;
	s15 =	sor.u32 $0x9200, s22  }
0x2ac: {  	s24 =	sor.u32 $0xA200, s22;
	s23 =	sor.u32 s12, s14;
	[tilespmem:s4+$0x0] =	vst.add.f32.msk $0xffff, v2;
	s4 =	sor.u32 s19, s15  }
0x2ad: {  	s14 =	sor.u32 $0xB200, s22;
	s25 =	sor.u32 s12, s15;
	[tilespmem:s4+$0x0] =	vst.add.f32.msk $0xffff, v2;
	s4 =	sor.u32 s19, s24  }
0x2ae: {  	s15 =	sor.u32 s12, s24;
	s24 =	sor.u32 $0x1280, s22;
	[tilespmem:s4+$0x0] =	vst.add.f32.msk $0xffff, v2;
	s4 =	sor.u32 s19, s14  }
0x2af: {  	s28 =	sor.u32 s12, s14;
	s14 =	sor.u32 s12, s24;
	s24 =	sor.u32 s19, s24;
	[tilespmem:s4+$0x0] =	vst.add.f32.msk $0xffff, v2  }
0x2b0: {  	v1 =	vld [tilespmem:s24+$0x0]  }
0x2b1: {  	[tilespmem:s3+$0x0] =	vst.add.f32.msk $0xffff, v3  }
0x2b2: {  	[tilespmem:s20+$0x0] =	vst.add.f32.msk $0xffff, v3  }
0x2b3: {  	s20 =	sor.u32 $0x8280, s22;
	[tilespmem:s26+$0x0] =	vst.add.f32.msk $0xffff, v3  }
0x2b4: {  	s31 =	smov.u32 s2;
	s2 =	sor.u32 s19, s20;
	[tilespmem:s13+$0x0] =	vst.add.f32.msk $0xffff, v3;
	s24 =	sor.u32 $0x9280, s22  }
0x2b5: {  	s3 =	sor.u32 s12, s20;
	s13 =	sor.u32 $0xA280, s22;
	s4 =	sor.u32 s19, s24;
	[tilespmem:s2+$0x0] =	vst.add.f32.msk $0xffff, v1  }
0x2b6: {  	s26 =	sor.u32 s12, s24;
	s24 =	sor.u32 $0xB280, s22;
	s2 =	sor.u32 s19, s13;
	[tilespmem:s4+$0x0] =	vst.add.f32.msk $0xffff, v1  }
0x2b7: {  	s20 =	sor.u32 s12, s13;
	s13 =	sor.u32 $0x1300, s22;
	[tilespmem:s2+$0x0] =	vst.add.f32.msk $0xffff, v1;
	s2 =	sor.u32 s19, s24  }
0x2b8: {  	s4 =	sor.u32 s12, s24;
	s24 =	sor.u32 s12, s13;
	s13 =	sor.u32 s19, s13;
	[tilespmem:s2+$0x0] =	vst.add.f32.msk $0xffff, v1  }
0x2b9: {  	v1 =	vld [tilespmem:s13+$0x0]  }
0x2ba: {  	v2 =	vld [tilespmem:s29+$0x0]  }
0x2bb: {  	[tilespmem:s17+$0x0] =	vst.add.f32.msk $0xffff, v4  }
0x2bc: {  	s29 =	sor.u32 $0x8300, s22;
	[tilespmem:s6+$0x0] =	vst.add.f32.msk $0xffff, v4  }
0x2bd: {  	[tilespmem:s11+$0x0] =	vst.add.f32.msk $0xffff, v4;
	s2 =	sor.u32 s19, s29;
	s13 =	sor.u32 $0x9300, s22  }
0x2be: {  	s17 =	sor.u32 s12, s29;
	s29 =	sor.u32 $0xA300, s22;
	[tilespmem:s2+$0x0] =	vst.add.f32.msk $0xffff, v1;
	s2 =	sor.u32 s19, s13  }
0x2bf: {  	s6 =	sor.u32 s12, s13;
	s13 =	sor.u32 $0xB300, s22;
	[tilespmem:s2+$0x0] =	vst.add.f32.msk $0xffff, v1;
	s2 =	sor.u32 s19, s29  }
0x2c0: {  	s30 =	sor.u32 $0x1380, s22;
	[tilespmem:s2+$0x0] =	vst.add.f32.msk $0xffff, v1;
	s2 =	sor.u32 s19, s13  }
0x2c1: {  	[tilespmem:s2+$0x0] =	vst.add.f32.msk $0xffff, v1;
	s2 =	sor.u32 s19, s30  }
0x2c2: {  	v1 =	vld [tilespmem:s2+$0x0]  }
0x2c3: {  	[tilespmem:s7+$0x0] =	vst.add.f32.msk $0xffff, v2  }
0x2c4: {  	[tilespmem:s0+$0x0] =	vst.add.f32.msk $0xffff, v2  }
0x2c5: {  	s7 =	sor.u32 $0x8380, s22;
	[tilespmem:s5+$0x0] =	vst.add.f32.msk $0xffff, v2  }
0x2c6: {  	s0 =	sor.u32 s12, s7;
	s7 =	sor.u32 s19, s7;
	s5 =	sor.u32 $0x9380, s22;
	[tilespmem:s8+$0x0] =	vst.add.f32.msk $0xffff, v2  }
0x2c7: {  	s8 =	sor.u32 $0xA380, s22;
	s2 =	sor.u32 s12, s5;
	s5 =	sor.u32 s19, s5;
	[tilespmem:s7+$0x0] =	vst.add.f32.msk $0xffff, v1  }
0x2c8: {  	s22 =	sor.u32 $0xB380, s22;
	s7 =	sor.u32 s12, s8;
	s8 =	sor.u32 s19, s8;
	[tilespmem:s5+$0x0] =	vst.add.f32.msk $0xffff, v1  }
0x2c9: {  	p0 =	slt.u32 s9, $0x1E0;
	s19 =	sor.u32 s19, s22;
	[tilespmem:s8+$0x0] =	vst.add.f32.msk $0xffff, v1  }
.Ltmp1:
0x2ca: {  	[tilespmem:s19+$0x0] =	vst.add.f32.msk $0xffff, v1;
	(pc) =	sbr.rel @p0 .LBB2_5-.Ltmp1, $4  }
0x2cb: {  	s11 =	sor.u32 s12, s29;
	s29 =	sor.u32 s12, s13;
	v1 =	vld [tilespmem:s1+$0x0]  }
0x2cc: {  	s13 =	sor.u32 s12, s30;
	s30 =	rddreg [dreg:$0x11];
	s5 =	sor.u32 s12, s22;
	[tilespmem:s21+$0x0] =	vst.add.f32.msk $0xffff, v4  }
0x2cd: {  	s22 =	rddreg [dreg:$0x5];
	s21 =	smov.u32 s29;
	s29 =	smov.u32 s18;
	v2 =	vld [tilespmem:s16+$0x0]  }
0x2ce: {  	s18 =	smov.u32 s7;
	s16 =	smov.u32 s13;
	[tilespmem:s22+$0x0] =	vst.add.f32.msk $0xffff, v0;
	[dreg:$0x5] =	wrdreg s29  }
0x2cf: {  	_ = 	snop  }
0x2d0: {  	[tilespmem:s23+$0x0] =	vst.add.f32.msk $0xffff, v1  }
0x2d1: {  	[tilespmem:s25+$0x0] =	vst.add.f32.msk $0xffff, v1  }
0x2d2: {  	[tilespmem:s15+$0x0] =	vst.add.f32.msk $0xffff, v1  }
0x2d3: {  	[tilespmem:s28+$0x0] =	vst.add.f32.msk $0xffff, v1  }
0x2d4: {  	v1 =	vld [tilespmem:s14+$0x0];
	_ =	sdelay $0x4  }
0x2d5: {  	[tilespmem:s3+$0x0] =	vst.add.f32.msk $0xffff, v1  }
0x2d6: {  	[tilespmem:s26+$0x0] =	vst.add.f32.msk $0xffff, v1  }
0x2d7: {  	[tilespmem:s20+$0x0] =	vst.add.f32.msk $0xffff, v1  }
0x2d8: {  	[tilespmem:s4+$0x0] =	vst.add.f32.msk $0xffff, v1  }
0x2d9: {  	v1 =	vld [tilespmem:s24+$0x0];
	_ =	sdelay $0x3  }
0x2da: {  	[tilespmem:s30+$0x0] =	vst.add.f32.msk $0xffff, v0  }
0x2db: {  	[tilespmem:s17+$0x0] =	vst.add.f32.msk $0xffff, v1  }
0x2dc: {  	[tilespmem:s6+$0x0] =	vst.add.f32.msk $0xffff, v1  }
0x2dd: {  	[tilespmem:s11+$0x0] =	vst.add.f32.msk $0xffff, v1  }
0x2de: {  	[tilespmem:s21+$0x0] =	vst.add.f32.msk $0xffff, v1  }
0x2df: {  	v0 =	vld [tilespmem:s16+$0x0];
	s1 =	rddreg [dreg:$0xa]  }
0x2e0: {  	[tilespmem:s1+$0x0] =	vst.add.f32.msk $0xffff, v2  }
0x2e1: {  	[tilespmem:s31+$0x0] =	vst.add.f32.msk $0xffff, v2  }
0x2e2: {  	s1 =	rddreg [dreg:$0x5]  }
0x2e3: {  	[tilespmem:s1+$0x0] =	vst.add.f32.msk $0xffff, v2  }
0x2e4: {  	s1 =	rddreg [dreg:$0x7];
	[tilespmem:s0+$0x0] =	vst.add.f32.msk $0xffff, v0  }
0x2e5: {  	[tilespmem:s1+$0x0] =	vst.add.f32.msk $0xffff, v2  }
0x2e6: {  	[tilespmem:s2+$0x0] =	vst.add.f32.msk $0xffff, v0  }
0x2e7: {  	[tilespmem:s18+$0x0] =	vst.add.f32.msk $0xffff, v0  }
0x2e8: {  	[tilespmem:s5+$0x0] =	vst.add.f32.msk $0xffff, v0  }
0x2e9: {  	s1 =	sld [smem:$0x7FC]  }
0x2ea: {  	s16 =	sld [smem:$0x7FB];
	_ =	sdelay $0x1  }
0x2eb: {  	s13 =	simm.s32 $0x1000;
	s15 =	simm.s32 $0x8000;
	s0 =	rddreg [dreg:$0x1a]  }
0x2ec: {  	s14 =	simm.s32 $0x800000;
	s0 =	sadd.s32 s1, s0;
	s17 =	sadd.s32 $0x1, s16  }
0x2ed: {  	[hbm4b:s0+s13] =	stream.strided.scatter [tilespmem:s15], [sflag:$0x6], $0x4000, s14, s13, $0x38;
	[tilespmem:$0x14000] =	vst v63  }
0x2ee: {  	s19 =	simm.s32 $0x5;
	[dreg:$0x1f] =	wrdreg s17  }
0x2ef: {  	s18 =	rddreg [dreg:$0x14];
	_ =	swait.ge [sflag:s19], $0x4000  }
0x2f0: {  	s0 =	sshll.u32 s17, $0x3;
	[sflag:s19] =	ssyncset.done $0x0  }
0x2f1: {  	p0 =	seq.s32 s16, $0xF;
	s0 =	sadd.s32 s18, s0;
	[sflag:s19] =	ssyncadd.s32 $0xFFFFC000  }
0x2f2: {  	s2 =	sshll.u32 @!p0 s0, $0x8;
	s0 =	rddreg [dreg:$0x1]  }
0x2f3: {  	s1 =	simm.s32 @!p0 $0x0;
	[smem:$0x7DE] =	sst s2;
	s0 =	sadd.s32 @!p0 s0, s2  }
0x2f4: {  	[tilespmem:s1], [sflag:$0x1] =	stream.linear.gather @!p0 [hbm4b:s0+s1], $0x1000, $0x38;
	[tilespmem:$0x14000] =	vst v63  }
0x2f5: {  	s20 =	simm.s32 $0x3;
	s3 =	simm.s32 @!p0 $0x4000;
	s0 =	rddreg [dreg:$0x0]  }
0x2f6: {  	s1 =	simm.s32 @!p0 $0x1000;
	s0 =	sadd.s32 @!p0 s0, s2;
	s2 =	simm.s32 @!p0 $0x800000  }
0x2f7: {  	[tilespmem:s3], [sflag:$0x1] =	stream.strided.gather @!p0 [hbm4b:s0+s1], $0x4000, s2, s1, $0x38;
	[tilespmem:$0x14000] =	vst v63  }
0x2f8: {  	_ =	swait.ge [sflag:s20], $0x1000  }
0x2f9: {  	[sflag:s20] =	ssyncset.done $0x0  }
0x2fa: {  	s22 =	simm.s32 $0x0;
	s21 =	simm.s32 $0x0;
	[sflag:s20] =	ssyncadd.s32 $0xFFFFF000  }
0x2fb: {  	s8 =	sand.u32 $0x60, s22;
	s12 =	sand.u32 $0xC00, s21;
	_ =	swait.ge [sflag:s20], $0x4000  }
0x2fc: {  	s11 =	sor.u32 $0x10, s8;
	s0 =	sor.u32 $0x2000, s12;
	[sflag:s20] =	ssyncset.done $0x0  }
0x2fd: {  	s23 =	sor.u32 s11, s0;
	[sflag:s20] =	ssyncadd.s32 $0xFFFFC000  }
0x2fe: {  	s0 =	sor.u32 s8, s0;
	v0 =	vld [tilespmem:s23+$0x0]  }
0x2ff: {  	v1 =	vld [tilespmem:s0+$0x0];
	_ =	sdelay $0x1  }
0x300: {  	s24 =	sor.u32 $0xC000, s12  }
0x301: {  	s26 =	sor.u32 s11, s24  }
0x302: {  	s25 =	sor.u32 $0xD000, s12;
	s1 =	sor.u32 s8, s24;
	[tilespmem:s26+$0x0] =	vst.add.f32.msk $0xffff, v0  }
0x303: {  	s29 =	sor.u32 $0xE000, s12;
	s4 =	sor.u32 s11, s25;
	[tilespmem:s1+$0x0] =	vst.add.f32.msk $0xffff, v1  }
0x304: {  	s9 =	sor.u32 s11, s29;
	s5 =	sor.u32 $0xF000, s12;
	[tilespmem:s4+$0x0] =	vst.add.f32.msk $0xffff, v0  }
0x305: {  	s10 =	sor.u32 $0x2080, s12;
	s13 =	sor.u32 s11, s5;
	[tilespmem:s9+$0x0] =	vst.add.f32.msk $0xffff, v0  }
0x306: {  	s14 =	sor.u32 s11, s10;
	[tilespmem:s13+$0x0] =	vst.add.f32.msk $0xffff, v0  }
0x307: {  	s0 =	sor.u32 s8, s25;
	v0 =	vld [tilespmem:s14+$0x0]  }
0x308: {  	s3 =	sor.u32 s8, s29;
	[tilespmem:s0+$0x0] =	vst.add.f32.msk $0xffff, v1  }
0x309: {  	s21 =	sor.u32 s8, s5;
	[tilespmem:s3+$0x0] =	vst.add.f32.msk $0xffff, v1  }
0x30a: {  	s22 =	sor.u32 s8, s10;
	s15 =	sor.u32 $0xC080, s12;
	[tilespmem:s21+$0x0] =	vst.add.f32.msk $0xffff, v1  }
0x30b: {  	s16 =	sor.u32 s11, s15;
	s1 =	sor.u32 $0xD080, s12;
	v1 =	vld [tilespmem:s22+$0x0]  }
0x30c: {  	s7 =	sor.u32 $0xE080, s12;
	s17 =	sor.u32 s11, s1;
	[tilespmem:s16+$0x0] =	vst.add.f32.msk $0xffff, v0  }
0x30d: {  	s18 =	sor.u32 s11, s7;
	s9 =	sor.u32 $0xF080, s12;
	[tilespmem:s17+$0x0] =	vst.add.f32.msk $0xffff, v0  }
0x30e: {  	s19 =	sor.u32 s11, s9;
	s14 =	sor.u32 $0x2100, s12;
	[tilespmem:s18+$0x0] =	vst.add.f32.msk $0xffff, v0  }
0x30f: {  	s20 =	sor.u32 s11, s14;
	[tilespmem:s19+$0x0] =	vst.add.f32.msk $0xffff, v0  }
0x310: {  	v0 =	vld [tilespmem:s20+$0x0];
	_ =	sdelay $0x2  }
0x311: {  	s0 =	sor.u32 $0xC100, s12;
	s13 =	sor.u32 s8, s15  }
0x312: {  	s3 =	sor.u32 $0xD100, s12;
	s23 =	sor.u32 s11, s0;
	[tilespmem:s13+$0x0] =	vst.add.f32.msk $0xffff, v1  }
0x313: {  	s4 =	sor.u32 $0xE100, s12;
	s24 =	sor.u32 s11, s3;
	[tilespmem:s23+$0x0] =	vst.add.f32.msk $0xffff, v0  }
0x314: {  	s6 =	sor.u32 $0xF100, s12;
	s25 =	sor.u32 s11, s4;
	[tilespmem:s24+$0x0] =	vst.add.f32.msk $0xffff, v0  }
0x315: {  	s10 =	sor.u32 $0x2180, s12;
	s26 =	sor.u32 s11, s6;
	[tilespmem:s25+$0x0] =	vst.add.f32.msk $0xffff, v0  }
0x316: {  	s29 =	sor.u32 s11, s10;
	[tilespmem:s26+$0x0] =	vst.add.f32.msk $0xffff, v0  }
0x317: {  	s1 =	sor.u32 s8, s1;
	v0 =	vld [tilespmem:s29+$0x0]  }
0x318: {  	[tilespmem:s1+$0x0] =	vst.add.f32.msk $0xffff, v1;
	s23 =	sor.u32 s8, s7  }
0x319: {  	s24 =	sor.u32 s8, s9;
	[tilespmem:s23+$0x0] =	vst.add.f32.msk $0xffff, v1  }
0x31a: {  	s2 =	sor.u32 $0xC180, s12;
	s25 =	sor.u32 s8, s14;
	[tilespmem:s24+$0x0] =	vst.add.f32.msk $0xffff, v1  }
0x31b: {  	s15 =	sor.u32 s11, s2;
	s13 =	sor.u32 $0xD180, s12;
	v1 =	vld [tilespmem:s25+$0x0]  }
0x31c: {  	s16 =	sor.u32 s11, s13;
	s18 =	sor.u32 $0xE180, s12;
	[tilespmem:s15+$0x0] =	vst.add.f32.msk $0xffff, v0  }
0x31d: {  	s21 =	sor.u32 $0xF180, s12;
	s17 =	sor.u32 s11, s18;
	[tilespmem:s16+$0x0] =	vst.add.f32.msk $0xffff, v0  }
0x31e: {  	s22 =	sor.u32 $0x2200, s12;
	s19 =	sor.u32 s11, s21;
	[tilespmem:s17+$0x0] =	vst.add.f32.msk $0xffff, v0  }
0x31f: {  	s20 =	sor.u32 s11, s22;
	[tilespmem:s19+$0x0] =	vst.add.f32.msk $0xffff, v0  }
0x320: {  	v0 =	vld [tilespmem:s20+$0x0];
	_ =	sdelay $0x2  }
0x321: {  	s9 =	sor.u32 $0xC200, s12;
	s20 =	sor.u32 s8, s0  }
0x322: {  	s26 =	sor.u32 s11, s9;
	s17 =	sor.u32 $0xD200, s12;
	[tilespmem:s20+$0x0] =	vst.add.f32.msk $0xffff, v1  }
0x323: {  	s19 =	sor.u32 $0xE200, s12;
	s29 =	sor.u32 s11, s17;
	[tilespmem:s26+$0x0] =	vst.add.f32.msk $0xffff, v0  }
0x324: {  	s16 =	sor.u32 $0xF200, s12;
	s5 =	sor.u32 s11, s19;
	[tilespmem:s29+$0x0] =	vst.add.f32.msk $0xffff, v0  }
0x325: {  	s7 =	sor.u32 $0x2280, s12;
	s14 =	sor.u32 s11, s16;
	[tilespmem:s5+$0x0] =	vst.add.f32.msk $0xffff, v0  }
0x326: {  	s15 =	sor.u32 s11, s7;
	[tilespmem:s14+$0x0] =	vst.add.f32.msk $0xffff, v0  }
0x327: {  	s3 =	sor.u32 s8, s3;
	v0 =	vld [tilespmem:s15+$0x0]  }
0x328: {  	s4 =	sor.u32 s8, s4;
	[tilespmem:s3+$0x0] =	vst.add.f32.msk $0xffff, v1  }
0x329: {  	s6 =	sor.u32 s8, s6;
	[tilespmem:s4+$0x0] =	vst.add.f32.msk $0xffff, v1  }
0x32a: {  	s0 =	sor.u32 $0xC280, s12;
	s20 =	sor.u32 s8, s10;
	[tilespmem:s6+$0x0] =	vst.add.f32.msk $0xffff, v1  }
0x32b: {  	s23 =	sor.u32 s11, s0;
	v1 =	vld [tilespmem:s20+$0x0];
	s5 =	sor.u32 $0xD280, s12  }
0x32c: {  	s1 =	sor.u32 $0xE280, s12;
	s24 =	sor.u32 s11, s5;
	[tilespmem:s23+$0x0] =	vst.add.f32.msk $0xffff, v0  }
0x32d: {  	s25 =	sor.u32 s11, s1;
	s14 =	sor.u32 $0xF280, s12;
	[tilespmem:s24+$0x0] =	vst.add.f32.msk $0xffff, v0  }
0x32e: {  	s15 =	sor.u32 $0x2300, s12;
	s26 =	sor.u32 s11, s14;
	[tilespmem:s25+$0x0] =	vst.add.f32.msk $0xffff, v0  }
0x32f: {  	s29 =	sor.u32 s11, s15;
	[tilespmem:s26+$0x0] =	vst.add.f32.msk $0xffff, v0  }
0x330: {  	s23 =	sor.u32 $0xD300, s12;
	v0 =	vld [tilespmem:s29+$0x0]  }
0x331: {  	s2 =	sor.u32 s8, s2;
	[smem:$0x7DF] =	sst s23  }
0x332: {  	s13 =	sor.u32 s8, s13;
	[tilespmem:s2+$0x0] =	vst.add.f32.msk $0xffff, v1  }
0x333: {  	s3 =	sor.u32 $0xC300, s12;
	s20 =	sor.u32 s8, s18;
	[tilespmem:s13+$0x0] =	vst.add.f32.msk $0xffff, v1  }
0x334: {  	s24 =	sor.u32 s11, s3;
	[tilespmem:s20+$0x0] =	vst.add.f32.msk $0xffff, v1  }
0x335: {  	s10 =	sor.u32 $0xE300, s12;
	s6 =	sor.u32 s11, s23;
	[tilespmem:s24+$0x0] =	vst.add.f32.msk $0xffff, v0  }
0x336: {  	s4 =	sor.u32 $0xF300, s12;
	s25 =	sor.u32 s11, s10;
	[tilespmem:s6+$0x0] =	vst.add.f32.msk $0xffff, v0  }
0x337: {  	s26 =	sor.u32 s11, s4;
	s6 =	sor.u32 $0x2380, s12;
	[tilespmem:s25+$0x0] =	vst.add.f32.msk $0xffff, v0  }
0x338: {  	s29 =	sor.u32 s11, s6;
	[tilespmem:s26+$0x0] =	vst.add.f32.msk $0xffff, v0  }
0x339: {  	s23 =	sor.u32 s8, s21;
	v0 =	vld [tilespmem:s29+$0x0]  }
0x33a: {  	[tilespmem:s23+$0x0] =	vst.add.f32.msk $0xffff, v1;
	s25 =	sor.u32 $0xD380, s12  }
0x33b: {  	s24 =	sor.u32 s8, s22;
	[smem:$0x7E0] =	sst s25  }
0x33c: {  	s2 =	sor.u32 $0xC380, s12;
	s29 =	sor.u32 $0xE380, s12;
	v1 =	vld [tilespmem:s24+$0x0]  }
0x33d: {  	s26 =	sor.u32 s11, s2;
	[smem:$0x7E2] =	sst s29  }
0x33e: {  	s22 =	sor.u32 $0xF380, s12;
	[tilespmem:s26+$0x0] =	vst.add.f32.msk $0xffff, v0  }
0x33f: {  	s21 =	sor.u32 s11, s25;
	[smem:$0x7E3] =	sst s22  }
0x340: {  	s9 =	sor.u32 s8, s9;
	[tilespmem:s21+$0x0] =	vst.add.f32.msk $0xffff, v0  }
0x341: {  	s25 =	simm.s32 $0x100;
	s23 =	sor.u32 s11, s29;
	s24 =	simm.s32 $0x20;
	[tilespmem:s9+$0x0] =	vst.add.f32.msk $0xffff, v1  }
0x342: {  	s17 =	sor.u32 s8, s17;
	s12 =	sand.u32 $0xC00, s25;
	s13 =	sand.u32 $0x60, s24;
	[tilespmem:s23+$0x0] =	vst.add.f32.msk $0xffff, v0  }
0x343: {  	s11 =	sor.u32 s11, s22;
	s24 =	sor.u32 $0x10, s13;
	s26 =	sor.u32 $0x2000, s12;
	[tilespmem:s17+$0x0] =	vst.add.f32.msk $0xffff, v1  }
0x344: {  	s29 =	sor.u32 s24, s26;
	[tilespmem:s11+$0x0] =	vst.add.f32.msk $0xffff, v0  }
0x345: {  	s18 =	sor.u32 s8, s19;
	v0 =	vld [tilespmem:s29+$0x0]  }
0x346: {  	s11 =	sor.u32 s13, s26;
	[tilespmem:s18+$0x0] =	vst.add.f32.msk $0xffff, v1  }
0x347: {  	s19 =	sor.u32 s8, s16;
	v2 =	vld [tilespmem:s11+$0x0]  }
0x348: {  	s7 =	sor.u32 s8, s7;
	s20 =	sor.u32 $0xC000, s12;
	[tilespmem:s19+$0x0] =	vst.add.f32.msk $0xffff, v1  }
0x349: {  	s22 =	sor.u32 s24, s20;
	s17 =	sor.u32 $0xD000, s12;
	v1 =	vld [tilespmem:s7+$0x0]  }
0x34a: {  	s23 =	sor.u32 $0xE000, s12;
	s25 =	sor.u32 s24, s17;
	[tilespmem:s22+$0x0] =	vst.add.f32.msk $0xffff, v0  }
0x34b: {  	s26 =	sor.u32 s24, s23;
	s19 =	sor.u32 $0xF000, s12;
	[tilespmem:s25+$0x0] =	vst.add.f32.msk $0xffff, v0  }
0x34c: {  	s16 =	sor.u32 $0x2080, s12;
	s29 =	sor.u32 s24, s19;
	[tilespmem:s26+$0x0] =	vst.add.f32.msk $0xffff, v0  }
0x34d: {  	s18 =	sor.u32 s24, s16;
	[tilespmem:s29+$0x0] =	vst.add.f32.msk $0xffff, v0  }
0x34e: {  	v0 =	vld [tilespmem:s18+$0x0]  }
0x34f: {  	s20 =	sor.u32 s13, s20  }
0x350: {  	s9 =	sor.u32 s13, s17;
	[tilespmem:s20+$0x0] =	vst.add.f32.msk $0xffff, v2  }
0x351: {  	s0 =	sor.u32 s8, s0;
	[tilespmem:s9+$0x0] =	vst.add.f32.msk $0xffff, v2;
	s9 =	sor.u32 $0xC080, s12  }
0x352: {  	s7 =	sor.u32 $0xD080, s12;
	[tilespmem:s0+$0x0] =	vst.add.f32.msk $0xffff, v1;
	s22 =	sor.u32 s24, s9  }
0x353: {  	s21 =	sor.u32 s13, s23;
	s17 =	sor.u32 $0xE080, s12;
	s23 =	sor.u32 s24, s7;
	[tilespmem:s22+$0x0] =	vst.add.f32.msk $0xffff, v0  }
0x354: {  	s25 =	sor.u32 s24, s17;
	[tilespmem:s23+$0x0] =	vst.add.f32.msk $0xffff, v0;
	s23 =	sor.u32 $0xF080, s12  }
0x355: {  	[tilespmem:s25+$0x0] =	vst.add.f32.msk $0xffff, v0;
	s25 =	sor.u32 $0x2100, s12;
	s26 =	sor.u32 s24, s23  }
0x356: {  	[tilespmem:s26+$0x0] =	vst.add.f32.msk $0xffff, v0;
	s29 =	sor.u32 s24, s25  }
0x357: {  	v0 =	vld [tilespmem:s29+$0x0]  }
0x358: {  	[tilespmem:s21+$0x0] =	vst.add.f32.msk $0xffff, v2;
	s18 =	sor.u32 s13, s19  }
0x359: {  	s19 =	sor.u32 s13, s16;
	[tilespmem:s18+$0x0] =	vst.add.f32.msk $0xffff, v2  }
0x35a: {  	s5 =	sor.u32 s8, s5;
	v2 =	vld [tilespmem:s19+$0x0];
	s19 =	sor.u32 $0xC100, s12  }
0x35b: {  	[tilespmem:s5+$0x0] =	vst.add.f32.msk $0xffff, v1;
	s20 =	sor.u32 s24, s19;
	s26 =	sor.u32 $0xD100, s12  }
0x35c: {  	s29 =	sor.u32 $0xE100, s12;
	s21 =	sor.u32 s24, s26;
	[tilespmem:s20+$0x0] =	vst.add.f32.msk $0xffff, v0  }
0x35d: {  	s30 =	sor.u32 $0xF100, s12;
	s22 =	sor.u32 s24, s29;
	[tilespmem:s21+$0x0] =	vst.add.f32.msk $0xffff, v0  }
0x35e: {  	s11 =	sor.u32 $0x2180, s12;
	s5 =	sor.u32 s24, s30;
	[tilespmem:s22+$0x0] =	vst.add.f32.msk $0xffff, v0  }
0x35f: {  	s16 =	sor.u32 s24, s11;
	[tilespmem:s5+$0x0] =	vst.add.f32.msk $0xffff, v0  }
0x360: {  	s18 =	sor.u32 s8, s1;
	v0 =	vld [tilespmem:s16+$0x0]  }
0x361: {  	[tilespmem:s18+$0x0] =	vst.add.f32.msk $0xffff, v1;
	s20 =	sor.u32 s13, s9  }
0x362: {  	[tilespmem:s20+$0x0] =	vst.add.f32.msk $0xffff, v2;
	s21 =	sor.u32 s13, s7  }
0x363: {  	s22 =	sor.u32 s13, s17;
	[tilespmem:s21+$0x0] =	vst.add.f32.msk $0xffff, v2;
	s16 =	sor.u32 $0xC180, s12  }
0x364: {  	s17 =	sor.u32 $0xD180, s12;
	[tilespmem:s22+$0x0] =	vst.add.f32.msk $0xffff, v2;
	s1 =	sor.u32 s24, s16  }
0x365: {  	s5 =	sor.u32 s24, s17;
	[tilespmem:s1+$0x0] =	vst.add.f32.msk $0xffff, v0  }
0x366: {  	s22 =	sor.u32 $0xE180, s12;
	s1 =	sor.u32 s13, s23;
	[tilespmem:s5+$0x0] =	vst.add.f32.msk $0xffff, v0  }
0x367: {  	s7 =	sor.u32 s24, s22;
	[tilespmem:s1+$0x0] =	vst.add.f32.msk $0xffff, v2  }
0x368: {  	s9 =	sor.u32 $0xF180, s12;
	s5 =	sor.u32 s13, s25;
	[tilespmem:s7+$0x0] =	vst.add.f32.msk $0xffff, v0  }
0x369: {  	s18 =	sor.u32 s24, s9;
	s21 =	sor.u32 $0x2200, s12;
	v2 =	vld [tilespmem:s5+$0x0]  }
0x36a: {  	s20 =	sor.u32 s24, s21;
	[tilespmem:s18+$0x0] =	vst.add.f32.msk $0xffff, v0  }
0x36b: {  	v0 =	vld [tilespmem:s20+$0x0]  }
0x36c: {  	s7 =	sor.u32 s8, s14  }
0x36d: {  	s14 =	sor.u32 s8, s15;
	[tilespmem:s7+$0x0] =	vst.add.f32.msk $0xffff, v1  }
0x36e: {  	s31 =	sor.u32 $0xC200, s12;
	v1 =	vld [tilespmem:s14+$0x0];
	s14 =	sor.u32 s13, s19  }
0x36f: {  	s28 =	sor.u32 $0xD200, s12;
	s15 =	sor.u32 s24, s31;
	[tilespmem:s14+$0x0] =	vst.add.f32.msk $0xffff, v2  }
0x370: {  	s7 =	sor.u32 $0xE200, s12;
	s18 =	sor.u32 s24, s28;
	[tilespmem:s15+$0x0] =	vst.add.f32.msk $0xffff, v0  }
0x371: {  	s0 =	sor.u32 $0xF200, s12;
	s20 =	sor.u32 s24, s7;
	[tilespmem:s18+$0x0] =	vst.add.f32.msk $0xffff, v0  }
0x372: {  	s23 =	sor.u32 s24, s0;
	s5 =	sor.u32 $0x2280, s12;
	[tilespmem:s20+$0x0] =	vst.add.f32.msk $0xffff, v0  }
0x373: {  	s25 =	sor.u32 s24, s5;
	[tilespmem:s23+$0x0] =	vst.add.f32.msk $0xffff, v0  }
0x374: {  	s3 =	sor.u32 s8, s3;
	v0 =	vld [tilespmem:s25+$0x0]  }
0x375: {  	s15 =	sor.u32 s13, s26;
	[tilespmem:s3+$0x0] =	vst.add.f32.msk $0xffff, v1  }
0x376: {  	[tilespmem:s15+$0x0] =	vst.add.f32.msk $0xffff, v2;
	s18 =	sor.u32 s13, s29  }
0x377: {  	s1 =	sor.u32 $0xC280, s12;
	s19 =	sor.u32 s13, s30;
	[tilespmem:s18+$0x0] =	vst.add.f32.msk $0xffff, v2  }
0x378: {  	s20 =	sor.u32 s24, s1;
	[tilespmem:s19+$0x0] =	vst.add.f32.msk $0xffff, v2;
	s25 =	sor.u32 $0xD280, s12  }
0x379: {  	s26 =	sor.u32 $0xE280, s12;
	s23 =	sor.u32 s24, s25;
	[tilespmem:s20+$0x0] =	vst.add.f32.msk $0xffff, v0  }
0x37a: {  	s29 =	sor.u32 s24, s26;
	s20 =	sor.u32 $0xF280, s12;
	[tilespmem:s23+$0x0] =	vst.add.f32.msk $0xffff, v0  }
0x37b: {  	s14 =	sor.u32 s24, s20;
	[tilespmem:s29+$0x0] =	vst.add.f32.msk $0xffff, v0  }
0x37c: {  	[tilespmem:s14+$0x0] =	vst.add.f32.msk $0xffff, v0  }
0x37d: {  	s18 =	sor.u32 $0x2300, s12;
	s3 =	sld [smem:$0x7DF]  }
0x37e: {  	s15 =	sor.u32 s24, s18  }
0x37f: {  	v0 =	vld [tilespmem:s15+$0x0]  }
0x380: {  	s3 =	sor.u32 s8, s3  }
0x381: {  	s11 =	sor.u32 s13, s11;
	s29 =	sor.u32 $0xC300, s12;
	[tilespmem:s3+$0x0] =	vst.add.f32.msk $0xffff, v1  }
0x382: {  	v2 =	vld [tilespmem:s11+$0x0];
	s23 =	sor.u32 s8, s10;
	[smem:$0x7E1] =	sst s29  }
0x383: {  	s30 =	sor.u32 $0xD300, s12;
	s11 =	sor.u32 s24, s29;
	[tilespmem:s23+$0x0] =	vst.add.f32.msk $0xffff, v1  }
0x384: {  	s14 =	sor.u32 s24, s30;
	[tilespmem:s11+$0x0] =	vst.add.f32.msk $0xffff, v0  }
0x385: {  	s15 =	sor.u32 $0xF300, s12;
	s29 =	sor.u32 $0xE300, s12;
	[tilespmem:s14+$0x0] =	vst.add.f32.msk $0xffff, v0  }
0x386: {  	s19 =	sor.u32 s24, s29;
	[smem:$0x7E4] =	sst s15  }
0x387: {  	s23 =	sor.u32 $0x2380, s12;
	[tilespmem:s19+$0x0] =	vst.add.f32.msk $0xffff, v0  }
0x388: {  	s10 =	sor.u32 s24, s15;
	[smem:$0x7E5] =	sst s23  }
0x389: {  	s14 =	sor.u32 s13, s16;
	[tilespmem:s10+$0x0] =	vst.add.f32.msk $0xffff, v0  }
0x38a: {  	s11 =	sor.u32 s24, s23;
	[tilespmem:s14+$0x0] =	vst.add.f32.msk $0xffff, v2  }
0x38b: {  	s15 =	sor.u32 s13, s17;
	v0 =	vld [tilespmem:s11+$0x0]  }
0x38c: {  	s16 =	sor.u32 s13, s22;
	[tilespmem:s15+$0x0] =	vst.add.f32.msk $0xffff, v2  }
0x38d: {  	s19 =	sor.u32 $0xC380, s12;
	[tilespmem:s16+$0x0] =	vst.add.f32.msk $0xffff, v2  }
0x38e: {  	s17 =	sor.u32 s13, s9;
	[smem:$0x7E6] =	sst s19  }
0x38f: {  	s22 =	sor.u32 $0xD380, s12;
	[tilespmem:s17+$0x0] =	vst.add.f32.msk $0xffff, v2  }
0x390: {  	s23 =	sor.u32 s24, s19;
	[smem:$0x7E7] =	sst s22  }
0x391: {  	s9 =	sor.u32 s24, s22;
	[tilespmem:s23+$0x0] =	vst.add.f32.msk $0xffff, v0  }
0x392: {  	s11 =	sor.u32 $0xE380, s12;
	[tilespmem:s9+$0x0] =	vst.add.f32.msk $0xffff, v0  }
0x393: {  	s10 =	sor.u32 s13, s21;
	s14 =	sor.u32 $0xF380, s12;
	[smem:$0x7E8] =	sst s11  }
0x394: {  	s15 =	sor.u32 s24, s11;
	s16 =	sor.u32 s24, s14;
	v2 =	vld [tilespmem:s10+$0x0];
	[smem:$0x7E9] =	sst s14  }
0x395: {  	s17 =	sor.u32 s8, s4;
	s9 =	simm.s32 $0x40;
	s10 =	simm.s32 $0x200;
	[tilespmem:s15+$0x0] =	vst.add.f32.msk $0xffff, v0  }
0x396: {  	s19 =	sor.u32 s8, s6;
	s12 =	sand.u32 $0x60, s9;
	[tilespmem:s17+$0x0] =	vst.add.f32.msk $0xffff, v1;
	s6 =	sand.u32 $0xC00, s10  }
0x397: {  	s4 =	sor.u32 $0x10, s12;
	[tilespmem:s16+$0x0] =	vst.add.f32.msk $0xffff, v0;
	s24 =	sor.u32 $0x2000, s6  }
0x398: {  	v0 =	vld [tilespmem:s19+$0x0];
	s11 =	sor.u32 s4, s24  }
0x399: {  	s14 =	sor.u32 s12, s24;
	v1 =	vld [tilespmem:s11+$0x0]  }
0x39a: {  	s21 =	sor.u32 s13, s31;
	v3 =	vld [tilespmem:s14+$0x0]  }
0x39b: {  	s22 =	sor.u32 s13, s28;
	[tilespmem:s21+$0x0] =	vst.add.f32.msk $0xffff, v2  }
0x39c: {  	s23 =	sor.u32 s13, s7;
	[tilespmem:s22+$0x0] =	vst.add.f32.msk $0xffff, v2  }
0x39d: {  	s16 =	sor.u32 s8, s2;
	[tilespmem:s23+$0x0] =	vst.add.f32.msk $0xffff, v2  }
0x39e: {  	s0 =	sor.u32 s13, s0;
	[tilespmem:s16+$0x0] =	vst.add.f32.msk $0xffff, v0  }
0x39f: {  	s15 =	sor.u32 s13, s5;
	s17 =	sor.u32 $0xC000, s6;
	[tilespmem:s0+$0x0] =	vst.add.f32.msk $0xffff, v2  }
0x3a0: {  	s21 =	sor.u32 s4, s17;
	v2 =	vld [tilespmem:s15+$0x0]  }
0x3a1: {  	s19 =	sor.u32 $0xD000, s6;
	s2 =	sor.u32 s12, s17;
	[tilespmem:s21+$0x0] =	vst.add.f32.msk $0xffff, v1  }
0x3a2: {  	s22 =	sor.u32 $0xE000, s6;
	s23 =	sor.u32 s4, s19;
	[tilespmem:s2+$0x0] =	vst.add.f32.msk $0xffff, v3  }
0x3a3: {  	s24 =	sor.u32 $0xF000, s6;
	s11 =	sor.u32 s4, s22;
	[tilespmem:s23+$0x0] =	vst.add.f32.msk $0xffff, v1  }
0x3a4: {  	s7 =	sor.u32 $0x2080, s6;
	s14 =	sor.u32 s4, s24;
	[tilespmem:s11+$0x0] =	vst.add.f32.msk $0xffff, v1  }
0x3a5: {  	s15 =	sor.u32 s4, s7;
	[tilespmem:s14+$0x0] =	vst.add.f32.msk $0xffff, v1  }
0x3a6: {  	s0 =	sor.u32 s12, s19;
	v1 =	vld [tilespmem:s15+$0x0]  }
0x3a7: {  	s16 =	sor.u32 s12, s22;
	[tilespmem:s0+$0x0] =	vst.add.f32.msk $0xffff, v3  }
0x3a8: {  	s17 =	sor.u32 s12, s24;
	[tilespmem:s16+$0x0] =	vst.add.f32.msk $0xffff, v3  }
0x3a9: {  	s2 =	sor.u32 $0xC080, s6;
	s7 =	sor.u32 s12, s7;
	[tilespmem:s17+$0x0] =	vst.add.f32.msk $0xffff, v3  }
0x3aa: {  	s0 =	sor.u32 $0xD080, s6;
	s19 =	sor.u32 s4, s2;
	v3 =	vld [tilespmem:s7+$0x0]  }
0x3ab: {  	s3 =	sor.u32 $0xE080, s6;
	s21 =	sor.u32 s4, s0;
	[tilespmem:s19+$0x0] =	vst.add.f32.msk $0xffff, v1  }
0x3ac: {  	s5 =	sor.u32 $0xF080, s6;
	s22 =	sor.u32 s4, s3;
	[tilespmem:s21+$0x0] =	vst.add.f32.msk $0xffff, v1  }
0x3ad: {  	s24 =	sor.u32 $0x2100, s6;
	s23 =	sor.u32 s4, s5;
	[tilespmem:s22+$0x0] =	vst.add.f32.msk $0xffff, v1  }
0x3ae: {  	s14 =	sor.u32 s4, s24;
	[tilespmem:s23+$0x0] =	vst.add.f32.msk $0xffff, v1  }
0x3af: {  	s1 =	sor.u32 s13, s1;
	v1 =	vld [tilespmem:s14+$0x0]  }
0x3b0: {  	s15 =	sor.u32 s13, s25;
	[tilespmem:s1+$0x0] =	vst.add.f32.msk $0xffff, v2  }
0x3b1: {  	s16 =	sor.u32 s13, s26;
	[tilespmem:s15+$0x0] =	vst.add.f32.msk $0xffff, v2  }
0x3b2: {  	s20 =	sor.u32 s13, s20;
	s15 =	sor.u32 $0xC100, s6;
	[tilespmem:s16+$0x0] =	vst.add.f32.msk $0xffff, v2  }
0x3b3: {  	s17 =	sor.u32 s4, s15;
	[tilespmem:s20+$0x0] =	vst.add.f32.msk $0xffff, v2;
	s14 =	sor.u32 $0xD100, s6  }
0x3b4: {  	s7 =	sor.u32 $0xE100, s6;
	s19 =	sor.u32 s4, s14;
	[tilespmem:s17+$0x0] =	vst.add.f32.msk $0xffff, v1  }
0x3b5: {  	s1 =	sor.u32 $0xF100, s6;
	s21 =	sor.u32 s4, s7;
	[tilespmem:s19+$0x0] =	vst.add.f32.msk $0xffff, v1  }
0x3b6: {  	s26 =	sor.u32 $0x2180, s6;
	s22 =	sor.u32 s4, s1;
	[tilespmem:s21+$0x0] =	vst.add.f32.msk $0xffff, v1  }
0x3b7: {  	s23 =	sor.u32 s4, s26;
	[tilespmem:s22+$0x0] =	vst.add.f32.msk $0xffff, v1  }
0x3b8: {  	s2 =	sor.u32 s12, s2;
	v1 =	vld [tilespmem:s23+$0x0]  }
0x3b9: {  	s0 =	sor.u32 s12, s0;
	[tilespmem:s2+$0x0] =	vst.add.f32.msk $0xffff, v3  }
0x3ba: {  	s25 =	sor.u32 s12, s3;
	[tilespmem:s0+$0x0] =	vst.add.f32.msk $0xffff, v3  }
0x3bb: {  	s2 =	sor.u32 s12, s5;
	[tilespmem:s25+$0x0] =	vst.add.f32.msk $0xffff, v3;
	s21 =	sor.u32 $0xC180, s6  }
0x3bc: {  	s31 =	sor.u32 $0xD180, s6;
	[tilespmem:s2+$0x0] =	vst.add.f32.msk $0xffff, v3;
	s3 =	sor.u32 s4, s21  }
0x3bd: {  	s5 =	sor.u32 s4, s31;
	s2 =	sor.u32 $0xE180, s6;
	[tilespmem:s3+$0x0] =	vst.add.f32.msk $0xffff, v1  }
0x3be: {  	s11 =	sor.u32 s4, s2;
	s22 =	sor.u32 $0xF180, s6;
	[tilespmem:s5+$0x0] =	vst.add.f32.msk $0xffff, v1  }
0x3bf: {  	s16 =	sor.u32 s4, s22;
	[tilespmem:s11+$0x0] =	vst.add.f32.msk $0xffff, v1  }
0x3c0: {  	s23 =	sor.u32 $0x2200, s6;
	[tilespmem:s16+$0x0] =	vst.add.f32.msk $0xffff, v1  }
0x3c1: {  	s17 =	sor.u32 s4, s23;
	s25 =	sld [smem:$0x7E0]  }
0x3c2: {  	v1 =	vld [tilespmem:s17+$0x0]  }
0x3c3: {  	s19 =	sor.u32 s12, s24  }
0x3c4: {  	v3 =	vld [tilespmem:s19+$0x0];
	s0 =	sor.u32 s8, s25  }
0x3c5: {  	s24 =	sor.u32 s13, s18;
	s3 =	sor.u32 $0xD200, s6;
	s25 =	sor.u32 $0xC200, s6;
	[tilespmem:s0+$0x0] =	vst.add.f32.msk $0xffff, v0  }
0x3c6: {  	v2 =	vld [tilespmem:s24+$0x0];
	s11 =	sor.u32 s4, s25;
	[smem:$0x7EA] =	sst s3  }
0x3c7: {  	s16 =	sor.u32 $0xE200, s6;
	[tilespmem:s11+$0x0] =	vst.add.f32.msk $0xffff, v1  }
0x3c8: {  	s17 =	sor.u32 s4, s3;
	[smem:$0x7EB] =	sst s16  }
0x3c9: {  	s28 =	sor.u32 $0xF200, s6;
	s18 =	sor.u32 s4, s16;
	[tilespmem:s17+$0x0] =	vst.add.f32.msk $0xffff, v1  }
0x3ca: {  	s24 =	sor.u32 $0x2280, s6;
	s19 =	sor.u32 s4, s28;
	[tilespmem:s18+$0x0] =	vst.add.f32.msk $0xffff, v1  }
0x3cb: {  	s20 =	sor.u32 s4, s24;
	[tilespmem:s19+$0x0] =	vst.add.f32.msk $0xffff, v1  }
0x3cc: {  	s3 =	sor.u32 s12, s15;
	v1 =	vld [tilespmem:s20+$0x0]  }
0x3cd: {  	s5 =	sor.u32 s12, s14;
	[tilespmem:s3+$0x0] =	vst.add.f32.msk $0xffff, v3  }
0x3ce: {  	s11 =	sor.u32 s12, s7;
	[tilespmem:s5+$0x0] =	vst.add.f32.msk $0xffff, v3  }
0x3cf: {  	s14 =	sor.u32 s12, s1;
	s3 =	sor.u32 $0xC280, s6;
	[tilespmem:s11+$0x0] =	vst.add.f32.msk $0xffff, v3  }
0x3d0: {  	s15 =	sor.u32 s4, s3;
	[tilespmem:s14+$0x0] =	vst.add.f32.msk $0xffff, v3;
	s20 =	sor.u32 $0xD280, s6  }
0x3d1: {  	s19 =	sor.u32 $0xE280, s6;
	s16 =	sor.u32 s4, s20;
	[tilespmem:s15+$0x0] =	vst.add.f32.msk $0xffff, v1  }
0x3d2: {  	s18 =	sor.u32 $0xF280, s6;
	s17 =	sor.u32 s4, s19;
	[tilespmem:s16+$0x0] =	vst.add.f32.msk $0xffff, v1  }
0x3d3: {  	s1 =	sor.u32 s4, s18;
	[tilespmem:s17+$0x0] =	vst.add.f32.msk $0xffff, v1  }
0x3d4: {  	[tilespmem:s1+$0x0] =	vst.add.f32.msk $0xffff, v1  }
0x3d5: {  	s17 =	sor.u32 $0x2300, s6;
	s0 =	sld [smem:$0x7E1]  }
0x3d6: {  	s5 =	sor.u32 s4, s17  }
0x3d7: {  	s11 =	sor.u32 s12, s26;
	v1 =	vld [tilespmem:s5+$0x0]  }
0x3d8: {  	v3 =	vld [tilespmem:s11+$0x0];
	s14 =	sor.u32 s13, s0  }
0x3d9: {  	s15 =	sor.u32 s13, s30;
	[tilespmem:s14+$0x0] =	vst.add.f32.msk $0xffff, v2  }
0x3da: {  	s16 =	sor.u32 s13, s29;
	s29 =	sor.u32 $0xC300, s6;
	[tilespmem:s15+$0x0] =	vst.add.f32.msk $0xffff, v2  }
0x3db: {  	s26 =	sor.u32 s4, s29;
	[tilespmem:s16+$0x0] =	vst.add.f32.msk $0xffff, v2;
	s16 =	sor.u32 $0xD300, s6  }
0x3dc: {  	s11 =	sor.u32 $0xE300, s6;
	[tilespmem:s26+$0x0] =	vst.add.f32.msk $0xffff, v1;
	s0 =	sor.u32 s4, s16  }
0x3dd: {  	s7 =	sor.u32 $0xF300, s6;
	s1 =	sor.u32 s4, s11;
	[tilespmem:s0+$0x0] =	vst.add.f32.msk $0xffff, v1  }
0x3de: {  	s5 =	sor.u32 s4, s7;
	[tilespmem:s1+$0x0] =	vst.add.f32.msk $0xffff, v1  }
0x3df: {  	[tilespmem:s5+$0x0] =	vst.add.f32.msk $0xffff, v1  }
0x3e0: {  	s15 =	sld [smem:$0x7E2];
	_ =	sdelay $0x2  }
0x3e1: {  	s5 =	sld [smem:$0x7E3];
	s1 =	sor.u32 s8, s15  }
0x3e2: {  	s0 =	sor.u32 $0x2380, s6;
	s15 =	sor.u32 s12, s21;
	[smem:$0x7EC] =	sst s1  }
0x3e3: {  	s26 =	sor.u32 s4, s0;
	s14 =	sld [smem:$0x7E4];
	[tilespmem:s15+$0x0] =	vst.add.f32.msk $0xffff, v3  }
0x3e4: {  	v1 =	vld [tilespmem:s26+$0x0];
	s26 =	sld [smem:$0x7E6];
	_ =	sdelay $0x2  }
0x3e5: {  	s1 =	sor.u32 s13, s26  }
0x3e6: {  	[dreg:$0xb] =	wrdreg s1;
	s1 =	sor.u32 s12, s31  }
0x3e7: {  	s21 =	sld [smem:$0x7E5];
	[tilespmem:s1+$0x0] =	vst.add.f32.msk $0xffff, v3  }
0x3e8: {  	s30 =	sor.u32 s8, s5;
	s8 =	sor.u32 s13, s14;
	s14 =	sld [smem:$0x7E8]  }
0x3e9: {  	s26 =	sld [smem:$0x7E9];
	_ =	sdelay $0x1  }
0x3ea: {  	s5 =	sld [smem:$0x7E7];
	s1 =	sor.u32 s13, s14  }
0x3eb: {  	[dreg:$0x6] =	wrdreg s1;
	s1 =	sor.u32 s13, s26  }
0x3ec: {  	s28 =	sor.u32 s12, s28;
	s15 =	sor.u32 s12, s2;
	[dreg:$0x8] =	wrdreg s1  }
0x3ed: {  	s3 =	sor.u32 s12, s3;
	s2 =	sor.u32 s12, s22;
	s22 =	sor.u32 $0xC380, s6;
	[tilespmem:s15+$0x0] =	vst.add.f32.msk $0xffff, v3  }
0x3ee: {  	s31 =	sor.u32 s13, s5;
	s5 =	sor.u32 s4, s22;
	[tilespmem:s2+$0x0] =	vst.add.f32.msk $0xffff, v3;
	s2 =	sor.u32 $0xD380, s6  }
0x3ef: {  	s21 =	sor.u32 s13, s21;
	[tilespmem:s5+$0x0] =	vst.add.f32.msk $0xffff, v1;
	s5 =	sor.u32 $0xE380, s6;
	s15 =	sor.u32 s4, s2  }
0x3f0: {  	s13 =	sor.u32 s12, s23;
	s1 =	sor.u32 $0xF380, s6;
	s26 =	sor.u32 s4, s5;
	[tilespmem:s15+$0x0] =	vst.add.f32.msk $0xffff, v1  }
0x3f1: {  	s23 =	sor.u32 s12, s25;
	s4 =	sor.u32 s4, s1;
	s25 =	sld [smem:$0x7EA];
	[tilespmem:s26+$0x0] =	vst.add.f32.msk $0xffff, v1  }
0x3f2: {  	s11 =	sor.u32 s12, s11;
	s14 =	sor.u32 s12, s24;
	s6 =	sld [smem:$0x7EB];
	[tilespmem:s4+$0x0] =	vst.add.f32.msk $0xffff, v1  }
0x3f3: {  	s24 =	sor.u32 s12, s17;
	s17 =	sor.u32 s12, s29;
	s2 =	sor.u32 s12, s2;
	[tilespmem:s8+$0x0] =	vst.add.f32.msk $0xffff, v2  }
0x3f4: {  	s26 =	sor.u32 s12, s20;
	s20 =	sor.u32 s12, s19;
	v1 =	vld [tilespmem:s13+$0x0];
	s29 =	sld [smem:$0x7EC]  }
0x3f5: {  	s4 =	sor.u32 s12, s18;
	s18 =	sor.u32 s12, s5;
	s5 =	sor.u32 s12, s1  }
0x3f6: {  	v2 =	vld [tilespmem:s21+$0x0];
	s21 =	sor.u32 s12, s0;
	s0 =	sor.u32 s12, s22;
	s25 =	sor.u32 s12, s25  }
0x3f7: {  	s15 =	sor.u32 s12, s6;
	s6 =	sor.u32 s12, s16;
	s16 =	sor.u32 s12, s7;
	[tilespmem:s29+$0x0] =	vst.add.f32.msk $0xffff, v0  }
.LBB2_7:
0x3f8: {  	s9 =	sadd.s32 $0x20, s9;
	s10 =	sadd.s32 $0x100, s10;
	[tilespmem:s30+$0x0] =	vst.add.f32.msk $0xffff, v0  }
0x3f9: {  	s12 =	sand.u32 $0x60, s9;
	s22 =	sand.u32 $0xC00, s10;
	[tilespmem:s23+$0x0] =	vst.add.f32.msk $0xffff, v1  }
0x3fa: {  	s1 =	rddreg [dreg:$0x8];
	s19 =	sor.u32 $0x10, s12;
	s23 =	sor.u32 $0x2000, s22;
	[tilespmem:s25+$0x0] =	vst.add.f32.msk $0xffff, v1  }
0x3fb: {  	s7 =	smov.u32 s1;
	s1 =	sor.u32 s19, s23;
	[tilespmem:s15+$0x0] =	vst.add.f32.msk $0xffff, v1  }
0x3fc: {  	s8 =	sor.u32 s12, s23;
	v0 =	vmov v2;
	v2 =	vld [tilespmem:s1+$0x0]  }
0x3fd: {  	v3 =	vld [tilespmem:s8+$0x0]  }
0x3fe: {  	[tilespmem:s28+$0x0] =	vst.add.f32.msk $0xffff, v1  }
0x3ff: {  	s13 =	sor.u32 $0xC000, s22;
	s8 =	rddreg [dreg:$0xb];
	v1 =	vld [tilespmem:s14+$0x0]  }
0x400: {  	s29 =	smov.u32 s5;
	s1 =	sor.u32 s19, s13;
	s14 =	sor.u32 $0xD000, s22;
	[tilespmem:s8+$0x0] =	vst.add.f32.msk $0xffff, v0  }
0x401: {  	s5 =	sor.u32 s12, s13;
	s13 =	sor.u32 $0xE000, s22;
	s15 =	sor.u32 s19, s14;
	[tilespmem:s1+$0x0] =	vst.add.f32.msk $0xffff, v2  }
0x402: {  	[dreg:$0x8] =	wrdreg s29;
	s23 =	sor.u32 $0xF000, s22;
	s25 =	sor.u32 s19, s13;
	[tilespmem:s15+$0x0] =	vst.add.f32.msk $0xffff, v2  }
0x403: {  	s29 =	sor.u32 $0x2080, s22;
	s8 =	sor.u32 s12, s14;
	s14 =	sor.u32 s19, s23;
	[tilespmem:s25+$0x0] =	vst.add.f32.msk $0xffff, v2  }
0x404: {  	s25 =	sor.u32 s19, s29;
	[tilespmem:s14+$0x0] =	vst.add.f32.msk $0xffff, v2  }
0x405: {  	v2 =	vld [tilespmem:s25+$0x0]  }
0x406: {  	[tilespmem:s5+$0x0] =	vst.add.f32.msk $0xffff, v3  }
0x407: {  	[dreg:$0x12] =	wrdreg s7;
	s7 =	sor.u32 s12, s13;
	[tilespmem:s8+$0x0] =	vst.add.f32.msk $0xffff, v3  }
0x408: {  	s13 =	sor.u32 s12, s23;
	s23 =	sor.u32 s12, s29;
	[tilespmem:s7+$0x0] =	vst.add.f32.msk $0xffff, v3;
	s7 =	sor.u32 $0xC080, s22  }
0x409: {  	s29 =	smov.u32 s0;
	s8 =	sor.u32 $0xD080, s22;
	[tilespmem:s13+$0x0] =	vst.add.f32.msk $0xffff, v3;
	s0 =	sor.u32 s19, s7  }
0x40a: {  	s14 =	sor.u32 s19, s8;
	s13 =	sor.u32 $0xE080, s22;
	[tilespmem:s0+$0x0] =	vst.add.f32.msk $0xffff, v2  }
0x40b: {  	s15 =	sor.u32 $0xF080, s22;
	s25 =	sor.u32 s19, s13;
	[tilespmem:s14+$0x0] =	vst.add.f32.msk $0xffff, v2  }
0x40c: {  	[dreg:$0xb] =	wrdreg s29;
	s29 =	sor.u32 $0x2100, s22;
	[tilespmem:s25+$0x0] =	vst.add.f32.msk $0xffff, v2;
	s25 =	sor.u32 s19, s15  }
0x40d: {  	s14 =	sor.u32 s12, s29;
	s29 =	sor.u32 s19, s29;
	[tilespmem:s25+$0x0] =	vst.add.f32.msk $0xffff, v2  }
0x40e: {  	v2 =	vld [tilespmem:s29+$0x0]  }
0x40f: {  	v3 =	vld [tilespmem:s23+$0x0]  }
0x410: {  	s1 =	sor.u32 s12, s7;
	[tilespmem:s3+$0x0] =	vst.add.f32.msk $0xffff, v1  }
0x411: {  	s7 =	sor.u32 s12, s8;
	s5 =	sor.u32 s12, s13;
	s13 =	sor.u32 $0xC100, s22;
	[tilespmem:s26+$0x0] =	vst.add.f32.msk $0xffff, v1  }
0x412: {  	s8 =	sor.u32 s12, s15;
	[tilespmem:s20+$0x0] =	vst.add.f32.msk $0xffff, v1;
	s0 =	sor.u32 s19, s13;
	s15 =	sor.u32 $0xD100, s22  }
0x413: {  	s23 =	sor.u32 $0xE100, s22;
	s3 =	sor.u32 s12, s13;
	s25 =	sor.u32 s19, s15;
	[tilespmem:s0+$0x0] =	vst.add.f32.msk $0xffff, v2  }
0x414: {  	s20 =	sor.u32 s12, s15;
	s15 =	sor.u32 s19, s23;
	s29 =	sor.u32 $0xF100, s22;
	[tilespmem:s25+$0x0] =	vst.add.f32.msk $0xffff, v2  }
0x415: {  	s26 =	sor.u32 s12, s23;
	s23 =	sor.u32 s19, s29;
	s25 =	sor.u32 $0x2180, s22;
	[tilespmem:s15+$0x0] =	vst.add.f32.msk $0xffff, v2  }
0x416: {  	s13 =	sor.u32 s12, s29;
	s29 =	sor.u32 s12, s25;
	s25 =	sor.u32 s19, s25;
	[tilespmem:s23+$0x0] =	vst.add.f32.msk $0xffff, v2  }
0x417: {  	v2 =	vld [tilespmem:s25+$0x0]  }
0x418: {  	[tilespmem:s1+$0x0] =	vst.add.f32.msk $0xffff, v3  }
0x419: {  	[tilespmem:s7+$0x0] =	vst.add.f32.msk $0xffff, v3  }
0x41a: {  	s7 =	sor.u32 $0xC180, s22;
	[tilespmem:s5+$0x0] =	vst.add.f32.msk $0xffff, v3  }
0x41b: {  	s1 =	sor.u32 s19, s7;
	[tilespmem:s8+$0x0] =	vst.add.f32.msk $0xffff, v3;
	s0 =	sor.u32 s12, s7;
	s15 =	sor.u32 $0xD180, s22  }
0x41c: {  	s7 =	sor.u32 s12, s15;
	s23 =	sor.u32 $0xE180, s22;
	s25 =	sor.u32 s19, s15;
	[tilespmem:s1+$0x0] =	vst.add.f32.msk $0xffff, v2  }
0x41d: {  	s5 =	sor.u32 s12, s23;
	s15 =	sor.u32 $0xF180, s22;
	s23 =	sor.u32 s19, s23;
	[tilespmem:s25+$0x0] =	vst.add.f32.msk $0xffff, v2  }
0x41e: {  	s8 =	sor.u32 s12, s15;
	s15 =	sor.u32 s19, s15;
	s25 =	sor.u32 $0x2200, s22;
	[tilespmem:s23+$0x0] =	vst.add.f32.msk $0xffff, v2  }
0x41f: {  	s1 =	sor.u32 s12, s25;
	s25 =	sor.u32 s19, s25;
	[tilespmem:s15+$0x0] =	vst.add.f32.msk $0xffff, v2  }
0x420: {  	v2 =	vld [tilespmem:s25+$0x0]  }
0x421: {  	v3 =	vld [tilespmem:s14+$0x0]  }
0x422: {  	[tilespmem:s4+$0x0] =	vst.add.f32.msk $0xffff, v1  }
0x423: {  	s14 =	sor.u32 $0xC200, s22;
	v4 =	vld [tilespmem:s24+$0x0]  }
0x424: {  	s4 =	sor.u32 s19, s14;
	[tilespmem:s31+$0x0] =	vst.add.f32.msk $0xffff, v0;
	s15 =	sor.u32 $0xD200, s22  }
0x425: {  	s24 =	sor.u32 $0xE200, s22;
	s23 =	sor.u32 s12, s14;
	[tilespmem:s4+$0x0] =	vst.add.f32.msk $0xffff, v2;
	s4 =	sor.u32 s19, s15  }
0x426: {  	s14 =	sor.u32 $0xF200, s22;
	s25 =	sor.u32 s12, s15;
	[tilespmem:s4+$0x0] =	vst.add.f32.msk $0xffff, v2;
	s4 =	sor.u32 s19, s24  }
0x427: {  	s15 =	sor.u32 s12, s24;
	s24 =	sor.u32 $0x2280, s22;
	[tilespmem:s4+$0x0] =	vst.add.f32.msk $0xffff, v2;
	s4 =	sor.u32 s19, s14  }
0x428: {  	s28 =	sor.u32 s12, s14;
	s14 =	sor.u32 s12, s24;
	s24 =	sor.u32 s19, s24;
	[tilespmem:s4+$0x0] =	vst.add.f32.msk $0xffff, v2  }
0x429: {  	v1 =	vld [tilespmem:s24+$0x0]  }
0x42a: {  	[tilespmem:s3+$0x0] =	vst.add.f32.msk $0xffff, v3  }
0x42b: {  	[tilespmem:s20+$0x0] =	vst.add.f32.msk $0xffff, v3  }
0x42c: {  	s20 =	sor.u32 $0xC280, s22;
	[tilespmem:s26+$0x0] =	vst.add.f32.msk $0xffff, v3  }
0x42d: {  	s31 =	smov.u32 s2;
	s2 =	sor.u32 s19, s20;
	[tilespmem:s13+$0x0] =	vst.add.f32.msk $0xffff, v3;
	s24 =	sor.u32 $0xD280, s22  }
0x42e: {  	s3 =	sor.u32 s12, s20;
	s13 =	sor.u32 $0xE280, s22;
	s4 =	sor.u32 s19, s24;
	[tilespmem:s2+$0x0] =	vst.add.f32.msk $0xffff, v1  }
0x42f: {  	s26 =	sor.u32 s12, s24;
	s24 =	sor.u32 $0xF280, s22;
	s2 =	sor.u32 s19, s13;
	[tilespmem:s4+$0x0] =	vst.add.f32.msk $0xffff, v1  }
0x430: {  	s20 =	sor.u32 s12, s13;
	s13 =	sor.u32 $0x2300, s22;
	[tilespmem:s2+$0x0] =	vst.add.f32.msk $0xffff, v1;
	s2 =	sor.u32 s19, s24  }
0x431: {  	s4 =	sor.u32 s12, s24;
	s24 =	sor.u32 s12, s13;
	s13 =	sor.u32 s19, s13;
	[tilespmem:s2+$0x0] =	vst.add.f32.msk $0xffff, v1  }
0x432: {  	v1 =	vld [tilespmem:s13+$0x0]  }
0x433: {  	v2 =	vld [tilespmem:s29+$0x0]  }
0x434: {  	[tilespmem:s17+$0x0] =	vst.add.f32.msk $0xffff, v4  }
0x435: {  	s29 =	sor.u32 $0xC300, s22;
	[tilespmem:s6+$0x0] =	vst.add.f32.msk $0xffff, v4  }
0x436: {  	[tilespmem:s11+$0x0] =	vst.add.f32.msk $0xffff, v4;
	s2 =	sor.u32 s19, s29;
	s13 =	sor.u32 $0xD300, s22  }
0x437: {  	s17 =	sor.u32 s12, s29;
	s29 =	sor.u32 $0xE300, s22;
	[tilespmem:s2+$0x0] =	vst.add.f32.msk $0xffff, v1;
	s2 =	sor.u32 s19, s13  }
0x438: {  	s6 =	sor.u32 s12, s13;
	s13 =	sor.u32 $0xF300, s22;
	[tilespmem:s2+$0x0] =	vst.add.f32.msk $0xffff, v1;
	s2 =	sor.u32 s19, s29  }
0x439: {  	s30 =	sor.u32 $0x2380, s22;
	[tilespmem:s2+$0x0] =	vst.add.f32.msk $0xffff, v1;
	s2 =	sor.u32 s19, s13  }
0x43a: {  	[tilespmem:s2+$0x0] =	vst.add.f32.msk $0xffff, v1;
	s2 =	sor.u32 s19, s30  }
0x43b: {  	v1 =	vld [tilespmem:s2+$0x0]  }
0x43c: {  	[tilespmem:s0+$0x0] =	vst.add.f32.msk $0xffff, v2  }
0x43d: {  	[tilespmem:s7+$0x0] =	vst.add.f32.msk $0xffff, v2  }
0x43e: {  	s7 =	sor.u32 $0xC380, s22;
	[tilespmem:s5+$0x0] =	vst.add.f32.msk $0xffff, v2  }
0x43f: {  	s0 =	sor.u32 s12, s7;
	s5 =	sor.u32 $0xD380, s22;
	s7 =	sor.u32 s19, s7;
	[tilespmem:s8+$0x0] =	vst.add.f32.msk $0xffff, v2  }
0x440: {  	s8 =	sor.u32 $0xE380, s22;
	s2 =	sor.u32 s12, s5;
	s5 =	sor.u32 s19, s5;
	[tilespmem:s7+$0x0] =	vst.add.f32.msk $0xffff, v1  }
0x441: {  	s22 =	sor.u32 $0xF380, s22;
	s7 =	sor.u32 s12, s8;
	s8 =	sor.u32 s19, s8;
	[tilespmem:s5+$0x0] =	vst.add.f32.msk $0xffff, v1  }
0x442: {  	p1 =	slt.u32 s9, $0x1E0;
	s19 =	sor.u32 s19, s22;
	[tilespmem:s8+$0x0] =	vst.add.f32.msk $0xffff, v1  }
.Ltmp2:
0x443: {  	[tilespmem:s19+$0x0] =	vst.add.f32.msk $0xffff, v1;
	(pc) =	sbr.rel @p1 .LBB2_7-.Ltmp2, $4  }
0x444: {  	s11 =	sor.u32 s12, s29;
	s29 =	sor.u32 s12, s13;
	v1 =	vld [tilespmem:s1+$0x0]  }
0x445: {  	s13 =	sor.u32 s12, s30;
	s30 =	rddreg [dreg:$0x12];
	s5 =	sor.u32 s12, s22;
	[tilespmem:s16+$0x0] =	vst.add.f32.msk $0xffff, v4  }
0x446: {  	s22 =	rddreg [dreg:$0x6];
	s16 =	smov.u32 s29;
	s29 =	smov.u32 s18;
	v2 =	vld [tilespmem:s21+$0x0]  }
0x447: {  	s18 =	smov.u32 s7;
	s21 =	smov.u32 s13;
	[tilespmem:s22+$0x0] =	vst.add.f32.msk $0xffff, v0;
	[dreg:$0x6] =	wrdreg s29  }
0x448: {  	_ = 	snop  }
0x449: {  	[tilespmem:s23+$0x0] =	vst.add.f32.msk $0xffff, v1  }
0x44a: {  	[tilespmem:s25+$0x0] =	vst.add.f32.msk $0xffff, v1  }
0x44b: {  	[tilespmem:s15+$0x0] =	vst.add.f32.msk $0xffff, v1  }
0x44c: {  	[tilespmem:s28+$0x0] =	vst.add.f32.msk $0xffff, v1  }
0x44d: {  	v1 =	vld [tilespmem:s14+$0x0];
	_ =	sdelay $0x4  }
0x44e: {  	[tilespmem:s3+$0x0] =	vst.add.f32.msk $0xffff, v1  }
0x44f: {  	[tilespmem:s26+$0x0] =	vst.add.f32.msk $0xffff, v1  }
0x450: {  	[tilespmem:s20+$0x0] =	vst.add.f32.msk $0xffff, v1  }
0x451: {  	[tilespmem:s4+$0x0] =	vst.add.f32.msk $0xffff, v1  }
0x452: {  	v1 =	vld [tilespmem:s24+$0x0];
	_ =	sdelay $0x3  }
0x453: {  	[tilespmem:s30+$0x0] =	vst.add.f32.msk $0xffff, v0  }
0x454: {  	[tilespmem:s17+$0x0] =	vst.add.f32.msk $0xffff, v1  }
0x455: {  	[tilespmem:s6+$0x0] =	vst.add.f32.msk $0xffff, v1  }
0x456: {  	[tilespmem:s11+$0x0] =	vst.add.f32.msk $0xffff, v1  }
0x457: {  	[tilespmem:s16+$0x0] =	vst.add.f32.msk $0xffff, v1  }
0x458: {  	v0 =	vld [tilespmem:s21+$0x0];
	s1 =	rddreg [dreg:$0xb]  }
0x459: {  	[tilespmem:s1+$0x0] =	vst.add.f32.msk $0xffff, v2  }
0x45a: {  	[tilespmem:s31+$0x0] =	vst.add.f32.msk $0xffff, v2  }
0x45b: {  	s1 =	rddreg [dreg:$0x6]  }
0x45c: {  	[tilespmem:s1+$0x0] =	vst.add.f32.msk $0xffff, v2  }
0x45d: {  	s1 =	rddreg [dreg:$0x8];
	[tilespmem:s0+$0x0] =	vst.add.f32.msk $0xffff, v0  }
0x45e: {  	[tilespmem:s1+$0x0] =	vst.add.f32.msk $0xffff, v2  }
0x45f: {  	[tilespmem:s2+$0x0] =	vst.add.f32.msk $0xffff, v0  }
0x460: {  	[tilespmem:s18+$0x0] =	vst.add.f32.msk $0xffff, v0  }
0x461: {  	s3 =	rddreg [dreg:$0x2];
	[tilespmem:s5+$0x0] =	vst.add.f32.msk $0xffff, v0  }
0x462: {  	s7 =	simm.s32 $0x6;
	s4 =	simm.s32 $0x1000;
	s1 =	rddreg [dreg:$0x1e]  }
0x463: {  	s6 =	simm.s32 $0xC000;
	s5 =	simm.s32 $0x800000;
	s0 =	sadd.s32 s3, s1  }
0x464: {  	[hbm4b:s0+s4] =	stream.strided.scatter [tilespmem:s6], [sflag:$0x7], $0x4000, s5, s4, $0x38;
	[tilespmem:$0x14000] =	vst v63  }
0x465: {  	_ =	swait.ge [sflag:s7], $0x4000  }
0x466: {  	s0 =	sld [smem:$0x7DE]  }
0x467: {  	[sflag:s7] =	ssyncset.done $0x0  }
0x468: {  	[sflag:s7] =	ssyncadd.s32 $0xFFFFC000  }
0x469: {  	s1 =	rddreg [dreg:$0x1];
	s0 =	sor.u32 @!p0 $0x200, s0  }
0x46a: {  	s2 =	simm.s32 @!p0 $0x0;
	s3 =	simm.s32 @!p0 $0x1000;
	s1 =	sadd.s32 @!p0 s1, s0  }
0x46b: {  	[tilespmem:s3], [sflag:$0x2] =	stream.linear.gather @!p0 [hbm4b:s1+s2], $0x1000, $0x38;
	[tilespmem:$0x14000] =	vst v63  }
0x46c: {  	s8 =	simm.s32 $0x4;
	s1 =	rddreg [dreg:$0x0]  }
0x46d: {  	s2 =	simm.s32 @!p0 $0x8000;
	s0 =	sadd.s32 @!p0 s1, s0;
	s1 =	simm.s32 @!p0 $0x800000  }
0x46e: {  	[tilespmem:s2], [sflag:$0x2] =	stream.strided.gather @!p0 [hbm4b:s0+s3], $0x4000, s1, s3, $0x38;
	[tilespmem:$0x14000] =	vst v63  }
0x46f: {  	_ =	swait.ge [sflag:s8], $0x1000  }
0x470: {  	[sflag:s8] =	ssyncset.done $0x0  }
0x471: {  	s10 =	simm.s32 $0x0;
	s11 =	simm.s32 $0x0;
	[sflag:s8] =	ssyncadd.s32 $0xFFFFF000  }
0x472: {  	s1 =	sand.u32 $0x60, s11;
	s11 =	sand.u32 $0xC00, s10;
	_ =	swait.ge [sflag:s8], $0x4000  }
0x473: {  	s0 =	sor.u32 $0x3000, s11;
	s9 =	sor.u32 $0x10, s1;
	[sflag:s8] =	ssyncset.done $0x0  }
0x474: {  	s12 =	sor.u32 s9, s0;
	[sflag:s8] =	ssyncadd.s32 $0xFFFFC000  }
0x475: {  	s0 =	sor.u32 s1, s0;
	v0 =	vld [tilespmem:s12+$0x0]  }
0x476: {  	v1 =	vld [tilespmem:s0+$0x0];
	_ =	sdelay $0x1  }
0x477: {  	s13 =	sor.u32 $0x10000, s11  }
0x478: {  	s16 =	sor.u32 s9, s13  }
0x479: {  	s14 =	sor.u32 $0x11000, s11;
	s2 =	sor.u32 s1, s13;
	[tilespmem:s16+$0x0] =	vst.add.f32.msk $0xffff, v0  }
0x47a: {  	s17 =	sor.u32 $0x12000, s11;
	s18 =	sor.u32 s9, s14;
	[tilespmem:s2+$0x0] =	vst.add.f32.msk $0xffff, v1  }
0x47b: {  	s19 =	sor.u32 $0x13000, s11;
	s20 =	sor.u32 s9, s17;
	[tilespmem:s18+$0x0] =	vst.add.f32.msk $0xffff, v0  }
0x47c: {  	s21 =	sor.u32 $0x3080, s11;
	s22 =	sor.u32 s9, s19;
	[tilespmem:s20+$0x0] =	vst.add.f32.msk $0xffff, v0  }
0x47d: {  	s23 =	sor.u32 s9, s21;
	[tilespmem:s22+$0x0] =	vst.add.f32.msk $0xffff, v0  }
0x47e: {  	s0 =	sor.u32 s1, s14;
	v0 =	vld [tilespmem:s23+$0x0]  }
0x47f: {  	s4 =	sor.u32 s1, s17;
	[tilespmem:s0+$0x0] =	vst.add.f32.msk $0xffff, v1  }
0x480: {  	s5 =	sor.u32 s1, s19;
	[tilespmem:s4+$0x0] =	vst.add.f32.msk $0xffff, v1  }
0x481: {  	s7 =	sor.u32 $0x10080, s11;
	s10 =	sor.u32 s1, s21;
	[tilespmem:s5+$0x0] =	vst.add.f32.msk $0xffff, v1  }
0x482: {  	s24 =	sor.u32 s9, s7;
	s8 =	sor.u32 $0x11080, s11;
	v1 =	vld [tilespmem:s10+$0x0]  }
0x483: {  	s25 =	sor.u32 $0x12080, s11;
	s15 =	sor.u32 s9, s8;
	[tilespmem:s24+$0x0] =	vst.add.f32.msk $0xffff, v0  }
0x484: {  	s26 =	sor.u32 s9, s25;
	s16 =	sor.u32 $0x13080, s11;
	[tilespmem:s15+$0x0] =	vst.add.f32.msk $0xffff, v0  }
0x485: {  	s28 =	sor.u32 $0x3100, s11;
	s31 =	sor.u32 s9, s16;
	[tilespmem:s26+$0x0] =	vst.add.f32.msk $0xffff, v0  }
0x486: {  	s3 =	sor.u32 s9, s28;
	[tilespmem:s31+$0x0] =	vst.add.f32.msk $0xffff, v0  }
0x487: {  	v0 =	vld [tilespmem:s3+$0x0];
	_ =	sdelay $0x2  }
0x488: {  	s7 =	sor.u32 s1, s7;
	s0 =	sor.u32 $0x10100, s11  }
0x489: {  	s12 =	sor.u32 s9, s0;
	[tilespmem:s7+$0x0] =	vst.add.f32.msk $0xffff, v1;
	s3 =	sor.u32 $0x11100, s11  }
0x48a: {  	s4 =	sor.u32 $0x12100, s11;
	s13 =	sor.u32 s9, s3;
	[tilespmem:s12+$0x0] =	vst.add.f32.msk $0xffff, v0  }
0x48b: {  	s5 =	sor.u32 $0x13100, s11;
	s17 =	sor.u32 s9, s4;
	[tilespmem:s13+$0x0] =	vst.add.f32.msk $0xffff, v0  }
0x48c: {  	s6 =	sor.u32 $0x3180, s11;
	s18 =	sor.u32 s9, s5;
	[tilespmem:s17+$0x0] =	vst.add.f32.msk $0xffff, v0  }
0x48d: {  	s19 =	sor.u32 s9, s6;
	[tilespmem:s18+$0x0] =	vst.add.f32.msk $0xffff, v0  }
0x48e: {  	s8 =	sor.u32 s1, s8;
	v0 =	vld [tilespmem:s19+$0x0]  }
0x48f: {  	s25 =	sor.u32 s1, s25;
	[tilespmem:s8+$0x0] =	vst.add.f32.msk $0xffff, v1  }
0x490: {  	s26 =	sor.u32 s1, s16;
	[tilespmem:s25+$0x0] =	vst.add.f32.msk $0xffff, v1  }
0x491: {  	s28 =	sor.u32 s1, s28;
	s2 =	sor.u32 $0x10180, s11;
	[tilespmem:s26+$0x0] =	vst.add.f32.msk $0xffff, v1  }
0x492: {  	s20 =	sor.u32 s9, s2;
	s10 =	sor.u32 $0x11180, s11;
	v1 =	vld [tilespmem:s28+$0x0]  }
0x493: {  	s21 =	sor.u32 s9, s10;
	s12 =	sor.u32 $0x12180, s11;
	[tilespmem:s20+$0x0] =	vst.add.f32.msk $0xffff, v0  }
0x494: {  	s13 =	sor.u32 $0x13180, s11;
	s22 =	sor.u32 s9, s12;
	[tilespmem:s21+$0x0] =	vst.add.f32.msk $0xffff, v0  }
0x495: {  	s23 =	sor.u32 s9, s13;
	s18 =	sor.u32 $0x3200, s11;
	[tilespmem:s22+$0x0] =	vst.add.f32.msk $0xffff, v0  }
0x496: {  	s24 =	sor.u32 s9, s18;
	[tilespmem:s23+$0x0] =	vst.add.f32.msk $0xffff, v0  }
0x497: {  	v0 =	vld [tilespmem:s24+$0x0];
	_ =	sdelay $0x2  }
0x498: {  	s22 =	sor.u32 $0x10200, s11;
	s23 =	sor.u32 s1, s0  }
0x499: {  	s20 =	sor.u32 $0x11200, s11;
	s31 =	sor.u32 s9, s22;
	[tilespmem:s23+$0x0] =	vst.add.f32.msk $0xffff, v1  }
0x49a: {  	s21 =	sor.u32 $0x12200, s11;
	s8 =	sor.u32 s9, s20;
	[tilespmem:s31+$0x0] =	vst.add.f32.msk $0xffff, v0  }
0x49b: {  	s19 =	sor.u32 $0x13200, s11;
	s14 =	sor.u32 s9, s21;
	[tilespmem:s8+$0x0] =	vst.add.f32.msk $0xffff, v0  }
0x49c: {  	s17 =	sor.u32 $0x3280, s11;
	s15 =	sor.u32 s9, s19;
	[tilespmem:s14+$0x0] =	vst.add.f32.msk $0xffff, v0  }
0x49d: {  	s16 =	sor.u32 s9, s17;
	[tilespmem:s15+$0x0] =	vst.add.f32.msk $0xffff, v0  }
0x49e: {  	s3 =	sor.u32 s1, s3;
	v0 =	vld [tilespmem:s16+$0x0]  }
0x49f: {  	s4 =	sor.u32 s1, s4;
	[tilespmem:s3+$0x0] =	vst.add.f32.msk $0xffff, v1  }
0x4a0: {  	[tilespmem:s4+$0x0] =	vst.add.f32.msk $0xffff, v1;
	s8 =	sor.u32 s1, s5  }
0x4a1: {  	s0 =	sor.u32 $0x10280, s11;
	s23 =	sor.u32 s1, s6;
	[tilespmem:s8+$0x0] =	vst.add.f32.msk $0xffff, v1  }
0x4a2: {  	s7 =	sor.u32 $0x11280, s11;
	s24 =	sor.u32 s9, s0;
	v1 =	vld [tilespmem:s23+$0x0]  }
0x4a3: {  	s25 =	sor.u32 s9, s7;
	s16 =	sor.u32 $0x12280, s11;
	[tilespmem:s24+$0x0] =	vst.add.f32.msk $0xffff, v0  }
0x4a4: {  	s14 =	sor.u32 $0x13280, s11;
	s26 =	sor.u32 s9, s16;
	[tilespmem:s25+$0x0] =	vst.add.f32.msk $0xffff, v0  }
0x4a5: {  	s15 =	sor.u32 $0x3300, s11;
	s28 =	sor.u32 s9, s14;
	[tilespmem:s26+$0x0] =	vst.add.f32.msk $0xffff, v0  }
0x4a6: {  	s31 =	sor.u32 s9, s15;
	[tilespmem:s28+$0x0] =	vst.add.f32.msk $0xffff, v0  }
0x4a7: {  	v0 =	vld [tilespmem:s31+$0x0]  }
0x4a8: {  	s2 =	sor.u32 s1, s2  }
0x4a9: {  	s10 =	sor.u32 s1, s10;
	[tilespmem:s2+$0x0] =	vst.add.f32.msk $0xffff, v1  }
0x4aa: {  	s12 =	sor.u32 s1, s12;
	s3 =	sor.u32 $0x10300, s11;
	[tilespmem:s10+$0x0] =	vst.add.f32.msk $0xffff, v1  }
0x4ab: {  	s6 =	sor.u32 $0x11300, s11;
	s24 =	sor.u32 s9, s3;
	[tilespmem:s12+$0x0] =	vst.add.f32.msk $0xffff, v1  }
0x4ac: {  	s8 =	sor.u32 $0x12300, s11;
	s25 =	sor.u32 s9, s6;
	[tilespmem:s24+$0x0] =	vst.add.f32.msk $0xffff, v0  }
0x4ad: {  	s4 =	sor.u32 $0x13300, s11;
	s26 =	sor.u32 s9, s8;
	[tilespmem:s25+$0x0] =	vst.add.f32.msk $0xffff, v0  }
0x4ae: {  	s5 =	sor.u32 $0x3380, s11;
	s28 =	sor.u32 s9, s4;
	[tilespmem:s26+$0x0] =	vst.add.f32.msk $0xffff, v0  }
0x4af: {  	s31 =	sor.u32 s9, s5;
	[tilespmem:s28+$0x0] =	vst.add.f32.msk $0xffff, v0  }
0x4b0: {  	s13 =	sor.u32 s1, s13;
	v0 =	vld [tilespmem:s31+$0x0]  }
0x4b1: {  	[tilespmem:s13+$0x0] =	vst.add.f32.msk $0xffff, v1;
	s24 =	sor.u32 $0x11380, s11  }
0x4b2: {  	s23 =	sor.u32 s1, s18;
	[smem:$0x7D3] =	sst s24  }
0x4b3: {  	s18 =	sor.u32 $0x10380, s11;
	s26 =	sor.u32 $0x12380, s11;
	v1 =	vld [tilespmem:s23+$0x0]  }
0x4b4: {  	s25 =	sor.u32 s9, s18;
	[smem:$0x7D4] =	sst s26  }
0x4b5: {  	s31 =	sor.u32 $0x13380, s11;
	[tilespmem:s25+$0x0] =	vst.add.f32.msk $0xffff, v0  }
0x4b6: {  	s12 =	simm.s32 $0x20;
	s28 =	sor.u32 s9, s24;
	[smem:$0x7D5] =	sst s31  }
0x4b7: {  	s11 =	sor.u32 s9, s26;
	s23 =	simm.s32 $0x100;
	s25 =	sor.u32 s1, s22;
	[tilespmem:s28+$0x0] =	vst.add.f32.msk $0xffff, v0  }
0x4b8: {  	s24 =	sor.u32 s9, s31;
	s9 =	sand.u32 $0x60, s12;
	s12 =	sand.u32 $0xC00, s23;
	[tilespmem:s25+$0x0] =	vst.add.f32.msk $0xffff, v1  }
0x4b9: {  	s23 =	sor.u32 $0x10, s9;
	s26 =	sor.u32 $0x3000, s12;
	[tilespmem:s11+$0x0] =	vst.add.f32.msk $0xffff, v0  }
0x4ba: {  	s28 =	sor.u32 s23, s26;
	[tilespmem:s24+$0x0] =	vst.add.f32.msk $0xffff, v0  }
0x4bb: {  	s10 =	sor.u32 s9, s26;
	v0 =	vld [tilespmem:s28+$0x0]  }
0x4bc: {  	s31 =	sor.u32 s1, s20;
	v2 =	vld [tilespmem:s10+$0x0]  }
0x4bd: {  	s2 =	sor.u32 s1, s21;
	[tilespmem:s31+$0x0] =	vst.add.f32.msk $0xffff, v1  }
0x4be: {  	s13 =	sor.u32 s1, s19;
	s19 =	sor.u32 $0x10000, s12;
	[tilespmem:s2+$0x0] =	vst.add.f32.msk $0xffff, v1  }
0x4bf: {  	s31 =	sor.u32 s23, s19;
	s28 =	sor.u32 $0x11000, s12;
	[tilespmem:s13+$0x0] =	vst.add.f32.msk $0xffff, v1  }
0x4c0: {  	s2 =	sor.u32 $0x12000, s12;
	s22 =	sor.u32 s23, s28;
	[tilespmem:s31+$0x0] =	vst.add.f32.msk $0xffff, v0  }
0x4c1: {  	s20 =	sor.u32 $0x13000, s12;
	s24 =	sor.u32 s23, s2;
	[tilespmem:s22+$0x0] =	vst.add.f32.msk $0xffff, v0  }
0x4c2: {  	s21 =	sor.u32 $0x3080, s12;
	s25 =	sor.u32 s23, s20;
	[tilespmem:s24+$0x0] =	vst.add.f32.msk $0xffff, v0  }
0x4c3: {  	s26 =	sor.u32 s23, s21;
	[tilespmem:s25+$0x0] =	vst.add.f32.msk $0xffff, v0  }
0x4c4: {  	s17 =	sor.u32 s1, s17;
	v0 =	vld [tilespmem:s26+$0x0]  }
0x4c5: {  	s10 =	sor.u32 s9, s19;
	v1 =	vld [tilespmem:s17+$0x0]  }
0x4c6: {  	s11 =	sor.u32 s9, s28;
	[tilespmem:s10+$0x0] =	vst.add.f32.msk $0xffff, v2  }
0x4c7: {  	s28 =	sor.u32 s9, s2;
	[tilespmem:s11+$0x0] =	vst.add.f32.msk $0xffff, v2;
	s11 =	sor.u32 $0x10080, s12  }
0x4c8: {  	s10 =	sor.u32 $0x11080, s12;
	[tilespmem:s28+$0x0] =	vst.add.f32.msk $0xffff, v2;
	s31 =	sor.u32 s23, s11  }
0x4c9: {  	s19 =	sor.u32 $0x12080, s12;
	s2 =	sor.u32 s23, s10;
	[tilespmem:s31+$0x0] =	vst.add.f32.msk $0xffff, v0  }
0x4ca: {  	s17 =	sor.u32 s23, s19;
	s22 =	sor.u32 $0x13080, s12;
	[tilespmem:s2+$0x0] =	vst.add.f32.msk $0xffff, v0  }
0x4cb: {  	s24 =	sor.u32 $0x3100, s12;
	s25 =	sor.u32 s23, s22;
	[tilespmem:s17+$0x0] =	vst.add.f32.msk $0xffff, v0  }
0x4cc: {  	s26 =	sor.u32 s23, s24;
	[tilespmem:s25+$0x0] =	vst.add.f32.msk $0xffff, v0  }
0x4cd: {  	s28 =	sor.u32 s9, s20;
	v0 =	vld [tilespmem:s26+$0x0]  }
0x4ce: {  	s0 =	sor.u32 s1, s0;
	[tilespmem:s28+$0x0] =	vst.add.f32.msk $0xffff, v2  }
0x4cf: {  	s7 =	sor.u32 s1, s7;
	[tilespmem:s0+$0x0] =	vst.add.f32.msk $0xffff, v1  }
0x4d0: {  	s13 =	sor.u32 $0x10100, s12;
	[tilespmem:s7+$0x0] =	vst.add.f32.msk $0xffff, v1;
	s31 =	sor.u32 s9, s21  }
0x4d1: {  	v2 =	vld [tilespmem:s31+$0x0];
	s2 =	sor.u32 s23, s13;
	s25 =	sor.u32 $0x11100, s12  }
0x4d2: {  	s26 =	sor.u32 $0x12100, s12;
	s7 =	sor.u32 s23, s25;
	[tilespmem:s2+$0x0] =	vst.add.f32.msk $0xffff, v0  }
0x4d3: {  	s17 =	sor.u32 s23, s26;
	s2 =	sor.u32 $0x13100, s12;
	[tilespmem:s7+$0x0] =	vst.add.f32.msk $0xffff, v0  }
0x4d4: {  	s20 =	sor.u32 s23, s2;
	[tilespmem:s17+$0x0] =	vst.add.f32.msk $0xffff, v0;
	s17 =	sor.u32 $0x3180, s12  }
0x4d5: {  	[tilespmem:s20+$0x0] =	vst.add.f32.msk $0xffff, v0;
	s21 =	sor.u32 s23, s17  }
0x4d6: {  	s28 =	sor.u32 s1, s16;
	v0 =	vld [tilespmem:s21+$0x0]  }
0x4d7: {  	[tilespmem:s28+$0x0] =	vst.add.f32.msk $0xffff, v1;
	s31 =	sor.u32 s9, s11  }
0x4d8: {  	s11 =	sor.u32 s9, s10;
	[tilespmem:s31+$0x0] =	vst.add.f32.msk $0xffff, v2  }
0x4d9: {  	s16 =	sor.u32 s9, s19;
	[tilespmem:s11+$0x0] =	vst.add.f32.msk $0xffff, v2;
	s11 =	sor.u32 $0x10180, s12  }
0x4da: {  	[tilespmem:s16+$0x0] =	vst.add.f32.msk $0xffff, v2;
	s16 =	sor.u32 $0x11180, s12;
	s19 =	sor.u32 s23, s11  }
0x4db: {  	s20 =	sor.u32 s23, s16;
	s21 =	sor.u32 $0x12180, s12;
	[tilespmem:s19+$0x0] =	vst.add.f32.msk $0xffff, v0  }
0x4dc: {  	s31 =	sor.u32 $0x13180, s12;
	s28 =	sor.u32 s23, s21;
	[tilespmem:s20+$0x0] =	vst.add.f32.msk $0xffff, v0  }
0x4dd: {  	s7 =	sor.u32 s23, s31;
	s20 =	sor.u32 $0x3200, s12;
	[tilespmem:s28+$0x0] =	vst.add.f32.msk $0xffff, v0  }
0x4de: {  	s10 =	sor.u32 s23, s20;
	[tilespmem:s7+$0x0] =	vst.add.f32.msk $0xffff, v0  }
0x4df: {  	s19 =	sor.u32 s9, s22;
	v0 =	vld [tilespmem:s10+$0x0]  }
0x4e0: {  	s22 =	sor.u32 s9, s24;
	s24 =	sor.u32 s1, s14;
	[tilespmem:s19+$0x0] =	vst.add.f32.msk $0xffff, v2  }
0x4e1: {  	[tilespmem:s24+$0x0] =	vst.add.f32.msk $0xffff, v1  }
0x4e2: {  	s30 =	sor.u32 $0x10200, s12;
	v2 =	vld [tilespmem:s22+$0x0];
	s28 =	sor.u32 s1, s15  }
0x4e3: {  	s29 =	sor.u32 $0x11200, s12;
	v1 =	vld [tilespmem:s28+$0x0];
	s10 =	sor.u32 s23, s30  }
0x4e4: {  	s14 =	sor.u32 s23, s29;
	s28 =	sor.u32 $0x12200, s12;
	[tilespmem:s10+$0x0] =	vst.add.f32.msk $0xffff, v0  }
0x4e5: {  	s0 =	sor.u32 $0x13200, s12;
	s15 =	sor.u32 s23, s28;
	[tilespmem:s14+$0x0] =	vst.add.f32.msk $0xffff, v0  }
0x4e6: {  	s19 =	sor.u32 s23, s0;
	s7 =	sor.u32 $0x3280, s12;
	[tilespmem:s15+$0x0] =	vst.add.f32.msk $0xffff, v0  }
0x4e7: {  	s22 =	sor.u32 s23, s7;
	[tilespmem:s19+$0x0] =	vst.add.f32.msk $0xffff, v0  }
0x4e8: {  	s24 =	sor.u32 s9, s13;
	v0 =	vld [tilespmem:s22+$0x0]  }
0x4e9: {  	s25 =	sor.u32 s9, s25;
	[tilespmem:s24+$0x0] =	vst.add.f32.msk $0xffff, v2  }
0x4ea: {  	s26 =	sor.u32 s9, s26;
	[tilespmem:s25+$0x0] =	vst.add.f32.msk $0xffff, v2  }
0x4eb: {  	s2 =	sor.u32 s9, s2;
	s24 =	sor.u32 $0x10280, s12;
	[tilespmem:s26+$0x0] =	vst.add.f32.msk $0xffff, v2  }
0x4ec: {  	s25 =	sor.u32 $0x11280, s12;
	s13 =	sor.u32 s23, s24;
	[tilespmem:s2+$0x0] =	vst.add.f32.msk $0xffff, v2  }
0x4ed: {  	s26 =	sor.u32 $0x12280, s12;
	s14 =	sor.u32 s23, s25;
	[tilespmem:s13+$0x0] =	vst.add.f32.msk $0xffff, v0  }
0x4ee: {  	s15 =	sor.u32 s23, s26;
	[tilespmem:s14+$0x0] =	vst.add.f32.msk $0xffff, v0;
	s14 =	sor.u32 $0x13280, s12  }
0x4ef: {  	[tilespmem:s15+$0x0] =	vst.add.f32.msk $0xffff, v0;
	s15 =	sor.u32 $0x3300, s12;
	s19 =	sor.u32 s23, s14  }
0x4f0: {  	[tilespmem:s19+$0x0] =	vst.add.f32.msk $0xffff, v0;
	s22 =	sor.u32 s23, s15  }
0x4f1: {  	s10 =	sor.u32 s9, s17;
	v0 =	vld [tilespmem:s22+$0x0]  }
0x4f2: {  	v2 =	vld [tilespmem:s10+$0x0];
	s13 =	sor.u32 s1, s3  }
0x4f3: {  	s17 =	sor.u32 s1, s6;
	[tilespmem:s13+$0x0] =	vst.add.f32.msk $0xffff, v1  }
0x4f4: {  	[tilespmem:s17+$0x0] =	vst.add.f32.msk $0xffff, v1;
	s17 =	sor.u32 $0x10300, s12;
	s19 =	sor.u32 s1, s8  }
0x4f5: {  	[tilespmem:s19+$0x0] =	vst.add.f32.msk $0xffff, v1;
	s19 =	sor.u32 $0x11300, s12;
	s22 =	sor.u32 s23, s17  }
0x4f6: {  	s3 =	sor.u32 s23, s19;
	[tilespmem:s22+$0x0] =	vst.add.f32.msk $0xffff, v0  }
0x4f7: {  	s6 =	sor.u32 $0x13300, s12;
	s22 =	sor.u32 $0x12300, s12;
	[tilespmem:s3+$0x0] =	vst.add.f32.msk $0xffff, v0  }
0x4f8: {  	s8 =	sor.u32 s23, s22;
	[smem:$0x7D6] =	sst s6  }
0x4f9: {  	s10 =	sor.u32 $0x3380, s12;
	[tilespmem:s8+$0x0] =	vst.add.f32.msk $0xffff, v0  }
0x4fa: {  	s13 =	sor.u32 s23, s6;
	[smem:$0x7D7] =	sst s10  }
0x4fb: {  	s6 =	sor.u32 s9, s11;
	[tilespmem:s13+$0x0] =	vst.add.f32.msk $0xffff, v0  }
0x4fc: {  	s3 =	sor.u32 s23, s10;
	[tilespmem:s6+$0x0] =	vst.add.f32.msk $0xffff, v2  }
0x4fd: {  	s8 =	sor.u32 s9, s16;
	v0 =	vld [tilespmem:s3+$0x0]  }
0x4fe: {  	s10 =	sor.u32 s9, s21;
	[tilespmem:s8+$0x0] =	vst.add.f32.msk $0xffff, v2  }
0x4ff: {  	s13 =	sor.u32 $0x10380, s12;
	[tilespmem:s10+$0x0] =	vst.add.f32.msk $0xffff, v2  }
0x500: {  	s11 =	sor.u32 s9, s31;
	[smem:$0x7D8] =	sst s13  }
0x501: {  	s16 =	sor.u32 $0x11380, s12;
	[tilespmem:s11+$0x0] =	vst.add.f32.msk $0xffff, v2  }
0x502: {  	s21 =	sor.u32 s23, s13;
	[smem:$0x7D9] =	sst s16  }
0x503: {  	s31 =	sor.u32 s23, s16;
	[tilespmem:s21+$0x0] =	vst.add.f32.msk $0xffff, v0  }
0x504: {  	s6 =	sor.u32 $0x12380, s12;
	s3 =	sor.u32 s9, s20;
	[tilespmem:s31+$0x0] =	vst.add.f32.msk $0xffff, v0  }
0x505: {  	s8 =	sor.u32 $0x13380, s12;
	s12 =	sor.u32 s1, s4;
	[smem:$0x7DA] =	sst s6  }
0x506: {  	s10 =	sor.u32 s23, s6;
	s13 =	sor.u32 s1, s5;
	v2 =	vld [tilespmem:s3+$0x0];
	[smem:$0x7DB] =	sst s8  }
0x507: {  	s5 =	simm.s32 $0x40;
	s11 =	sor.u32 s23, s8;
	s8 =	simm.s32 $0x200;
	[tilespmem:s10+$0x0] =	vst.add.f32.msk $0xffff, v0  }
0x508: {  	[tilespmem:s12+$0x0] =	vst.add.f32.msk $0xffff, v1;
	s12 =	sand.u32 $0x60, s5;
	s23 =	sand.u32 $0xC00, s8  }
0x509: {  	s21 =	sor.u32 s9, s28;
	[tilespmem:s11+$0x0] =	vst.add.f32.msk $0xffff, v0;
	s28 =	sor.u32 $0x3000, s23;
	s4 =	sor.u32 $0x10, s12  }
0x50a: {  	v0 =	vld [tilespmem:s13+$0x0];
	s31 =	sor.u32 s4, s28  }
0x50b: {  	s6 =	sor.u32 s12, s28;
	v1 =	vld [tilespmem:s31+$0x0]  }
0x50c: {  	s16 =	sor.u32 s9, s30;
	v3 =	vld [tilespmem:s6+$0x0]  }
0x50d: {  	s20 =	sor.u32 s9, s29;
	[tilespmem:s16+$0x0] =	vst.add.f32.msk $0xffff, v2  }
0x50e: {  	[tilespmem:s20+$0x0] =	vst.add.f32.msk $0xffff, v2  }
0x50f: {  	s10 =	sor.u32 s1, s18;
	[tilespmem:s21+$0x0] =	vst.add.f32.msk $0xffff, v2  }
0x510: {  	s0 =	sor.u32 s9, s0;
	[tilespmem:s10+$0x0] =	vst.add.f32.msk $0xffff, v0  }
0x511: {  	s7 =	sor.u32 s9, s7;
	[tilespmem:s0+$0x0] =	vst.add.f32.msk $0xffff, v2;
	s0 =	sor.u32 $0x10000, s23  }
0x512: {  	v2 =	vld [tilespmem:s7+$0x0];
	s13 =	sor.u32 s4, s0  }
0x513: {  	s11 =	sor.u32 $0x11000, s23;
	s0 =	sor.u32 s12, s0;
	[tilespmem:s13+$0x0] =	vst.add.f32.msk $0xffff, v1  }
0x514: {  	s18 =	sor.u32 s4, s11;
	s16 =	sor.u32 $0x12000, s23;
	[tilespmem:s0+$0x0] =	vst.add.f32.msk $0xffff, v3  }
0x515: {  	s20 =	sor.u32 $0x13000, s23;
	s21 =	sor.u32 s4, s16;
	[tilespmem:s18+$0x0] =	vst.add.f32.msk $0xffff, v1  }
0x516: {  	s28 =	sor.u32 s4, s20;
	s7 =	sor.u32 $0x3080, s23;
	[tilespmem:s21+$0x0] =	vst.add.f32.msk $0xffff, v1  }
0x517: {  	s31 =	sor.u32 s4, s7;
	[tilespmem:s28+$0x0] =	vst.add.f32.msk $0xffff, v1  }
0x518: {  	s11 =	sor.u32 s12, s11;
	v1 =	vld [tilespmem:s31+$0x0]  }
0x519: {  	s13 =	sor.u32 s12, s16;
	[tilespmem:s11+$0x0] =	vst.add.f32.msk $0xffff, v3  }
0x51a: {  	s16 =	sor.u32 s12, s20;
	[tilespmem:s13+$0x0] =	vst.add.f32.msk $0xffff, v3  }
0x51b: {  	s2 =	sor.u32 $0x10080, s23;
	s7 =	sor.u32 s12, s7;
	[tilespmem:s16+$0x0] =	vst.add.f32.msk $0xffff, v3  }
0x51c: {  	s0 =	sor.u32 $0x11080, s23;
	s18 =	sor.u32 s4, s2;
	v3 =	vld [tilespmem:s7+$0x0]  }
0x51d: {  	s3 =	sor.u32 $0x12080, s23;
	s20 =	sor.u32 s4, s0;
	[tilespmem:s18+$0x0] =	vst.add.f32.msk $0xffff, v1  }
0x51e: {  	s6 =	sor.u32 $0x13080, s23;
	s21 =	sor.u32 s4, s3;
	[tilespmem:s20+$0x0] =	vst.add.f32.msk $0xffff, v1  }
0x51f: {  	s28 =	sor.u32 s4, s6;
	s18 =	sor.u32 $0x3100, s23;
	[tilespmem:s21+$0x0] =	vst.add.f32.msk $0xffff, v1  }
0x520: {  	s31 =	sor.u32 s4, s18;
	[tilespmem:s28+$0x0] =	vst.add.f32.msk $0xffff, v1  }
0x521: {  	s10 =	sor.u32 s9, s24;
	v1 =	vld [tilespmem:s31+$0x0]  }
0x522: {  	s11 =	sor.u32 s9, s25;
	[tilespmem:s10+$0x0] =	vst.add.f32.msk $0xffff, v2  }
0x523: {  	s13 =	sor.u32 s9, s26;
	[tilespmem:s11+$0x0] =	vst.add.f32.msk $0xffff, v2  }
0x524: {  	s2 =	sor.u32 s12, s2;
	[tilespmem:s13+$0x0] =	vst.add.f32.msk $0xffff, v2;
	s31 =	sor.u32 $0x10100, s23  }
0x525: {  	s13 =	sor.u32 $0x11100, s23;
	[tilespmem:s2+$0x0] =	vst.add.f32.msk $0xffff, v3;
	s16 =	sor.u32 s4, s31  }
0x526: {  	s11 =	sor.u32 $0x12100, s23;
	s20 =	sor.u32 s4, s13;
	[tilespmem:s16+$0x0] =	vst.add.f32.msk $0xffff, v1  }
0x527: {  	s7 =	sor.u32 $0x13100, s23;
	s21 =	sor.u32 s4, s11;
	[tilespmem:s20+$0x0] =	vst.add.f32.msk $0xffff, v1  }
0x528: {  	s29 =	sor.u32 $0x3180, s23;
	s24 =	sor.u32 s4, s7;
	[tilespmem:s21+$0x0] =	vst.add.f32.msk $0xffff, v1  }
0x529: {  	s25 =	sor.u32 s4, s29;
	[tilespmem:s24+$0x0] =	vst.add.f32.msk $0xffff, v1  }
0x52a: {  	s0 =	sor.u32 s12, s0;
	v1 =	vld [tilespmem:s25+$0x0]  }
0x52b: {  	s26 =	sor.u32 s12, s3;
	[tilespmem:s0+$0x0] =	vst.add.f32.msk $0xffff, v3  }
0x52c: {  	[tilespmem:s26+$0x0] =	vst.add.f32.msk $0xffff, v3;
	s26 =	sor.u32 s9, s14  }
0x52d: {  	s28 =	sor.u32 s12, s6;
	[tilespmem:s26+$0x0] =	vst.add.f32.msk $0xffff, v2;
	s25 =	sor.u32 $0x10180, s23  }
0x52e: {  	[tilespmem:s28+$0x0] =	vst.add.f32.msk $0xffff, v3;
	s24 =	sor.u32 $0x11180, s23;
	s2 =	sor.u32 s4, s25  }
0x52f: {  	s30 =	sor.u32 $0x12180, s23;
	s3 =	sor.u32 s4, s24;
	[tilespmem:s2+$0x0] =	vst.add.f32.msk $0xffff, v1  }
0x530: {  	s6 =	sor.u32 s4, s30;
	[tilespmem:s3+$0x0] =	vst.add.f32.msk $0xffff, v1;
	s3 =	sor.u32 $0x13180, s23  }
0x531: {  	s20 =	sor.u32 $0x3200, s23;
	[tilespmem:s6+$0x0] =	vst.add.f32.msk $0xffff, v1;
	s10 =	sor.u32 s4, s3  }
0x532: {  	s16 =	sor.u32 s4, s20;
	[tilespmem:s10+$0x0] =	vst.add.f32.msk $0xffff, v1  }
0x533: {  	v1 =	vld [tilespmem:s16+$0x0];
	s2 =	sld [smem:$0x7D3];
	_ =	sdelay $0x1  }
0x534: {  	s28 =	sor.u32 s9, s15  }
0x535: {  	v2 =	vld [tilespmem:s28+$0x0];
	s28 =	sor.u32 $0x10200, s23;
	s0 =	sor.u32 s1, s2  }
0x536: {  	s6 =	sor.u32 s4, s28;
	[tilespmem:s0+$0x0] =	vst.add.f32.msk $0xffff, v0  }
0x537: {  	s15 =	sor.u32 $0x11200, s23;
	s21 =	sor.u32 s12, s18;
	s10 =	sor.u32 $0x12200, s23;
	[tilespmem:s6+$0x0] =	vst.add.f32.msk $0xffff, v1  }
0x538: {  	s14 =	sor.u32 s4, s15;
	v3 =	vld [tilespmem:s21+$0x0];
	[smem:$0x7DC] =	sst s10  }
0x539: {  	s16 =	sor.u32 s4, s10;
	[tilespmem:s14+$0x0] =	vst.add.f32.msk $0xffff, v1;
	s14 =	sor.u32 $0x13200, s23  }
0x53a: {  	s26 =	sor.u32 $0x3280, s23;
	[tilespmem:s16+$0x0] =	vst.add.f32.msk $0xffff, v1;
	s18 =	sor.u32 s4, s14  }
0x53b: {  	s21 =	sor.u32 s4, s26;
	[tilespmem:s18+$0x0] =	vst.add.f32.msk $0xffff, v1  }
0x53c: {  	s31 =	sor.u32 s12, s31;
	v1 =	vld [tilespmem:s21+$0x0]  }
0x53d: {  	s2 =	sor.u32 s12, s13;
	[tilespmem:s31+$0x0] =	vst.add.f32.msk $0xffff, v3  }
0x53e: {  	s6 =	sor.u32 s12, s11;
	[tilespmem:s2+$0x0] =	vst.add.f32.msk $0xffff, v3  }
0x53f: {  	s10 =	sor.u32 s12, s7;
	s31 =	sor.u32 $0x10280, s23;
	[tilespmem:s6+$0x0] =	vst.add.f32.msk $0xffff, v3  }
0x540: {  	s11 =	sor.u32 s4, s31;
	[tilespmem:s10+$0x0] =	vst.add.f32.msk $0xffff, v3;
	s21 =	sor.u32 $0x11280, s23  }
0x541: {  	s16 =	sor.u32 $0x12280, s23;
	s13 =	sor.u32 s4, s21;
	[tilespmem:s11+$0x0] =	vst.add.f32.msk $0xffff, v1  }
0x542: {  	s7 =	sor.u32 $0x13280, s23;
	s18 =	sor.u32 s4, s16;
	[tilespmem:s13+$0x0] =	vst.add.f32.msk $0xffff, v1  }
0x543: {  	s2 =	sor.u32 s4, s7;
	s6 =	sor.u32 $0x3300, s23;
	[tilespmem:s18+$0x0] =	vst.add.f32.msk $0xffff, v1  }
0x544: {  	s10 =	sor.u32 s4, s6;
	[tilespmem:s2+$0x0] =	vst.add.f32.msk $0xffff, v1  }
0x545: {  	v1 =	vld [tilespmem:s10+$0x0]  }
0x546: {  	s17 =	sor.u32 s9, s17  }
0x547: {  	[tilespmem:s17+$0x0] =	vst.add.f32.msk $0xffff, v2;
	s18 =	sor.u32 s9, s19  }
0x548: {  	s17 =	sor.u32 $0x10300, s23;
	s19 =	sor.u32 s9, s22;
	[tilespmem:s18+$0x0] =	vst.add.f32.msk $0xffff, v2  }
0x549: {  	s11 =	sor.u32 $0x11300, s23;
	s22 =	sor.u32 s4, s17;
	[tilespmem:s19+$0x0] =	vst.add.f32.msk $0xffff, v2  }
0x54a: {  	s0 =	sor.u32 s4, s11;
	s19 =	sor.u32 $0x12300, s23;
	[tilespmem:s22+$0x0] =	vst.add.f32.msk $0xffff, v1  }
0x54b: {  	s2 =	sor.u32 s4, s19;
	s22 =	sor.u32 $0x13300, s23;
	[tilespmem:s0+$0x0] =	vst.add.f32.msk $0xffff, v1  }
0x54c: {  	s10 =	sor.u32 s4, s22;
	[tilespmem:s2+$0x0] =	vst.add.f32.msk $0xffff, v1  }
0x54d: {  	s13 =	sor.u32 s12, s29;
	[tilespmem:s10+$0x0] =	vst.add.f32.msk $0xffff, v1  }
0x54e: {  	v3 =	vld [tilespmem:s13+$0x0];
	s13 =	sld [smem:$0x7D4]  }
0x54f: {  	s10 =	sld [smem:$0x7D5];
	_ =	sdelay $0x1  }
0x550: {  	s2 =	sor.u32 s1, s13  }
0x551: {  	s0 =	sor.u32 $0x3380, s23;
	s1 =	sor.u32 s1, s10;
	[smem:$0x7DD] =	sst s2  }
0x552: {  	s18 =	sor.u32 s4, s0;
	[dreg:$0x4] =	wrdreg s1  }
0x553: {  	v1 =	vld [tilespmem:s18+$0x0];
	s18 =	sor.u32 s12, s25  }
0x554: {  	s13 =	sld [smem:$0x7D6];
	[tilespmem:s18+$0x0] =	vst.add.f32.msk $0xffff, v3  }
0x555: {  	s2 =	sld [smem:$0x7D8];
	_ =	sdelay $0x2  }
0x556: {  	s1 =	sor.u32 s9, s2  }
0x557: {  	s24 =	sor.u32 s12, s24;
	[dreg:$0xc] =	wrdreg s1  }
0x558: {  	s25 =	sld [smem:$0x7D7];
	[tilespmem:s24+$0x0] =	vst.add.f32.msk $0xffff, v3  }
0x559: {  	s2 =	sld [smem:$0x7DB]  }
0x55a: {  	s10 =	sor.u32 s9, s13;
	s13 =	sld [smem:$0x7D9]  }
0x55b: {  	s24 =	sld [smem:$0x7DA]  }
0x55c: {  	s3 =	sor.u32 s12, s3;
	s1 =	sor.u32 s9, s2  }
0x55d: {  	s18 =	sor.u32 s9, s25;
	s25 =	sor.u32 s12, s30;
	[dreg:$0x9] =	wrdreg s1  }
0x55e: {  	s29 =	sor.u32 s9, s13;
	s13 =	sor.u32 s9, s24;
	s9 =	sor.u32 $0x10380, s23;
	[tilespmem:s25+$0x0] =	vst.add.f32.msk $0xffff, v3  }
0x55f: {  	s2 =	sor.u32 $0x11380, s23;
	s25 =	sor.u32 s4, s9;
	[tilespmem:s3+$0x0] =	vst.add.f32.msk $0xffff, v3  }
0x560: {  	s1 =	sor.u32 s4, s2;
	[tilespmem:s25+$0x0] =	vst.add.f32.msk $0xffff, v1;
	s25 =	sor.u32 s12, s28;
	s28 =	sor.u32 $0x12380, s23  }
0x561: {  	[tilespmem:s1+$0x0] =	vst.add.f32.msk $0xffff, v1;
	s1 =	sor.u32 $0x13380, s23;
	s23 =	sor.u32 s4, s28  }
0x562: {  	s20 =	sor.u32 s12, s20;
	[tilespmem:s23+$0x0] =	vst.add.f32.msk $0xffff, v1  }
0x563: {  	s17 =	sor.u32 s12, s17;
	s24 =	sor.u32 s4, s1;
	s3 =	sld [smem:$0x7DC]  }
0x564: {  	s30 =	sor.u32 s12, s15;
	s2 =	sor.u32 s12, s2;
	s23 =	sor.u32 s12, s14;
	[tilespmem:s24+$0x0] =	vst.add.f32.msk $0xffff, v1  }
0x565: {  	s14 =	sor.u32 s12, s26;
	s26 =	sor.u32 s12, s21;
	s4 =	sor.u32 s12, s7;
	[tilespmem:s10+$0x0] =	vst.add.f32.msk $0xffff, v2  }
0x566: {  	s15 =	sor.u32 s12, s3;
	s3 =	sor.u32 s12, s31;
	s31 =	sld [smem:$0x7DD]  }
0x567: {  	s21 =	sor.u32 s12, s0;
	s0 =	sor.u32 s12, s9;
	s1 =	sor.u32 s12, s1;
	v1 =	vld [tilespmem:s20+$0x0]  }
0x568: {  	s20 =	sor.u32 s12, s16;
	s24 =	sor.u32 s12, s6;
	s6 =	sor.u32 s12, s11;
	v2 =	vld [tilespmem:s18+$0x0]  }
0x569: {  	s11 =	sor.u32 s12, s19;
	s16 =	sor.u32 s12, s22;
	s18 =	sor.u32 s12, s28;
	[tilespmem:s31+$0x0] =	vst.add.f32.msk $0xffff, v0  }
.LBB2_9:
0x56a: {  	s5 =	sadd.s32 $0x20, s5;
	s8 =	sadd.s32 $0x100, s8;
	s7 =	rddreg [dreg:$0x4]  }
0x56b: {  	[tilespmem:s7+$0x0] =	vst.add.f32.msk $0xffff, v0;
	s12 =	sand.u32 $0x60, s5;
	s22 =	sand.u32 $0xC00, s8  }
0x56c: {  	s31 =	sor.u32 $0x3000, s22;
	s19 =	sor.u32 $0x10, s12;
	[tilespmem:s25+$0x0] =	vst.add.f32.msk $0xffff, v1  }
0x56d: {  	s7 =	sor.u32 s19, s31;
	[tilespmem:s30+$0x0] =	vst.add.f32.msk $0xffff, v1  }
0x56e: {  	v0 =	vmov v2;
	v2 =	vld [tilespmem:s7+$0x0]  }
0x56f: {  	[dreg:$0x10] =	wrdreg s13;
	s13 =	sor.u32 s12, s31;
	[tilespmem:s15+$0x0] =	vst.add.f32.msk $0xffff, v1  }
0x570: {  	s9 =	rddreg [dreg:$0x9];
	s10 =	smov.u32 s1;
	v3 =	vld [tilespmem:s13+$0x0]  }
0x571: {  	[dreg:$0x9] =	wrdreg s10;
	[tilespmem:s23+$0x0] =	vst.add.f32.msk $0xffff, v1  }
0x572: {  	s10 =	rddreg [dreg:$0xc];
	s15 =	sor.u32 $0x10000, s22;
	v1 =	vld [tilespmem:s14+$0x0]  }
0x573: {  	s28 =	smov.u32 s9;
	s23 =	sor.u32 $0x11000, s22;
	s1 =	sor.u32 s19, s15;
	[tilespmem:s10+$0x0] =	vst.add.f32.msk $0xffff, v0  }
0x574: {  	[dreg:$0x4] =	wrdreg s28;
	s25 =	sor.u32 $0x12000, s22;
	s28 =	sor.u32 s19, s23;
	[tilespmem:s1+$0x0] =	vst.add.f32.msk $0xffff, v2  }
0x575: {  	s31 =	sor.u32 $0x13000, s22;
	s10 =	sor.u32 s12, s23;
	s23 =	sor.u32 s19, s25;
	[tilespmem:s28+$0x0] =	vst.add.f32.msk $0xffff, v2  }
0x576: {  	s9 =	sor.u32 s12, s25;
	s25 =	sor.u32 $0x3080, s22;
	s28 =	sor.u32 s19, s31;
	[tilespmem:s23+$0x0] =	vst.add.f32.msk $0xffff, v2  }
0x577: {  	s7 =	sor.u32 s12, s15;
	s15 =	sor.u32 s12, s31;
	s31 =	sor.u32 s19, s25;
	[tilespmem:s28+$0x0] =	vst.add.f32.msk $0xffff, v2  }
0x578: {  	v2 =	vld [tilespmem:s31+$0x0]  }
0x579: {  	[tilespmem:s7+$0x0] =	vst.add.f32.msk $0xffff, v3  }
0x57a: {  	[tilespmem:s10+$0x0] =	vst.add.f32.msk $0xffff, v3  }
0x57b: {  	s23 =	sor.u32 s12, s25;
	s25 =	sor.u32 $0x10080, s22;
	[tilespmem:s9+$0x0] =	vst.add.f32.msk $0xffff, v3  }
0x57c: {  	s14 =	smov.u32 s0;
	s28 =	sor.u32 $0x11080, s22;
	s0 =	sor.u32 s19, s25;
	[tilespmem:s15+$0x0] =	vst.add.f32.msk $0xffff, v3  }
0x57d: {  	s13 =	sor.u32 $0x13080, s22;
	s31 =	sor.u32 $0x12080, s22;
	s10 =	sor.u32 s19, s28;
	[tilespmem:s0+$0x0] =	vst.add.f32.msk $0xffff, v2  }
0x57e: {  	[dreg:$0xc] =	wrdreg s14;
	s15 =	sor.u32 s12, s28;
	s14 =	sor.u32 s19, s31;
	[tilespmem:s10+$0x0] =	vst.add.f32.msk $0xffff, v2  }
0x57f: {  	s7 =	sor.u32 s12, s31;
	s28 =	sor.u32 $0x3100, s22;
	s31 =	sor.u32 s19, s13;
	[tilespmem:s14+$0x0] =	vst.add.f32.msk $0xffff, v2  }
0x580: {  	s9 =	sor.u32 s19, s28;
	[tilespmem:s31+$0x0] =	vst.add.f32.msk $0xffff, v2  }
0x581: {  	v2 =	vld [tilespmem:s9+$0x0]  }
0x582: {  	v3 =	vld [tilespmem:s23+$0x0]  }
0x583: {  	[tilespmem:s3+$0x0] =	vst.add.f32.msk $0xffff, v1  }
0x584: {  	s1 =	sor.u32 s12, s25;
	[tilespmem:s26+$0x0] =	vst.add.f32.msk $0xffff, v1;
	s10 =	sor.u32 $0x10100, s22  }
0x585: {  	s25 =	sor.u32 s12, s13;
	s13 =	sor.u32 $0x11100, s22;
	[tilespmem:s20+$0x0] =	vst.add.f32.msk $0xffff, v1;
	s0 =	sor.u32 s19, s10  }
0x586: {  	s23 =	sor.u32 $0x12100, s22;
	s14 =	sor.u32 s12, s28;
	s28 =	sor.u32 s19, s13;
	[tilespmem:s0+$0x0] =	vst.add.f32.msk $0xffff, v2  }
0x587: {  	s3 =	sor.u32 s12, s10;
	s10 =	sor.u32 s19, s23;
	s31 =	sor.u32 $0x13100, s22;
	[tilespmem:s28+$0x0] =	vst.add.f32.msk $0xffff, v2  }
0x588: {  	s20 =	sor.u32 s12, s13;
	s13 =	sor.u32 s19, s31;
	s28 =	sor.u32 $0x3180, s22;
	[tilespmem:s10+$0x0] =	vst.add.f32.msk $0xffff, v2  }
0x589: {  	s26 =	sor.u32 s12, s23;
	s23 =	sor.u32 s19, s28;
	[tilespmem:s13+$0x0] =	vst.add.f32.msk $0xffff, v2  }
0x58a: {  	v2 =	vld [tilespmem:s23+$0x0]  }
0x58b: {  	[tilespmem:s1+$0x0] =	vst.add.f32.msk $0xffff, v3  }
0x58c: {  	[tilespmem:s15+$0x0] =	vst.add.f32.msk $0xffff, v3  }
0x58d: {  	[tilespmem:s7+$0x0] =	vst.add.f32.msk $0xffff, v3;
	s10 =	sor.u32 s12, s28;
	s28 =	sor.u32 $0x10180, s22  }
0x58e: {  	s9 =	sor.u32 s12, s31;
	s31 =	sor.u32 $0x11180, s22;
	[tilespmem:s25+$0x0] =	vst.add.f32.msk $0xffff, v3;
	s1 =	sor.u32 s19, s28  }
0x58f: {  	s7 =	sor.u32 s12, s31;
	s25 =	sor.u32 s19, s31;
	s13 =	sor.u32 $0x12180, s22;
	[tilespmem:s1+$0x0] =	vst.add.f32.msk $0xffff, v2  }
0x590: {  	s0 =	sor.u32 s12, s28;
	s28 =	sor.u32 $0x13180, s22;
	s23 =	sor.u32 s19, s13;
	[tilespmem:s25+$0x0] =	vst.add.f32.msk $0xffff, v2  }
0x591: {  	s31 =	sor.u32 s12, s13;
	s13 =	sor.u32 $0x3200, s22;
	s15 =	sor.u32 s19, s28;
	[tilespmem:s23+$0x0] =	vst.add.f32.msk $0xffff, v2  }
0x592: {  	s1 =	sor.u32 s12, s28;
	s28 =	sor.u32 s12, s13;
	s13 =	sor.u32 s19, s13;
	[tilespmem:s15+$0x0] =	vst.add.f32.msk $0xffff, v2  }
0x593: {  	v2 =	vld [tilespmem:s13+$0x0]  }
0x594: {  	v3 =	vld [tilespmem:s14+$0x0]  }
0x595: {  	[tilespmem:s4+$0x0] =	vst.add.f32.msk $0xffff, v1  }
0x596: {  	v4 =	vld [tilespmem:s24+$0x0];
	s23 =	sor.u32 $0x10200, s22  }
0x597: {  	s24 =	sor.u32 $0x11200, s22;
	[tilespmem:s29+$0x0] =	vst.add.f32.msk $0xffff, v0;
	s4 =	sor.u32 s19, s23  }
0x598: {  	s30 =	sor.u32 s12, s24;
	s24 =	sor.u32 s19, s24;
	s13 =	sor.u32 $0x12200, s22;
	[tilespmem:s4+$0x0] =	vst.add.f32.msk $0xffff, v2  }
0x599: {  	s14 =	sor.u32 $0x13200, s22;
	s15 =	sor.u32 s12, s13;
	s13 =	sor.u32 s19, s13;
	[tilespmem:s24+$0x0] =	vst.add.f32.msk $0xffff, v2  }
0x59a: {  	s25 =	sor.u32 s12, s23;
	s24 =	sor.u32 $0x3280, s22;
	[tilespmem:s13+$0x0] =	vst.add.f32.msk $0xffff, v2;
	s13 =	sor.u32 s19, s14  }
0x59b: {  	s23 =	sor.u32 s12, s14;
	s14 =	sor.u32 s12, s24;
	s24 =	sor.u32 s19, s24;
	[tilespmem:s13+$0x0] =	vst.add.f32.msk $0xffff, v2  }
0x59c: {  	v1 =	vld [tilespmem:s24+$0x0]  }
0x59d: {  	[tilespmem:s3+$0x0] =	vst.add.f32.msk $0xffff, v3  }
0x59e: {  	[tilespmem:s20+$0x0] =	vst.add.f32.msk $0xffff, v3  }
0x59f: {  	[tilespmem:s26+$0x0] =	vst.add.f32.msk $0xffff, v3;
	s4 =	sor.u32 $0x10280, s22  }
0x5a0: {  	s29 =	smov.u32 s2;
	[tilespmem:s9+$0x0] =	vst.add.f32.msk $0xffff, v3;
	s9 =	sor.u32 $0x11280, s22;
	s2 =	sor.u32 s19, s4  }
0x5a1: {  	s3 =	sor.u32 s12, s4;
	s4 =	sor.u32 s19, s9;
	s13 =	sor.u32 $0x12280, s22;
	[tilespmem:s2+$0x0] =	vst.add.f32.msk $0xffff, v1  }
0x5a2: {  	s20 =	sor.u32 s12, s13;
	s24 =	sor.u32 $0x13280, s22;
	s13 =	sor.u32 s19, s13;
	[tilespmem:s4+$0x0] =	vst.add.f32.msk $0xffff, v1  }
0x5a3: {  	s26 =	sor.u32 s12, s9;
	s9 =	sor.u32 $0x3300, s22;
	[tilespmem:s13+$0x0] =	vst.add.f32.msk $0xffff, v1;
	s13 =	sor.u32 s19, s24  }
0x5a4: {  	s4 =	sor.u32 s12, s24;
	s24 =	sor.u32 s12, s9;
	s9 =	sor.u32 s19, s9;
	[tilespmem:s13+$0x0] =	vst.add.f32.msk $0xffff, v1  }
0x5a5: {  	v1 =	vld [tilespmem:s9+$0x0]  }
0x5a6: {  	v2 =	vld [tilespmem:s10+$0x0]  }
0x5a7: {  	[tilespmem:s17+$0x0] =	vst.add.f32.msk $0xffff, v4  }
0x5a8: {  	s10 =	sor.u32 $0x10300, s22;
	[tilespmem:s6+$0x0] =	vst.add.f32.msk $0xffff, v4  }
0x5a9: {  	s17 =	sor.u32 s12, s10;
	[tilespmem:s11+$0x0] =	vst.add.f32.msk $0xffff, v4;
	s2 =	sor.u32 s19, s10;
	s13 =	sor.u32 $0x11300, s22  }
0x5aa: {  	s10 =	sor.u32 $0x12300, s22;
	s6 =	sor.u32 s12, s13;
	s13 =	sor.u32 s19, s13;
	[tilespmem:s2+$0x0] =	vst.add.f32.msk $0xffff, v1  }
0x5ab: {  	s9 =	sor.u32 $0x13300, s22;
	s2 =	sor.u32 s19, s10;
	[tilespmem:s13+$0x0] =	vst.add.f32.msk $0xffff, v1  }
0x5ac: {  	s11 =	sor.u32 s12, s10;
	s13 =	sor.u32 $0x3380, s22;
	[tilespmem:s2+$0x0] =	vst.add.f32.msk $0xffff, v1;
	s2 =	sor.u32 s19, s9  }
0x5ad: {  	s10 =	sor.u32 s12, s9;
	s9 =	sor.u32 s12, s13;
	s13 =	sor.u32 s19, s13;
	[tilespmem:s2+$0x0] =	vst.add.f32.msk $0xffff, v1  }
0x5ae: {  	v1 =	vld [tilespmem:s13+$0x0]  }
0x5af: {  	[tilespmem:s0+$0x0] =	vst.add.f32.msk $0xffff, v2  }
0x5b0: {  	[tilespmem:s7+$0x0] =	vst.add.f32.msk $0xffff, v2  }
0x5b1: {  	s7 =	sor.u32 $0x10380, s22;
	[tilespmem:s31+$0x0] =	vst.add.f32.msk $0xffff, v2  }
0x5b2: {  	[tilespmem:s1+$0x0] =	vst.add.f32.msk $0xffff, v2;
	s1 =	sor.u32 $0x11380, s22;
	s13 =	sor.u32 s19, s7  }
0x5b3: {  	s31 =	sor.u32 $0x12380, s22;
	s2 =	sor.u32 s12, s1;
	s1 =	sor.u32 s19, s1;
	[tilespmem:s13+$0x0] =	vst.add.f32.msk $0xffff, v1  }
0x5b4: {  	s22 =	sor.u32 $0x13380, s22;
	s13 =	sor.u32 s19, s31;
	[tilespmem:s1+$0x0] =	vst.add.f32.msk $0xffff, v1  }
0x5b5: {  	p0 =	slt.u32 s5, $0x1E0;
	s1 =	sor.u32 s12, s22;
	s22 =	sor.u32 s19, s22;
	[tilespmem:s13+$0x0] =	vst.add.f32.msk $0xffff, v1  }
.Ltmp3:
0x5b6: {  	[tilespmem:s22+$0x0] =	vst.add.f32.msk $0xffff, v1;
	(pc) =	sbr.rel @p0 .LBB2_9-.Ltmp3, $4  }
0x5b7: {  	v1 =	vld [tilespmem:s28+$0x0]  }
0x5b8: {  	s0 =	sor.u32 s12, s7;
	[tilespmem:s16+$0x0] =	vst.add.f32.msk $0xffff, v4  }
0x5b9: {  	s7 =	sor.u32 s12, s31;
	s31 =	rddreg [dreg:$0x10];
	s13 =	smov.u32 s18;
	v2 =	vld [tilespmem:s21+$0x0]  }
0x5ba: {  	s18 =	smov.u32 s7;
	s16 =	smov.u32 s10;
	s21 =	smov.u32 s9;
	[tilespmem:s31+$0x0] =	vst.add.f32.msk $0xffff, v0  }
0x5bb: {  	_ = 	snop  }
0x5bc: {  	[tilespmem:s25+$0x0] =	vst.add.f32.msk $0xffff, v1  }
0x5bd: {  	[tilespmem:s30+$0x0] =	vst.add.f32.msk $0xffff, v1  }
0x5be: {  	[tilespmem:s15+$0x0] =	vst.add.f32.msk $0xffff, v1  }
0x5bf: {  	[tilespmem:s23+$0x0] =	vst.add.f32.msk $0xffff, v1  }
0x5c0: {  	v1 =	vld [tilespmem:s14+$0x0];
	_ =	sdelay $0x4  }
0x5c1: {  	[tilespmem:s3+$0x0] =	vst.add.f32.msk $0xffff, v1  }
0x5c2: {  	[tilespmem:s26+$0x0] =	vst.add.f32.msk $0xffff, v1  }
0x5c3: {  	[tilespmem:s20+$0x0] =	vst.add.f32.msk $0xffff, v1  }
0x5c4: {  	[tilespmem:s4+$0x0] =	vst.add.f32.msk $0xffff, v1  }
0x5c5: {  	v1 =	vld [tilespmem:s24+$0x0];
	_ =	sdelay $0x2  }
0x5c6: {  	s3 =	rddreg [dreg:$0x4]  }
0x5c7: {  	[tilespmem:s3+$0x0] =	vst.add.f32.msk $0xffff, v0  }
0x5c8: {  	[tilespmem:s17+$0x0] =	vst.add.f32.msk $0xffff, v1  }
0x5c9: {  	[tilespmem:s6+$0x0] =	vst.add.f32.msk $0xffff, v1  }
0x5ca: {  	[tilespmem:s11+$0x0] =	vst.add.f32.msk $0xffff, v1  }
0x5cb: {  	[tilespmem:s16+$0x0] =	vst.add.f32.msk $0xffff, v1  }
0x5cc: {  	v63 =	vld [tilespmem:s21+$0x0];
	s3 =	rddreg [dreg:$0xc]  }
0x5cd: {  	[tilespmem:s3+$0x0] =	vst.add.f32.msk $0xffff, v2  }
0x5ce: {  	[tilespmem:s29+$0x0] =	vst.add.f32.msk $0xffff, v2  }
0x5cf: {  	[tilespmem:s13+$0x0] =	vst.add.f32.msk $0xffff, v2  }
0x5d0: {  	s3 =	rddreg [dreg:$0x9]  }
0x5d1: {  	[tilespmem:s3+$0x0] =	vst.add.f32.msk $0xffff, v2  }
0x5d2: {  	[tilespmem:s0+$0x0] =	vst.add.f32.msk $0xffff, v63  }
0x5d3: {  	[tilespmem:s2+$0x0] =	vst.add.f32.msk $0xffff, v63  }
0x5d4: {  	[tilespmem:s18+$0x0] =	vst.add.f32.msk $0xffff, v63  }
0x5d5: {  	[tilespmem:s1+$0x0] =	vst.add.f32.msk $0xffff, v63  }
0x5d6: {  	s31 =	rddreg [dreg:$0x1f]  }
0x5d7: {  	p0 =	sne.s32 s31, $0x10  }
.Ltmp4:
0x5d8: {  	_ = 	snop;
	(pc) =	sbr.rel @p0 .LBB2_2-.Ltmp4, $4  }
0x5d9: {  	s29 =	rddreg [dreg:$0x2]  }
0x5da: {  	s30 =	simm.s32 $0x10000;
	s3 =	simm.s32 $0x800000;
	s1 =	rddreg [dreg:$0x1d]  }
0x5db: {  	s2 =	simm.s32 $0x1000;
	s0 =	sadd.s32 s29, s1;
	s4 =	smov.u32 s31  }
0x5dc: {  	[hbm4b:s0+s2] =	stream.strided.scatter [tilespmem:s30], [sflag:$0x8], $0x4000, s3, s2, $0x38;
	[tilespmem:$0x14000] =	vst v63  }
0x5dd: {  	s0 =	simm.s32 $0x7  }
0x5de: {  	_ =	swait.ge [sflag:s0], $0x4000  }
0x5df: {  	[sflag:s0] =	ssyncset.done $0x0  }
0x5e0: {  	s1 =	simm.s32 $0x8;
	[sflag:s0] =	ssyncadd.s32 $0xFFFFC000  }
0x5e1: {  	_ =	swait.ge [sflag:s1], $0x4000  }
0x5e2: {  	s4 =	rddreg [dreg:$0x1c]  }
0x5e3: {  	s31 =	rddreg [dreg:$0x1b];
	s4 =	sadd.s32 $0x1, s4  }
0x5e4: {  	p0 =	sne.s32 s4, s31  }
.Ltmp5:
0x5e5: {  	_ = 	snop;
	(pc) =	sbr.rel @p0 .LBB2_1-.Ltmp5, $3  }
0x5e6: {  	_ =	sdelay $0x1  }
0x5e7: {  	[sflag:s1] =	ssyncset.done $0x0  }
0x5e8: {  	[sflag:s1] =	ssyncadd.s32 $0xFFFFC000  }
0x5e9: {  	_ =	sfence.sel $0x180000  }
0x5ea: {  	[bflag:$0x0] =	sbarrier.arrive $0xFFFF  }
0x5eb: {  	_ =	strace $0x90000047  }
0x5ec: {  	s0 =	stileid.u32;
	[bflag:$0x2] =	sbarrier.arrive $0xFFFF  }
0x5ed: {  	p0 =	sne.s32 s0, $0x0;
	s0 =	rddreg [dreg:$0x3]  }
0x5ee: {  	s0 =	sadd.s32 @!p0 $0x100000, s0  }
0x5ef: {  	[sflag:s0] =	ssyncadd.tile.s32 @!p0 $0x1;
	_ =	shalt  }
.Lfunc_end2:
_tile_overlayer_lowered:
.L_overlay_start_2:
0x5f0: {  	(tag) =	ssettag $0x2  }
0x5f1: {  	s0 =	rddreg [dreg:$0x0];
	s2 =	stileid.u32  }
0x5f2: {  	s1 =	rddreg [dreg:$0x1];
	p0 =	sne.s32 s2, $0x0  }
0x5f3: {  	s3 =	rddreg [dreg:$0x2];
	[bflag:$0x3] =	sbarrier.arrive $0xFFFF;
	s2 =	simm.s32 @!p0 $0x1C09  }
0x5f4: {  	[timem:s3], [sflag:s2] =	dma.local @!p0 [hbm:s0], s1  }
0x5f5: {  	s0 =	simm.s32 @!p0 $0x9  }
0x5f6: {  	_ =	swait.ge @!p0 [sflag:s0], s1  }
0x5f7: {  	s1 =	ssub.s32 @!p0 $0x0, s1;
	[sflag:s0] =	ssyncset.done @!p0 $0x0  }
0x5f8: {  	[sflag:s0] =	ssyncadd.s32 @!p0 s1  }
0x5f9: {  	[bflag:$0x3] =	sbarrier.arrive $0xFFFF  }
0x5fa: {  	_ =	shalt  }

</sc_bundles>
